<compile_context>
chip_gen: v7x
topology: tpu7x:2x2x1
jax: 0.10.2.dev20260603
libtpu: 0.0.44.dev20260713+nightly
codegen_flags: <defaults>
</compile_context>

<pallas_src>
import functools

import jax
import jax.numpy as jnp
import numpy as np
from jax import lax
from jax.experimental import pallas as pl
from jax.experimental.pallas import tpu as pltpu
from jax.experimental.pallas import tpu_sc as plsc

N = 10000
D = 128
E = 320000
T = 80000
H1, C1, F1 = 8, 8, 64
F2 = 64

NC, NS = 2, 16
NW = NC * NS
R = 80

KE = 128
QE_TOT = E // KE
QE = QE_TOT // NW + 1
QE_PAD = 2504

KD = 128
QD_TOT = T // KD
QD = 20
TPAD = NW * QD * KD


def _mesh():
    return plsc.VectorSubcoreMesh(
        core_axis_name="c", subcore_axis_name="s",
        num_cores=NC, num_subcores=NS)


def _leaky(x):
    return jnp.maximum(x, 0.2 * x)


def _tca_body(x_ref, w1t_ref, p1_ref, ad1m_ref, rec1_ref, ad1t_ref):
    xp = jnp.dot(x_ref[...], w1t_ref[...], preferred_element_type=jnp.float32)
    rec1_ref[...] = jnp.dot(xp, p1_ref[...], preferred_element_type=jnp.float32)
    ad1t_ref[...] = jnp.dot(xp, ad1m_ref[...],
                            preferred_element_type=jnp.float32)


def _tc_stage_a(x, w1t, p1, ad1m):
    blk = 1000
    return pl.pallas_call(
        _tca_body,
        grid=(N // blk,),
        in_specs=[
            pl.BlockSpec((blk, D), lambda i: (i, 0)),
            pl.BlockSpec((D, F1), lambda i: (0, 0)),
            pl.BlockSpec((F1, R), lambda i: (0, 0)),
            pl.BlockSpec((F1, 16), lambda i: (0, 0)),
        ],
        out_specs=[
            pl.BlockSpec((blk, R), lambda i: (i, 0)),
            pl.BlockSpec((blk, 16), lambda i: (i, 0)),
        ],
        out_shape=[
            jax.ShapeDtypeStruct((N, R), jnp.float32),
            jax.ShapeDtypeStruct((N, 16), jnp.float32),
        ],
    )(x, w1t, p1, ad1m)


def _tcb_body(a0_ref, a1_ref, a0w_ref, a1w_ref, rec1_ref, ad1t_ref, w2t_ref,
              p2_ref, ad2m_ref, b8il_ref, pm_ref, b1_ref, rec2_ref, ad2t_ref):
    xp_il = rec1_ref[:, 0:F1]
    asrc = rec1_ref[:, 64:72]
    adst = ad1t_ref[:, 0:8]
    wself = jnp.exp(_leaky(asrc + adst))
    b8il = b8il_ref[...]
    numer = (a0_ref[:, 0:F1] + a1_ref[:, 0:F1]
             + xp_il * jnp.dot(wself, b8il, preferred_element_type=jnp.float32))
    den8 = a0w_ref[:, 0:8] + a1w_ref[:, 0:8] + wself
    z_il = numer / jnp.dot(den8, b8il, preferred_element_type=jnp.float32)
    z = jnp.dot(z_il, pm_ref[...], preferred_element_type=jnp.float32) \
        + b1_ref[...]
    z = jnp.where(z > 0, z, jnp.exp(z) - 1.0)
    xp2 = jnp.dot(z, w2t_ref[...], preferred_element_type=jnp.float32)
    rec2_ref[...] = jnp.dot(xp2, p2_ref[...],
                            preferred_element_type=jnp.float32)
    ad2t_ref[...] = jnp.dot(xp2, ad2m_ref[...],
                            preferred_element_type=jnp.float32)


def _tc_stage_b(a0, a1, a0w, a1w, rec1, ad1t, w2t, p2, ad2m, b8il, pm, b1row):
    blk = 1000
    return pl.pallas_call(
        _tcb_body,
        grid=(N // blk,),
        in_specs=[
            pl.BlockSpec((blk, R), lambda i: (i, 0)),
            pl.BlockSpec((blk, R), lambda i: (i, 0)),
            pl.BlockSpec((blk, 16), lambda i: (i, 0)),
            pl.BlockSpec((blk, 16), lambda i: (i, 0)),
            pl.BlockSpec((blk, R), lambda i: (i, 0)),
            pl.BlockSpec((blk, 16), lambda i: (i, 0)),
            pl.BlockSpec((F1, F2), lambda i: (0, 0)),
            pl.BlockSpec((F2, R), lambda i: (0, 0)),
            pl.BlockSpec((F2, 16), lambda i: (0, 0)),
            pl.BlockSpec((8, F1), lambda i: (0, 0)),
            pl.BlockSpec((F1, F1), lambda i: (0, 0)),
            pl.BlockSpec((1, F1), lambda i: (0, 0)),
        ],
        out_specs=[
            pl.BlockSpec((blk, R), lambda i: (i, 0)),
            pl.BlockSpec((blk, 16), lambda i: (i, 0)),
        ],
        out_shape=[
            jax.ShapeDtypeStruct((N, R), jnp.float32),
            jax.ShapeDtypeStruct((N, 16), jnp.float32),
        ],
    )(a0, a1, a0w, a1w, rec1, ad1t, w2t, p2, ad2m, b8il, pm, b1row)


def _iota16():
    return lax.iota(jnp.int32, 16)


def _lane_gather(v, idx):
    return lax.gather(
        v, idx[:, None],
        dimension_numbers=lax.GatherDimensionNumbers(
            offset_dims=(), collapsed_slice_dims=(0,), start_index_map=(0,)),
        slice_sizes=(1,),
        mode=lax.GatherScatterMode.PROMISE_IN_BOUNDS)


def _hsum_all(v):
    iot = _iota16()
    for off in (8, 4, 2, 1):
        v = v + _lane_gather(v, iot ^ off)
    return v


@functools.lru_cache(maxsize=None)
def _sc_edge_kernel(heads):
    @functools.partial(
        pl.kernel,
        out_type=[
            jax.ShapeDtypeStruct((N, R), jnp.float32),
            jax.ShapeDtypeStruct((N, R), jnp.float32),
            jax.ShapeDtypeStruct((N, 16), jnp.float32),
            jax.ShapeDtypeStruct((N, 16), jnp.float32),
        ],
        mesh=_mesh(),
        compiler_params=pltpu.CompilerParams(use_tc_tiling_on_sc=False),
        scratch_types=[
            pltpu.VMEM((QE, KE), jnp.int32),
            pltpu.VMEM((QE, KE), jnp.int32),

            pltpu.VMEM((KE, R), jnp.float32),
            pltpu.VMEM((KE, R), jnp.float32),
            pltpu.VMEM((KE, 16), jnp.float32),
            pltpu.VMEM((KE, 16), jnp.float32),
            pltpu.VMEM((KE, 16), jnp.float32),
            pltpu.VMEM((KE, 16), jnp.float32),
            pltpu.VMEM_SHARED((N, R), jnp.float32),
            pltpu.VMEM_SHARED((N, 16), jnp.float32),
            pltpu.SemaphoreType.DMA,
            pltpu.SemaphoreType.DMA,
            pltpu.SemaphoreType.DMA,
            pltpu.SemaphoreType.DMA,
        ],
    )
    def sc_edges(src2d_hbm, dst2d_hbm, rec_hbm, adt_hbm, zr_hbm, zw_hbm,
                 accf0_hbm, accf1_hbm, accw0_hbm, accw1_hbm,
                 sbig, dbig, recb0, recb1, adb0, adb1, wb0, wb1,
                 accf_sp, accw_sp, g0, g1, s0, s1):
        c = lax.axis_index("c")
        s = lax.axis_index("s")
        tid = s * NC + c

        recb = (recb0, recb1)
        adb = (adb0, adb1)
        wb = (wb0, wb1)
        gsem = (g0, g1)
        ssem = (s0, s1)

        base_cnt = QE_TOT // NW
        rem = QE_TOT % NW
        cnt = base_cnt + jnp.where(tid < rem, 1, 0)
        start = base_cnt * tid + jnp.minimum(tid, rem)

        pltpu.sync_copy(src2d_hbm.at[pl.ds(start, QE)], sbig)
        pltpu.sync_copy(dst2d_hbm.at[pl.ds(start, QE)], dbig)

        rpt = 624
        tail0 = rpt * NS
        r0 = s * rpt
        pltpu.sync_copy(zr_hbm.at[pl.ds(r0, rpt)], accf_sp.at[pl.ds(r0, rpt)])
        pltpu.sync_copy(zw_hbm.at[pl.ds(r0, rpt)], accw_sp.at[pl.ds(r0, rpt)])

        @pl.when(s == NS - 1)
        def _():
            pltpu.sync_copy(zr_hbm.at[pl.ds(tail0, N - tail0)],
                            accf_sp.at[pl.ds(tail0, N - tail0)])
            pltpu.sync_copy(zw_hbm.at[pl.ds(tail0, N - tail0)],
                            accw_sp.at[pl.ds(tail0, N - tail0)])

        plsc.subcore_barrier()

        iot = _iota16()
        pat8 = iot & 7

        def issue_gathers(q, b):
            pltpu.async_copy(rec_hbm.at[sbig.at[q]], recb[b], gsem[b])
            pltpu.async_copy(adt_hbm.at[dbig.at[q]], adb[b], gsem[b])

        def wait_gathers(b):
            pltpu.make_async_copy(rec_hbm.at[sbig.at[0]], recb[b],
                                  gsem[b]).wait()
            pltpu.make_async_copy(adt_hbm.at[dbig.at[0]], adb[b],
                                  gsem[b]).wait()

        def issue_scatters(q, b):
            pltpu.async_copy(recb[b], accf_sp.at[dbig.at[q]], ssem[b],
                             add=True)
            pltpu.async_copy(wb[b], accw_sp.at[dbig.at[q]], ssem[b], add=True)

        def wait_scatters(b):
            pltpu.make_async_copy(recb[b], accf_sp.at[dbig.at[0]],
                                  ssem[b]).wait()
            pltpu.make_async_copy(wb[b], accw_sp.at[dbig.at[0]],
                                  ssem[b]).wait()

        def compute(b):
            rb = recb[b]
            ab = adb[b]
            wbb = wb[b]

            @plsc.parallel_loop(0, KE, unroll=4)
            def edge_body(k):
                alpha = rb[k, pl.ds(64, 16)] + ab[k, :]
                w = jnp.exp(_leaky(alpha))
                wbb[k, :] = w
                wv = _lane_gather(w, pat8) if heads == 8 else w
                for j in range(4):
                    rb[k, pl.ds(16 * j, 16)] = rb[k, pl.ds(16 * j, 16)] * wv

        def half(q, b):
            @pl.when(q >= 1)
            def _():
                wait_scatters(1 - b)

            @pl.when(q + 1 < cnt)
            def _():
                issue_gathers(q + 1, 1 - b)

            wait_gathers(b)
            compute(b)
            issue_scatters(q, b)

        issue_gathers(0, 0)

        def pair_body(p, carry):
            @pl.when(2 * p < cnt)
            def _():
                half(2 * p, 0)

            @pl.when(2 * p + 1 < cnt)
            def _():
                half(2 * p + 1, 1)

            return carry

        lax.fori_loop(0, QE // 2 + 1, pair_body, 0)
        @pl.when(cnt % 2 == 1)
        def _():
            wait_scatters(0)

        @pl.when(cnt % 2 == 0)
        def _():
            wait_scatters(1)

        plsc.subcore_barrier()

        def dump(sp_ref, hbm_ref):
            pltpu.sync_copy(sp_ref.at[pl.ds(r0, rpt)],
                            hbm_ref.at[pl.ds(r0, rpt)])

            @pl.when(s == NS - 1)
            def _():
                pltpu.sync_copy(sp_ref.at[pl.ds(tail0, N - tail0)],
                                hbm_ref.at[pl.ds(tail0, N - tail0)])

        @pl.when(c == 0)
        def _():
            dump(accf_sp, accf0_hbm)
            dump(accw_sp, accw0_hbm)

        @pl.when(c == 1)
        def _():
            dump(accf_sp, accf1_hbm)
            dump(accw_sp, accw1_hbm)

    return sc_edges


@functools.lru_cache(maxsize=None)
def _sc_decode_kernel():
    RC = 125

    @functools.partial(
        pl.kernel,
        out_type=jax.ShapeDtypeStruct((T,), jnp.float32),
        mesh=_mesh(),
        compiler_params=pltpu.CompilerParams(use_tc_tiling_on_sc=False),
        scratch_types=[
            pltpu.VMEM((QD, KD), jnp.int32),
            pltpu.VMEM((QD, KD), jnp.int32),
            pltpu.VMEM((KD, F2), jnp.float32),
            pltpu.VMEM((KD, F2), jnp.float32),
            pltpu.VMEM((KD, F2), jnp.float32),
            pltpu.VMEM((KD, F2), jnp.float32),
            pltpu.VMEM((KD,), jnp.float32),
            pltpu.VMEM((KD,), jnp.float32),
            pltpu.VMEM((RC, R), jnp.float32),
            pltpu.VMEM((RC, R), jnp.float32),
            pltpu.VMEM((RC, R), jnp.float32),
            pltpu.VMEM((RC, 16), jnp.float32),
            pltpu.VMEM((RC, 16), jnp.float32),
            pltpu.VMEM((RC, 16), jnp.float32),
            pltpu.VMEM((RC, F2), jnp.float32),
            pltpu.VMEM((F2,), jnp.float32),
            pltpu.VMEM_SHARED((N, F2), jnp.float32),
            pltpu.SemaphoreType.DMA,
            pltpu.SemaphoreType.DMA,
            pltpu.SemaphoreType.DMA,
            pltpu.SemaphoreType.DMA,
        ],
    )
    def sc_decode(b0_hbm, b1p_hbm, b0w_hbm, b1w_hbm, rec2_hbm, ad2t_hbm,
                  b2_hbm, i0p_hbm, i1p_hbm, out_hbm,
                  ibig0, ibig1, za0, za1, zb0, zb1, ob0, ob1,
                  m0, m1, mr, ma, mw0, mw1, mz, bb, z2_sp,
                  g0, g1, s0, s1):
        c = lax.axis_index("c")
        s = lax.axis_index("s")
        tid = s * NC + c

        za = (za0, za1)
        zb = (zb0, zb1)
        ob = (ob0, ob1)
        gsem = (g0, g1)
        ssem = (s0, s1)

        pltpu.sync_copy(b2_hbm, bb)

        def merge_chunk(i, carry):
            r0 = s * (RC * 5) + i * RC
            pltpu.sync_copy(b0_hbm.at[pl.ds(r0, RC)], m0)
            pltpu.sync_copy(b1p_hbm.at[pl.ds(r0, RC)], m1)
            pltpu.sync_copy(rec2_hbm.at[pl.ds(r0, RC)], mr)
            pltpu.sync_copy(ad2t_hbm.at[pl.ds(r0, RC)], ma)
            pltpu.sync_copy(b0w_hbm.at[pl.ds(r0, RC)], mw0)
            pltpu.sync_copy(b1w_hbm.at[pl.ds(r0, RC)], mw1)

            @plsc.parallel_loop(0, RC, unroll=4)
            def row_body(k):
                alpha = mr[k, pl.ds(64, 16)] + ma[k, :]
                w = jnp.exp(_leaky(alpha))
                den = mw0[k, :] + mw1[k, :] + w
                for j in range(4):
                    numer = (m0[k, pl.ds(16 * j, 16)]
                             + m1[k, pl.ds(16 * j, 16)]
                             + mr[k, pl.ds(16 * j, 16)] * w)
                    mz[k, pl.ds(16 * j, 16)] = (
                        numer / den + bb[pl.ds(16 * j, 16)])

            pltpu.sync_copy(mz, z2_sp.at[pl.ds(r0, RC)])
            return carry

        lax.fori_loop(0, 5, merge_chunk, 0)
        plsc.subcore_barrier()

        base_cnt = QD_TOT // NW
        rem = QD_TOT % NW
        cnt = base_cnt + jnp.where(tid < rem, 1, 0)
        start = base_cnt * tid + jnp.minimum(tid, rem)

        pltpu.sync_copy(i0p_hbm.at[pl.ds(start, QD)], ibig0)
        pltpu.sync_copy(i1p_hbm.at[pl.ds(start, QD)], ibig1)

        iot = _iota16()

        def issue_gathers(q, b):
            pltpu.async_copy(z2_sp.at[ibig0.at[q]], za[b], gsem[b])
            pltpu.async_copy(z2_sp.at[ibig1.at[q]], zb[b], gsem[b])

        def wait_gathers(b):
            pltpu.make_async_copy(z2_sp.at[ibig0.at[0]], za[b],
                                  gsem[b]).wait()
            pltpu.make_async_copy(z2_sp.at[ibig1.at[0]], zb[b],
                                  gsem[b]).wait()

        def compute(b):
            zab = za[b]
            zbb = zb[b]
            obb = ob[b]

            def group_body(g2, carry):
                def edge_body(e, gacc):
                    k = g2 * 16 + e
                    acc = zab[k, pl.ds(0, 16)] * zbb[k, pl.ds(0, 16)]
                    for j in range(1, 4):
                        acc = acc + (zab[k, pl.ds(16 * j, 16)]
                                     * zbb[k, pl.ds(16 * j, 16)])
                    return jnp.where(iot == e, _hsum_all(acc), gacc)

                gacc = lax.fori_loop(0, 16, edge_body,
                                     jnp.zeros((16,), jnp.float32), unroll=4)
                obb[pl.ds(g2 * 16, 16)] = gacc
                return carry

            lax.fori_loop(0, KD // 16, group_body, 0)

        def half(q, b):
            @pl.when(q + 1 < cnt)
            def _():
                issue_gathers(q + 1, 1 - b)

            wait_gathers(b)

            @pl.when(q >= 2)
            def _():
                pltpu.make_async_copy(
                    ob[b], out_hbm.at[pl.ds(0, KD)], ssem[b]).wait()

            compute(b)
            pltpu.async_copy(ob[b], out_hbm.at[pl.ds((start + q) * KD, KD)],
                             ssem[b])

        issue_gathers(0, 0)

        def pair_body(p, carry):
            @pl.when(2 * p < cnt)
            def _():
                half(2 * p, 0)

            @pl.when(2 * p + 1 < cnt)
            def _():
                half(2 * p + 1, 1)

            return carry

        lax.fori_loop(0, QD // 2, pair_body, 0)

        pltpu.make_async_copy(ob[0], out_hbm.at[pl.ds(0, KD)], ssem[0]).wait()
        pltpu.make_async_copy(ob[1], out_hbm.at[pl.ds(0, KD)], ssem[1]).wait()

    return sc_decode


def kernel(x, train_pos_edge_index, test_pos_edge_index, test_neg_edge_index,
           W1, a_src1, a_dst1, b1, W2, a_src2, a_dst2, b2):
    f32 = jnp.float32
    src2d = jnp.zeros((QE_PAD, KE), train_pos_edge_index.dtype).at[
        :QE_TOT].set(train_pos_edge_index[0].reshape(QE_TOT, KE))
    dst2d = jnp.zeros((QE_PAD, KE), train_pos_edge_index.dtype).at[
        :QE_TOT].set(train_pos_edge_index[1].reshape(QE_TOT, KE))
    ei = jnp.concatenate([test_pos_edge_index, test_neg_edge_index], axis=-1)
    npad = QD_TOT * KD // KD
    i0p = jnp.zeros((TPAD // KD, KD), ei.dtype).at[:npad].set(
        ei[0].reshape(npad, KD))
    i1p = jnp.zeros((TPAD // KD, KD), ei.dtype).at[:npad].set(
        ei[1].reshape(npad, KD))

    cols = np.arange(F1)
    perm = (cols % 8) * 8 + cols // 8
    pp = jnp.zeros((F1, F1), f32).at[perm, cols].set(1.0)
    pm = jnp.zeros((F1, F1), f32).at[cols, perm].set(1.0)
    hh = jnp.repeat(jnp.arange(H1), C1)
    asrc_bd = jnp.zeros((F1, 8), f32).at[jnp.arange(F1), hh].set(
        a_src1.reshape(F1))
    adst_bd = jnp.zeros((F1, 8), f32).at[jnp.arange(F1), hh].set(
        a_dst1.reshape(F1))
    p1 = jnp.concatenate([pp, asrc_bd, jnp.zeros((F1, 8), f32)], axis=1)
    ad1m = jnp.concatenate([adst_bd, jnp.zeros((F1, 8), f32)], axis=1)
    b8il = jnp.zeros((8, F1), f32).at[cols % 8, cols].set(1.0)

    p2 = jnp.concatenate(
        [jnp.eye(F2, dtype=f32),
         jnp.outer(a_src2.reshape(F2), jnp.ones((16,), f32))], axis=1)
    ad2m = jnp.outer(a_dst2.reshape(F2), jnp.ones((16,), f32))

    zr = jnp.zeros((N, R), f32)
    zw = jnp.zeros((N, 16), f32)

    rec1, ad1t = _tc_stage_a(x, W1.T, p1, ad1m)
    a0, a1, a0w, a1w = _sc_edge_kernel(8)(src2d, dst2d, rec1, ad1t, zr, zw)
    rec2, ad2t = _tc_stage_b(a0, a1, a0w, a1w, rec1, ad1t, W2.T, p2, ad2m,
                             b8il, pm, b1.reshape(1, F1))
    b0, b1p, b0w, b1w = _sc_edge_kernel(1)(src2d, dst2d, rec2, ad2t, zr, zw)
    logits = _sc_decode_kernel()(b0, b1p, b0w, b1w, rec2, ad2t, b2, i0p, i1p)
    return logits

# --- scband reference (transcript-rebuilt; emitter-appended) ---
"""Pipeline reference for scband-gat-1614907703894 (READ-ONLY COPY).

The authoritative reference and input builder live on the scoring server;
editing this copy changes nothing except your own understanding.
"""

import jax, jax.numpy as jnp
import numpy as np

N_NODES = 10000
D_FEAT = 128
N_EDGES = 320000
N_TEST = 40000
NUM_CLASSES = 64


def gat_conv(x, edge_index, W, att_src, att_dst, bias, heads, out_ch):
    # Faithful PyG GATConv: linear -> per-head attention logits -> add self loops
    # -> leaky_relu -> segment softmax over destination -> weighted scatter-add.
    N = x.shape[0]
    xp = (x @ W.T).reshape(N, heads, out_ch)
    a_src = (xp * att_src).sum(axis=-1)  # [N, H]
    a_dst = (xp * att_dst).sum(axis=-1)  # [N, H]
    loop = jnp.arange(N, dtype=edge_index.dtype)
    src = jnp.concatenate([edge_index[0], loop])
    dst = jnp.concatenate([edge_index[1], loop])
    alpha = a_src[src] + a_dst[dst]  # [E+N, H]
    alpha = jax.nn.leaky_relu(alpha, negative_slope=0.2)
    amax = jax.ops.segment_max(alpha, dst, num_segments=N)
    amax = jnp.where(jnp.isfinite(amax), amax, 0.0)
    ex = jnp.exp(alpha - amax[dst])
    denom = jax.ops.segment_sum(ex, dst, num_segments=N)
    coef = ex / (denom[dst] + 1e-16)
    msg = xp[src] * coef[:, :, None]
    out = jax.ops.segment_sum(msg, dst, num_segments=N)
    return out.reshape(N, heads * out_ch) + bias


def setup_inputs(seed: int = 0):
    key = jax.random.key(seed)
    ks = jax.random.split(key, 12)
    x = jax.random.normal(ks[0], (N_NODES, D_FEAT), dtype=jnp.float32)
    train_pos_edge_index = jax.random.randint(ks[1], (2, N_EDGES), 0, N_NODES, dtype=jnp.int32)
    test_pos_edge_index = jax.random.randint(ks[2], (2, N_TEST), 0, N_NODES, dtype=jnp.int32)
    test_neg_edge_index = jax.random.randint(ks[3], (2, N_TEST), 0, N_NODES, dtype=jnp.int32)
    # conv1: GATConv(128 -> 8, heads=8, concat=True) => output 64
    W1 = jax.random.normal(ks[4], (8 * 8, D_FEAT), dtype=jnp.float32) * 0.1
    a_src1 = jax.random.normal(ks[5], (1, 8, 8), dtype=jnp.float32) * 0.1
    a_dst1 = jax.random.normal(ks[6], (1, 8, 8), dtype=jnp.float32) * 0.1
    b1 = jnp.zeros((64,), dtype=jnp.float32)
    # conv2: GATConv(64 -> num_classes=64, heads=1, concat=True)
    W2 = jax.random.normal(ks[7], (NUM_CLASSES, 64), dtype=jnp.float32) * 0.1
    a_src2 = jax.random.normal(ks[8], (1, 1, NUM_CLASSES), dtype=jnp.float32) * 0.1
    a_dst2 = jax.random.normal(ks[9], (1, 1, NUM_CLASSES), dtype=jnp.float32) * 0.1
    b2 = jnp.zeros((NUM_CLASSES,), dtype=jnp.float32)
    return {
        "x": x,
        "train_pos_edge_index": train_pos_edge_index,
        "test_pos_edge_index": test_pos_edge_index,
        "test_neg_edge_index": test_neg_edge_index,
        "W1": W1, "a_src1": a_src1, "a_dst1": a_dst1, "b1": b1,
        "W2": W2, "a_src2": a_src2, "a_dst2": a_dst2, "b2": b2,
    }


def reference(x, train_pos_edge_index, test_pos_edge_index, test_neg_edge_index,
              W1, a_src1, a_dst1, b1, W2, a_src2, a_dst2, b2):
    # encode (dropout omitted: deterministic/eval-mode reference)
    z = gat_conv(x, train_pos_edge_index, W1, a_src1, a_dst1, b1, 8, 8)
    z = jax.nn.elu(z)
    z = gat_conv(z, train_pos_edge_index, W2, a_src2, a_dst2, b2, 1, NUM_CLASSES)
    # decode: dot-product link prediction on concatenated pos/neg test edges
    ei = jnp.concatenate([test_pos_edge_index, test_neg_edge_index], axis=-1)
    logits = (z[ei[0]] * z[ei[1]]).sum(axis=-1)
    return logits

if __name__ == "__main__":
    import jax
    _d = setup_inputs()
    print(jax.jit(kernel)(*tuple(_d.values())))

</pallas_src>

<mosaic_0001>
#map = affine_map<(d0, d1) -> (0, 0)>
module attributes {stable_mosaic.version = 14 : i64} {
  func.func @sc_edges(%arg0: i32, %arg1: i32, %arg2: memref<2504x128xi32, #tpu.memory_space<hbm>>, %arg3: memref<2504x128xi32, #tpu.memory_space<hbm>>, %arg4: memref<10000x80xf32, #tpu.memory_space<hbm>>, %arg5: memref<10000x16xf32, #tpu.memory_space<hbm>>, %arg6: memref<10000x80xf32, #tpu.memory_space<hbm>>, %arg7: memref<10000x16xf32, #tpu.memory_space<hbm>>, %arg8: memref<10000x80xf32, #tpu.memory_space<hbm>>, %arg9: memref<10000x80xf32, #tpu.memory_space<hbm>>, %arg10: memref<10000x16xf32, #tpu.memory_space<hbm>>, %arg11: memref<10000x16xf32, #tpu.memory_space<hbm>>, %arg12: memref<79x128xi32, #tpu.memory_space<vmem>>, %arg13: memref<79x128xi32, #tpu.memory_space<vmem>>, %arg14: memref<128x80xf32, #tpu.memory_space<vmem>>, %arg15: memref<128x80xf32, #tpu.memory_space<vmem>>, %arg16: memref<128x16xf32, #tpu.memory_space<vmem>>, %arg17: memref<128x16xf32, #tpu.memory_space<vmem>>, %arg18: memref<128x16xf32, #tpu.memory_space<vmem>>, %arg19: memref<128x16xf32, #tpu.memory_space<vmem>>, %arg20: memref<10000x80xf32, #tpu.memory_space<vmem_shared>>, %arg21: memref<10000x16xf32, #tpu.memory_space<vmem_shared>>, %arg22: memref<!tpu.dma_semaphore, #tpu.memory_space<semaphore_mem>>, %arg23: memref<!tpu.dma_semaphore, #tpu.memory_space<semaphore_mem>>, %arg24: memref<!tpu.dma_semaphore, #tpu.memory_space<semaphore_mem>>, %arg25: memref<!tpu.dma_semaphore, #tpu.memory_space<semaphore_mem>>) attributes {dimension_semantics = [#tpu.dimension_semantics<core_parallel>, #tpu.dimension_semantics<subcore_parallel>], iteration_bounds = array<i64: 2, 16>, scalar_prefetch = 0 : i64, scratch_operands = 14 : i64, tpu.core_type = #tpu.core_type<sc_vector_subcore>, window_params = [{transform_indices = #map}, {transform_indices = #map}, {transform_indices = #map}, {transform_indices = #map}, {transform_indices = #map}, {transform_indices = #map}, {transform_indices = #map}, {transform_indices = #map}, {transform_indices = #map}, {transform_indices = #map}]} {
    %mul3A = arith.constant 2 : i32
    %mul3A_0 = arith.muli %arg1, %mul3A : i32
    %add3A = arith.addi %mul3A_0, %arg0 : i32
    %lt3A = arith.constant 4 : i32
    %lt3A_1 = arith.cmpi slt, %add3A, %lt3A : i32
    %jit3A = arith.constant 1 : i32
    %jit3A_2 = arith.constant 0 : i32
    %select_n3A = arith.select %lt3A_1, %jit3A, %jit3A_2 : i32
    %add3A_3 = arith.constant 78 : i32
    %add3A_4 = arith.addi %add3A_3, %select_n3A : i32
    %mul3A_5 = arith.constant 78 : i32
    %mul3A_6 = arith.muli %mul3A_5, %add3A : i32
    %min3A = arith.constant 4 : i32
    %min3A_7 = arith.minsi %add3A, %min3A : i32
    %add3A_8 = arith.addi %mul3A_6, %min3A_7 : i32
    "tpu.region"() ({
      %run_scoped3A = tpu.sem_alloc : memref<!tpu.dma_semaphore, #tpu.memory_space<semaphore_mem>>
      %dma_start3A_84 = arith.constant 0 : i32
      %dma_start3A_85 = tpu.memref_slice %arg2[%add3A_8, %dma_start3A_84] : memref<2504x128xi32, #tpu.memory_space<hbm>> -> memref<79x128xi32, #tpu.memory_space<hbm>>
      %dma_start3A_86 = arith.constant 0 : i32
      %dma_start3A_87 = tpu.memref_slice %arg2[%add3A_8, %dma_start3A_86] : memref<2504x128xi32, #tpu.memory_space<hbm>> -> memref<79x128xi32, #tpu.memory_space<hbm>>
      tpu.enqueue_dma source(%dma_start3A_87 : memref<79x128xi32, #tpu.memory_space<hbm>>) target(%arg12 : memref<79x128xi32, #tpu.memory_space<vmem>>) target_semaphore(%run_scoped3A : memref<!tpu.dma_semaphore, #tpu.memory_space<semaphore_mem>>)
      %dma_wait3A = arith.constant 0 : i32
      %dma_wait3A_88 = tpu.memref_slice %arg2[%add3A_8, %dma_wait3A] : memref<2504x128xi32, #tpu.memory_space<hbm>> -> memref<79x128xi32, #tpu.memory_space<hbm>>
      %dma_wait3A_89 = arith.constant 0 : i32
      %dma_wait3A_90 = tpu.memref_slice %arg2[%add3A_8, %dma_wait3A_89] : memref<2504x128xi32, #tpu.memory_space<hbm>> -> memref<79x128xi32, #tpu.memory_space<hbm>>
      tpu.wait_dma2 semaphore(%run_scoped3A : memref<!tpu.dma_semaphore, #tpu.memory_space<semaphore_mem>>) src(%dma_wait3A_90 : memref<79x128xi32, #tpu.memory_space<hbm>>) dst(%arg12 : memref<79x128xi32, #tpu.memory_space<vmem>>)
      tpu.yield
    }) : () -> ()
    "tpu.region"() ({
      %run_scoped3A = tpu.sem_alloc : memref<!tpu.dma_semaphore, #tpu.memory_space<semaphore_mem>>
      %dma_start3A_84 = arith.constant 0 : i32
      %dma_start3A_85 = tpu.memref_slice %arg3[%add3A_8, %dma_start3A_84] : memref<2504x128xi32, #tpu.memory_space<hbm>> -> memref<79x128xi32, #tpu.memory_space<hbm>>
      %dma_start3A_86 = arith.constant 0 : i32
      %dma_start3A_87 = tpu.memref_slice %arg3[%add3A_8, %dma_start3A_86] : memref<2504x128xi32, #tpu.memory_space<hbm>> -> memref<79x128xi32, #tpu.memory_space<hbm>>
      tpu.enqueue_dma source(%dma_start3A_87 : memref<79x128xi32, #tpu.memory_space<hbm>>) target(%arg13 : memref<79x128xi32, #tpu.memory_space<vmem>>) target_semaphore(%run_scoped3A : memref<!tpu.dma_semaphore, #tpu.memory_space<semaphore_mem>>)
      %dma_wait3A = arith.constant 0 : i32
      %dma_wait3A_88 = tpu.memref_slice %arg3[%add3A_8, %dma_wait3A] : memref<2504x128xi32, #tpu.memory_space<hbm>> -> memref<79x128xi32, #tpu.memory_space<hbm>>
      %dma_wait3A_89 = arith.constant 0 : i32
      %dma_wait3A_90 = tpu.memref_slice %arg3[%add3A_8, %dma_wait3A_89] : memref<2504x128xi32, #tpu.memory_space<hbm>> -> memref<79x128xi32, #tpu.memory_space<hbm>>
      tpu.wait_dma2 semaphore(%run_scoped3A : memref<!tpu.dma_semaphore, #tpu.memory_space<semaphore_mem>>) src(%dma_wait3A_90 : memref<79x128xi32, #tpu.memory_space<hbm>>) dst(%arg13 : memref<79x128xi32, #tpu.memory_space<vmem>>)
      tpu.yield
    }) : () -> ()
    %mul3A_9 = arith.constant 624 : i32
    %mul3A_10 = arith.muli %arg1, %mul3A_9 : i32
    "tpu.region"() ({
      %run_scoped3A = tpu.sem_alloc : memref<!tpu.dma_semaphore, #tpu.memory_space<semaphore_mem>>
      %dma_start3A_84 = arith.constant 0 : i32
      %dma_start3A_85 = tpu.memref_slice %arg20[%mul3A_10, %dma_start3A_84] : memref<10000x80xf32, #tpu.memory_space<vmem_shared>> -> memref<624x80xf32, #tpu.memory_space<vmem_shared>>
      %dma_start3A_86 = arith.constant 0 : i32
      %dma_start3A_87 = tpu.memref_slice %arg6[%mul3A_10, %dma_start3A_86] : memref<10000x80xf32, #tpu.memory_space<hbm>> -> memref<624x80xf32, #tpu.memory_space<hbm>>
      tpu.enqueue_dma source(%dma_start3A_87 : memref<624x80xf32, #tpu.memory_space<hbm>>) target(%dma_start3A_85 : memref<624x80xf32, #tpu.memory_space<vmem_shared>>) target_semaphore(%run_scoped3A : memref<!tpu.dma_semaphore, #tpu.memory_space<semaphore_mem>>)
      %dma_wait3A = arith.constant 0 : i32
      %dma_wait3A_88 = tpu.memref_slice %arg20[%mul3A_10, %dma_wait3A] : memref<10000x80xf32, #tpu.memory_space<vmem_shared>> -> memref<624x80xf32, #tpu.memory_space<vmem_shared>>
      %dma_wait3A_89 = arith.constant 0 : i32
      %dma_wait3A_90 = tpu.memref_slice %arg6[%mul3A_10, %dma_wait3A_89] : memref<10000x80xf32, #tpu.memory_space<hbm>> -> memref<624x80xf32, #tpu.memory_space<hbm>>
      tpu.wait_dma2 semaphore(%run_scoped3A : memref<!tpu.dma_semaphore, #tpu.memory_space<semaphore_mem>>) src(%dma_wait3A_90 : memref<624x80xf32, #tpu.memory_space<hbm>>) dst(%dma_wait3A_88 : memref<624x80xf32, #tpu.memory_space<vmem_shared>>)
      tpu.yield
    }) : () -> ()
    "tpu.region"() ({
      %run_scoped3A = tpu.sem_alloc : memref<!tpu.dma_semaphore, #tpu.memory_space<semaphore_mem>>
      %dma_start3A_84 = arith.constant 0 : i32
      %dma_start3A_85 = tpu.memref_slice %arg21[%mul3A_10, %dma_start3A_84] : memref<10000x16xf32, #tpu.memory_space<vmem_shared>> -> memref<624x16xf32, #tpu.memory_space<vmem_shared>>
      %dma_start3A_86 = arith.constant 0 : i32
      %dma_start3A_87 = tpu.memref_slice %arg7[%mul3A_10, %dma_start3A_86] : memref<10000x16xf32, #tpu.memory_space<hbm>> -> memref<624x16xf32, #tpu.memory_space<hbm>>
      tpu.enqueue_dma source(%dma_start3A_87 : memref<624x16xf32, #tpu.memory_space<hbm>>) target(%dma_start3A_85 : memref<624x16xf32, #tpu.memory_space<vmem_shared>>) target_semaphore(%run_scoped3A : memref<!tpu.dma_semaphore, #tpu.memory_space<semaphore_mem>>)
      %dma_wait3A = arith.constant 0 : i32
      %dma_wait3A_88 = tpu.memref_slice %arg21[%mul3A_10, %dma_wait3A] : memref<10000x16xf32, #tpu.memory_space<vmem_shared>> -> memref<624x16xf32, #tpu.memory_space<vmem_shared>>
      %dma_wait3A_89 = arith.constant 0 : i32
      %dma_wait3A_90 = tpu.memref_slice %arg7[%mul3A_10, %dma_wait3A_89] : memref<10000x16xf32, #tpu.memory_space<hbm>> -> memref<624x16xf32, #tpu.memory_space<hbm>>
      tpu.wait_dma2 semaphore(%run_scoped3A : memref<!tpu.dma_semaphore, #tpu.memory_space<semaphore_mem>>) src(%dma_wait3A_90 : memref<624x16xf32, #tpu.memory_space<hbm>>) dst(%dma_wait3A_88 : memref<624x16xf32, #tpu.memory_space<vmem_shared>>)
      tpu.yield
    }) : () -> ()
    %eq3A = arith.constant 15 : i32
    %eq3A_11 = arith.cmpi eq, %arg1, %eq3A : i32
    %convert_element_type3A = arith.extui %eq3A_11 : i1 to i32
    %cond3A = arith.constant 0 : i32
    %cond3A_12 = arith.cmpi ne, %convert_element_type3A, %cond3A : i32
    scf.if %cond3A_12 {
      "tpu.region"() ({
        %run_scoped3A = tpu.sem_alloc : memref<!tpu.dma_semaphore, #tpu.memory_space<semaphore_mem>>
        %dma_start3A_84 = arith.constant 9984 : i32
        %dma_start3A_85 = arith.constant 0 : i32
        %dma_start3A_86 = tpu.memref_slice %arg20[%dma_start3A_84, %dma_start3A_85] : memref<10000x80xf32, #tpu.memory_space<vmem_shared>> -> memref<16x80xf32, #tpu.memory_space<vmem_shared>>
        %dma_start3A_87 = arith.constant 9984 : i32
        %dma_start3A_88 = arith.constant 0 : i32
        %dma_start3A_89 = tpu.memref_slice %arg6[%dma_start3A_87, %dma_start3A_88] : memref<10000x80xf32, #tpu.memory_space<hbm>> -> memref<16x80xf32, #tpu.memory_space<hbm>>
        tpu.enqueue_dma source(%dma_start3A_89 : memref<16x80xf32, #tpu.memory_space<hbm>>) target(%dma_start3A_86 : memref<16x80xf32, #tpu.memory_space<vmem_shared>>) target_semaphore(%run_scoped3A : memref<!tpu.dma_semaphore, #tpu.memory_space<semaphore_mem>>)
        %dma_wait3A = arith.constant 9984 : i32
        %dma_wait3A_90 = arith.constant 0 : i32
        %dma_wait3A_91 = tpu.memref_slice %arg20[%dma_wait3A, %dma_wait3A_90] : memref<10000x80xf32, #tpu.memory_space<vmem_shared>> -> memref<16x80xf32, #tpu.memory_space<vmem_shared>>
        %dma_wait3A_92 = arith.constant 9984 : i32
        %dma_wait3A_93 = arith.constant 0 : i32
        %dma_wait3A_94 = tpu.memref_slice %arg6[%dma_wait3A_92, %dma_wait3A_93] : memref<10000x80xf32, #tpu.memory_space<hbm>> -> memref<16x80xf32, #tpu.memory_space<hbm>>
        tpu.wait_dma2 semaphore(%run_scoped3A : memref<!tpu.dma_semaphore, #tpu.memory_space<semaphore_mem>>) src(%dma_wait3A_94 : memref<16x80xf32, #tpu.memory_space<hbm>>) dst(%dma_wait3A_91 : memref<16x80xf32, #tpu.memory_space<vmem_shared>>)
        tpu.yield
      }) : () -> ()
      "tpu.region"() ({
        %run_scoped3A = tpu.sem_alloc : memref<!tpu.dma_semaphore, #tpu.memory_space<semaphore_mem>>
        %dma_start3A_84 = arith.constant 9984 : i32
        %dma_start3A_85 = arith.constant 0 : i32
        %dma_start3A_86 = tpu.memref_slice %arg21[%dma_start3A_84, %dma_start3A_85] : memref<10000x16xf32, #tpu.memory_space<vmem_shared>> -> memref<16x16xf32, #tpu.memory_space<vmem_shared>>
        %dma_start3A_87 = arith.constant 9984 : i32
        %dma_start3A_88 = arith.constant 0 : i32
        %dma_start3A_89 = tpu.memref_slice %arg7[%dma_start3A_87, %dma_start3A_88] : memref<10000x16xf32, #tpu.memory_space<hbm>> -> memref<16x16xf32, #tpu.memory_space<hbm>>
        tpu.enqueue_dma source(%dma_start3A_89 : memref<16x16xf32, #tpu.memory_space<hbm>>) target(%dma_start3A_86 : memref<16x16xf32, #tpu.memory_space<vmem_shared>>) target_semaphore(%run_scoped3A : memref<!tpu.dma_semaphore, #tpu.memory_space<semaphore_mem>>)
        %dma_wait3A = arith.constant 9984 : i32
        %dma_wait3A_90 = arith.constant 0 : i32
        %dma_wait3A_91 = tpu.memref_slice %arg21[%dma_wait3A, %dma_wait3A_90] : memref<10000x16xf32, #tpu.memory_space<vmem_shared>> -> memref<16x16xf32, #tpu.memory_space<vmem_shared>>
        %dma_wait3A_92 = arith.constant 9984 : i32
        %dma_wait3A_93 = arith.constant 0 : i32
        %dma_wait3A_94 = tpu.memref_slice %arg7[%dma_wait3A_92, %dma_wait3A_93] : memref<10000x16xf32, #tpu.memory_space<hbm>> -> memref<16x16xf32, #tpu.memory_space<hbm>>
        tpu.wait_dma2 semaphore(%run_scoped3A : memref<!tpu.dma_semaphore, #tpu.memory_space<semaphore_mem>>) src(%dma_wait3A_94 : memref<16x16xf32, #tpu.memory_space<hbm>>) dst(%dma_wait3A_91 : memref<16x16xf32, #tpu.memory_space<vmem_shared>>)
        tpu.yield
      }) : () -> ()
    } else {
    }
    %barrier3A = arith.constant 0 : index
    tpu.barrier barrier_id(%barrier3A)
    %iota3A = tpu.iota {dimensions = array<i32: 0>} : vector<16xi32>
    %and3A = arith.constant 7 : i32
    %and3A_13 = vector.broadcast %and3A : i32 to vector<16xi32>
    %and3A_14 = arith.andi %iota3A, %and3A_13 : vector<16xi32>
    %dma_start3A = arith.constant 0 : i32
    %dma_start3A_15 = arith.constant 0 : i32
    %dma_start3A_16 = tpu.memref_slice %arg12[%dma_start3A, %dma_start3A_15] : memref<79x128xi32, #tpu.memory_space<vmem>> -> memref<1x128xi32, #tpu.memory_space<vmem>>
    %dma_start3A_17 = tpu.memref_squeeze %dma_start3A_16 : memref<1x128xi32, #tpu.memory_space<vmem>> -> memref<128xi32, #tpu.memory_space<vmem>>
    %dma_start3A_18 = arith.constant 0 : i32
    %dma_start3A_19 = arith.constant 0 : i32
    %dma_start3A_20 = tpu.memref_slice %arg4[%dma_start3A_18, %dma_start3A_19] : memref<10000x80xf32, #tpu.memory_space<hbm>> -> memref<10000x80xf32, #tpu.memory_space<hbm>>
    tpu.enqueue_indirect_dma source(%dma_start3A_20 : memref<10000x80xf32, #tpu.memory_space<hbm>>) target(%arg14 : memref<128x80xf32, #tpu.memory_space<vmem>>) offsets(%dma_start3A_17 : memref<128xi32, #tpu.memory_space<vmem>>) semaphore(%arg22 : memref<!tpu.dma_semaphore, #tpu.memory_space<semaphore_mem>>)
    %dma_start3A_21 = arith.constant 0 : i32
    %dma_start3A_22 = arith.constant 0 : i32
    %dma_start3A_23 = tpu.memref_slice %arg13[%dma_start3A_21, %dma_start3A_22] : memref<79x128xi32, #tpu.memory_space<vmem>> -> memref<1x128xi32, #tpu.memory_space<vmem>>
    %dma_start3A_24 = tpu.memref_squeeze %dma_start3A_23 : memref<1x128xi32, #tpu.memory_space<vmem>> -> memref<128xi32, #tpu.memory_space<vmem>>
    %dma_start3A_25 = arith.constant 0 : i32
    %dma_start3A_26 = arith.constant 0 : i32
    %dma_start3A_27 = tpu.memref_slice %arg5[%dma_start3A_25, %dma_start3A_26] : memref<10000x16xf32, #tpu.memory_space<hbm>> -> memref<10000x16xf32, #tpu.memory_space<hbm>>
    tpu.enqueue_indirect_dma source(%dma_start3A_27 : memref<10000x16xf32, #tpu.memory_space<hbm>>) target(%arg16 : memref<128x16xf32, #tpu.memory_space<vmem>>) offsets(%dma_start3A_24 : memref<128xi32, #tpu.memory_space<vmem>>) semaphore(%arg22 : memref<!tpu.dma_semaphore, #tpu.memory_space<semaphore_mem>>)
    %scan3A = arith.constant 0 : i32
    %scan3A_28 = arith.constant 0 : i32
    %scan3A_29 = arith.constant 40 : i32
    %scan3A_30 = arith.addi %scan3A_28, %scan3A_29 : i32
    %scan3A_31 = arith.constant 1 : i32
    scf.for %scan3A_84 = %scan3A_28 to %scan3A_30 step %scan3A_31  : i32 {
      %mul3A_85 = arith.constant 2 : i32
      %mul3A_86 = arith.muli %mul3A_85, %scan3A_84 : i32
      %lt3A_87 = arith.cmpi slt, %mul3A_86, %add3A_4 : i32
      %convert_element_type3A_88 = arith.extui %lt3A_87 : i1 to i32
      %cond3A_89 = arith.constant 0 : i32
      %cond3A_90 = arith.cmpi ne, %convert_element_type3A_88, %cond3A_89 : i32
      scf.if %cond3A_90 {
        %mul3A_99 = arith.constant 2 : i32
        %mul3A_100 = arith.muli %mul3A_99, %scan3A_84 : i32
        %ge3A = arith.constant 1 : i32
        %ge3A_101 = arith.cmpi sge, %mul3A_100, %ge3A : i32
        %convert_element_type3A_102 = arith.extui %ge3A_101 : i1 to i32
        %cond3A_103 = arith.constant 0 : i32
        %cond3A_104 = arith.cmpi ne, %convert_element_type3A_102, %cond3A_103 : i32
        scf.if %cond3A_104 {
          %dma_wait3A_138 = arith.constant 0 : i32
          %dma_wait3A_139 = arith.constant 0 : i32
          %dma_wait3A_140 = tpu.memref_slice %arg13[%dma_wait3A_138, %dma_wait3A_139] : memref<79x128xi32, #tpu.memory_space<vmem>> -> memref<1x128xi32, #tpu.memory_space<vmem>>
          %dma_wait3A_141 = tpu.memref_squeeze %dma_wait3A_140 : memref<1x128xi32, #tpu.memory_space<vmem>> -> memref<128xi32, #tpu.memory_space<vmem>>
          %dma_wait3A_142 = arith.constant 0 : i32
          %dma_wait3A_143 = arith.constant 0 : i32
          %dma_wait3A_144 = tpu.memref_slice %arg20[%dma_wait3A_142, %dma_wait3A_143] : memref<10000x80xf32, #tpu.memory_space<vmem_shared>> -> memref<10000x80xf32, #tpu.memory_space<vmem_shared>>
          tpu.wait_indirect_dma semaphore(%arg25 : memref<!tpu.dma_semaphore, #tpu.memory_space<semaphore_mem>>) src(%arg15 : memref<128x80xf32, #tpu.memory_space<vmem>>) dst(%dma_wait3A_144 : memref<10000x80xf32, #tpu.memory_space<vmem_shared>>)
          %dma_wait3A_145 = arith.constant 0 : i32
          %dma_wait3A_146 = arith.constant 0 : i32
          %dma_wait3A_147 = tpu.memref_slice %arg13[%dma_wait3A_145, %dma_wait3A_146] : memref<79x128xi32, #tpu.memory_space<vmem>> -> memref<1x128xi32, #tpu.memory_space<vmem>>
          %dma_wait3A_148 = tpu.memref_squeeze %dma_wait3A_147 : memref<1x128xi32, #tpu.memory_space<vmem>> -> memref<128xi32, #tpu.memory_space<vmem>>
          %dma_wait3A_149 = arith.constant 0 : i32
          %dma_wait3A_150 = arith.constant 0 : i32
          %dma_wait3A_151 = tpu.memref_slice %arg21[%dma_wait3A_149, %dma_wait3A_150] : memref<10000x16xf32, #tpu.memory_space<vmem_shared>> -> memref<10000x16xf32, #tpu.memory_space<vmem_shared>>
          tpu.wait_indirect_dma semaphore(%arg25 : memref<!tpu.dma_semaphore, #tpu.memory_space<semaphore_mem>>) src(%arg19 : memref<128x16xf32, #tpu.memory_space<vmem>>) dst(%dma_wait3A_151 : memref<10000x16xf32, #tpu.memory_space<vmem_shared>>)
        } else {
        }
        %add3A_105 = arith.constant 1 : i32
        %add3A_106 = arith.addi %mul3A_100, %add3A_105 : i32
        %lt3A_107 = arith.cmpi slt, %add3A_106, %add3A_4 : i32
        %convert_element_type3A_108 = arith.extui %lt3A_107 : i1 to i32
        %cond3A_109 = arith.constant 0 : i32
        %cond3A_110 = arith.cmpi ne, %convert_element_type3A_108, %cond3A_109 : i32
        scf.if %cond3A_110 {
          %add3A_138 = arith.constant 1 : i32
          %add3A_139 = arith.addi %mul3A_100, %add3A_138 : i32
          %dma_start3A_140 = arith.constant 0 : i32
          %dma_start3A_141 = tpu.memref_slice %arg12[%add3A_139, %dma_start3A_140] : memref<79x128xi32, #tpu.memory_space<vmem>> -> memref<1x128xi32, #tpu.memory_space<vmem>>
          %dma_start3A_142 = tpu.memref_squeeze %dma_start3A_141 : memref<1x128xi32, #tpu.memory_space<vmem>> -> memref<128xi32, #tpu.memory_space<vmem>>
          %dma_start3A_143 = arith.constant 0 : i32
          %dma_start3A_144 = arith.constant 0 : i32
          %dma_start3A_145 = tpu.memref_slice %arg4[%dma_start3A_143, %dma_start3A_144] : memref<10000x80xf32, #tpu.memory_space<hbm>> -> memref<10000x80xf32, #tpu.memory_space<hbm>>
          tpu.enqueue_indirect_dma source(%dma_start3A_145 : memref<10000x80xf32, #tpu.memory_space<hbm>>) target(%arg15 : memref<128x80xf32, #tpu.memory_space<vmem>>) offsets(%dma_start3A_142 : memref<128xi32, #tpu.memory_space<vmem>>) semaphore(%arg23 : memref<!tpu.dma_semaphore, #tpu.memory_space<semaphore_mem>>)
          %dma_start3A_146 = arith.constant 0 : i32
          %dma_start3A_147 = tpu.memref_slice %arg13[%add3A_139, %dma_start3A_146] : memref<79x128xi32, #tpu.memory_space<vmem>> -> memref<1x128xi32, #tpu.memory_space<vmem>>
          %dma_start3A_148 = tpu.memref_squeeze %dma_start3A_147 : memref<1x128xi32, #tpu.memory_space<vmem>> -> memref<128xi32, #tpu.memory_space<vmem>>
          %dma_start3A_149 = arith.constant 0 : i32
          %dma_start3A_150 = arith.constant 0 : i32
          %dma_start3A_151 = tpu.memref_slice %arg5[%dma_start3A_149, %dma_start3A_150] : memref<10000x16xf32, #tpu.memory_space<hbm>> -> memref<10000x16xf32, #tpu.memory_space<hbm>>
          tpu.enqueue_indirect_dma source(%dma_start3A_151 : memref<10000x16xf32, #tpu.memory_space<hbm>>) target(%arg17 : memref<128x16xf32, #tpu.memory_space<vmem>>) offsets(%dma_start3A_148 : memref<128xi32, #tpu.memory_space<vmem>>) semaphore(%arg23 : memref<!tpu.dma_semaphore, #tpu.memory_space<semaphore_mem>>)
        } else {
        }
        %dma_wait3A = arith.constant 0 : i32
        %dma_wait3A_111 = arith.constant 0 : i32
        %dma_wait3A_112 = tpu.memref_slice %arg12[%dma_wait3A, %dma_wait3A_111] : memref<79x128xi32, #tpu.memory_space<vmem>> -> memref<1x128xi32, #tpu.memory_space<vmem>>
        %dma_wait3A_113 = tpu.memref_squeeze %dma_wait3A_112 : memref<1x128xi32, #tpu.memory_space<vmem>> -> memref<128xi32, #tpu.memory_space<vmem>>
        %dma_wait3A_114 = arith.constant 0 : i32
        %dma_wait3A_115 = arith.constant 0 : i32
        %dma_wait3A_116 = tpu.memref_slice %arg4[%dma_wait3A_114, %dma_wait3A_115] : memref<10000x80xf32, #tpu.memory_space<hbm>> -> memref<10000x80xf32, #tpu.memory_space<hbm>>
        tpu.wait_indirect_dma semaphore(%arg22 : memref<!tpu.dma_semaphore, #tpu.memory_space<semaphore_mem>>) src(%dma_wait3A_116 : memref<10000x80xf32, #tpu.memory_space<hbm>>) dst(%arg14 : memref<128x80xf32, #tpu.memory_space<vmem>>)
        %dma_wait3A_117 = arith.constant 0 : i32
        %dma_wait3A_118 = arith.constant 0 : i32
        %dma_wait3A_119 = tpu.memref_slice %arg13[%dma_wait3A_117, %dma_wait3A_118] : memref<79x128xi32, #tpu.memory_space<vmem>> -> memref<1x128xi32, #tpu.memory_space<vmem>>
        %dma_wait3A_120 = tpu.memref_squeeze %dma_wait3A_119 : memref<1x128xi32, #tpu.memory_space<vmem>> -> memref<128xi32, #tpu.memory_space<vmem>>
        %dma_wait3A_121 = arith.constant 0 : i32
        %dma_wait3A_122 = arith.constant 0 : i32
        %dma_wait3A_123 = tpu.memref_slice %arg5[%dma_wait3A_121, %dma_wait3A_122] : memref<10000x16xf32, #tpu.memory_space<hbm>> -> memref<10000x16xf32, #tpu.memory_space<hbm>>
        tpu.wait_indirect_dma semaphore(%arg22 : memref<!tpu.dma_semaphore, #tpu.memory_space<semaphore_mem>>) src(%dma_wait3A_123 : memref<10000x16xf32, #tpu.memory_space<hbm>>) dst(%arg16 : memref<128x16xf32, #tpu.memory_space<vmem>>)
        %parallel_loop3A = arith.constant 0 : i32
        %parallel_loop3A_124 = arith.constant 128 : i32
        %parallel_loop3A_125 = arith.constant 1 : i32
        scf.for %parallel_loop3A_138 = %parallel_loop3A to %parallel_loop3A_124 step %parallel_loop3A_125  : i32 {
          %parallel_loop3A_139 = arith.index_cast %parallel_loop3A_138 : i32 to index
          %parallel_loop3A_140 = arith.constant 64 : index
          %parallel_loop3A_141 = tpu.vector_load %arg14[%parallel_loop3A_139, %parallel_loop3A_140] {strides = array<i32>} : memref<128x80xf32, #tpu.memory_space<vmem>>, vector<1x16xf32>,
          %parallel_loop3A_142 = vector.shape_cast %parallel_loop3A_141 : vector<1x16xf32> to vector<16xf32>
          %parallel_loop3A_143 = arith.index_cast %parallel_loop3A_138 : i32 to index
          %parallel_loop3A_144 = arith.constant 0 : index
          %parallel_loop3A_145 = tpu.vector_load %arg16[%parallel_loop3A_143, %parallel_loop3A_144] {strides = array<i32>} : memref<128x16xf32, #tpu.memory_space<vmem>>, vector<1x16xf32>,
          %parallel_loop3A_146 = vector.shape_cast %parallel_loop3A_145 : vector<1x16xf32> to vector<16xf32>
          %parallel_loop3A_147 = arith.addf %parallel_loop3A_142, %parallel_loop3A_146 : vector<16xf32>
          %parallel_loop3A_148 = arith.constant 2.000000e-01 : f32
          %parallel_loop3A_149 = vector.broadcast %parallel_loop3A_148 : f32 to vector<16xf32>
          %parallel_loop3A_150 = arith.mulf %parallel_loop3A_149, %parallel_loop3A_147 : vector<16xf32>
          %parallel_loop3A_151 = arith.maximumf %parallel_loop3A_147, %parallel_loop3A_150 : vector<16xf32>
          %parallel_loop3A_152 = math.exp %parallel_loop3A_151 : vector<16xf32>
          %parallel_loop3A_153 = arith.index_cast %parallel_loop3A_138 : i32 to index
          %parallel_loop3A_154 = arith.constant 0 : index
          %parallel_loop3A_155 = tpu.vector_load %arg18[%parallel_loop3A_153, %parallel_loop3A_154] {strides = array<i32>} : memref<128x16xf32, #tpu.memory_space<vmem>>, vector<1x16xf32>,
          %parallel_loop3A_156 = vector.shape_cast %parallel_loop3A_155 : vector<1x16xf32> to vector<16xf32>
          %parallel_loop3A_157 = vector.shape_cast %parallel_loop3A_152 : vector<16xf32> to vector<1x16xf32>
          tpu.vector_store %arg18[%parallel_loop3A_153, %parallel_loop3A_154], %parallel_loop3A_157 {strides = array<i32>} : memref<128x16xf32, #tpu.memory_space<vmem>>, vector<1x16xf32>,
          %parallel_loop3A_158 = arith.index_cast %parallel_loop3A_138 : i32 to index
          %parallel_loop3A_159 = arith.constant 0 : index
          %parallel_loop3A_160 = tpu.vector_load %arg14[%parallel_loop3A_158, %parallel_loop3A_159] {strides = array<i32>} : memref<128x80xf32, #tpu.memory_space<vmem>>, vector<1x16xf32>,
          %parallel_loop3A_161 = vector.shape_cast %parallel_loop3A_160 : vector<1x16xf32> to vector<16xf32>
          %parallel_loop3A_162 = arith.mulf %parallel_loop3A_161, %parallel_loop3A_152 : vector<16xf32>
          %parallel_loop3A_163 = arith.index_cast %parallel_loop3A_138 : i32 to index
          %parallel_loop3A_164 = arith.constant 0 : index
          %parallel_loop3A_165 = tpu.vector_load %arg14[%parallel_loop3A_163, %parallel_loop3A_164] {strides = array<i32>} : memref<128x80xf32, #tpu.memory_space<vmem>>, vector<1x16xf32>,
          %parallel_loop3A_166 = vector.shape_cast %parallel_loop3A_165 : vector<1x16xf32> to vector<16xf32>
          %parallel_loop3A_167 = vector.shape_cast %parallel_loop3A_162 : vector<16xf32> to vector<1x16xf32>
          tpu.vector_store %arg14[%parallel_loop3A_163, %parallel_loop3A_164], %parallel_loop3A_167 {strides = array<i32>} : memref<128x80xf32, #tpu.memory_space<vmem>>, vector<1x16xf32>,
          %parallel_loop3A_168 = arith.index_cast %parallel_loop3A_138 : i32 to index
          %parallel_loop3A_169 = arith.constant 16 : index
          %parallel_loop3A_170 = tpu.vector_load %arg14[%parallel_loop3A_168, %parallel_loop3A_169] {strides = array<i32>} : memref<128x80xf32, #tpu.memory_space<vmem>>, vector<1x16xf32>,
          %parallel_loop3A_171 = vector.shape_cast %parallel_loop3A_170 : vector<1x16xf32> to vector<16xf32>
          %parallel_loop3A_172 = arith.mulf %parallel_loop3A_171, %parallel_loop3A_152 : vector<16xf32>
          %parallel_loop3A_173 = arith.index_cast %parallel_loop3A_138 : i32 to index
          %parallel_loop3A_174 = arith.constant 16 : index
          %parallel_loop3A_175 = tpu.vector_load %arg14[%parallel_loop3A_173, %parallel_loop3A_174] {strides = array<i32>} : memref<128x80xf32, #tpu.memory_space<vmem>>, vector<1x16xf32>,
          %parallel_loop3A_176 = vector.shape_cast %parallel_loop3A_175 : vector<1x16xf32> to vector<16xf32>
          %parallel_loop3A_177 = vector.shape_cast %parallel_loop3A_172 : vector<16xf32> to vector<1x16xf32>
          tpu.vector_store %arg14[%parallel_loop3A_173, %parallel_loop3A_174], %parallel_loop3A_177 {strides = array<i32>} : memref<128x80xf32, #tpu.memory_space<vmem>>, vector<1x16xf32>,
          %parallel_loop3A_178 = arith.index_cast %parallel_loop3A_138 : i32 to index
          %parallel_loop3A_179 = arith.constant 32 : index
          %parallel_loop3A_180 = tpu.vector_load %arg14[%parallel_loop3A_178, %parallel_loop3A_179] {strides = array<i32>} : memref<128x80xf32, #tpu.memory_space<vmem>>, vector<1x16xf32>,
          %parallel_loop3A_181 = vector.shape_cast %parallel_loop3A_180 : vector<1x16xf32> to vector<16xf32>
          %parallel_loop3A_182 = arith.mulf %parallel_loop3A_181, %parallel_loop3A_152 : vector<16xf32>
          %parallel_loop3A_183 = arith.index_cast %parallel_loop3A_138 : i32 to index
          %parallel_loop3A_184 = arith.constant 32 : index
          %parallel_loop3A_185 = tpu.vector_load %arg14[%parallel_loop3A_183, %parallel_loop3A_184] {strides = array<i32>} : memref<128x80xf32, #tpu.memory_space<vmem>>, vector<1x16xf32>,
          %parallel_loop3A_186 = vector.shape_cast %parallel_loop3A_185 : vector<1x16xf32> to vector<16xf32>
          %parallel_loop3A_187 = vector.shape_cast %parallel_loop3A_182 : vector<16xf32> to vector<1x16xf32>
          tpu.vector_store %arg14[%parallel_loop3A_183, %parallel_loop3A_184], %parallel_loop3A_187 {strides = array<i32>} : memref<128x80xf32, #tpu.memory_space<vmem>>, vector<1x16xf32>,
          %parallel_loop3A_188 = arith.index_cast %parallel_loop3A_138 : i32 to index
          %parallel_loop3A_189 = arith.constant 48 : index
          %parallel_loop3A_190 = tpu.vector_load %arg14[%parallel_loop3A_188, %parallel_loop3A_189] {strides = array<i32>} : memref<128x80xf32, #tpu.memory_space<vmem>>, vector<1x16xf32>,
          %parallel_loop3A_191 = vector.shape_cast %parallel_loop3A_190 : vector<1x16xf32> to vector<16xf32>
          %parallel_loop3A_192 = arith.mulf %parallel_loop3A_191, %parallel_loop3A_152 : vector<16xf32>
          %parallel_loop3A_193 = arith.index_cast %parallel_loop3A_138 : i32 to index
          %parallel_loop3A_194 = arith.constant 48 : index
          %parallel_loop3A_195 = tpu.vector_load %arg14[%parallel_loop3A_193, %parallel_loop3A_194] {strides = array<i32>} : memref<128x80xf32, #tpu.memory_space<vmem>>, vector<1x16xf32>,
          %parallel_loop3A_196 = vector.shape_cast %parallel_loop3A_195 : vector<1x16xf32> to vector<16xf32>
          %parallel_loop3A_197 = vector.shape_cast %parallel_loop3A_192 : vector<16xf32> to vector<1x16xf32>
          tpu.vector_store %arg14[%parallel_loop3A_193, %parallel_loop3A_194], %parallel_loop3A_197 {strides = array<i32>} : memref<128x80xf32, #tpu.memory_space<vmem>>, vector<1x16xf32>,
        } {sc.loop_unroll_factor = 4 : i64, sc.parallel_access}
        %dma_start3A_126 = arith.constant 0 : i32
        %dma_start3A_127 = tpu.memref_slice %arg13[%mul3A_100, %dma_start3A_126] : memref<79x128xi32, #tpu.memory_space<vmem>> -> memref<1x128xi32, #tpu.memory_space<vmem>>
        %dma_start3A_128 = tpu.memref_squeeze %dma_start3A_127 : memref<1x128xi32, #tpu.memory_space<vmem>> -> memref<128xi32, #tpu.memory_space<vmem>>
        %dma_start3A_129 = arith.constant 0 : i32
        %dma_start3A_130 = arith.constant 0 : i32
        %dma_start3A_131 = tpu.memref_slice %arg20[%dma_start3A_129, %dma_start3A_130] : memref<10000x80xf32, #tpu.memory_space<vmem_shared>> -> memref<10000x80xf32, #tpu.memory_space<vmem_shared>>
        tpu.enqueue_indirect_dma source(%arg14 : memref<128x80xf32, #tpu.memory_space<vmem>>) target(%dma_start3A_131 : memref<10000x80xf32, #tpu.memory_space<vmem_shared>>) offsets(%dma_start3A_128 : memref<128xi32, #tpu.memory_space<vmem>>) semaphore(%arg24 : memref<!tpu.dma_semaphore, #tpu.memory_space<semaphore_mem>>) {add = true}
        %dma_start3A_132 = arith.constant 0 : i32
        %dma_start3A_133 = tpu.memref_slice %arg13[%mul3A_100, %dma_start3A_132] : memref<79x128xi32, #tpu.memory_space<vmem>> -> memref<1x128xi32, #tpu.memory_space<vmem>>
        %dma_start3A_134 = tpu.memref_squeeze %dma_start3A_133 : memref<1x128xi32, #tpu.memory_space<vmem>> -> memref<128xi32, #tpu.memory_space<vmem>>
        %dma_start3A_135 = arith.constant 0 : i32
        %dma_start3A_136 = arith.constant 0 : i32
        %dma_start3A_137 = tpu.memref_slice %arg21[%dma_start3A_135, %dma_start3A_136] : memref<10000x16xf32, #tpu.memory_space<vmem_shared>> -> memref<10000x16xf32, #tpu.memory_space<vmem_shared>>
        tpu.enqueue_indirect_dma source(%arg18 : memref<128x16xf32, #tpu.memory_space<vmem>>) target(%dma_start3A_137 : memref<10000x16xf32, #tpu.memory_space<vmem_shared>>) offsets(%dma_start3A_134 : memref<128xi32, #tpu.memory_space<vmem>>) semaphore(%arg24 : memref<!tpu.dma_semaphore, #tpu.memory_space<semaphore_mem>>) {add = true}
      } else {
      }
      %mul3A_91 = arith.constant 2 : i32
      %mul3A_92 = arith.muli %mul3A_91, %scan3A_84 : i32
      %add3A_93 = arith.constant 1 : i32
      %add3A_94 = arith.addi %mul3A_92, %add3A_93 : i32
      %lt3A_95 = arith.cmpi slt, %add3A_94, %add3A_4 : i32
      %convert_element_type3A_96 = arith.extui %lt3A_95 : i1 to i32
      %cond3A_97 = arith.constant 0 : i32
      %cond3A_98 = arith.cmpi ne, %convert_element_type3A_96, %cond3A_97 : i32
      scf.if %cond3A_98 {
        %mul3A_99 = arith.constant 2 : i32
        %mul3A_100 = arith.muli %mul3A_99, %scan3A_84 : i32
        %add3A_101 = arith.constant 1 : i32
        %add3A_102 = arith.addi %mul3A_100, %add3A_101 : i32
        %ge3A = arith.constant 1 : i32
        %ge3A_103 = arith.cmpi sge, %add3A_102, %ge3A : i32
        %convert_element_type3A_104 = arith.extui %ge3A_103 : i1 to i32
        %cond3A_105 = arith.constant 0 : i32
        %cond3A_106 = arith.cmpi ne, %convert_element_type3A_104, %cond3A_105 : i32
        scf.if %cond3A_106 {
          %dma_wait3A_140 = arith.constant 0 : i32
          %dma_wait3A_141 = arith.constant 0 : i32
          %dma_wait3A_142 = tpu.memref_slice %arg13[%dma_wait3A_140, %dma_wait3A_141] : memref<79x128xi32, #tpu.memory_space<vmem>> -> memref<1x128xi32, #tpu.memory_space<vmem>>
          %dma_wait3A_143 = tpu.memref_squeeze %dma_wait3A_142 : memref<1x128xi32, #tpu.memory_space<vmem>> -> memref<128xi32, #tpu.memory_space<vmem>>
          %dma_wait3A_144 = arith.constant 0 : i32
          %dma_wait3A_145 = arith.constant 0 : i32
          %dma_wait3A_146 = tpu.memref_slice %arg20[%dma_wait3A_144, %dma_wait3A_145] : memref<10000x80xf32, #tpu.memory_space<vmem_shared>> -> memref<10000x80xf32, #tpu.memory_space<vmem_shared>>
          tpu.wait_indirect_dma semaphore(%arg24 : memref<!tpu.dma_semaphore, #tpu.memory_space<semaphore_mem>>) src(%arg14 : memref<128x80xf32, #tpu.memory_space<vmem>>) dst(%dma_wait3A_146 : memref<10000x80xf32, #tpu.memory_space<vmem_shared>>)
          %dma_wait3A_147 = arith.constant 0 : i32
          %dma_wait3A_148 = arith.constant 0 : i32
          %dma_wait3A_149 = tpu.memref_slice %arg13[%dma_wait3A_147, %dma_wait3A_148] : memref<79x128xi32, #tpu.memory_space<vmem>> -> memref<1x128xi32, #tpu.memory_space<vmem>>
          %dma_wait3A_150 = tpu.memref_squeeze %dma_wait3A_149 : memref<1x128xi32, #tpu.memory_space<vmem>> -> memref<128xi32, #tpu.memory_space<vmem>>
          %dma_wait3A_151 = arith.constant 0 : i32
          %dma_wait3A_152 = arith.constant 0 : i32
          %dma_wait3A_153 = tpu.memref_slice %arg21[%dma_wait3A_151, %dma_wait3A_152] : memref<10000x16xf32, #tpu.memory_space<vmem_shared>> -> memref<10000x16xf32, #tpu.memory_space<vmem_shared>>
          tpu.wait_indirect_dma semaphore(%arg24 : memref<!tpu.dma_semaphore, #tpu.memory_space<semaphore_mem>>) src(%arg18 : memref<128x16xf32, #tpu.memory_space<vmem>>) dst(%dma_wait3A_153 : memref<10000x16xf32, #tpu.memory_space<vmem_shared>>)
        } else {
        }
        %add3A_107 = arith.constant 1 : i32
        %add3A_108 = arith.addi %add3A_102, %add3A_107 : i32
        %lt3A_109 = arith.cmpi slt, %add3A_108, %add3A_4 : i32
        %convert_element_type3A_110 = arith.extui %lt3A_109 : i1 to i32
        %cond3A_111 = arith.constant 0 : i32
        %cond3A_112 = arith.cmpi ne, %convert_element_type3A_110, %cond3A_111 : i32
        scf.if %cond3A_112 {
          %add3A_140 = arith.constant 1 : i32
          %add3A_141 = arith.addi %add3A_102, %add3A_140 : i32
          %dma_start3A_142 = arith.constant 0 : i32
          %dma_start3A_143 = tpu.memref_slice %arg12[%add3A_141, %dma_start3A_142] : memref<79x128xi32, #tpu.memory_space<vmem>> -> memref<1x128xi32, #tpu.memory_space<vmem>>
          %dma_start3A_144 = tpu.memref_squeeze %dma_start3A_143 : memref<1x128xi32, #tpu.memory_space<vmem>> -> memref<128xi32, #tpu.memory_space<vmem>>
          %dma_start3A_145 = arith.constant 0 : i32
          %dma_start3A_146 = arith.constant 0 : i32
          %dma_start3A_147 = tpu.memref_slice %arg4[%dma_start3A_145, %dma_start3A_146] : memref<10000x80xf32, #tpu.memory_space<hbm>> -> memref<10000x80xf32, #tpu.memory_space<hbm>>
          tpu.enqueue_indirect_dma source(%dma_start3A_147 : memref<10000x80xf32, #tpu.memory_space<hbm>>) target(%arg14 : memref<128x80xf32, #tpu.memory_space<vmem>>) offsets(%dma_start3A_144 : memref<128xi32, #tpu.memory_space<vmem>>) semaphore(%arg22 : memref<!tpu.dma_semaphore, #tpu.memory_space<semaphore_mem>>)
          %dma_start3A_148 = arith.constant 0 : i32
          %dma_start3A_149 = tpu.memref_slice %arg13[%add3A_141, %dma_start3A_148] : memref<79x128xi32, #tpu.memory_space<vmem>> -> memref<1x128xi32, #tpu.memory_space<vmem>>
          %dma_start3A_150 = tpu.memref_squeeze %dma_start3A_149 : memref<1x128xi32, #tpu.memory_space<vmem>> -> memref<128xi32, #tpu.memory_space<vmem>>
          %dma_start3A_151 = arith.constant 0 : i32
          %dma_start3A_152 = arith.constant 0 : i32
          %dma_start3A_153 = tpu.memref_slice %arg5[%dma_start3A_151, %dma_start3A_152] : memref<10000x16xf32, #tpu.memory_space<hbm>> -> memref<10000x16xf32, #tpu.memory_space<hbm>>
          tpu.enqueue_indirect_dma source(%dma_start3A_153 : memref<10000x16xf32, #tpu.memory_space<hbm>>) target(%arg16 : memref<128x16xf32, #tpu.memory_space<vmem>>) offsets(%dma_start3A_150 : memref<128xi32, #tpu.memory_space<vmem>>) semaphore(%arg22 : memref<!tpu.dma_semaphore, #tpu.memory_space<semaphore_mem>>)
        } else {
        }
        %dma_wait3A = arith.constant 0 : i32
        %dma_wait3A_113 = arith.constant 0 : i32
        %dma_wait3A_114 = tpu.memref_slice %arg12[%dma_wait3A, %dma_wait3A_113] : memref<79x128xi32, #tpu.memory_space<vmem>> -> memref<1x128xi32, #tpu.memory_space<vmem>>
        %dma_wait3A_115 = tpu.memref_squeeze %dma_wait3A_114 : memref<1x128xi32, #tpu.memory_space<vmem>> -> memref<128xi32, #tpu.memory_space<vmem>>
        %dma_wait3A_116 = arith.constant 0 : i32
        %dma_wait3A_117 = arith.constant 0 : i32
        %dma_wait3A_118 = tpu.memref_slice %arg4[%dma_wait3A_116, %dma_wait3A_117] : memref<10000x80xf32, #tpu.memory_space<hbm>> -> memref<10000x80xf32, #tpu.memory_space<hbm>>
        tpu.wait_indirect_dma semaphore(%arg23 : memref<!tpu.dma_semaphore, #tpu.memory_space<semaphore_mem>>) src(%dma_wait3A_118 : memref<10000x80xf32, #tpu.memory_space<hbm>>) dst(%arg15 : memref<128x80xf32, #tpu.memory_space<vmem>>)
        %dma_wait3A_119 = arith.constant 0 : i32
        %dma_wait3A_120 = arith.constant 0 : i32
        %dma_wait3A_121 = tpu.memref_slice %arg13[%dma_wait3A_119, %dma_wait3A_120] : memref<79x128xi32, #tpu.memory_space<vmem>> -> memref<1x128xi32, #tpu.memory_space<vmem>>
        %dma_wait3A_122 = tpu.memref_squeeze %dma_wait3A_121 : memref<1x128xi32, #tpu.memory_space<vmem>> -> memref<128xi32, #tpu.memory_space<vmem>>
        %dma_wait3A_123 = arith.constant 0 : i32
        %dma_wait3A_124 = arith.constant 0 : i32
        %dma_wait3A_125 = tpu.memref_slice %arg5[%dma_wait3A_123, %dma_wait3A_124] : memref<10000x16xf32, #tpu.memory_space<hbm>> -> memref<10000x16xf32, #tpu.memory_space<hbm>>
        tpu.wait_indirect_dma semaphore(%arg23 : memref<!tpu.dma_semaphore, #tpu.memory_space<semaphore_mem>>) src(%dma_wait3A_125 : memref<10000x16xf32, #tpu.memory_space<hbm>>) dst(%arg17 : memref<128x16xf32, #tpu.memory_space<vmem>>)
        %parallel_loop3A = arith.constant 0 : i32
        %parallel_loop3A_126 = arith.constant 128 : i32
        %parallel_loop3A_127 = arith.constant 1 : i32
        scf.for %parallel_loop3A_140 = %parallel_loop3A to %parallel_loop3A_126 step %parallel_loop3A_127  : i32 {
          %parallel_loop3A_141 = arith.index_cast %parallel_loop3A_140 : i32 to index
          %parallel_loop3A_142 = arith.constant 64 : index
          %parallel_loop3A_143 = tpu.vector_load %arg15[%parallel_loop3A_141, %parallel_loop3A_142] {strides = array<i32>} : memref<128x80xf32, #tpu.memory_space<vmem>>, vector<1x16xf32>,
          %parallel_loop3A_144 = vector.shape_cast %parallel_loop3A_143 : vector<1x16xf32> to vector<16xf32>
          %parallel_loop3A_145 = arith.index_cast %parallel_loop3A_140 : i32 to index
          %parallel_loop3A_146 = arith.constant 0 : index
          %parallel_loop3A_147 = tpu.vector_load %arg17[%parallel_loop3A_145, %parallel_loop3A_146] {strides = array<i32>} : memref<128x16xf32, #tpu.memory_space<vmem>>, vector<1x16xf32>,
          %parallel_loop3A_148 = vector.shape_cast %parallel_loop3A_147 : vector<1x16xf32> to vector<16xf32>
          %parallel_loop3A_149 = arith.addf %parallel_loop3A_144, %parallel_loop3A_148 : vector<16xf32>
          %parallel_loop3A_150 = arith.constant 2.000000e-01 : f32
          %parallel_loop3A_151 = vector.broadcast %parallel_loop3A_150 : f32 to vector<16xf32>
          %parallel_loop3A_152 = arith.mulf %parallel_loop3A_151, %parallel_loop3A_149 : vector<16xf32>
          %parallel_loop3A_153 = arith.maximumf %parallel_loop3A_149, %parallel_loop3A_152 : vector<16xf32>
          %parallel_loop3A_154 = math.exp %parallel_loop3A_153 : vector<16xf32>
          %parallel_loop3A_155 = arith.index_cast %parallel_loop3A_140 : i32 to index
          %parallel_loop3A_156 = arith.constant 0 : index
          %parallel_loop3A_157 = tpu.vector_load %arg19[%parallel_loop3A_155, %parallel_loop3A_156] {strides = array<i32>} : memref<128x16xf32, #tpu.memory_space<vmem>>, vector<1x16xf32>,
          %parallel_loop3A_158 = vector.shape_cast %parallel_loop3A_157 : vector<1x16xf32> to vector<16xf32>
          %parallel_loop3A_159 = vector.shape_cast %parallel_loop3A_154 : vector<16xf32> to vector<1x16xf32>
          tpu.vector_store %arg19[%parallel_loop3A_155, %parallel_loop3A_156], %parallel_loop3A_159 {strides = array<i32>} : memref<128x16xf32, #tpu.memory_space<vmem>>, vector<1x16xf32>,
          %parallel_loop3A_160 = arith.index_cast %parallel_loop3A_140 : i32 to index
          %parallel_loop3A_161 = arith.constant 0 : index
          %parallel_loop3A_162 = tpu.vector_load %arg15[%parallel_loop3A_160, %parallel_loop3A_161] {strides = array<i32>} : memref<128x80xf32, #tpu.memory_space<vmem>>, vector<1x16xf32>,
          %parallel_loop3A_163 = vector.shape_cast %parallel_loop3A_162 : vector<1x16xf32> to vector<16xf32>
          %parallel_loop3A_164 = arith.mulf %parallel_loop3A_163, %parallel_loop3A_154 : vector<16xf32>
          %parallel_loop3A_165 = arith.index_cast %parallel_loop3A_140 : i32 to index
          %parallel_loop3A_166 = arith.constant 0 : index
          %parallel_loop3A_167 = tpu.vector_load %arg15[%parallel_loop3A_165, %parallel_loop3A_166] {strides = array<i32>} : memref<128x80xf32, #tpu.memory_space<vmem>>, vector<1x16xf32>,
          %parallel_loop3A_168 = vector.shape_cast %parallel_loop3A_167 : vector<1x16xf32> to vector<16xf32>
          %parallel_loop3A_169 = vector.shape_cast %parallel_loop3A_164 : vector<16xf32> to vector<1x16xf32>
          tpu.vector_store %arg15[%parallel_loop3A_165, %parallel_loop3A_166], %parallel_loop3A_169 {strides = array<i32>} : memref<128x80xf32, #tpu.memory_space<vmem>>, vector<1x16xf32>,
          %parallel_loop3A_170 = arith.index_cast %parallel_loop3A_140 : i32 to index
          %parallel_loop3A_171 = arith.constant 16 : index
          %parallel_loop3A_172 = tpu.vector_load %arg15[%parallel_loop3A_170, %parallel_loop3A_171] {strides = array<i32>} : memref<128x80xf32, #tpu.memory_space<vmem>>, vector<1x16xf32>,
          %parallel_loop3A_173 = vector.shape_cast %parallel_loop3A_172 : vector<1x16xf32> to vector<16xf32>
          %parallel_loop3A_174 = arith.mulf %parallel_loop3A_173, %parallel_loop3A_154 : vector<16xf32>
          %parallel_loop3A_175 = arith.index_cast %parallel_loop3A_140 : i32 to index
          %parallel_loop3A_176 = arith.constant 16 : index
          %parallel_loop3A_177 = tpu.vector_load %arg15[%parallel_loop3A_175, %parallel_loop3A_176] {strides = array<i32>} : memref<128x80xf32, #tpu.memory_space<vmem>>, vector<1x16xf32>,
          %parallel_loop3A_178 = vector.shape_cast %parallel_loop3A_177 : vector<1x16xf32> to vector<16xf32>
          %parallel_loop3A_179 = vector.shape_cast %parallel_loop3A_174 : vector<16xf32> to vector<1x16xf32>
          tpu.vector_store %arg15[%parallel_loop3A_175, %parallel_loop3A_176], %parallel_loop3A_179 {strides = array<i32>} : memref<128x80xf32, #tpu.memory_space<vmem>>, vector<1x16xf32>,
          %parallel_loop3A_180 = arith.index_cast %parallel_loop3A_140 : i32 to index
          %parallel_loop3A_181 = arith.constant 32 : index
          %parallel_loop3A_182 = tpu.vector_load %arg15[%parallel_loop3A_180, %parallel_loop3A_181] {strides = array<i32>} : memref<128x80xf32, #tpu.memory_space<vmem>>, vector<1x16xf32>,
          %parallel_loop3A_183 = vector.shape_cast %parallel_loop3A_182 : vector<1x16xf32> to vector<16xf32>
          %parallel_loop3A_184 = arith.mulf %parallel_loop3A_183, %parallel_loop3A_154 : vector<16xf32>
          %parallel_loop3A_185 = arith.index_cast %parallel_loop3A_140 : i32 to index
          %parallel_loop3A_186 = arith.constant 32 : index
          %parallel_loop3A_187 = tpu.vector_load %arg15[%parallel_loop3A_185, %parallel_loop3A_186] {strides = array<i32>} : memref<128x80xf32, #tpu.memory_space<vmem>>, vector<1x16xf32>,
          %parallel_loop3A_188 = vector.shape_cast %parallel_loop3A_187 : vector<1x16xf32> to vector<16xf32>
          %parallel_loop3A_189 = vector.shape_cast %parallel_loop3A_184 : vector<16xf32> to vector<1x16xf32>
          tpu.vector_store %arg15[%parallel_loop3A_185, %parallel_loop3A_186], %parallel_loop3A_189 {strides = array<i32>} : memref<128x80xf32, #tpu.memory_space<vmem>>, vector<1x16xf32>,
          %parallel_loop3A_190 = arith.index_cast %parallel_loop3A_140 : i32 to index
          %parallel_loop3A_191 = arith.constant 48 : index
          %parallel_loop3A_192 = tpu.vector_load %arg15[%parallel_loop3A_190, %parallel_loop3A_191] {strides = array<i32>} : memref<128x80xf32, #tpu.memory_space<vmem>>, vector<1x16xf32>,
          %parallel_loop3A_193 = vector.shape_cast %parallel_loop3A_192 : vector<1x16xf32> to vector<16xf32>
          %parallel_loop3A_194 = arith.mulf %parallel_loop3A_193, %parallel_loop3A_154 : vector<16xf32>
          %parallel_loop3A_195 = arith.index_cast %parallel_loop3A_140 : i32 to index
          %parallel_loop3A_196 = arith.constant 48 : index
          %parallel_loop3A_197 = tpu.vector_load %arg15[%parallel_loop3A_195, %parallel_loop3A_196] {strides = array<i32>} : memref<128x80xf32, #tpu.memory_space<vmem>>, vector<1x16xf32>,
          %parallel_loop3A_198 = vector.shape_cast %parallel_loop3A_197 : vector<1x16xf32> to vector<16xf32>
          %parallel_loop3A_199 = vector.shape_cast %parallel_loop3A_194 : vector<16xf32> to vector<1x16xf32>
          tpu.vector_store %arg15[%parallel_loop3A_195, %parallel_loop3A_196], %parallel_loop3A_199 {strides = array<i32>} : memref<128x80xf32, #tpu.memory_space<vmem>>, vector<1x16xf32>,
        } {sc.loop_unroll_factor = 4 : i64, sc.parallel_access}
        %dma_start3A_128 = arith.constant 0 : i32
        %dma_start3A_129 = tpu.memref_slice %arg13[%add3A_102, %dma_start3A_128] : memref<79x128xi32, #tpu.memory_space<vmem>> -> memref<1x128xi32, #tpu.memory_space<vmem>>
        %dma_start3A_130 = tpu.memref_squeeze %dma_start3A_129 : memref<1x128xi32, #tpu.memory_space<vmem>> -> memref<128xi32, #tpu.memory_space<vmem>>
        %dma_start3A_131 = arith.constant 0 : i32
        %dma_start3A_132 = arith.constant 0 : i32
        %dma_start3A_133 = tpu.memref_slice %arg20[%dma_start3A_131, %dma_start3A_132] : memref<10000x80xf32, #tpu.memory_space<vmem_shared>> -> memref<10000x80xf32, #tpu.memory_space<vmem_shared>>
        tpu.enqueue_indirect_dma source(%arg15 : memref<128x80xf32, #tpu.memory_space<vmem>>) target(%dma_start3A_133 : memref<10000x80xf32, #tpu.memory_space<vmem_shared>>) offsets(%dma_start3A_130 : memref<128xi32, #tpu.memory_space<vmem>>) semaphore(%arg25 : memref<!tpu.dma_semaphore, #tpu.memory_space<semaphore_mem>>) {add = true}
        %dma_start3A_134 = arith.constant 0 : i32
        %dma_start3A_135 = tpu.memref_slice %arg13[%add3A_102, %dma_start3A_134] : memref<79x128xi32, #tpu.memory_space<vmem>> -> memref<1x128xi32, #tpu.memory_space<vmem>>
        %dma_start3A_136 = tpu.memref_squeeze %dma_start3A_135 : memref<1x128xi32, #tpu.memory_space<vmem>> -> memref<128xi32, #tpu.memory_space<vmem>>
        %dma_start3A_137 = arith.constant 0 : i32
        %dma_start3A_138 = arith.constant 0 : i32
        %dma_start3A_139 = tpu.memref_slice %arg21[%dma_start3A_137, %dma_start3A_138] : memref<10000x16xf32, #tpu.memory_space<vmem_shared>> -> memref<10000x16xf32, #tpu.memory_space<vmem_shared>>
        tpu.enqueue_indirect_dma source(%arg19 : memref<128x16xf32, #tpu.memory_space<vmem>>) target(%dma_start3A_139 : memref<10000x16xf32, #tpu.memory_space<vmem_shared>>) offsets(%dma_start3A_136 : memref<128xi32, #tpu.memory_space<vmem>>) semaphore(%arg25 : memref<!tpu.dma_semaphore, #tpu.memory_space<semaphore_mem>>) {add = true}
      } else {
      }
    }
    %scan3A_32 = arith.constant 40 : i32
    %jit3A_33 = arith.constant 2 : i32
    %eq3A_34 = arith.constant 0 : i32
    %eq3A_35 = arith.cmpi eq, %jit3A_33, %eq3A_34 : i32
    %jit3A_36 = arith.constant 1 : i32
    %select_n3A_37 = arith.select %eq3A_35, %jit3A_36, %jit3A_33 : i32
    %rem3A = arith.remsi %add3A_4, %select_n3A_37 : i32
    %ne3A = arith.constant 0 : i32
    %ne3A_38 = arith.cmpi ne, %rem3A, %ne3A : i32
    %lt3A_39 = arith.constant 0 : i32
    %lt3A_40 = arith.cmpi slt, %rem3A, %lt3A_39 : i32
    %lt3A_41 = arith.constant 0 : i32
    %lt3A_42 = arith.cmpi slt, %select_n3A_37, %lt3A_41 : i32
    %ne3A_43 = arith.xori %lt3A_40, %lt3A_42 : i1
    %and3A_44 = arith.andi %ne3A_43, %ne3A_38 : i1
    %add3A_45 = arith.addi %rem3A, %select_n3A_37 : i32
    %select_n3A_46 = arith.select %and3A_44, %add3A_45, %rem3A : i32
    %eq3A_47 = arith.constant 1 : i32
    %eq3A_48 = arith.cmpi eq, %select_n3A_46, %eq3A_47 : i32
    %convert_element_type3A_49 = arith.extui %eq3A_48 : i1 to i32
    %cond3A_50 = arith.constant 0 : i32
    %cond3A_51 = arith.cmpi ne, %convert_element_type3A_49, %cond3A_50 : i32
    scf.if %cond3A_51 {
      %dma_wait3A = arith.constant 0 : i32
      %dma_wait3A_84 = arith.constant 0 : i32
      %dma_wait3A_85 = tpu.memref_slice %arg13[%dma_wait3A, %dma_wait3A_84] : memref<79x128xi32, #tpu.memory_space<vmem>> -> memref<1x128xi32, #tpu.memory_space<vmem>>
      %dma_wait3A_86 = tpu.memref_squeeze %dma_wait3A_85 : memref<1x128xi32, #tpu.memory_space<vmem>> -> memref<128xi32, #tpu.memory_space<vmem>>
      %dma_wait3A_87 = arith.constant 0 : i32
      %dma_wait3A_88 = arith.constant 0 : i32
      %dma_wait3A_89 = tpu.memref_slice %arg20[%dma_wait3A_87, %dma_wait3A_88] : memref<10000x80xf32, #tpu.memory_space<vmem_shared>> -> memref<10000x80xf32, #tpu.memory_space<vmem_shared>>
      tpu.wait_indirect_dma semaphore(%arg24 : memref<!tpu.dma_semaphore, #tpu.memory_space<semaphore_mem>>) src(%arg14 : memref<128x80xf32, #tpu.memory_space<vmem>>) dst(%dma_wait3A_89 : memref<10000x80xf32, #tpu.memory_space<vmem_shared>>)
      %dma_wait3A_90 = arith.constant 0 : i32
      %dma_wait3A_91 = arith.constant 0 : i32
      %dma_wait3A_92 = tpu.memref_slice %arg13[%dma_wait3A_90, %dma_wait3A_91] : memref<79x128xi32, #tpu.memory_space<vmem>> -> memref<1x128xi32, #tpu.memory_space<vmem>>
      %dma_wait3A_93 = tpu.memref_squeeze %dma_wait3A_92 : memref<1x128xi32, #tpu.memory_space<vmem>> -> memref<128xi32, #tpu.memory_space<vmem>>
      %dma_wait3A_94 = arith.constant 0 : i32
      %dma_wait3A_95 = arith.constant 0 : i32
      %dma_wait3A_96 = tpu.memref_slice %arg21[%dma_wait3A_94, %dma_wait3A_95] : memref<10000x16xf32, #tpu.memory_space<vmem_shared>> -> memref<10000x16xf32, #tpu.memory_space<vmem_shared>>
      tpu.wait_indirect_dma semaphore(%arg24 : memref<!tpu.dma_semaphore, #tpu.memory_space<semaphore_mem>>) src(%arg18 : memref<128x16xf32, #tpu.memory_space<vmem>>) dst(%dma_wait3A_96 : memref<10000x16xf32, #tpu.memory_space<vmem_shared>>)
    } else {
    }
    %jit3A_52 = arith.constant 2 : i32
    %eq3A_53 = arith.constant 0 : i32
    %eq3A_54 = arith.cmpi eq, %jit3A_52, %eq3A_53 : i32
    %jit3A_55 = arith.constant 1 : i32
    %select_n3A_56 = arith.select %eq3A_54, %jit3A_55, %jit3A_52 : i32
    %rem3A_57 = arith.remsi %add3A_4, %select_n3A_56 : i32
    %ne3A_58 = arith.constant 0 : i32
    %ne3A_59 = arith.cmpi ne, %rem3A_57, %ne3A_58 : i32
    %lt3A_60 = arith.constant 0 : i32
    %lt3A_61 = arith.cmpi slt, %rem3A_57, %lt3A_60 : i32
    %lt3A_62 = arith.constant 0 : i32
    %lt3A_63 = arith.cmpi slt, %select_n3A_56, %lt3A_62 : i32
    %ne3A_64 = arith.xori %lt3A_61, %lt3A_63 : i1
    %and3A_65 = arith.andi %ne3A_64, %ne3A_59 : i1
    %add3A_66 = arith.addi %rem3A_57, %select_n3A_56 : i32
    %select_n3A_67 = arith.select %and3A_65, %add3A_66, %rem3A_57 : i32
    %eq3A_68 = arith.constant 0 : i32
    %eq3A_69 = arith.cmpi eq, %select_n3A_67, %eq3A_68 : i32
    %convert_element_type3A_70 = arith.extui %eq3A_69 : i1 to i32
    %cond3A_71 = arith.constant 0 : i32
    %cond3A_72 = arith.cmpi ne, %convert_element_type3A_70, %cond3A_71 : i32
    scf.if %cond3A_72 {
      %dma_wait3A = arith.constant 0 : i32
      %dma_wait3A_84 = arith.constant 0 : i32
      %dma_wait3A_85 = tpu.memref_slice %arg13[%dma_wait3A, %dma_wait3A_84] : memref<79x128xi32, #tpu.memory_space<vmem>> -> memref<1x128xi32, #tpu.memory_space<vmem>>
      %dma_wait3A_86 = tpu.memref_squeeze %dma_wait3A_85 : memref<1x128xi32, #tpu.memory_space<vmem>> -> memref<128xi32, #tpu.memory_space<vmem>>
      %dma_wait3A_87 = arith.constant 0 : i32
      %dma_wait3A_88 = arith.constant 0 : i32
      %dma_wait3A_89 = tpu.memref_slice %arg20[%dma_wait3A_87, %dma_wait3A_88] : memref<10000x80xf32, #tpu.memory_space<vmem_shared>> -> memref<10000x80xf32, #tpu.memory_space<vmem_shared>>
      tpu.wait_indirect_dma semaphore(%arg25 : memref<!tpu.dma_semaphore, #tpu.memory_space<semaphore_mem>>) src(%arg15 : memref<128x80xf32, #tpu.memory_space<vmem>>) dst(%dma_wait3A_89 : memref<10000x80xf32, #tpu.memory_space<vmem_shared>>)
      %dma_wait3A_90 = arith.constant 0 : i32
      %dma_wait3A_91 = arith.constant 0 : i32
      %dma_wait3A_92 = tpu.memref_slice %arg13[%dma_wait3A_90, %dma_wait3A_91] : memref<79x128xi32, #tpu.memory_space<vmem>> -> memref<1x128xi32, #tpu.memory_space<vmem>>
      %dma_wait3A_93 = tpu.memref_squeeze %dma_wait3A_92 : memref<1x128xi32, #tpu.memory_space<vmem>> -> memref<128xi32, #tpu.memory_space<vmem>>
      %dma_wait3A_94 = arith.constant 0 : i32
      %dma_wait3A_95 = arith.constant 0 : i32
      %dma_wait3A_96 = tpu.memref_slice %arg21[%dma_wait3A_94, %dma_wait3A_95] : memref<10000x16xf32, #tpu.memory_space<vmem_shared>> -> memref<10000x16xf32, #tpu.memory_space<vmem_shared>>
      tpu.wait_indirect_dma semaphore(%arg25 : memref<!tpu.dma_semaphore, #tpu.memory_space<semaphore_mem>>) src(%arg19 : memref<128x16xf32, #tpu.memory_space<vmem>>) dst(%dma_wait3A_96 : memref<10000x16xf32, #tpu.memory_space<vmem_shared>>)
    } else {
    }
    %barrier3A_73 = arith.constant 0 : index
    tpu.barrier barrier_id(%barrier3A_73)
    %eq3A_74 = arith.constant 0 : i32
    %eq3A_75 = arith.cmpi eq, %arg0, %eq3A_74 : i32
    %convert_element_type3A_76 = arith.extui %eq3A_75 : i1 to i32
    %cond3A_77 = arith.constant 0 : i32
    %cond3A_78 = arith.cmpi ne, %convert_element_type3A_76, %cond3A_77 : i32
    scf.if %cond3A_78 {
      "tpu.region"() ({
        %run_scoped3A = tpu.sem_alloc : memref<!tpu.dma_semaphore, #tpu.memory_space<semaphore_mem>>
        %dma_start3A_94 = arith.constant 0 : i32
        %dma_start3A_95 = tpu.memref_slice %arg8[%mul3A_10, %dma_start3A_94] : memref<10000x80xf32, #tpu.memory_space<hbm>> -> memref<624x80xf32, #tpu.memory_space<hbm>>
        %dma_start3A_96 = arith.constant 0 : i32
        %dma_start3A_97 = tpu.memref_slice %arg20[%mul3A_10, %dma_start3A_96] : memref<10000x80xf32, #tpu.memory_space<vmem_shared>> -> memref<624x80xf32, #tpu.memory_space<vmem_shared>>
        tpu.enqueue_dma source(%dma_start3A_97 : memref<624x80xf32, #tpu.memory_space<vmem_shared>>) target(%dma_start3A_95 : memref<624x80xf32, #tpu.memory_space<hbm>>) target_semaphore(%run_scoped3A : memref<!tpu.dma_semaphore, #tpu.memory_space<semaphore_mem>>)
        %dma_wait3A = arith.constant 0 : i32
        %dma_wait3A_98 = tpu.memref_slice %arg8[%mul3A_10, %dma_wait3A] : memref<10000x80xf32, #tpu.memory_space<hbm>> -> memref<624x80xf32, #tpu.memory_space<hbm>>
        %dma_wait3A_99 = arith.constant 0 : i32
        %dma_wait3A_100 = tpu.memref_slice %arg20[%mul3A_10, %dma_wait3A_99] : memref<10000x80xf32, #tpu.memory_space<vmem_shared>> -> memref<624x80xf32, #tpu.memory_space<vmem_shared>>
        tpu.wait_dma2 semaphore(%run_scoped3A : memref<!tpu.dma_semaphore, #tpu.memory_space<semaphore_mem>>) src(%dma_wait3A_100 : memref<624x80xf32, #tpu.memory_space<vmem_shared>>) dst(%dma_wait3A_98 : memref<624x80xf32, #tpu.memory_space<hbm>>)
        tpu.yield
      }) : () -> ()
      %eq3A_84 = arith.constant 15 : i32
      %eq3A_85 = arith.cmpi eq, %arg1, %eq3A_84 : i32
      %convert_element_type3A_86 = arith.extui %eq3A_85 : i1 to i32
      %cond3A_87 = arith.constant 0 : i32
      %cond3A_88 = arith.cmpi ne, %convert_element_type3A_86, %cond3A_87 : i32
      scf.if %cond3A_88 {
        "tpu.region"() ({
          %run_scoped3A = tpu.sem_alloc : memref<!tpu.dma_semaphore, #tpu.memory_space<semaphore_mem>>
          %dma_start3A_94 = arith.constant 9984 : i32
          %dma_start3A_95 = arith.constant 0 : i32
          %dma_start3A_96 = tpu.memref_slice %arg8[%dma_start3A_94, %dma_start3A_95] : memref<10000x80xf32, #tpu.memory_space<hbm>> -> memref<16x80xf32, #tpu.memory_space<hbm>>
          %dma_start3A_97 = arith.constant 9984 : i32
          %dma_start3A_98 = arith.constant 0 : i32
          %dma_start3A_99 = tpu.memref_slice %arg20[%dma_start3A_97, %dma_start3A_98] : memref<10000x80xf32, #tpu.memory_space<vmem_shared>> -> memref<16x80xf32, #tpu.memory_space<vmem_shared>>
          tpu.enqueue_dma source(%dma_start3A_99 : memref<16x80xf32, #tpu.memory_space<vmem_shared>>) target(%dma_start3A_96 : memref<16x80xf32, #tpu.memory_space<hbm>>) target_semaphore(%run_scoped3A : memref<!tpu.dma_semaphore, #tpu.memory_space<semaphore_mem>>)
          %dma_wait3A = arith.constant 9984 : i32
          %dma_wait3A_100 = arith.constant 0 : i32
          %dma_wait3A_101 = tpu.memref_slice %arg8[%dma_wait3A, %dma_wait3A_100] : memref<10000x80xf32, #tpu.memory_space<hbm>> -> memref<16x80xf32, #tpu.memory_space<hbm>>
          %dma_wait3A_102 = arith.constant 9984 : i32
          %dma_wait3A_103 = arith.constant 0 : i32
          %dma_wait3A_104 = tpu.memref_slice %arg20[%dma_wait3A_102, %dma_wait3A_103] : memref<10000x80xf32, #tpu.memory_space<vmem_shared>> -> memref<16x80xf32, #tpu.memory_space<vmem_shared>>
          tpu.wait_dma2 semaphore(%run_scoped3A : memref<!tpu.dma_semaphore, #tpu.memory_space<semaphore_mem>>) src(%dma_wait3A_104 : memref<16x80xf32, #tpu.memory_space<vmem_shared>>) dst(%dma_wait3A_101 : memref<16x80xf32, #tpu.memory_space<hbm>>)
          tpu.yield
        }) : () -> ()
      } else {
      }
      "tpu.region"() ({
        %run_scoped3A = tpu.sem_alloc : memref<!tpu.dma_semaphore, #tpu.memory_space<semaphore_mem>>
        %dma_start3A_94 = arith.constant 0 : i32
        %dma_start3A_95 = tpu.memref_slice %arg10[%mul3A_10, %dma_start3A_94] : memref<10000x16xf32, #tpu.memory_space<hbm>> -> memref<624x16xf32, #tpu.memory_space<hbm>>
        %dma_start3A_96 = arith.constant 0 : i32
        %dma_start3A_97 = tpu.memref_slice %arg21[%mul3A_10, %dma_start3A_96] : memref<10000x16xf32, #tpu.memory_space<vmem_shared>> -> memref<624x16xf32, #tpu.memory_space<vmem_shared>>
        tpu.enqueue_dma source(%dma_start3A_97 : memref<624x16xf32, #tpu.memory_space<vmem_shared>>) target(%dma_start3A_95 : memref<624x16xf32, #tpu.memory_space<hbm>>) target_semaphore(%run_scoped3A : memref<!tpu.dma_semaphore, #tpu.memory_space<semaphore_mem>>)
        %dma_wait3A = arith.constant 0 : i32
        %dma_wait3A_98 = tpu.memref_slice %arg10[%mul3A_10, %dma_wait3A] : memref<10000x16xf32, #tpu.memory_space<hbm>> -> memref<624x16xf32, #tpu.memory_space<hbm>>
        %dma_wait3A_99 = arith.constant 0 : i32
        %dma_wait3A_100 = tpu.memref_slice %arg21[%mul3A_10, %dma_wait3A_99] : memref<10000x16xf32, #tpu.memory_space<vmem_shared>> -> memref<624x16xf32, #tpu.memory_space<vmem_shared>>
        tpu.wait_dma2 semaphore(%run_scoped3A : memref<!tpu.dma_semaphore, #tpu.memory_space<semaphore_mem>>) src(%dma_wait3A_100 : memref<624x16xf32, #tpu.memory_space<vmem_shared>>) dst(%dma_wait3A_98 : memref<624x16xf32, #tpu.memory_space<hbm>>)
        tpu.yield
      }) : () -> ()
      %eq3A_89 = arith.constant 15 : i32
      %eq3A_90 = arith.cmpi eq, %arg1, %eq3A_89 : i32
      %convert_element_type3A_91 = arith.extui %eq3A_90 : i1 to i32
      %cond3A_92 = arith.constant 0 : i32
      %cond3A_93 = arith.cmpi ne, %convert_element_type3A_91, %cond3A_92 : i32
      scf.if %cond3A_93 {
        "tpu.region"() ({
          %run_scoped3A = tpu.sem_alloc : memref<!tpu.dma_semaphore, #tpu.memory_space<semaphore_mem>>
          %dma_start3A_94 = arith.constant 9984 : i32
          %dma_start3A_95 = arith.constant 0 : i32
          %dma_start3A_96 = tpu.memref_slice %arg10[%dma_start3A_94, %dma_start3A_95] : memref<10000x16xf32, #tpu.memory_space<hbm>> -> memref<16x16xf32, #tpu.memory_space<hbm>>
          %dma_start3A_97 = arith.constant 9984 : i32
          %dma_start3A_98 = arith.constant 0 : i32
          %dma_start3A_99 = tpu.memref_slice %arg21[%dma_start3A_97, %dma_start3A_98] : memref<10000x16xf32, #tpu.memory_space<vmem_shared>> -> memref<16x16xf32, #tpu.memory_space<vmem_shared>>
          tpu.enqueue_dma source(%dma_start3A_99 : memref<16x16xf32, #tpu.memory_space<vmem_shared>>) target(%dma_start3A_96 : memref<16x16xf32, #tpu.memory_space<hbm>>) target_semaphore(%run_scoped3A : memref<!tpu.dma_semaphore, #tpu.memory_space<semaphore_mem>>)
          %dma_wait3A = arith.constant 9984 : i32
          %dma_wait3A_100 = arith.constant 0 : i32
          %dma_wait3A_101 = tpu.memref_slice %arg10[%dma_wait3A, %dma_wait3A_100] : memref<10000x16xf32, #tpu.memory_space<hbm>> -> memref<16x16xf32, #tpu.memory_space<hbm>>
          %dma_wait3A_102 = arith.constant 9984 : i32
          %dma_wait3A_103 = arith.constant 0 : i32
          %dma_wait3A_104 = tpu.memref_slice %arg21[%dma_wait3A_102, %dma_wait3A_103] : memref<10000x16xf32, #tpu.memory_space<vmem_shared>> -> memref<16x16xf32, #tpu.memory_space<vmem_shared>>
          tpu.wait_dma2 semaphore(%run_scoped3A : memref<!tpu.dma_semaphore, #tpu.memory_space<semaphore_mem>>) src(%dma_wait3A_104 : memref<16x16xf32, #tpu.memory_space<vmem_shared>>) dst(%dma_wait3A_101 : memref<16x16xf32, #tpu.memory_space<hbm>>)
          tpu.yield
        }) : () -> ()
      } else {
      }
    } else {
    }
    %eq3A_79 = arith.constant 1 : i32
    %eq3A_80 = arith.cmpi eq, %arg0, %eq3A_79 : i32
    %convert_element_type3A_81 = arith.extui %eq3A_80 : i1 to i32
    %cond3A_82 = arith.constant 0 : i32
    %cond3A_83 = arith.cmpi ne, %convert_element_type3A_81, %cond3A_82 : i32
    scf.if %cond3A_83 {
      "tpu.region"() ({
        %run_scoped3A = tpu.sem_alloc : memref<!tpu.dma_semaphore, #tpu.memory_space<semaphore_mem>>
        %dma_start3A_94 = arith.constant 0 : i32
        %dma_start3A_95 = tpu.memref_slice %arg9[%mul3A_10, %dma_start3A_94] : memref<10000x80xf32, #tpu.memory_space<hbm>> -> memref<624x80xf32, #tpu.memory_space<hbm>>
        %dma_start3A_96 = arith.constant 0 : i32
        %dma_start3A_97 = tpu.memref_slice %arg20[%mul3A_10, %dma_start3A_96] : memref<10000x80xf32, #tpu.memory_space<vmem_shared>> -> memref<624x80xf32, #tpu.memory_space<vmem_shared>>
        tpu.enqueue_dma source(%dma_start3A_97 : memref<624x80xf32, #tpu.memory_space<vmem_shared>>) target(%dma_start3A_95 : memref<624x80xf32, #tpu.memory_space<hbm>>) target_semaphore(%run_scoped3A : memref<!tpu.dma_semaphore, #tpu.memory_space<semaphore_mem>>)
        %dma_wait3A = arith.constant 0 : i32
        %dma_wait3A_98 = tpu.memref_slice %arg9[%mul3A_10, %dma_wait3A] : memref<10000x80xf32, #tpu.memory_space<hbm>> -> memref<624x80xf32, #tpu.memory_space<hbm>>
        %dma_wait3A_99 = arith.constant 0 : i32
        %dma_wait3A_100 = tpu.memref_slice %arg20[%mul3A_10, %dma_wait3A_99] : memref<10000x80xf32, #tpu.memory_space<vmem_shared>> -> memref<624x80xf32, #tpu.memory_space<vmem_shared>>
        tpu.wait_dma2 semaphore(%run_scoped3A : memref<!tpu.dma_semaphore, #tpu.memory_space<semaphore_mem>>) src(%dma_wait3A_100 : memref<624x80xf32, #tpu.memory_space<vmem_shared>>) dst(%dma_wait3A_98 : memref<624x80xf32, #tpu.memory_space<hbm>>)
        tpu.yield
      }) : () -> ()
      %eq3A_84 = arith.constant 15 : i32
      %eq3A_85 = arith.cmpi eq, %arg1, %eq3A_84 : i32
      %convert_element_type3A_86 = arith.extui %eq3A_85 : i1 to i32
      %cond3A_87 = arith.constant 0 : i32
      %cond3A_88 = arith.cmpi ne, %convert_element_type3A_86, %cond3A_87 : i32
      scf.if %cond3A_88 {
        "tpu.region"() ({
          %run_scoped3A = tpu.sem_alloc : memref<!tpu.dma_semaphore, #tpu.memory_space<semaphore_mem>>
          %dma_start3A_94 = arith.constant 9984 : i32
          %dma_start3A_95 = arith.constant 0 : i32
          %dma_start3A_96 = tpu.memref_slice %arg9[%dma_start3A_94, %dma_start3A_95] : memref<10000x80xf32, #tpu.memory_space<hbm>> -> memref<16x80xf32, #tpu.memory_space<hbm>>
          %dma_start3A_97 = arith.constant 9984 : i32
          %dma_start3A_98 = arith.constant 0 : i32
          %dma_start3A_99 = tpu.memref_slice %arg20[%dma_start3A_97, %dma_start3A_98] : memref<10000x80xf32, #tpu.memory_space<vmem_shared>> -> memref<16x80xf32, #tpu.memory_space<vmem_shared>>
          tpu.enqueue_dma source(%dma_start3A_99 : memref<16x80xf32, #tpu.memory_space<vmem_shared>>) target(%dma_start3A_96 : memref<16x80xf32, #tpu.memory_space<hbm>>) target_semaphore(%run_scoped3A : memref<!tpu.dma_semaphore, #tpu.memory_space<semaphore_mem>>)
          %dma_wait3A = arith.constant 9984 : i32
          %dma_wait3A_100 = arith.constant 0 : i32
          %dma_wait3A_101 = tpu.memref_slice %arg9[%dma_wait3A, %dma_wait3A_100] : memref<10000x80xf32, #tpu.memory_space<hbm>> -> memref<16x80xf32, #tpu.memory_space<hbm>>
          %dma_wait3A_102 = arith.constant 9984 : i32
          %dma_wait3A_103 = arith.constant 0 : i32
          %dma_wait3A_104 = tpu.memref_slice %arg20[%dma_wait3A_102, %dma_wait3A_103] : memref<10000x80xf32, #tpu.memory_space<vmem_shared>> -> memref<16x80xf32, #tpu.memory_space<vmem_shared>>
          tpu.wait_dma2 semaphore(%run_scoped3A : memref<!tpu.dma_semaphore, #tpu.memory_space<semaphore_mem>>) src(%dma_wait3A_104 : memref<16x80xf32, #tpu.memory_space<vmem_shared>>) dst(%dma_wait3A_101 : memref<16x80xf32, #tpu.memory_space<hbm>>)
          tpu.yield
        }) : () -> ()
      } else {
      }
      "tpu.region"() ({
        %run_scoped3A = tpu.sem_alloc : memref<!tpu.dma_semaphore, #tpu.memory_space<semaphore_mem>>
        %dma_start3A_94 = arith.constant 0 : i32
        %dma_start3A_95 = tpu.memref_slice %arg11[%mul3A_10, %dma_start3A_94] : memref<10000x16xf32, #tpu.memory_space<hbm>> -> memref<624x16xf32, #tpu.memory_space<hbm>>
        %dma_start3A_96 = arith.constant 0 : i32
        %dma_start3A_97 = tpu.memref_slice %arg21[%mul3A_10, %dma_start3A_96] : memref<10000x16xf32, #tpu.memory_space<vmem_shared>> -> memref<624x16xf32, #tpu.memory_space<vmem_shared>>
        tpu.enqueue_dma source(%dma_start3A_97 : memref<624x16xf32, #tpu.memory_space<vmem_shared>>) target(%dma_start3A_95 : memref<624x16xf32, #tpu.memory_space<hbm>>) target_semaphore(%run_scoped3A : memref<!tpu.dma_semaphore, #tpu.memory_space<semaphore_mem>>)
        %dma_wait3A = arith.constant 0 : i32
        %dma_wait3A_98 = tpu.memref_slice %arg11[%mul3A_10, %dma_wait3A] : memref<10000x16xf32, #tpu.memory_space<hbm>> -> memref<624x16xf32, #tpu.memory_space<hbm>>
        %dma_wait3A_99 = arith.constant 0 : i32
        %dma_wait3A_100 = tpu.memref_slice %arg21[%mul3A_10, %dma_wait3A_99] : memref<10000x16xf32, #tpu.memory_space<vmem_shared>> -> memref<624x16xf32, #tpu.memory_space<vmem_shared>>
        tpu.wait_dma2 semaphore(%run_scoped3A : memref<!tpu.dma_semaphore, #tpu.memory_space<semaphore_mem>>) src(%dma_wait3A_100 : memref<624x16xf32, #tpu.memory_space<vmem_shared>>) dst(%dma_wait3A_98 : memref<624x16xf32, #tpu.memory_space<hbm>>)
        tpu.yield
      }) : () -> ()
      %eq3A_89 = arith.constant 15 : i32
      %eq3A_90 = arith.cmpi eq, %arg1, %eq3A_89 : i32
      %convert_element_type3A_91 = arith.extui %eq3A_90 : i1 to i32
      %cond3A_92 = arith.constant 0 : i32
      %cond3A_93 = arith.cmpi ne, %convert_element_type3A_91, %cond3A_92 : i32
      scf.if %cond3A_93 {
        "tpu.region"() ({
          %run_scoped3A = tpu.sem_alloc : memref<!tpu.dma_semaphore, #tpu.memory_space<semaphore_mem>>
          %dma_start3A_94 = arith.constant 9984 : i32
          %dma_start3A_95 = arith.constant 0 : i32
          %dma_start3A_96 = tpu.memref_slice %arg11[%dma_start3A_94, %dma_start3A_95] : memref<10000x16xf32, #tpu.memory_space<hbm>> -> memref<16x16xf32, #tpu.memory_space<hbm>>
          %dma_start3A_97 = arith.constant 9984 : i32
          %dma_start3A_98 = arith.constant 0 : i32
          %dma_start3A_99 = tpu.memref_slice %arg21[%dma_start3A_97, %dma_start3A_98] : memref<10000x16xf32, #tpu.memory_space<vmem_shared>> -> memref<16x16xf32, #tpu.memory_space<vmem_shared>>
          tpu.enqueue_dma source(%dma_start3A_99 : memref<16x16xf32, #tpu.memory_space<vmem_shared>>) target(%dma_start3A_96 : memref<16x16xf32, #tpu.memory_space<hbm>>) target_semaphore(%run_scoped3A : memref<!tpu.dma_semaphore, #tpu.memory_space<semaphore_mem>>)
          %dma_wait3A = arith.constant 9984 : i32
          %dma_wait3A_100 = arith.constant 0 : i32
          %dma_wait3A_101 = tpu.memref_slice %arg11[%dma_wait3A, %dma_wait3A_100] : memref<10000x16xf32, #tpu.memory_space<hbm>> -> memref<16x16xf32, #tpu.memory_space<hbm>>
          %dma_wait3A_102 = arith.constant 9984 : i32
          %dma_wait3A_103 = arith.constant 0 : i32
          %dma_wait3A_104 = tpu.memref_slice %arg21[%dma_wait3A_102, %dma_wait3A_103] : memref<10000x16xf32, #tpu.memory_space<vmem_shared>> -> memref<16x16xf32, #tpu.memory_space<vmem_shared>>
          tpu.wait_dma2 semaphore(%run_scoped3A : memref<!tpu.dma_semaphore, #tpu.memory_space<semaphore_mem>>) src(%dma_wait3A_104 : memref<16x16xf32, #tpu.memory_space<vmem_shared>>) dst(%dma_wait3A_101 : memref<16x16xf32, #tpu.memory_space<hbm>>)
          tpu.yield
        }) : () -> ()
      } else {
      }
    } else {
    }
    return
  }
}

#map = affine_map<(d0, d1) -> (0, 0)>
module attributes {stable_mosaic.version = 14 : i64} {
  func.func @sc_edges(%arg0: i32, %arg1: i32, %arg2: memref<2504x128xi32, #tpu.memory_space<hbm>>, %arg3: memref<2504x128xi32, #tpu.memory_space<hbm>>, %arg4: memref<10000x80xf32, #tpu.memory_space<hbm>>, %arg5: memref<10000x16xf32, #tpu.memory_space<hbm>>, %arg6: memref<10000x80xf32, #tpu.memory_space<hbm>>, %arg7: memref<10000x16xf32, #tpu.memory_space<hbm>>, %arg8: memref<10000x80xf32, #tpu.memory_space<hbm>>, %arg9: memref<10000x80xf32, #tpu.memory_space<hbm>>, %arg10: memref<10000x16xf32, #tpu.memory_space<hbm>>, %arg11: memref<10000x16xf32, #tpu.memory_space<hbm>>, %arg12: memref<79x128xi32, #tpu.memory_space<vmem>>, %arg13: memref<79x128xi32, #tpu.memory_space<vmem>>, %arg14: memref<128x80xf32, #tpu.memory_space<vmem>>, %arg15: memref<128x80xf32, #tpu.memory_space<vmem>>, %arg16: memref<128x16xf32, #tpu.memory_space<vmem>>, %arg17: memref<128x16xf32, #tpu.memory_space<vmem>>, %arg18: memref<128x16xf32, #tpu.memory_space<vmem>>, %arg19: memref<128x16xf32, #tpu.memory_space<vmem>>, %arg20: memref<10000x80xf32, #tpu.memory_space<vmem_shared>>, %arg21: memref<10000x16xf32, #tpu.memory_space<vmem_shared>>, %arg22: memref<!tpu.dma_semaphore, #tpu.memory_space<semaphore_mem>>, %arg23: memref<!tpu.dma_semaphore, #tpu.memory_space<semaphore_mem>>, %arg24: memref<!tpu.dma_semaphore, #tpu.memory_space<semaphore_mem>>, %arg25: memref<!tpu.dma_semaphore, #tpu.memory_space<semaphore_mem>>) attributes {dimension_semantics = [#tpu.dimension_semantics<core_parallel>, #tpu.dimension_semantics<subcore_parallel>], iteration_bounds = array<i64: 2, 16>, scalar_prefetch = 0 : i64, scratch_operands = 14 : i64, tpu.core_type = #tpu.core_type<sc_vector_subcore>, window_params = [{transform_indices = #map}, {transform_indices = #map}, {transform_indices = #map}, {transform_indices = #map}, {transform_indices = #map}, {transform_indices = #map}, {transform_indices = #map}, {transform_indices = #map}, {transform_indices = #map}, {transform_indices = #map}]} {
    %mul3A = arith.constant 2 : i32
    %mul3A_0 = arith.muli %arg1, %mul3A : i32
    %add3A = arith.addi %mul3A_0, %arg0 : i32
    %lt3A = arith.constant 4 : i32
    %lt3A_1 = arith.cmpi slt, %add3A, %lt3A : i32
    %jit3A = arith.constant 1 : i32
    %jit3A_2 = arith.constant 0 : i32
    %select_n3A = arith.select %lt3A_1, %jit3A, %jit3A_2 : i32
    %add3A_3 = arith.constant 78 : i32
    %add3A_4 = arith.addi %add3A_3, %select_n3A : i32
    %mul3A_5 = arith.constant 78 : i32
    %mul3A_6 = arith.muli %mul3A_5, %add3A : i32
    %min3A = arith.constant 4 : i32
    %min3A_7 = arith.minsi %add3A, %min3A : i32
    %add3A_8 = arith.addi %mul3A_6, %min3A_7 : i32
    "tpu.region"() ({
      %run_scoped3A = tpu.sem_alloc : memref<!tpu.dma_semaphore, #tpu.memory_space<semaphore_mem>>
      %dma_start3A_84 = arith.constant 0 : i32
      %dma_start3A_85 = tpu.memref_slice %arg2[%add3A_8, %dma_start3A_84] : memref<2504x128xi32, #tpu.memory_space<hbm>> -> memref<79x128xi32, #tpu.memory_space<hbm>>
      %dma_start3A_86 = arith.constant 0 : i32
      %dma_start3A_87 = tpu.memref_slice %arg2[%add3A_8, %dma_start3A_86] : memref<2504x128xi32, #tpu.memory_space<hbm>> -> memref<79x128xi32, #tpu.memory_space<hbm>>
      tpu.enqueue_dma source(%dma_start3A_87 : memref<79x128xi32, #tpu.memory_space<hbm>>) target(%arg12 : memref<79x128xi32, #tpu.memory_space<vmem>>) target_semaphore(%run_scoped3A : memref<!tpu.dma_semaphore, #tpu.memory_space<semaphore_mem>>)
      %dma_wait3A = arith.constant 0 : i32
      %dma_wait3A_88 = tpu.memref_slice %arg2[%add3A_8, %dma_wait3A] : memref<2504x128xi32, #tpu.memory_space<hbm>> -> memref<79x128xi32, #tpu.memory_space<hbm>>
      %dma_wait3A_89 = arith.constant 0 : i32
      %dma_wait3A_90 = tpu.memref_slice %arg2[%add3A_8, %dma_wait3A_89] : memref<2504x128xi32, #tpu.memory_space<hbm>> -> memref<79x128xi32, #tpu.memory_space<hbm>>
      tpu.wait_dma2 semaphore(%run_scoped3A : memref<!tpu.dma_semaphore, #tpu.memory_space<semaphore_mem>>) src(%dma_wait3A_90 : memref<79x128xi32, #tpu.memory_space<hbm>>) dst(%arg12 : memref<79x128xi32, #tpu.memory_space<vmem>>)
      tpu.yield
    }) : () -> ()
    "tpu.region"() ({
      %run_scoped3A = tpu.sem_alloc : memref<!tpu.dma_semaphore, #tpu.memory_space<semaphore_mem>>
      %dma_start3A_84 = arith.constant 0 : i32
      %dma_start3A_85 = tpu.memref_slice %arg3[%add3A_8, %dma_start3A_84] : memref<2504x128xi32, #tpu.memory_space<hbm>> -> memref<79x128xi32, #tpu.memory_space<hbm>>
      %dma_start3A_86 = arith.constant 0 : i32
      %dma_start3A_87 = tpu.memref_slice %arg3[%add3A_8, %dma_start3A_86] : memref<2504x128xi32, #tpu.memory_space<hbm>> -> memref<79x128xi32, #tpu.memory_space<hbm>>
      tpu.enqueue_dma source(%dma_start3A_87 : memref<79x128xi32, #tpu.memory_space<hbm>>) target(%arg13 : memref<79x128xi32, #tpu.memory_space<vmem>>) target_semaphore(%run_scoped3A : memref<!tpu.dma_semaphore, #tpu.memory_space<semaphore_mem>>)
      %dma_wait3A = arith.constant 0 : i32
      %dma_wait3A_88 = tpu.memref_slice %arg3[%add3A_8, %dma_wait3A] : memref<2504x128xi32, #tpu.memory_space<hbm>> -> memref<79x128xi32, #tpu.memory_space<hbm>>
      %dma_wait3A_89 = arith.constant 0 : i32
      %dma_wait3A_90 = tpu.memref_slice %arg3[%add3A_8, %dma_wait3A_89] : memref<2504x128xi32, #tpu.memory_space<hbm>> -> memref<79x128xi32, #tpu.memory_space<hbm>>
      tpu.wait_dma2 semaphore(%run_scoped3A : memref<!tpu.dma_semaphore, #tpu.memory_space<semaphore_mem>>) src(%dma_wait3A_90 : memref<79x128xi32, #tpu.memory_space<hbm>>) dst(%arg13 : memref<79x128xi32, #tpu.memory_space<vmem>>)
      tpu.yield
    }) : () -> ()
    %mul3A_9 = arith.constant 624 : i32
    %mul3A_10 = arith.muli %arg1, %mul3A_9 : i32
    "tpu.region"() ({
      %run_scoped3A = tpu.sem_alloc : memref<!tpu.dma_semaphore, #tpu.memory_space<semaphore_mem>>
      %dma_start3A_84 = arith.constant 0 : i32
      %dma_start3A_85 = tpu.memref_slice %arg20[%mul3A_10, %dma_start3A_84] : memref<10000x80xf32, #tpu.memory_space<vmem_shared>> -> memref<624x80xf32, #tpu.memory_space<vmem_shared>>
      %dma_start3A_86 = arith.constant 0 : i32
      %dma_start3A_87 = tpu.memref_slice %arg6[%mul3A_10, %dma_start3A_86] : memref<10000x80xf32, #tpu.memory_space<hbm>> -> memref<624x80xf32, #tpu.memory_space<hbm>>
      tpu.enqueue_dma source(%dma_start3A_87 : memref<624x80xf32, #tpu.memory_space<hbm>>) target(%dma_start3A_85 : memref<624x80xf32, #tpu.memory_space<vmem_shared>>) target_semaphore(%run_scoped3A : memref<!tpu.dma_semaphore, #tpu.memory_space<semaphore_mem>>)
      %dma_wait3A = arith.constant 0 : i32
      %dma_wait3A_88 = tpu.memref_slice %arg20[%mul3A_10, %dma_wait3A] : memref<10000x80xf32, #tpu.memory_space<vmem_shared>> -> memref<624x80xf32, #tpu.memory_space<vmem_shared>>
      %dma_wait3A_89 = arith.constant 0 : i32
      %dma_wait3A_90 = tpu.memref_slice %arg6[%mul3A_10, %dma_wait3A_89] : memref<10000x80xf32, #tpu.memory_space<hbm>> -> memref<624x80xf32, #tpu.memory_space<hbm>>
      tpu.wait_dma2 semaphore(%run_scoped3A : memref<!tpu.dma_semaphore, #tpu.memory_space<semaphore_mem>>) src(%dma_wait3A_90 : memref<624x80xf32, #tpu.memory_space<hbm>>) dst(%dma_wait3A_88 : memref<624x80xf32, #tpu.memory_space<vmem_shared>>)
      tpu.yield
    }) : () -> ()
    "tpu.region"() ({
      %run_scoped3A = tpu.sem_alloc : memref<!tpu.dma_semaphore, #tpu.memory_space<semaphore_mem>>
      %dma_start3A_84 = arith.constant 0 : i32
      %dma_start3A_85 = tpu.memref_slice %arg21[%mul3A_10, %dma_start3A_84] : memref<10000x16xf32, #tpu.memory_space<vmem_shared>> -> memref<624x16xf32, #tpu.memory_space<vmem_shared>>
      %dma_start3A_86 = arith.constant 0 : i32
      %dma_start3A_87 = tpu.memref_slice %arg7[%mul3A_10, %dma_start3A_86] : memref<10000x16xf32, #tpu.memory_space<hbm>> -> memref<624x16xf32, #tpu.memory_space<hbm>>
      tpu.enqueue_dma source(%dma_start3A_87 : memref<624x16xf32, #tpu.memory_space<hbm>>) target(%dma_start3A_85 : memref<624x16xf32, #tpu.memory_space<vmem_shared>>) target_semaphore(%run_scoped3A : memref<!tpu.dma_semaphore, #tpu.memory_space<semaphore_mem>>)
      %dma_wait3A = arith.constant 0 : i32
      %dma_wait3A_88 = tpu.memref_slice %arg21[%mul3A_10, %dma_wait3A] : memref<10000x16xf32, #tpu.memory_space<vmem_shared>> -> memref<624x16xf32, #tpu.memory_space<vmem_shared>>
      %dma_wait3A_89 = arith.constant 0 : i32
      %dma_wait3A_90 = tpu.memref_slice %arg7[%mul3A_10, %dma_wait3A_89] : memref<10000x16xf32, #tpu.memory_space<hbm>> -> memref<624x16xf32, #tpu.memory_space<hbm>>
      tpu.wait_dma2 semaphore(%run_scoped3A : memref<!tpu.dma_semaphore, #tpu.memory_space<semaphore_mem>>) src(%dma_wait3A_90 : memref<624x16xf32, #tpu.memory_space<hbm>>) dst(%dma_wait3A_88 : memref<624x16xf32, #tpu.memory_space<vmem_shared>>)
      tpu.yield
    }) : () -> ()
    %eq3A = arith.constant 15 : i32
    %eq3A_11 = arith.cmpi eq, %arg1, %eq3A : i32
    %convert_element_type3A = arith.extui %eq3A_11 : i1 to i32
    %cond3A = arith.constant 0 : i32
    %cond3A_12 = arith.cmpi ne, %convert_element_type3A, %cond3A : i32
    scf.if %cond3A_12 {
      "tpu.region"() ({
        %run_scoped3A = tpu.sem_alloc : memref<!tpu.dma_semaphore, #tpu.memory_space<semaphore_mem>>
        %dma_start3A_84 = arith.constant 9984 : i32
        %dma_start3A_85 = arith.constant 0 : i32
        %dma_start3A_86 = tpu.memref_slice %arg20[%dma_start3A_84, %dma_start3A_85] : memref<10000x80xf32, #tpu.memory_space<vmem_shared>> -> memref<16x80xf32, #tpu.memory_space<vmem_shared>>
        %dma_start3A_87 = arith.constant 9984 : i32
        %dma_start3A_88 = arith.constant 0 : i32
        %dma_start3A_89 = tpu.memref_slice %arg6[%dma_start3A_87, %dma_start3A_88] : memref<10000x80xf32, #tpu.memory_space<hbm>> -> memref<16x80xf32, #tpu.memory_space<hbm>>
        tpu.enqueue_dma source(%dma_start3A_89 : memref<16x80xf32, #tpu.memory_space<hbm>>) target(%dma_start3A_86 : memref<16x80xf32, #tpu.memory_space<vmem_shared>>) target_semaphore(%run_scoped3A : memref<!tpu.dma_semaphore, #tpu.memory_space<semaphore_mem>>)
        %dma_wait3A = arith.constant 9984 : i32
        %dma_wait3A_90 = arith.constant 0 : i32
        %dma_wait3A_91 = tpu.memref_slice %arg20[%dma_wait3A, %dma_wait3A_90] : memref<10000x80xf32, #tpu.memory_space<vmem_shared>> -> memref<16x80xf32, #tpu.memory_space<vmem_shared>>
        %dma_wait3A_92 = arith.constant 9984 : i32
        %dma_wait3A_93 = arith.constant 0 : i32
        %dma_wait3A_94 = tpu.memref_slice %arg6[%dma_wait3A_92, %dma_wait3A_93] : memref<10000x80xf32, #tpu.memory_space<hbm>> -> memref<16x80xf32, #tpu.memory_space<hbm>>
        tpu.wait_dma2 semaphore(%run_scoped3A : memref<!tpu.dma_semaphore, #tpu.memory_space<semaphore_mem>>) src(%dma_wait3A_94 : memref<16x80xf32, #tpu.memory_space<hbm>>) dst(%dma_wait3A_91 : memref<16x80xf32, #tpu.memory_space<vmem_shared>>)
        tpu.yield
      }) : () -> ()
      "tpu.region"() ({
        %run_scoped3A = tpu.sem_alloc : memref<!tpu.dma_semaphore, #tpu.memory_space<semaphore_mem>>
        %dma_start3A_84 = arith.constant 9984 : i32
        %dma_start3A_85 = arith.constant 0 : i32
        %dma_start3A_86 = tpu.memref_slice %arg21[%dma_start3A_84, %dma_start3A_85] : memref<10000x16xf32, #tpu.memory_space<vmem_shared>> -> memref<16x16xf32, #tpu.memory_space<vmem_shared>>
        %dma_start3A_87 = arith.constant 9984 : i32
        %dma_start3A_88 = arith.constant 0 : i32
        %dma_start3A_89 = tpu.memref_slice %arg7[%dma_start3A_87, %dma_start3A_88] : memref<10000x16xf32, #tpu.memory_space<hbm>> -> memref<16x16xf32, #tpu.memory_space<hbm>>
        tpu.enqueue_dma source(%dma_start3A_89 : memref<16x16xf32, #tpu.memory_space<hbm>>) target(%dma_start3A_86 : memref<16x16xf32, #tpu.memory_space<vmem_shared>>) target_semaphore(%run_scoped3A : memref<!tpu.dma_semaphore, #tpu.memory_space<semaphore_mem>>)
        %dma_wait3A = arith.constant 9984 : i32
        %dma_wait3A_90 = arith.constant 0 : i32
        %dma_wait3A_91 = tpu.memref_slice %arg21[%dma_wait3A, %dma_wait3A_90] : memref<10000x16xf32, #tpu.memory_space<vmem_shared>> -> memref<16x16xf32, #tpu.memory_space<vmem_shared>>
        %dma_wait3A_92 = arith.constant 9984 : i32
        %dma_wait3A_93 = arith.constant 0 : i32
        %dma_wait3A_94 = tpu.memref_slice %arg7[%dma_wait3A_92, %dma_wait3A_93] : memref<10000x16xf32, #tpu.memory_space<hbm>> -> memref<16x16xf32, #tpu.memory_space<hbm>>
        tpu.wait_dma2 semaphore(%run_scoped3A : memref<!tpu.dma_semaphore, #tpu.memory_space<semaphore_mem>>) src(%dma_wait3A_94 : memref<16x16xf32, #tpu.memory_space<hbm>>) dst(%dma_wait3A_91 : memref<16x16xf32, #tpu.memory_space<vmem_shared>>)
        tpu.yield
      }) : () -> ()
    } else {
    }
    %barrier3A = arith.constant 0 : index
    tpu.barrier barrier_id(%barrier3A)
    %iota3A = tpu.iota {dimensions = array<i32: 0>} : vector<16xi32>
    %and3A = arith.constant 7 : i32
    %and3A_13 = vector.broadcast %and3A : i32 to vector<16xi32>
    %and3A_14 = arith.andi %iota3A, %and3A_13 : vector<16xi32>
    %dma_start3A = arith.constant 0 : i32
    %dma_start3A_15 = arith.constant 0 : i32
    %dma_start3A_16 = tpu.memref_slice %arg12[%dma_start3A, %dma_start3A_15] : memref<79x128xi32, #tpu.memory_space<vmem>> -> memref<1x128xi32, #tpu.memory_space<vmem>>
    %dma_start3A_17 = tpu.memref_squeeze %dma_start3A_16 : memref<1x128xi32, #tpu.memory_space<vmem>> -> memref<128xi32, #tpu.memory_space<vmem>>
    %dma_start3A_18 = arith.constant 0 : i32
    %dma_start3A_19 = arith.constant 0 : i32
    %dma_start3A_20 = tpu.memref_slice %arg4[%dma_start3A_18, %dma_start3A_19] : memref<10000x80xf32, #tpu.memory_space<hbm>> -> memref<10000x80xf32, #tpu.memory_space<hbm>>
    tpu.enqueue_indirect_dma source(%dma_start3A_20 : memref<10000x80xf32, #tpu.memory_space<hbm>>) target(%arg14 : memref<128x80xf32, #tpu.memory_space<vmem>>) offsets(%dma_start3A_17 : memref<128xi32, #tpu.memory_space<vmem>>) semaphore(%arg22 : memref<!tpu.dma_semaphore, #tpu.memory_space<semaphore_mem>>)
    %dma_start3A_21 = arith.constant 0 : i32
    %dma_start3A_22 = arith.constant 0 : i32
    %dma_start3A_23 = tpu.memref_slice %arg13[%dma_start3A_21, %dma_start3A_22] : memref<79x128xi32, #tpu.memory_space<vmem>> -> memref<1x128xi32, #tpu.memory_space<vmem>>
    %dma_start3A_24 = tpu.memref_squeeze %dma_start3A_23 : memref<1x128xi32, #tpu.memory_space<vmem>> -> memref<128xi32, #tpu.memory_space<vmem>>
    %dma_start3A_25 = arith.constant 0 : i32
    %dma_start3A_26 = arith.constant 0 : i32
    %dma_start3A_27 = tpu.memref_slice %arg5[%dma_start3A_25, %dma_start3A_26] : memref<10000x16xf32, #tpu.memory_space<hbm>> -> memref<10000x16xf32, #tpu.memory_space<hbm>>
    tpu.enqueue_indirect_dma source(%dma_start3A_27 : memref<10000x16xf32, #tpu.memory_space<hbm>>) target(%arg16 : memref<128x16xf32, #tpu.memory_space<vmem>>) offsets(%dma_start3A_24 : memref<128xi32, #tpu.memory_space<vmem>>) semaphore(%arg22 : memref<!tpu.dma_semaphore, #tpu.memory_space<semaphore_mem>>)
    %scan3A = arith.constant 0 : i32
    %scan3A_28 = arith.constant 0 : i32
    %scan3A_29 = arith.constant 40 : i32
    %scan3A_30 = arith.addi %scan3A_28, %scan3A_29 : i32
    %scan3A_31 = arith.constant 1 : i32
    scf.for %scan3A_84 = %scan3A_28 to %scan3A_30 step %scan3A_31  : i32 {
      %mul3A_85 = arith.constant 2 : i32
      %mul3A_86 = arith.muli %mul3A_85, %scan3A_84 : i32
      %lt3A_87 = arith.cmpi slt, %mul3A_86, %add3A_4 : i32
      %convert_element_type3A_88 = arith.extui %lt3A_87 : i1 to i32
      %cond3A_89 = arith.constant 0 : i32
      %cond3A_90 = arith.cmpi ne, %convert_element_type3A_88, %cond3A_89 : i32
      scf.if %cond3A_90 {
        %mul3A_99 = arith.constant 2 : i32
        %mul3A_100 = arith.muli %mul3A_99, %scan3A_84 : i32
        %ge3A = arith.constant 1 : i32
        %ge3A_101 = arith.cmpi sge, %mul3A_100, %ge3A : i32
        %convert_element_type3A_102 = arith.extui %ge3A_101 : i1 to i32
        %cond3A_103 = arith.constant 0 : i32
        %cond3A_104 = arith.cmpi ne, %convert_element_type3A_102, %cond3A_103 : i32
        scf.if %cond3A_104 {
          %dma_wait3A_138 = arith.constant 0 : i32
          %dma_wait3A_139 = arith.constant 0 : i32
          %dma_wait3A_140 = tpu.memref_slice %arg13[%dma_wait3A_138, %dma_wait3A_139] : memref<79x128xi32, #tpu.memory_space<vmem>> -> memref<1x128xi32, #tpu.memory_space<vmem>>
          %dma_wait3A_141 = tpu.memref_squeeze %dma_wait3A_140 : memref<1x128xi32, #tpu.memory_space<vmem>> -> memref<128xi32, #tpu.memory_space<vmem>>
          %dma_wait3A_142 = arith.constant 0 : i32
          %dma_wait3A_143 = arith.constant 0 : i32
          %dma_wait3A_144 = tpu.memref_slice %arg20[%dma_wait3A_142, %dma_wait3A_143] : memref<10000x80xf32, #tpu.memory_space<vmem_shared>> -> memref<10000x80xf32, #tpu.memory_space<vmem_shared>>
          tpu.wait_indirect_dma semaphore(%arg25 : memref<!tpu.dma_semaphore, #tpu.memory_space<semaphore_mem>>) src(%arg15 : memref<128x80xf32, #tpu.memory_space<vmem>>) dst(%dma_wait3A_144 : memref<10000x80xf32, #tpu.memory_space<vmem_shared>>)
          %dma_wait3A_145 = arith.constant 0 : i32
          %dma_wait3A_146 = arith.constant 0 : i32
          %dma_wait3A_147 = tpu.memref_slice %arg13[%dma_wait3A_145, %dma_wait3A_146] : memref<79x128xi32, #tpu.memory_space<vmem>> -> memref<1x128xi32, #tpu.memory_space<vmem>>
          %dma_wait3A_148 = tpu.memref_squeeze %dma_wait3A_147 : memref<1x128xi32, #tpu.memory_space<vmem>> -> memref<128xi32, #tpu.memory_space<vmem>>
          %dma_wait3A_149 = arith.constant 0 : i32
          %dma_wait3A_150 = arith.constant 0 : i32
          %dma_wait3A_151 = tpu.memref_slice %arg21[%dma_wait3A_149, %dma_wait3A_150] : memref<10000x16xf32, #tpu.memory_space<vmem_shared>> -> memref<10000x16xf32, #tpu.memory_space<vmem_shared>>
          tpu.wait_indirect_dma semaphore(%arg25 : memref<!tpu.dma_semaphore, #tpu.memory_space<semaphore_mem>>) src(%arg19 : memref<128x16xf32, #tpu.memory_space<vmem>>) dst(%dma_wait3A_151 : memref<10000x16xf32, #tpu.memory_space<vmem_shared>>)
        } else {
        }
        %add3A_105 = arith.constant 1 : i32
        %add3A_106 = arith.addi %mul3A_100, %add3A_105 : i32
        %lt3A_107 = arith.cmpi slt, %add3A_106, %add3A_4 : i32
        %convert_element_type3A_108 = arith.extui %lt3A_107 : i1 to i32
        %cond3A_109 = arith.constant 0 : i32
        %cond3A_110 = arith.cmpi ne, %convert_element_type3A_108, %cond3A_109 : i32
        scf.if %cond3A_110 {
          %add3A_138 = arith.constant 1 : i32
          %add3A_139 = arith.addi %mul3A_100, %add3A_138 : i32
          %dma_start3A_140 = arith.constant 0 : i32
          %dma_start3A_141 = tpu.memref_slice %arg12[%add3A_139, %dma_start3A_140] : memref<79x128xi32, #tpu.memory_space<vmem>> -> memref<1x128xi32, #tpu.memory_space<vmem>>
          %dma_start3A_142 = tpu.memref_squeeze %dma_start3A_141 : memref<1x128xi32, #tpu.memory_space<vmem>> -> memref<128xi32, #tpu.memory_space<vmem>>
          %dma_start3A_143 = arith.constant 0 : i32
          %dma_start3A_144 = arith.constant 0 : i32
          %dma_start3A_145 = tpu.memref_slice %arg4[%dma_start3A_143, %dma_start3A_144] : memref<10000x80xf32, #tpu.memory_space<hbm>> -> memref<10000x80xf32, #tpu.memory_space<hbm>>
          tpu.enqueue_indirect_dma source(%dma_start3A_145 : memref<10000x80xf32, #tpu.memory_space<hbm>>) target(%arg15 : memref<128x80xf32, #tpu.memory_space<vmem>>) offsets(%dma_start3A_142 : memref<128xi32, #tpu.memory_space<vmem>>) semaphore(%arg23 : memref<!tpu.dma_semaphore, #tpu.memory_space<semaphore_mem>>)
          %dma_start3A_146 = arith.constant 0 : i32
          %dma_start3A_147 = tpu.memref_slice %arg13[%add3A_139, %dma_start3A_146] : memref<79x128xi32, #tpu.memory_space<vmem>> -> memref<1x128xi32, #tpu.memory_space<vmem>>
          %dma_start3A_148 = tpu.memref_squeeze %dma_start3A_147 : memref<1x128xi32, #tpu.memory_space<vmem>> -> memref<128xi32, #tpu.memory_space<vmem>>
          %dma_start3A_149 = arith.constant 0 : i32
          %dma_start3A_150 = arith.constant 0 : i32
          %dma_start3A_151 = tpu.memref_slice %arg5[%dma_start3A_149, %dma_start3A_150] : memref<10000x16xf32, #tpu.memory_space<hbm>> -> memref<10000x16xf32, #tpu.memory_space<hbm>>
          tpu.enqueue_indirect_dma source(%dma_start3A_151 : memref<10000x16xf32, #tpu.memory_space<hbm>>) target(%arg17 : memref<128x16xf32, #tpu.memory_space<vmem>>) offsets(%dma_start3A_148 : memref<128xi32, #tpu.memory_space<vmem>>) semaphore(%arg23 : memref<!tpu.dma_semaphore, #tpu.memory_space<semaphore_mem>>)
        } else {
        }
        %dma_wait3A = arith.constant 0 : i32
        %dma_wait3A_111 = arith.constant 0 : i32
        %dma_wait3A_112 = tpu.memref_slice %arg12[%dma_wait3A, %dma_wait3A_111] : memref<79x128xi32, #tpu.memory_space<vmem>> -> memref<1x128xi32, #tpu.memory_space<vmem>>
        %dma_wait3A_113 = tpu.memref_squeeze %dma_wait3A_112 : memref<1x128xi32, #tpu.memory_space<vmem>> -> memref<128xi32, #tpu.memory_space<vmem>>
        %dma_wait3A_114 = arith.constant 0 : i32
        %dma_wait3A_115 = arith.constant 0 : i32
        %dma_wait3A_116 = tpu.memref_slice %arg4[%dma_wait3A_114, %dma_wait3A_115] : memref<10000x80xf32, #tpu.memory_space<hbm>> -> memref<10000x80xf32, #tpu.memory_space<hbm>>
        tpu.wait_indirect_dma semaphore(%arg22 : memref<!tpu.dma_semaphore, #tpu.memory_space<semaphore_mem>>) src(%dma_wait3A_116 : memref<10000x80xf32, #tpu.memory_space<hbm>>) dst(%arg14 : memref<128x80xf32, #tpu.memory_space<vmem>>)
        %dma_wait3A_117 = arith.constant 0 : i32
        %dma_wait3A_118 = arith.constant 0 : i32
        %dma_wait3A_119 = tpu.memref_slice %arg13[%dma_wait3A_117, %dma_wait3A_118] : memref<79x128xi32, #tpu.memory_space<vmem>> -> memref<1x128xi32, #tpu.memory_space<vmem>>
        %dma_wait3A_120 = tpu.memref_squeeze %dma_wait3A_119 : memref<1x128xi32, #tpu.memory_space<vmem>> -> memref<128xi32, #tpu.memory_space<vmem>>
        %dma_wait3A_121 = arith.constant 0 : i32
        %dma_wait3A_122 = arith.constant 0 : i32
        %dma_wait3A_123 = tpu.memref_slice %arg5[%dma_wait3A_121, %dma_wait3A_122] : memref<10000x16xf32, #tpu.memory_space<hbm>> -> memref<10000x16xf32, #tpu.memory_space<hbm>>
        tpu.wait_indirect_dma semaphore(%arg22 : memref<!tpu.dma_semaphore, #tpu.memory_space<semaphore_mem>>) src(%dma_wait3A_123 : memref<10000x16xf32, #tpu.memory_space<hbm>>) dst(%arg16 : memref<128x16xf32, #tpu.memory_space<vmem>>)
        %parallel_loop3A = arith.constant 0 : i32
        %parallel_loop3A_124 = arith.constant 128 : i32
        %parallel_loop3A_125 = arith.constant 1 : i32
        scf.for %parallel_loop3A_138 = %parallel_loop3A to %parallel_loop3A_124 step %parallel_loop3A_125  : i32 {
          %parallel_loop3A_139 = arith.index_cast %parallel_loop3A_138 : i32 to index
          %parallel_loop3A_140 = arith.constant 64 : index
          %parallel_loop3A_141 = tpu.vector_load %arg14[%parallel_loop3A_139, %parallel_loop3A_140] {strides = array<i32>} : memref<128x80xf32, #tpu.memory_space<vmem>>, vector<1x16xf32>,
          %parallel_loop3A_142 = vector.shape_cast %parallel_loop3A_141 : vector<1x16xf32> to vector<16xf32>
          %parallel_loop3A_143 = arith.index_cast %parallel_loop3A_138 : i32 to index
          %parallel_loop3A_144 = arith.constant 0 : index
          %parallel_loop3A_145 = tpu.vector_load %arg16[%parallel_loop3A_143, %parallel_loop3A_144] {strides = array<i32>} : memref<128x16xf32, #tpu.memory_space<vmem>>, vector<1x16xf32>,
          %parallel_loop3A_146 = vector.shape_cast %parallel_loop3A_145 : vector<1x16xf32> to vector<16xf32>
          %parallel_loop3A_147 = arith.addf %parallel_loop3A_142, %parallel_loop3A_146 : vector<16xf32>
          %parallel_loop3A_148 = arith.constant 2.000000e-01 : f32
          %parallel_loop3A_149 = vector.broadcast %parallel_loop3A_148 : f32 to vector<16xf32>
          %parallel_loop3A_150 = arith.mulf %parallel_loop3A_149, %parallel_loop3A_147 : vector<16xf32>
          %parallel_loop3A_151 = arith.maximumf %parallel_loop3A_147, %parallel_loop3A_150 : vector<16xf32>
          %parallel_loop3A_152 = math.exp %parallel_loop3A_151 : vector<16xf32>
          %parallel_loop3A_153 = arith.index_cast %parallel_loop3A_138 : i32 to index
          %parallel_loop3A_154 = arith.constant 0 : index
          %parallel_loop3A_155 = tpu.vector_load %arg18[%parallel_loop3A_153, %parallel_loop3A_154] {strides = array<i32>} : memref<128x16xf32, #tpu.memory_space<vmem>>, vector<1x16xf32>,
          %parallel_loop3A_156 = vector.shape_cast %parallel_loop3A_155 : vector<1x16xf32> to vector<16xf32>
          %parallel_loop3A_157 = vector.shape_cast %parallel_loop3A_152 : vector<16xf32> to vector<1x16xf32>
          tpu.vector_store %arg18[%parallel_loop3A_153, %parallel_loop3A_154], %parallel_loop3A_157 {strides = array<i32>} : memref<128x16xf32, #tpu.memory_space<vmem>>, vector<1x16xf32>,
          %parallel_loop3A_158 = vector.shape_cast %and3A_14 : vector<16xi32> to vector<16x1xi32>
          %parallel_loop3A_159 = vector.shape_cast %parallel_loop3A_158 : vector<16x1xi32> to vector<16xi32>
          %parallel_loop3A_160 = tpu.dynamic_gather %parallel_loop3A_152[%parallel_loop3A_159] in [0] : vector<16xf32>, vector<16xi32> -> vector<16xf32>
          %parallel_loop3A_161 = arith.index_cast %parallel_loop3A_138 : i32 to index
          %parallel_loop3A_162 = arith.constant 0 : index
          %parallel_loop3A_163 = tpu.vector_load %arg14[%parallel_loop3A_161, %parallel_loop3A_162] {strides = array<i32>} : memref<128x80xf32, #tpu.memory_space<vmem>>, vector<1x16xf32>,
          %parallel_loop3A_164 = vector.shape_cast %parallel_loop3A_163 : vector<1x16xf32> to vector<16xf32>
          %parallel_loop3A_165 = arith.mulf %parallel_loop3A_164, %parallel_loop3A_160 : vector<16xf32>
          %parallel_loop3A_166 = arith.index_cast %parallel_loop3A_138 : i32 to index
          %parallel_loop3A_167 = arith.constant 0 : index
          %parallel_loop3A_168 = tpu.vector_load %arg14[%parallel_loop3A_166, %parallel_loop3A_167] {strides = array<i32>} : memref<128x80xf32, #tpu.memory_space<vmem>>, vector<1x16xf32>,
          %parallel_loop3A_169 = vector.shape_cast %parallel_loop3A_168 : vector<1x16xf32> to vector<16xf32>
          %parallel_loop3A_170 = vector.shape_cast %parallel_loop3A_165 : vector<16xf32> to vector<1x16xf32>
          tpu.vector_store %arg14[%parallel_loop3A_166, %parallel_loop3A_167], %parallel_loop3A_170 {strides = array<i32>} : memref<128x80xf32, #tpu.memory_space<vmem>>, vector<1x16xf32>,
          %parallel_loop3A_171 = arith.index_cast %parallel_loop3A_138 : i32 to index
          %parallel_loop3A_172 = arith.constant 16 : index
          %parallel_loop3A_173 = tpu.vector_load %arg14[%parallel_loop3A_171, %parallel_loop3A_172] {strides = array<i32>} : memref<128x80xf32, #tpu.memory_space<vmem>>, vector<1x16xf32>,
          %parallel_loop3A_174 = vector.shape_cast %parallel_loop3A_173 : vector<1x16xf32> to vector<16xf32>
          %parallel_loop3A_175 = arith.mulf %parallel_loop3A_174, %parallel_loop3A_160 : vector<16xf32>
          %parallel_loop3A_176 = arith.index_cast %parallel_loop3A_138 : i32 to index
          %parallel_loop3A_177 = arith.constant 16 : index
          %parallel_loop3A_178 = tpu.vector_load %arg14[%parallel_loop3A_176, %parallel_loop3A_177] {strides = array<i32>} : memref<128x80xf32, #tpu.memory_space<vmem>>, vector<1x16xf32>,
          %parallel_loop3A_179 = vector.shape_cast %parallel_loop3A_178 : vector<1x16xf32> to vector<16xf32>
          %parallel_loop3A_180 = vector.shape_cast %parallel_loop3A_175 : vector<16xf32> to vector<1x16xf32>
          tpu.vector_store %arg14[%parallel_loop3A_176, %parallel_loop3A_177], %parallel_loop3A_180 {strides = array<i32>} : memref<128x80xf32, #tpu.memory_space<vmem>>, vector<1x16xf32>,
          %parallel_loop3A_181 = arith.index_cast %parallel_loop3A_138 : i32 to index
          %parallel_loop3A_182 = arith.constant 32 : index
          %parallel_loop3A_183 = tpu.vector_load %arg14[%parallel_loop3A_181, %parallel_loop3A_182] {strides = array<i32>} : memref<128x80xf32, #tpu.memory_space<vmem>>, vector<1x16xf32>,
          %parallel_loop3A_184 = vector.shape_cast %parallel_loop3A_183 : vector<1x16xf32> to vector<16xf32>
          %parallel_loop3A_185 = arith.mulf %parallel_loop3A_184, %parallel_loop3A_160 : vector<16xf32>
          %parallel_loop3A_186 = arith.index_cast %parallel_loop3A_138 : i32 to index
          %parallel_loop3A_187 = arith.constant 32 : index
          %parallel_loop3A_188 = tpu.vector_load %arg14[%parallel_loop3A_186, %parallel_loop3A_187] {strides = array<i32>} : memref<128x80xf32, #tpu.memory_space<vmem>>, vector<1x16xf32>,
          %parallel_loop3A_189 = vector.shape_cast %parallel_loop3A_188 : vector<1x16xf32> to vector<16xf32>
          %parallel_loop3A_190 = vector.shape_cast %parallel_loop3A_185 : vector<16xf32> to vector<1x16xf32>
          tpu.vector_store %arg14[%parallel_loop3A_186, %parallel_loop3A_187], %parallel_loop3A_190 {strides = array<i32>} : memref<128x80xf32, #tpu.memory_space<vmem>>, vector<1x16xf32>,
          %parallel_loop3A_191 = arith.index_cast %parallel_loop3A_138 : i32 to index
          %parallel_loop3A_192 = arith.constant 48 : index
          %parallel_loop3A_193 = tpu.vector_load %arg14[%parallel_loop3A_191, %parallel_loop3A_192] {strides = array<i32>} : memref<128x80xf32, #tpu.memory_space<vmem>>, vector<1x16xf32>,
          %parallel_loop3A_194 = vector.shape_cast %parallel_loop3A_193 : vector<1x16xf32> to vector<16xf32>
          %parallel_loop3A_195 = arith.mulf %parallel_loop3A_194, %parallel_loop3A_160 : vector<16xf32>
          %parallel_loop3A_196 = arith.index_cast %parallel_loop3A_138 : i32 to index
          %parallel_loop3A_197 = arith.constant 48 : index
          %parallel_loop3A_198 = tpu.vector_load %arg14[%parallel_loop3A_196, %parallel_loop3A_197] {strides = array<i32>} : memref<128x80xf32, #tpu.memory_space<vmem>>, vector<1x16xf32>,
          %parallel_loop3A_199 = vector.shape_cast %parallel_loop3A_198 : vector<1x16xf32> to vector<16xf32>
          %parallel_loop3A_200 = vector.shape_cast %parallel_loop3A_195 : vector<16xf32> to vector<1x16xf32>
          tpu.vector_store %arg14[%parallel_loop3A_196, %parallel_loop3A_197], %parallel_loop3A_200 {strides = array<i32>} : memref<128x80xf32, #tpu.memory_space<vmem>>, vector<1x16xf32>,
        } {sc.loop_unroll_factor = 4 : i64, sc.parallel_access}
        %dma_start3A_126 = arith.constant 0 : i32
        %dma_start3A_127 = tpu.memref_slice %arg13[%mul3A_100, %dma_start3A_126] : memref<79x128xi32, #tpu.memory_space<vmem>> -> memref<1x128xi32, #tpu.memory_space<vmem>>
        %dma_start3A_128 = tpu.memref_squeeze %dma_start3A_127 : memref<1x128xi32, #tpu.memory_space<vmem>> -> memref<128xi32, #tpu.memory_space<vmem>>
        %dma_start3A_129 = arith.constant 0 : i32
        %dma_start3A_130 = arith.constant 0 : i32
        %dma_start3A_131 = tpu.memref_slice %arg20[%dma_start3A_129, %dma_start3A_130] : memref<10000x80xf32, #tpu.memory_space<vmem_shared>> -> memref<10000x80xf32, #tpu.memory_space<vmem_shared>>
        tpu.enqueue_indirect_dma source(%arg14 : memref<128x80xf32, #tpu.memory_space<vmem>>) target(%dma_start3A_131 : memref<10000x80xf32, #tpu.memory_space<vmem_shared>>) offsets(%dma_start3A_128 : memref<128xi32, #tpu.memory_space<vmem>>) semaphore(%arg24 : memref<!tpu.dma_semaphore, #tpu.memory_space<semaphore_mem>>) {add = true}
        %dma_start3A_132 = arith.constant 0 : i32
        %dma_start3A_133 = tpu.memref_slice %arg13[%mul3A_100, %dma_start3A_132] : memref<79x128xi32, #tpu.memory_space<vmem>> -> memref<1x128xi32, #tpu.memory_space<vmem>>
        %dma_start3A_134 = tpu.memref_squeeze %dma_start3A_133 : memref<1x128xi32, #tpu.memory_space<vmem>> -> memref<128xi32, #tpu.memory_space<vmem>>
        %dma_start3A_135 = arith.constant 0 : i32
        %dma_start3A_136 = arith.constant 0 : i32
        %dma_start3A_137 = tpu.memref_slice %arg21[%dma_start3A_135, %dma_start3A_136] : memref<10000x16xf32, #tpu.memory_space<vmem_shared>> -> memref<10000x16xf32, #tpu.memory_space<vmem_shared>>
        tpu.enqueue_indirect_dma source(%arg18 : memref<128x16xf32, #tpu.memory_space<vmem>>) target(%dma_start3A_137 : memref<10000x16xf32, #tpu.memory_space<vmem_shared>>) offsets(%dma_start3A_134 : memref<128xi32, #tpu.memory_space<vmem>>) semaphore(%arg24 : memref<!tpu.dma_semaphore, #tpu.memory_space<semaphore_mem>>) {add = true}
      } else {
      }
      %mul3A_91 = arith.constant 2 : i32
      %mul3A_92 = arith.muli %mul3A_91, %scan3A_84 : i32
      %add3A_93 = arith.constant 1 : i32
      %add3A_94 = arith.addi %mul3A_92, %add3A_93 : i32
      %lt3A_95 = arith.cmpi slt, %add3A_94, %add3A_4 : i32
      %convert_element_type3A_96 = arith.extui %lt3A_95 : i1 to i32
      %cond3A_97 = arith.constant 0 : i32
      %cond3A_98 = arith.cmpi ne, %convert_element_type3A_96, %cond3A_97 : i32
      scf.if %cond3A_98 {
        %mul3A_99 = arith.constant 2 : i32
        %mul3A_100 = arith.muli %mul3A_99, %scan3A_84 : i32
        %add3A_101 = arith.constant 1 : i32
        %add3A_102 = arith.addi %mul3A_100, %add3A_101 : i32
        %ge3A = arith.constant 1 : i32
        %ge3A_103 = arith.cmpi sge, %add3A_102, %ge3A : i32
        %convert_element_type3A_104 = arith.extui %ge3A_103 : i1 to i32
        %cond3A_105 = arith.constant 0 : i32
        %cond3A_106 = arith.cmpi ne, %convert_element_type3A_104, %cond3A_105 : i32
        scf.if %cond3A_106 {
          %dma_wait3A_140 = arith.constant 0 : i32
          %dma_wait3A_141 = arith.constant 0 : i32
          %dma_wait3A_142 = tpu.memref_slice %arg13[%dma_wait3A_140, %dma_wait3A_141] : memref<79x128xi32, #tpu.memory_space<vmem>> -> memref<1x128xi32, #tpu.memory_space<vmem>>
          %dma_wait3A_143 = tpu.memref_squeeze %dma_wait3A_142 : memref<1x128xi32, #tpu.memory_space<vmem>> -> memref<128xi32, #tpu.memory_space<vmem>>
          %dma_wait3A_144 = arith.constant 0 : i32
          %dma_wait3A_145 = arith.constant 0 : i32
          %dma_wait3A_146 = tpu.memref_slice %arg20[%dma_wait3A_144, %dma_wait3A_145] : memref<10000x80xf32, #tpu.memory_space<vmem_shared>> -> memref<10000x80xf32, #tpu.memory_space<vmem_shared>>
          tpu.wait_indirect_dma semaphore(%arg24 : memref<!tpu.dma_semaphore, #tpu.memory_space<semaphore_mem>>) src(%arg14 : memref<128x80xf32, #tpu.memory_space<vmem>>) dst(%dma_wait3A_146 : memref<10000x80xf32, #tpu.memory_space<vmem_shared>>)
          %dma_wait3A_147 = arith.constant 0 : i32
          %dma_wait3A_148 = arith.constant 0 : i32
          %dma_wait3A_149 = tpu.memref_slice %arg13[%dma_wait3A_147, %dma_wait3A_148] : memref<79x128xi32, #tpu.memory_space<vmem>> -> memref<1x128xi32, #tpu.memory_space<vmem>>
          %dma_wait3A_150 = tpu.memref_squeeze %dma_wait3A_149 : memref<1x128xi32, #tpu.memory_space<vmem>> -> memref<128xi32, #tpu.memory_space<vmem>>
          %dma_wait3A_151 = arith.constant 0 : i32
          %dma_wait3A_152 = arith.constant 0 : i32
          %dma_wait3A_153 = tpu.memref_slice %arg21[%dma_wait3A_151, %dma_wait3A_152] : memref<10000x16xf32, #tpu.memory_space<vmem_shared>> -> memref<10000x16xf32, #tpu.memory_space<vmem_shared>>
          tpu.wait_indirect_dma semaphore(%arg24 : memref<!tpu.dma_semaphore, #tpu.memory_space<semaphore_mem>>) src(%arg18 : memref<128x16xf32, #tpu.memory_space<vmem>>) dst(%dma_wait3A_153 : memref<10000x16xf32, #tpu.memory_space<vmem_shared>>)
        } else {
        }
        %add3A_107 = arith.constant 1 : i32
        %add3A_108 = arith.addi %add3A_102, %add3A_107 : i32
        %lt3A_109 = arith.cmpi slt, %add3A_108, %add3A_4 : i32
        %convert_element_type3A_110 = arith.extui %lt3A_109 : i1 to i32
        %cond3A_111 = arith.constant 0 : i32
        %cond3A_112 = arith.cmpi ne, %convert_element_type3A_110, %cond3A_111 : i32
        scf.if %cond3A_112 {
          %add3A_140 = arith.constant 1 : i32
          %add3A_141 = arith.addi %add3A_102, %add3A_140 : i32
          %dma_start3A_142 = arith.constant 0 : i32
          %dma_start3A_143 = tpu.memref_slice %arg12[%add3A_141, %dma_start3A_142] : memref<79x128xi32, #tpu.memory_space<vmem>> -> memref<1x128xi32, #tpu.memory_space<vmem>>
          %dma_start3A_144 = tpu.memref_squeeze %dma_start3A_143 : memref<1x128xi32, #tpu.memory_space<vmem>> -> memref<128xi32, #tpu.memory_space<vmem>>
          %dma_start3A_145 = arith.constant 0 : i32
          %dma_start3A_146 = arith.constant 0 : i32
          %dma_start3A_147 = tpu.memref_slice %arg4[%dma_start3A_145, %dma_start3A_146] : memref<10000x80xf32, #tpu.memory_space<hbm>> -> memref<10000x80xf32, #tpu.memory_space<hbm>>
          tpu.enqueue_indirect_dma source(%dma_start3A_147 : memref<10000x80xf32, #tpu.memory_space<hbm>>) target(%arg14 : memref<128x80xf32, #tpu.memory_space<vmem>>) offsets(%dma_start3A_144 : memref<128xi32, #tpu.memory_space<vmem>>) semaphore(%arg22 : memref<!tpu.dma_semaphore, #tpu.memory_space<semaphore_mem>>)
          %dma_start3A_148 = arith.constant 0 : i32
          %dma_start3A_149 = tpu.memref_slice %arg13[%add3A_141, %dma_start3A_148] : memref<79x128xi32, #tpu.memory_space<vmem>> -> memref<1x128xi32, #tpu.memory_space<vmem>>
          %dma_start3A_150 = tpu.memref_squeeze %dma_start3A_149 : memref<1x128xi32, #tpu.memory_space<vmem>> -> memref<128xi32, #tpu.memory_space<vmem>>
          %dma_start3A_151 = arith.constant 0 : i32
          %dma_start3A_152 = arith.constant 0 : i32
          %dma_start3A_153 = tpu.memref_slice %arg5[%dma_start3A_151, %dma_start3A_152] : memref<10000x16xf32, #tpu.memory_space<hbm>> -> memref<10000x16xf32, #tpu.memory_space<hbm>>
          tpu.enqueue_indirect_dma source(%dma_start3A_153 : memref<10000x16xf32, #tpu.memory_space<hbm>>) target(%arg16 : memref<128x16xf32, #tpu.memory_space<vmem>>) offsets(%dma_start3A_150 : memref<128xi32, #tpu.memory_space<vmem>>) semaphore(%arg22 : memref<!tpu.dma_semaphore, #tpu.memory_space<semaphore_mem>>)
        } else {
        }
        %dma_wait3A = arith.constant 0 : i32
        %dma_wait3A_113 = arith.constant 0 : i32
        %dma_wait3A_114 = tpu.memref_slice %arg12[%dma_wait3A, %dma_wait3A_113] : memref<79x128xi32, #tpu.memory_space<vmem>> -> memref<1x128xi32, #tpu.memory_space<vmem>>
        %dma_wait3A_115 = tpu.memref_squeeze %dma_wait3A_114 : memref<1x128xi32, #tpu.memory_space<vmem>> -> memref<128xi32, #tpu.memory_space<vmem>>
        %dma_wait3A_116 = arith.constant 0 : i32
        %dma_wait3A_117 = arith.constant 0 : i32
        %dma_wait3A_118 = tpu.memref_slice %arg4[%dma_wait3A_116, %dma_wait3A_117] : memref<10000x80xf32, #tpu.memory_space<hbm>> -> memref<10000x80xf32, #tpu.memory_space<hbm>>
        tpu.wait_indirect_dma semaphore(%arg23 : memref<!tpu.dma_semaphore, #tpu.memory_space<semaphore_mem>>) src(%dma_wait3A_118 : memref<10000x80xf32, #tpu.memory_space<hbm>>) dst(%arg15 : memref<128x80xf32, #tpu.memory_space<vmem>>)
        %dma_wait3A_119 = arith.constant 0 : i32
        %dma_wait3A_120 = arith.constant 0 : i32
        %dma_wait3A_121 = tpu.memref_slice %arg13[%dma_wait3A_119, %dma_wait3A_120] : memref<79x128xi32, #tpu.memory_space<vmem>> -> memref<1x128xi32, #tpu.memory_space<vmem>>
        %dma_wait3A_122 = tpu.memref_squeeze %dma_wait3A_121 : memref<1x128xi32, #tpu.memory_space<vmem>> -> memref<128xi32, #tpu.memory_space<vmem>>
        %dma_wait3A_123 = arith.constant 0 : i32
        %dma_wait3A_124 = arith.constant 0 : i32
        %dma_wait3A_125 = tpu.memref_slice %arg5[%dma_wait3A_123, %dma_wait3A_124] : memref<10000x16xf32, #tpu.memory_space<hbm>> -> memref<10000x16xf32, #tpu.memory_space<hbm>>
        tpu.wait_indirect_dma semaphore(%arg23 : memref<!tpu.dma_semaphore, #tpu.memory_space<semaphore_mem>>) src(%dma_wait3A_125 : memref<10000x16xf32, #tpu.memory_space<hbm>>) dst(%arg17 : memref<128x16xf32, #tpu.memory_space<vmem>>)
        %parallel_loop3A = arith.constant 0 : i32
        %parallel_loop3A_126 = arith.constant 128 : i32
        %parallel_loop3A_127 = arith.constant 1 : i32
        scf.for %parallel_loop3A_140 = %parallel_loop3A to %parallel_loop3A_126 step %parallel_loop3A_127  : i32 {
          %parallel_loop3A_141 = arith.index_cast %parallel_loop3A_140 : i32 to index
          %parallel_loop3A_142 = arith.constant 64 : index
          %parallel_loop3A_143 = tpu.vector_load %arg15[%parallel_loop3A_141, %parallel_loop3A_142] {strides = array<i32>} : memref<128x80xf32, #tpu.memory_space<vmem>>, vector<1x16xf32>,
          %parallel_loop3A_144 = vector.shape_cast %parallel_loop3A_143 : vector<1x16xf32> to vector<16xf32>
          %parallel_loop3A_145 = arith.index_cast %parallel_loop3A_140 : i32 to index
          %parallel_loop3A_146 = arith.constant 0 : index
          %parallel_loop3A_147 = tpu.vector_load %arg17[%parallel_loop3A_145, %parallel_loop3A_146] {strides = array<i32>} : memref<128x16xf32, #tpu.memory_space<vmem>>, vector<1x16xf32>,
          %parallel_loop3A_148 = vector.shape_cast %parallel_loop3A_147 : vector<1x16xf32> to vector<16xf32>
          %parallel_loop3A_149 = arith.addf %parallel_loop3A_144, %parallel_loop3A_148 : vector<16xf32>
          %parallel_loop3A_150 = arith.constant 2.000000e-01 : f32
          %parallel_loop3A_151 = vector.broadcast %parallel_loop3A_150 : f32 to vector<16xf32>
          %parallel_loop3A_152 = arith.mulf %parallel_loop3A_151, %parallel_loop3A_149 : vector<16xf32>
          %parallel_loop3A_153 = arith.maximumf %parallel_loop3A_149, %parallel_loop3A_152 : vector<16xf32>
          %parallel_loop3A_154 = math.exp %parallel_loop3A_153 : vector<16xf32>
          %parallel_loop3A_155 = arith.index_cast %parallel_loop3A_140 : i32 to index
          %parallel_loop3A_156 = arith.constant 0 : index
          %parallel_loop3A_157 = tpu.vector_load %arg19[%parallel_loop3A_155, %parallel_loop3A_156] {strides = array<i32>} : memref<128x16xf32, #tpu.memory_space<vmem>>, vector<1x16xf32>,
          %parallel_loop3A_158 = vector.shape_cast %parallel_loop3A_157 : vector<1x16xf32> to vector<16xf32>
          %parallel_loop3A_159 = vector.shape_cast %parallel_loop3A_154 : vector<16xf32> to vector<1x16xf32>
          tpu.vector_store %arg19[%parallel_loop3A_155, %parallel_loop3A_156], %parallel_loop3A_159 {strides = array<i32>} : memref<128x16xf32, #tpu.memory_space<vmem>>, vector<1x16xf32>,
          %parallel_loop3A_160 = vector.shape_cast %and3A_14 : vector<16xi32> to vector<16x1xi32>
          %parallel_loop3A_161 = vector.shape_cast %parallel_loop3A_160 : vector<16x1xi32> to vector<16xi32>
          %parallel_loop3A_162 = tpu.dynamic_gather %parallel_loop3A_154[%parallel_loop3A_161] in [0] : vector<16xf32>, vector<16xi32> -> vector<16xf32>
          %parallel_loop3A_163 = arith.index_cast %parallel_loop3A_140 : i32 to index
          %parallel_loop3A_164 = arith.constant 0 : index
          %parallel_loop3A_165 = tpu.vector_load %arg15[%parallel_loop3A_163, %parallel_loop3A_164] {strides = array<i32>} : memref<128x80xf32, #tpu.memory_space<vmem>>, vector<1x16xf32>,
          %parallel_loop3A_166 = vector.shape_cast %parallel_loop3A_165 : vector<1x16xf32> to vector<16xf32>
          %parallel_loop3A_167 = arith.mulf %parallel_loop3A_166, %parallel_loop3A_162 : vector<16xf32>
          %parallel_loop3A_168 = arith.index_cast %parallel_loop3A_140 : i32 to index
          %parallel_loop3A_169 = arith.constant 0 : index
          %parallel_loop3A_170 = tpu.vector_load %arg15[%parallel_loop3A_168, %parallel_loop3A_169] {strides = array<i32>} : memref<128x80xf32, #tpu.memory_space<vmem>>, vector<1x16xf32>,
          %parallel_loop3A_171 = vector.shape_cast %parallel_loop3A_170 : vector<1x16xf32> to vector<16xf32>
          %parallel_loop3A_172 = vector.shape_cast %parallel_loop3A_167 : vector<16xf32> to vector<1x16xf32>
          tpu.vector_store %arg15[%parallel_loop3A_168, %parallel_loop3A_169], %parallel_loop3A_172 {strides = array<i32>} : memref<128x80xf32, #tpu.memory_space<vmem>>, vector<1x16xf32>,
          %parallel_loop3A_173 = arith.index_cast %parallel_loop3A_140 : i32 to index
          %parallel_loop3A_174 = arith.constant 16 : index
          %parallel_loop3A_175 = tpu.vector_load %arg15[%parallel_loop3A_173, %parallel_loop3A_174] {strides = array<i32>} : memref<128x80xf32, #tpu.memory_space<vmem>>, vector<1x16xf32>,
          %parallel_loop3A_176 = vector.shape_cast %parallel_loop3A_175 : vector<1x16xf32> to vector<16xf32>
          %parallel_loop3A_177 = arith.mulf %parallel_loop3A_176, %parallel_loop3A_162 : vector<16xf32>
          %parallel_loop3A_178 = arith.index_cast %parallel_loop3A_140 : i32 to index
          %parallel_loop3A_179 = arith.constant 16 : index
          %parallel_loop3A_180 = tpu.vector_load %arg15[%parallel_loop3A_178, %parallel_loop3A_179] {strides = array<i32>} : memref<128x80xf32, #tpu.memory_space<vmem>>, vector<1x16xf32>,
          %parallel_loop3A_181 = vector.shape_cast %parallel_loop3A_180 : vector<1x16xf32> to vector<16xf32>
          %parallel_loop3A_182 = vector.shape_cast %parallel_loop3A_177 : vector<16xf32> to vector<1x16xf32>
          tpu.vector_store %arg15[%parallel_loop3A_178, %parallel_loop3A_179], %parallel_loop3A_182 {strides = array<i32>} : memref<128x80xf32, #tpu.memory_space<vmem>>, vector<1x16xf32>,
          %parallel_loop3A_183 = arith.index_cast %parallel_loop3A_140 : i32 to index
          %parallel_loop3A_184 = arith.constant 32 : index
          %parallel_loop3A_185 = tpu.vector_load %arg15[%parallel_loop3A_183, %parallel_loop3A_184] {strides = array<i32>} : memref<128x80xf32, #tpu.memory_space<vmem>>, vector<1x16xf32>,
          %parallel_loop3A_186 = vector.shape_cast %parallel_loop3A_185 : vector<1x16xf32> to vector<16xf32>
          %parallel_loop3A_187 = arith.mulf %parallel_loop3A_186, %parallel_loop3A_162 : vector<16xf32>
          %parallel_loop3A_188 = arith.index_cast %parallel_loop3A_140 : i32 to index
          %parallel_loop3A_189 = arith.constant 32 : index
          %parallel_loop3A_190 = tpu.vector_load %arg15[%parallel_loop3A_188, %parallel_loop3A_189] {strides = array<i32>} : memref<128x80xf32, #tpu.memory_space<vmem>>, vector<1x16xf32>,
          %parallel_loop3A_191 = vector.shape_cast %parallel_loop3A_190 : vector<1x16xf32> to vector<16xf32>
          %parallel_loop3A_192 = vector.shape_cast %parallel_loop3A_187 : vector<16xf32> to vector<1x16xf32>
          tpu.vector_store %arg15[%parallel_loop3A_188, %parallel_loop3A_189], %parallel_loop3A_192 {strides = array<i32>} : memref<128x80xf32, #tpu.memory_space<vmem>>, vector<1x16xf32>,
          %parallel_loop3A_193 = arith.index_cast %parallel_loop3A_140 : i32 to index
          %parallel_loop3A_194 = arith.constant 48 : index
          %parallel_loop3A_195 = tpu.vector_load %arg15[%parallel_loop3A_193, %parallel_loop3A_194] {strides = array<i32>} : memref<128x80xf32, #tpu.memory_space<vmem>>, vector<1x16xf32>,
          %parallel_loop3A_196 = vector.shape_cast %parallel_loop3A_195 : vector<1x16xf32> to vector<16xf32>
          %parallel_loop3A_197 = arith.mulf %parallel_loop3A_196, %parallel_loop3A_162 : vector<16xf32>
          %parallel_loop3A_198 = arith.index_cast %parallel_loop3A_140 : i32 to index
          %parallel_loop3A_199 = arith.constant 48 : index
          %parallel_loop3A_200 = tpu.vector_load %arg15[%parallel_loop3A_198, %parallel_loop3A_199] {strides = array<i32>} : memref<128x80xf32, #tpu.memory_space<vmem>>, vector<1x16xf32>,
          %parallel_loop3A_201 = vector.shape_cast %parallel_loop3A_200 : vector<1x16xf32> to vector<16xf32>
          %parallel_loop3A_202 = vector.shape_cast %parallel_loop3A_197 : vector<16xf32> to vector<1x16xf32>
          tpu.vector_store %arg15[%parallel_loop3A_198, %parallel_loop3A_199], %parallel_loop3A_202 {strides = array<i32>} : memref<128x80xf32, #tpu.memory_space<vmem>>, vector<1x16xf32>,
        } {sc.loop_unroll_factor = 4 : i64, sc.parallel_access}
        %dma_start3A_128 = arith.constant 0 : i32
        %dma_start3A_129 = tpu.memref_slice %arg13[%add3A_102, %dma_start3A_128] : memref<79x128xi32, #tpu.memory_space<vmem>> -> memref<1x128xi32, #tpu.memory_space<vmem>>
        %dma_start3A_130 = tpu.memref_squeeze %dma_start3A_129 : memref<1x128xi32, #tpu.memory_space<vmem>> -> memref<128xi32, #tpu.memory_space<vmem>>
        %dma_start3A_131 = arith.constant 0 : i32
        %dma_start3A_132 = arith.constant 0 : i32
        %dma_start3A_133 = tpu.memref_slice %arg20[%dma_start3A_131, %dma_start3A_132] : memref<10000x80xf32, #tpu.memory_space<vmem_shared>> -> memref<10000x80xf32, #tpu.memory_space<vmem_shared>>
        tpu.enqueue_indirect_dma source(%arg15 : memref<128x80xf32, #tpu.memory_space<vmem>>) target(%dma_start3A_133 : memref<10000x80xf32, #tpu.memory_space<vmem_shared>>) offsets(%dma_start3A_130 : memref<128xi32, #tpu.memory_space<vmem>>) semaphore(%arg25 : memref<!tpu.dma_semaphore, #tpu.memory_space<semaphore_mem>>) {add = true}
        %dma_start3A_134 = arith.constant 0 : i32
        %dma_start3A_135 = tpu.memref_slice %arg13[%add3A_102, %dma_start3A_134] : memref<79x128xi32, #tpu.memory_space<vmem>> -> memref<1x128xi32, #tpu.memory_space<vmem>>
        %dma_start3A_136 = tpu.memref_squeeze %dma_start3A_135 : memref<1x128xi32, #tpu.memory_space<vmem>> -> memref<128xi32, #tpu.memory_space<vmem>>
        %dma_start3A_137 = arith.constant 0 : i32
        %dma_start3A_138 = arith.constant 0 : i32
        %dma_start3A_139 = tpu.memref_slice %arg21[%dma_start3A_137, %dma_start3A_138] : memref<10000x16xf32, #tpu.memory_space<vmem_shared>> -> memref<10000x16xf32, #tpu.memory_space<vmem_shared>>
        tpu.enqueue_indirect_dma source(%arg19 : memref<128x16xf32, #tpu.memory_space<vmem>>) target(%dma_start3A_139 : memref<10000x16xf32, #tpu.memory_space<vmem_shared>>) offsets(%dma_start3A_136 : memref<128xi32, #tpu.memory_space<vmem>>) semaphore(%arg25 : memref<!tpu.dma_semaphore, #tpu.memory_space<semaphore_mem>>) {add = true}
      } else {
      }
    }
    %scan3A_32 = arith.constant 40 : i32
    %jit3A_33 = arith.constant 2 : i32
    %eq3A_34 = arith.constant 0 : i32
    %eq3A_35 = arith.cmpi eq, %jit3A_33, %eq3A_34 : i32
    %jit3A_36 = arith.constant 1 : i32
    %select_n3A_37 = arith.select %eq3A_35, %jit3A_36, %jit3A_33 : i32
    %rem3A = arith.remsi %add3A_4, %select_n3A_37 : i32
    %ne3A = arith.constant 0 : i32
    %ne3A_38 = arith.cmpi ne, %rem3A, %ne3A : i32
    %lt3A_39 = arith.constant 0 : i32
    %lt3A_40 = arith.cmpi slt, %rem3A, %lt3A_39 : i32
    %lt3A_41 = arith.constant 0 : i32
    %lt3A_42 = arith.cmpi slt, %select_n3A_37, %lt3A_41 : i32
    %ne3A_43 = arith.xori %lt3A_40, %lt3A_42 : i1
    %and3A_44 = arith.andi %ne3A_43, %ne3A_38 : i1
    %add3A_45 = arith.addi %rem3A, %select_n3A_37 : i32
    %select_n3A_46 = arith.select %and3A_44, %add3A_45, %rem3A : i32
    %eq3A_47 = arith.constant 1 : i32
    %eq3A_48 = arith.cmpi eq, %select_n3A_46, %eq3A_47 : i32
    %convert_element_type3A_49 = arith.extui %eq3A_48 : i1 to i32
    %cond3A_50 = arith.constant 0 : i32
    %cond3A_51 = arith.cmpi ne, %convert_element_type3A_49, %cond3A_50 : i32
    scf.if %cond3A_51 {
      %dma_wait3A = arith.constant 0 : i32
      %dma_wait3A_84 = arith.constant 0 : i32
      %dma_wait3A_85 = tpu.memref_slice %arg13[%dma_wait3A, %dma_wait3A_84] : memref<79x128xi32, #tpu.memory_space<vmem>> -> memref<1x128xi32, #tpu.memory_space<vmem>>
      %dma_wait3A_86 = tpu.memref_squeeze %dma_wait3A_85 : memref<1x128xi32, #tpu.memory_space<vmem>> -> memref<128xi32, #tpu.memory_space<vmem>>
      %dma_wait3A_87 = arith.constant 0 : i32
      %dma_wait3A_88 = arith.constant 0 : i32
      %dma_wait3A_89 = tpu.memref_slice %arg20[%dma_wait3A_87, %dma_wait3A_88] : memref<10000x80xf32, #tpu.memory_space<vmem_shared>> -> memref<10000x80xf32, #tpu.memory_space<vmem_shared>>
      tpu.wait_indirect_dma semaphore(%arg24 : memref<!tpu.dma_semaphore, #tpu.memory_space<semaphore_mem>>) src(%arg14 : memref<128x80xf32, #tpu.memory_space<vmem>>) dst(%dma_wait3A_89 : memref<10000x80xf32, #tpu.memory_space<vmem_shared>>)
      %dma_wait3A_90 = arith.constant 0 : i32
      %dma_wait3A_91 = arith.constant 0 : i32
      %dma_wait3A_92 = tpu.memref_slice %arg13[%dma_wait3A_90, %dma_wait3A_91] : memref<79x128xi32, #tpu.memory_space<vmem>> -> memref<1x128xi32, #tpu.memory_space<vmem>>
      %dma_wait3A_93 = tpu.memref_squeeze %dma_wait3A_92 : memref<1x128xi32, #tpu.memory_space<vmem>> -> memref<128xi32, #tpu.memory_space<vmem>>
      %dma_wait3A_94 = arith.constant 0 : i32
      %dma_wait3A_95 = arith.constant 0 : i32
      %dma_wait3A_96 = tpu.memref_slice %arg21[%dma_wait3A_94, %dma_wait3A_95] : memref<10000x16xf32, #tpu.memory_space<vmem_shared>> -> memref<10000x16xf32, #tpu.memory_space<vmem_shared>>
      tpu.wait_indirect_dma semaphore(%arg24 : memref<!tpu.dma_semaphore, #tpu.memory_space<semaphore_mem>>) src(%arg18 : memref<128x16xf32, #tpu.memory_space<vmem>>) dst(%dma_wait3A_96 : memref<10000x16xf32, #tpu.memory_space<vmem_shared>>)
    } else {
    }
    %jit3A_52 = arith.constant 2 : i32
    %eq3A_53 = arith.constant 0 : i32
    %eq3A_54 = arith.cmpi eq, %jit3A_52, %eq3A_53 : i32
    %jit3A_55 = arith.constant 1 : i32
    %select_n3A_56 = arith.select %eq3A_54, %jit3A_55, %jit3A_52 : i32
    %rem3A_57 = arith.remsi %add3A_4, %select_n3A_56 : i32
    %ne3A_58 = arith.constant 0 : i32
    %ne3A_59 = arith.cmpi ne, %rem3A_57, %ne3A_58 : i32
    %lt3A_60 = arith.constant 0 : i32
    %lt3A_61 = arith.cmpi slt, %rem3A_57, %lt3A_60 : i32
    %lt3A_62 = arith.constant 0 : i32
    %lt3A_63 = arith.cmpi slt, %select_n3A_56, %lt3A_62 : i32
    %ne3A_64 = arith.xori %lt3A_61, %lt3A_63 : i1
    %and3A_65 = arith.andi %ne3A_64, %ne3A_59 : i1
    %add3A_66 = arith.addi %rem3A_57, %select_n3A_56 : i32
    %select_n3A_67 = arith.select %and3A_65, %add3A_66, %rem3A_57 : i32
    %eq3A_68 = arith.constant 0 : i32
    %eq3A_69 = arith.cmpi eq, %select_n3A_67, %eq3A_68 : i32
    %convert_element_type3A_70 = arith.extui %eq3A_69 : i1 to i32
    %cond3A_71 = arith.constant 0 : i32
    %cond3A_72 = arith.cmpi ne, %convert_element_type3A_70, %cond3A_71 : i32
    scf.if %cond3A_72 {
      %dma_wait3A = arith.constant 0 : i32
      %dma_wait3A_84 = arith.constant 0 : i32
      %dma_wait3A_85 = tpu.memref_slice %arg13[%dma_wait3A, %dma_wait3A_84] : memref<79x128xi32, #tpu.memory_space<vmem>> -> memref<1x128xi32, #tpu.memory_space<vmem>>
      %dma_wait3A_86 = tpu.memref_squeeze %dma_wait3A_85 : memref<1x128xi32, #tpu.memory_space<vmem>> -> memref<128xi32, #tpu.memory_space<vmem>>
      %dma_wait3A_87 = arith.constant 0 : i32
      %dma_wait3A_88 = arith.constant 0 : i32
      %dma_wait3A_89 = tpu.memref_slice %arg20[%dma_wait3A_87, %dma_wait3A_88] : memref<10000x80xf32, #tpu.memory_space<vmem_shared>> -> memref<10000x80xf32, #tpu.memory_space<vmem_shared>>
      tpu.wait_indirect_dma semaphore(%arg25 : memref<!tpu.dma_semaphore, #tpu.memory_space<semaphore_mem>>) src(%arg15 : memref<128x80xf32, #tpu.memory_space<vmem>>) dst(%dma_wait3A_89 : memref<10000x80xf32, #tpu.memory_space<vmem_shared>>)
      %dma_wait3A_90 = arith.constant 0 : i32
      %dma_wait3A_91 = arith.constant 0 : i32
      %dma_wait3A_92 = tpu.memref_slice %arg13[%dma_wait3A_90, %dma_wait3A_91] : memref<79x128xi32, #tpu.memory_space<vmem>> -> memref<1x128xi32, #tpu.memory_space<vmem>>
      %dma_wait3A_93 = tpu.memref_squeeze %dma_wait3A_92 : memref<1x128xi32, #tpu.memory_space<vmem>> -> memref<128xi32, #tpu.memory_space<vmem>>
      %dma_wait3A_94 = arith.constant 0 : i32
      %dma_wait3A_95 = arith.constant 0 : i32
      %dma_wait3A_96 = tpu.memref_slice %arg21[%dma_wait3A_94, %dma_wait3A_95] : memref<10000x16xf32, #tpu.memory_space<vmem_shared>> -> memref<10000x16xf32, #tpu.memory_space<vmem_shared>>
      tpu.wait_indirect_dma semaphore(%arg25 : memref<!tpu.dma_semaphore, #tpu.memory_space<semaphore_mem>>) src(%arg19 : memref<128x16xf32, #tpu.memory_space<vmem>>) dst(%dma_wait3A_96 : memref<10000x16xf32, #tpu.memory_space<vmem_shared>>)
    } else {
    }
    %barrier3A_73 = arith.constant 0 : index
    tpu.barrier barrier_id(%barrier3A_73)
    %eq3A_74 = arith.constant 0 : i32
    %eq3A_75 = arith.cmpi eq, %arg0, %eq3A_74 : i32
    %convert_element_type3A_76 = arith.extui %eq3A_75 : i1 to i32
    %cond3A_77 = arith.constant 0 : i32
    %cond3A_78 = arith.cmpi ne, %convert_element_type3A_76, %cond3A_77 : i32
    scf.if %cond3A_78 {
      "tpu.region"() ({
        %run_scoped3A = tpu.sem_alloc : memref<!tpu.dma_semaphore, #tpu.memory_space<semaphore_mem>>
        %dma_start3A_94 = arith.constant 0 : i32
        %dma_start3A_95 = tpu.memref_slice %arg8[%mul3A_10, %dma_start3A_94] : memref<10000x80xf32, #tpu.memory_space<hbm>> -> memref<624x80xf32, #tpu.memory_space<hbm>>
        %dma_start3A_96 = arith.constant 0 : i32
        %dma_start3A_97 = tpu.memref_slice %arg20[%mul3A_10, %dma_start3A_96] : memref<10000x80xf32, #tpu.memory_space<vmem_shared>> -> memref<624x80xf32, #tpu.memory_space<vmem_shared>>
        tpu.enqueue_dma source(%dma_start3A_97 : memref<624x80xf32, #tpu.memory_space<vmem_shared>>) target(%dma_start3A_95 : memref<624x80xf32, #tpu.memory_space<hbm>>) target_semaphore(%run_scoped3A : memref<!tpu.dma_semaphore, #tpu.memory_space<semaphore_mem>>)
        %dma_wait3A = arith.constant 0 : i32
        %dma_wait3A_98 = tpu.memref_slice %arg8[%mul3A_10, %dma_wait3A] : memref<10000x80xf32, #tpu.memory_space<hbm>> -> memref<624x80xf32, #tpu.memory_space<hbm>>
        %dma_wait3A_99 = arith.constant 0 : i32
        %dma_wait3A_100 = tpu.memref_slice %arg20[%mul3A_10, %dma_wait3A_99] : memref<10000x80xf32, #tpu.memory_space<vmem_shared>> -> memref<624x80xf32, #tpu.memory_space<vmem_shared>>
        tpu.wait_dma2 semaphore(%run_scoped3A : memref<!tpu.dma_semaphore, #tpu.memory_space<semaphore_mem>>) src(%dma_wait3A_100 : memref<624x80xf32, #tpu.memory_space<vmem_shared>>) dst(%dma_wait3A_98 : memref<624x80xf32, #tpu.memory_space<hbm>>)
        tpu.yield
      }) : () -> ()
      %eq3A_84 = arith.constant 15 : i32
      %eq3A_85 = arith.cmpi eq, %arg1, %eq3A_84 : i32
      %convert_element_type3A_86 = arith.extui %eq3A_85 : i1 to i32
      %cond3A_87 = arith.constant 0 : i32
      %cond3A_88 = arith.cmpi ne, %convert_element_type3A_86, %cond3A_87 : i32
      scf.if %cond3A_88 {
        "tpu.region"() ({
          %run_scoped3A = tpu.sem_alloc : memref<!tpu.dma_semaphore, #tpu.memory_space<semaphore_mem>>
          %dma_start3A_94 = arith.constant 9984 : i32
          %dma_start3A_95 = arith.constant 0 : i32
          %dma_start3A_96 = tpu.memref_slice %arg8[%dma_start3A_94, %dma_start3A_95] : memref<10000x80xf32, #tpu.memory_space<hbm>> -> memref<16x80xf32, #tpu.memory_space<hbm>>
          %dma_start3A_97 = arith.constant 9984 : i32
          %dma_start3A_98 = arith.constant 0 : i32
          %dma_start3A_99 = tpu.memref_slice %arg20[%dma_start3A_97, %dma_start3A_98] : memref<10000x80xf32, #tpu.memory_space<vmem_shared>> -> memref<16x80xf32, #tpu.memory_space<vmem_shared>>
          tpu.enqueue_dma source(%dma_start3A_99 : memref<16x80xf32, #tpu.memory_space<vmem_shared>>) target(%dma_start3A_96 : memref<16x80xf32, #tpu.memory_space<hbm>>) target_semaphore(%run_scoped3A : memref<!tpu.dma_semaphore, #tpu.memory_space<semaphore_mem>>)
          %dma_wait3A = arith.constant 9984 : i32
          %dma_wait3A_100 = arith.constant 0 : i32
          %dma_wait3A_101 = tpu.memref_slice %arg8[%dma_wait3A, %dma_wait3A_100] : memref<10000x80xf32, #tpu.memory_space<hbm>> -> memref<16x80xf32, #tpu.memory_space<hbm>>
          %dma_wait3A_102 = arith.constant 9984 : i32
          %dma_wait3A_103 = arith.constant 0 : i32
          %dma_wait3A_104 = tpu.memref_slice %arg20[%dma_wait3A_102, %dma_wait3A_103] : memref<10000x80xf32, #tpu.memory_space<vmem_shared>> -> memref<16x80xf32, #tpu.memory_space<vmem_shared>>
          tpu.wait_dma2 semaphore(%run_scoped3A : memref<!tpu.dma_semaphore, #tpu.memory_space<semaphore_mem>>) src(%dma_wait3A_104 : memref<16x80xf32, #tpu.memory_space<vmem_shared>>) dst(%dma_wait3A_101 : memref<16x80xf32, #tpu.memory_space<hbm>>)
          tpu.yield
        }) : () -> ()
      } else {
      }
      "tpu.region"() ({
        %run_scoped3A = tpu.sem_alloc : memref<!tpu.dma_semaphore, #tpu.memory_space<semaphore_mem>>
        %dma_start3A_94 = arith.constant 0 : i32
        %dma_start3A_95 = tpu.memref_slice %arg10[%mul3A_10, %dma_start3A_94] : memref<10000x16xf32, #tpu.memory_space<hbm>> -> memref<624x16xf32, #tpu.memory_space<hbm>>
        %dma_start3A_96 = arith.constant 0 : i32
        %dma_start3A_97 = tpu.memref_slice %arg21[%mul3A_10, %dma_start3A_96] : memref<10000x16xf32, #tpu.memory_space<vmem_shared>> -> memref<624x16xf32, #tpu.memory_space<vmem_shared>>
        tpu.enqueue_dma source(%dma_start3A_97 : memref<624x16xf32, #tpu.memory_space<vmem_shared>>) target(%dma_start3A_95 : memref<624x16xf32, #tpu.memory_space<hbm>>) target_semaphore(%run_scoped3A : memref<!tpu.dma_semaphore, #tpu.memory_space<semaphore_mem>>)
        %dma_wait3A = arith.constant 0 : i32
        %dma_wait3A_98 = tpu.memref_slice %arg10[%mul3A_10, %dma_wait3A] : memref<10000x16xf32, #tpu.memory_space<hbm>> -> memref<624x16xf32, #tpu.memory_space<hbm>>
        %dma_wait3A_99 = arith.constant 0 : i32
        %dma_wait3A_100 = tpu.memref_slice %arg21[%mul3A_10, %dma_wait3A_99] : memref<10000x16xf32, #tpu.memory_space<vmem_shared>> -> memref<624x16xf32, #tpu.memory_space<vmem_shared>>
        tpu.wait_dma2 semaphore(%run_scoped3A : memref<!tpu.dma_semaphore, #tpu.memory_space<semaphore_mem>>) src(%dma_wait3A_100 : memref<624x16xf32, #tpu.memory_space<vmem_shared>>) dst(%dma_wait3A_98 : memref<624x16xf32, #tpu.memory_space<hbm>>)
        tpu.yield
      }) : () -> ()
      %eq3A_89 = arith.constant 15 : i32
      %eq3A_90 = arith.cmpi eq, %arg1, %eq3A_89 : i32
      %convert_element_type3A_91 = arith.extui %eq3A_90 : i1 to i32
      %cond3A_92 = arith.constant 0 : i32
      %cond3A_93 = arith.cmpi ne, %convert_element_type3A_91, %cond3A_92 : i32
      scf.if %cond3A_93 {
        "tpu.region"() ({
          %run_scoped3A = tpu.sem_alloc : memref<!tpu.dma_semaphore, #tpu.memory_space<semaphore_mem>>
          %dma_start3A_94 = arith.constant 9984 : i32
          %dma_start3A_95 = arith.constant 0 : i32
          %dma_start3A_96 = tpu.memref_slice %arg10[%dma_start3A_94, %dma_start3A_95] : memref<10000x16xf32, #tpu.memory_space<hbm>> -> memref<16x16xf32, #tpu.memory_space<hbm>>
          %dma_start3A_97 = arith.constant 9984 : i32
          %dma_start3A_98 = arith.constant 0 : i32
          %dma_start3A_99 = tpu.memref_slice %arg21[%dma_start3A_97, %dma_start3A_98] : memref<10000x16xf32, #tpu.memory_space<vmem_shared>> -> memref<16x16xf32, #tpu.memory_space<vmem_shared>>
          tpu.enqueue_dma source(%dma_start3A_99 : memref<16x16xf32, #tpu.memory_space<vmem_shared>>) target(%dma_start3A_96 : memref<16x16xf32, #tpu.memory_space<hbm>>) target_semaphore(%run_scoped3A : memref<!tpu.dma_semaphore, #tpu.memory_space<semaphore_mem>>)
          %dma_wait3A = arith.constant 9984 : i32
          %dma_wait3A_100 = arith.constant 0 : i32
          %dma_wait3A_101 = tpu.memref_slice %arg10[%dma_wait3A, %dma_wait3A_100] : memref<10000x16xf32, #tpu.memory_space<hbm>> -> memref<16x16xf32, #tpu.memory_space<hbm>>
          %dma_wait3A_102 = arith.constant 9984 : i32
          %dma_wait3A_103 = arith.constant 0 : i32
          %dma_wait3A_104 = tpu.memref_slice %arg21[%dma_wait3A_102, %dma_wait3A_103] : memref<10000x16xf32, #tpu.memory_space<vmem_shared>> -> memref<16x16xf32, #tpu.memory_space<vmem_shared>>
          tpu.wait_dma2 semaphore(%run_scoped3A : memref<!tpu.dma_semaphore, #tpu.memory_space<semaphore_mem>>) src(%dma_wait3A_104 : memref<16x16xf32, #tpu.memory_space<vmem_shared>>) dst(%dma_wait3A_101 : memref<16x16xf32, #tpu.memory_space<hbm>>)
          tpu.yield
        }) : () -> ()
      } else {
      }
    } else {
    }
    %eq3A_79 = arith.constant 1 : i32
    %eq3A_80 = arith.cmpi eq, %arg0, %eq3A_79 : i32
    %convert_element_type3A_81 = arith.extui %eq3A_80 : i1 to i32
    %cond3A_82 = arith.constant 0 : i32
    %cond3A_83 = arith.cmpi ne, %convert_element_type3A_81, %cond3A_82 : i32
    scf.if %cond3A_83 {
      "tpu.region"() ({
        %run_scoped3A = tpu.sem_alloc : memref<!tpu.dma_semaphore, #tpu.memory_space<semaphore_mem>>
        %dma_start3A_94 = arith.constant 0 : i32
        %dma_start3A_95 = tpu.memref_slice %arg9[%mul3A_10, %dma_start3A_94] : memref<10000x80xf32, #tpu.memory_space<hbm>> -> memref<624x80xf32, #tpu.memory_space<hbm>>
        %dma_start3A_96 = arith.constant 0 : i32
        %dma_start3A_97 = tpu.memref_slice %arg20[%mul3A_10, %dma_start3A_96] : memref<10000x80xf32, #tpu.memory_space<vmem_shared>> -> memref<624x80xf32, #tpu.memory_space<vmem_shared>>
        tpu.enqueue_dma source(%dma_start3A_97 : memref<624x80xf32, #tpu.memory_space<vmem_shared>>) target(%dma_start3A_95 : memref<624x80xf32, #tpu.memory_space<hbm>>) target_semaphore(%run_scoped3A : memref<!tpu.dma_semaphore, #tpu.memory_space<semaphore_mem>>)
        %dma_wait3A = arith.constant 0 : i32
        %dma_wait3A_98 = tpu.memref_slice %arg9[%mul3A_10, %dma_wait3A] : memref<10000x80xf32, #tpu.memory_space<hbm>> -> memref<624x80xf32, #tpu.memory_space<hbm>>
        %dma_wait3A_99 = arith.constant 0 : i32
        %dma_wait3A_100 = tpu.memref_slice %arg20[%mul3A_10, %dma_wait3A_99] : memref<10000x80xf32, #tpu.memory_space<vmem_shared>> -> memref<624x80xf32, #tpu.memory_space<vmem_shared>>
        tpu.wait_dma2 semaphore(%run_scoped3A : memref<!tpu.dma_semaphore, #tpu.memory_space<semaphore_mem>>) src(%dma_wait3A_100 : memref<624x80xf32, #tpu.memory_space<vmem_shared>>) dst(%dma_wait3A_98 : memref<624x80xf32, #tpu.memory_space<hbm>>)
        tpu.yield
      }) : () -> ()
      %eq3A_84 = arith.constant 15 : i32
      %eq3A_85 = arith.cmpi eq, %arg1, %eq3A_84 : i32
      %convert_element_type3A_86 = arith.extui %eq3A_85 : i1 to i32
      %cond3A_87 = arith.constant 0 : i32
      %cond3A_88 = arith.cmpi ne, %convert_element_type3A_86, %cond3A_87 : i32
      scf.if %cond3A_88 {
        "tpu.region"() ({
          %run_scoped3A = tpu.sem_alloc : memref<!tpu.dma_semaphore, #tpu.memory_space<semaphore_mem>>
          %dma_start3A_94 = arith.constant 9984 : i32
          %dma_start3A_95 = arith.constant 0 : i32
          %dma_start3A_96 = tpu.memref_slice %arg9[%dma_start3A_94, %dma_start3A_95] : memref<10000x80xf32, #tpu.memory_space<hbm>> -> memref<16x80xf32, #tpu.memory_space<hbm>>
          %dma_start3A_97 = arith.constant 9984 : i32
          %dma_start3A_98 = arith.constant 0 : i32
          %dma_start3A_99 = tpu.memref_slice %arg20[%dma_start3A_97, %dma_start3A_98] : memref<10000x80xf32, #tpu.memory_space<vmem_shared>> -> memref<16x80xf32, #tpu.memory_space<vmem_shared>>
          tpu.enqueue_dma source(%dma_start3A_99 : memref<16x80xf32, #tpu.memory_space<vmem_shared>>) target(%dma_start3A_96 : memref<16x80xf32, #tpu.memory_space<hbm>>) target_semaphore(%run_scoped3A : memref<!tpu.dma_semaphore, #tpu.memory_space<semaphore_mem>>)
          %dma_wait3A = arith.constant 9984 : i32
          %dma_wait3A_100 = arith.constant 0 : i32
          %dma_wait3A_101 = tpu.memref_slice %arg9[%dma_wait3A, %dma_wait3A_100] : memref<10000x80xf32, #tpu.memory_space<hbm>> -> memref<16x80xf32, #tpu.memory_space<hbm>>
          %dma_wait3A_102 = arith.constant 9984 : i32
          %dma_wait3A_103 = arith.constant 0 : i32
          %dma_wait3A_104 = tpu.memref_slice %arg20[%dma_wait3A_102, %dma_wait3A_103] : memref<10000x80xf32, #tpu.memory_space<vmem_shared>> -> memref<16x80xf32, #tpu.memory_space<vmem_shared>>
          tpu.wait_dma2 semaphore(%run_scoped3A : memref<!tpu.dma_semaphore, #tpu.memory_space<semaphore_mem>>) src(%dma_wait3A_104 : memref<16x80xf32, #tpu.memory_space<vmem_shared>>) dst(%dma_wait3A_101 : memref<16x80xf32, #tpu.memory_space<hbm>>)
          tpu.yield
        }) : () -> ()
      } else {
      }
      "tpu.region"() ({
        %run_scoped3A = tpu.sem_alloc : memref<!tpu.dma_semaphore, #tpu.memory_space<semaphore_mem>>
        %dma_start3A_94 = arith.constant 0 : i32
        %dma_start3A_95 = tpu.memref_slice %arg11[%mul3A_10, %dma_start3A_94] : memref<10000x16xf32, #tpu.memory_space<hbm>> -> memref<624x16xf32, #tpu.memory_space<hbm>>
        %dma_start3A_96 = arith.constant 0 : i32
        %dma_start3A_97 = tpu.memref_slice %arg21[%mul3A_10, %dma_start3A_96] : memref<10000x16xf32, #tpu.memory_space<vmem_shared>> -> memref<624x16xf32, #tpu.memory_space<vmem_shared>>
        tpu.enqueue_dma source(%dma_start3A_97 : memref<624x16xf32, #tpu.memory_space<vmem_shared>>) target(%dma_start3A_95 : memref<624x16xf32, #tpu.memory_space<hbm>>) target_semaphore(%run_scoped3A : memref<!tpu.dma_semaphore, #tpu.memory_space<semaphore_mem>>)
        %dma_wait3A = arith.constant 0 : i32
        %dma_wait3A_98 = tpu.memref_slice %arg11[%mul3A_10, %dma_wait3A] : memref<10000x16xf32, #tpu.memory_space<hbm>> -> memref<624x16xf32, #tpu.memory_space<hbm>>
        %dma_wait3A_99 = arith.constant 0 : i32
        %dma_wait3A_100 = tpu.memref_slice %arg21[%mul3A_10, %dma_wait3A_99] : memref<10000x16xf32, #tpu.memory_space<vmem_shared>> -> memref<624x16xf32, #tpu.memory_space<vmem_shared>>
        tpu.wait_dma2 semaphore(%run_scoped3A : memref<!tpu.dma_semaphore, #tpu.memory_space<semaphore_mem>>) src(%dma_wait3A_100 : memref<624x16xf32, #tpu.memory_space<vmem_shared>>) dst(%dma_wait3A_98 : memref<624x16xf32, #tpu.memory_space<hbm>>)
        tpu.yield
      }) : () -> ()
      %eq3A_89 = arith.constant 15 : i32
      %eq3A_90 = arith.cmpi eq, %arg1, %eq3A_89 : i32
      %convert_element_type3A_91 = arith.extui %eq3A_90 : i1 to i32
      %cond3A_92 = arith.constant 0 : i32
      %cond3A_93 = arith.cmpi ne, %convert_element_type3A_91, %cond3A_92 : i32
      scf.if %cond3A_93 {
        "tpu.region"() ({
          %run_scoped3A = tpu.sem_alloc : memref<!tpu.dma_semaphore, #tpu.memory_space<semaphore_mem>>
          %dma_start3A_94 = arith.constant 9984 : i32
          %dma_start3A_95 = arith.constant 0 : i32
          %dma_start3A_96 = tpu.memref_slice %arg11[%dma_start3A_94, %dma_start3A_95] : memref<10000x16xf32, #tpu.memory_space<hbm>> -> memref<16x16xf32, #tpu.memory_space<hbm>>
          %dma_start3A_97 = arith.constant 9984 : i32
          %dma_start3A_98 = arith.constant 0 : i32
          %dma_start3A_99 = tpu.memref_slice %arg21[%dma_start3A_97, %dma_start3A_98] : memref<10000x16xf32, #tpu.memory_space<vmem_shared>> -> memref<16x16xf32, #tpu.memory_space<vmem_shared>>
          tpu.enqueue_dma source(%dma_start3A_99 : memref<16x16xf32, #tpu.memory_space<vmem_shared>>) target(%dma_start3A_96 : memref<16x16xf32, #tpu.memory_space<hbm>>) target_semaphore(%run_scoped3A : memref<!tpu.dma_semaphore, #tpu.memory_space<semaphore_mem>>)
          %dma_wait3A = arith.constant 9984 : i32
          %dma_wait3A_100 = arith.constant 0 : i32
          %dma_wait3A_101 = tpu.memref_slice %arg11[%dma_wait3A, %dma_wait3A_100] : memref<10000x16xf32, #tpu.memory_space<hbm>> -> memref<16x16xf32, #tpu.memory_space<hbm>>
          %dma_wait3A_102 = arith.constant 9984 : i32
          %dma_wait3A_103 = arith.constant 0 : i32
          %dma_wait3A_104 = tpu.memref_slice %arg21[%dma_wait3A_102, %dma_wait3A_103] : memref<10000x16xf32, #tpu.memory_space<vmem_shared>> -> memref<16x16xf32, #tpu.memory_space<vmem_shared>>
          tpu.wait_dma2 semaphore(%run_scoped3A : memref<!tpu.dma_semaphore, #tpu.memory_space<semaphore_mem>>) src(%dma_wait3A_104 : memref<16x16xf32, #tpu.memory_space<vmem_shared>>) dst(%dma_wait3A_101 : memref<16x16xf32, #tpu.memory_space<hbm>>)
          tpu.yield
        }) : () -> ()
      } else {
      }
    } else {
    }
    return
  }
}

#map = affine_map<(d0, d1) -> (0, 0)>
#map1 = affine_map<(d0, d1) -> (0)>
module attributes {stable_mosaic.version = 14 : i64} {
  func.func @sc_decode(%arg0: i32, %arg1: i32, %arg2: memref<10000x80xf32, #tpu.memory_space<hbm>>, %arg3: memref<10000x80xf32, #tpu.memory_space<hbm>>, %arg4: memref<10000x16xf32, #tpu.memory_space<hbm>>, %arg5: memref<10000x16xf32, #tpu.memory_space<hbm>>, %arg6: memref<10000x80xf32, #tpu.memory_space<hbm>>, %arg7: memref<10000x16xf32, #tpu.memory_space<hbm>>, %arg8: memref<64xf32, #tpu.memory_space<hbm>>, %arg9: memref<640x128xi32, #tpu.memory_space<hbm>>, %arg10: memref<640x128xi32, #tpu.memory_space<hbm>>, %arg11: memref<80000xf32, #tpu.memory_space<hbm>>, %arg12: memref<20x128xi32, #tpu.memory_space<vmem>>, %arg13: memref<20x128xi32, #tpu.memory_space<vmem>>, %arg14: memref<128x64xf32, #tpu.memory_space<vmem>>, %arg15: memref<128x64xf32, #tpu.memory_space<vmem>>, %arg16: memref<128x64xf32, #tpu.memory_space<vmem>>, %arg17: memref<128x64xf32, #tpu.memory_space<vmem>>, %arg18: memref<128xf32, #tpu.memory_space<vmem>>, %arg19: memref<128xf32, #tpu.memory_space<vmem>>, %arg20: memref<125x80xf32, #tpu.memory_space<vmem>>, %arg21: memref<125x80xf32, #tpu.memory_space<vmem>>, %arg22: memref<125x80xf32, #tpu.memory_space<vmem>>, %arg23: memref<125x16xf32, #tpu.memory_space<vmem>>, %arg24: memref<125x16xf32, #tpu.memory_space<vmem>>, %arg25: memref<125x16xf32, #tpu.memory_space<vmem>>, %arg26: memref<125x64xf32, #tpu.memory_space<vmem>>, %arg27: memref<64xf32, #tpu.memory_space<vmem>>, %arg28: memref<10000x64xf32, #tpu.memory_space<vmem_shared>>, %arg29: memref<!tpu.dma_semaphore, #tpu.memory_space<semaphore_mem>>, %arg30: memref<!tpu.dma_semaphore, #tpu.memory_space<semaphore_mem>>, %arg31: memref<!tpu.dma_semaphore, #tpu.memory_space<semaphore_mem>>, %arg32: memref<!tpu.dma_semaphore, #tpu.memory_space<semaphore_mem>>) attributes {dimension_semantics = [#tpu.dimension_semantics<core_parallel>, #tpu.dimension_semantics<subcore_parallel>], iteration_bounds = array<i64: 2, 16>, scalar_prefetch = 0 : i64, scratch_operands = 21 : i64, tpu.core_type = #tpu.core_type<sc_vector_subcore>, window_params = [{transform_indices = #map}, {transform_indices = #map}, {transform_indices = #map}, {transform_indices = #map}, {transform_indices = #map}, {transform_indices = #map}, {transform_indices = #map1}, {transform_indices = #map}, {transform_indices = #map}, {transform_indices = #map1}]} {
    %mul3A = arith.constant 2 : i32
    %mul3A_0 = arith.muli %arg1, %mul3A : i32
    %add3A = arith.addi %mul3A_0, %arg0 : i32
    "tpu.region"() ({
      %run_scoped3A = tpu.sem_alloc : memref<!tpu.dma_semaphore, #tpu.memory_space<semaphore_mem>>
      tpu.enqueue_dma source(%arg8 : memref<64xf32, #tpu.memory_space<hbm>>) target(%arg27 : memref<64xf32, #tpu.memory_space<vmem>>) target_semaphore(%run_scoped3A : memref<!tpu.dma_semaphore, #tpu.memory_space<semaphore_mem>>)
      tpu.wait_dma2 semaphore(%run_scoped3A : memref<!tpu.dma_semaphore, #tpu.memory_space<semaphore_mem>>) src(%arg8 : memref<64xf32, #tpu.memory_space<hbm>>) dst(%arg27 : memref<64xf32, #tpu.memory_space<vmem>>)
      tpu.yield
    }) : () -> ()
    %scan3A = arith.constant 0 : i32
    %scan3A_1 = arith.constant 0 : i32
    %scan3A_2 = arith.constant 5 : i32
    %scan3A_3 = arith.addi %scan3A_1, %scan3A_2 : i32
    %scan3A_4 = arith.constant 1 : i32
    scf.for %scan3A_40 = %scan3A_1 to %scan3A_3 step %scan3A_4  : i32 {
      %mul3A_41 = arith.constant 625 : i32
      %mul3A_42 = arith.muli %arg1, %mul3A_41 : i32
      %mul3A_43 = arith.constant 125 : i32
      %mul3A_44 = arith.muli %scan3A_40, %mul3A_43 : i32
      %add3A_45 = arith.addi %mul3A_42, %mul3A_44 : i32
      "tpu.region"() ({
        %run_scoped3A = tpu.sem_alloc : memref<!tpu.dma_semaphore, #tpu.memory_space<semaphore_mem>>
        %dma_start3A_48 = arith.constant 0 : i32
        %dma_start3A_49 = tpu.memref_slice %arg2[%add3A_45, %dma_start3A_48] : memref<10000x80xf32, #tpu.memory_space<hbm>> -> memref<125x80xf32, #tpu.memory_space<hbm>>
        %dma_start3A_50 = arith.constant 0 : i32
        %dma_start3A_51 = tpu.memref_slice %arg2[%add3A_45, %dma_start3A_50] : memref<10000x80xf32, #tpu.memory_space<hbm>> -> memref<125x80xf32, #tpu.memory_space<hbm>>
        tpu.enqueue_dma source(%dma_start3A_51 : memref<125x80xf32, #tpu.memory_space<hbm>>) target(%arg20 : memref<125x80xf32, #tpu.memory_space<vmem>>) target_semaphore(%run_scoped3A : memref<!tpu.dma_semaphore, #tpu.memory_space<semaphore_mem>>)
        %dma_wait3A_52 = arith.constant 0 : i32
        %dma_wait3A_53 = tpu.memref_slice %arg2[%add3A_45, %dma_wait3A_52] : memref<10000x80xf32, #tpu.memory_space<hbm>> -> memref<125x80xf32, #tpu.memory_space<hbm>>
        %dma_wait3A_54 = arith.constant 0 : i32
        %dma_wait3A_55 = tpu.memref_slice %arg2[%add3A_45, %dma_wait3A_54] : memref<10000x80xf32, #tpu.memory_space<hbm>> -> memref<125x80xf32, #tpu.memory_space<hbm>>
        tpu.wait_dma2 semaphore(%run_scoped3A : memref<!tpu.dma_semaphore, #tpu.memory_space<semaphore_mem>>) src(%dma_wait3A_55 : memref<125x80xf32, #tpu.memory_space<hbm>>) dst(%arg20 : memref<125x80xf32, #tpu.memory_space<vmem>>)
        tpu.yield
      }) : () -> ()
      "tpu.region"() ({
        %run_scoped3A = tpu.sem_alloc : memref<!tpu.dma_semaphore, #tpu.memory_space<semaphore_mem>>
        %dma_start3A_48 = arith.constant 0 : i32
        %dma_start3A_49 = tpu.memref_slice %arg3[%add3A_45, %dma_start3A_48] : memref<10000x80xf32, #tpu.memory_space<hbm>> -> memref<125x80xf32, #tpu.memory_space<hbm>>
        %dma_start3A_50 = arith.constant 0 : i32
        %dma_start3A_51 = tpu.memref_slice %arg3[%add3A_45, %dma_start3A_50] : memref<10000x80xf32, #tpu.memory_space<hbm>> -> memref<125x80xf32, #tpu.memory_space<hbm>>
        tpu.enqueue_dma source(%dma_start3A_51 : memref<125x80xf32, #tpu.memory_space<hbm>>) target(%arg21 : memref<125x80xf32, #tpu.memory_space<vmem>>) target_semaphore(%run_scoped3A : memref<!tpu.dma_semaphore, #tpu.memory_space<semaphore_mem>>)
        %dma_wait3A_52 = arith.constant 0 : i32
        %dma_wait3A_53 = tpu.memref_slice %arg3[%add3A_45, %dma_wait3A_52] : memref<10000x80xf32, #tpu.memory_space<hbm>> -> memref<125x80xf32, #tpu.memory_space<hbm>>
        %dma_wait3A_54 = arith.constant 0 : i32
        %dma_wait3A_55 = tpu.memref_slice %arg3[%add3A_45, %dma_wait3A_54] : memref<10000x80xf32, #tpu.memory_space<hbm>> -> memref<125x80xf32, #tpu.memory_space<hbm>>
        tpu.wait_dma2 semaphore(%run_scoped3A : memref<!tpu.dma_semaphore, #tpu.memory_space<semaphore_mem>>) src(%dma_wait3A_55 : memref<125x80xf32, #tpu.memory_space<hbm>>) dst(%arg21 : memref<125x80xf32, #tpu.memory_space<vmem>>)
        tpu.yield
      }) : () -> ()
      "tpu.region"() ({
        %run_scoped3A = tpu.sem_alloc : memref<!tpu.dma_semaphore, #tpu.memory_space<semaphore_mem>>
        %dma_start3A_48 = arith.constant 0 : i32
        %dma_start3A_49 = tpu.memref_slice %arg6[%add3A_45, %dma_start3A_48] : memref<10000x80xf32, #tpu.memory_space<hbm>> -> memref<125x80xf32, #tpu.memory_space<hbm>>
        %dma_start3A_50 = arith.constant 0 : i32
        %dma_start3A_51 = tpu.memref_slice %arg6[%add3A_45, %dma_start3A_50] : memref<10000x80xf32, #tpu.memory_space<hbm>> -> memref<125x80xf32, #tpu.memory_space<hbm>>
        tpu.enqueue_dma source(%dma_start3A_51 : memref<125x80xf32, #tpu.memory_space<hbm>>) target(%arg22 : memref<125x80xf32, #tpu.memory_space<vmem>>) target_semaphore(%run_scoped3A : memref<!tpu.dma_semaphore, #tpu.memory_space<semaphore_mem>>)
        %dma_wait3A_52 = arith.constant 0 : i32
        %dma_wait3A_53 = tpu.memref_slice %arg6[%add3A_45, %dma_wait3A_52] : memref<10000x80xf32, #tpu.memory_space<hbm>> -> memref<125x80xf32, #tpu.memory_space<hbm>>
        %dma_wait3A_54 = arith.constant 0 : i32
        %dma_wait3A_55 = tpu.memref_slice %arg6[%add3A_45, %dma_wait3A_54] : memref<10000x80xf32, #tpu.memory_space<hbm>> -> memref<125x80xf32, #tpu.memory_space<hbm>>
        tpu.wait_dma2 semaphore(%run_scoped3A : memref<!tpu.dma_semaphore, #tpu.memory_space<semaphore_mem>>) src(%dma_wait3A_55 : memref<125x80xf32, #tpu.memory_space<hbm>>) dst(%arg22 : memref<125x80xf32, #tpu.memory_space<vmem>>)
        tpu.yield
      }) : () -> ()
      "tpu.region"() ({
        %run_scoped3A = tpu.sem_alloc : memref<!tpu.dma_semaphore, #tpu.memory_space<semaphore_mem>>
        %dma_start3A_48 = arith.constant 0 : i32
        %dma_start3A_49 = tpu.memref_slice %arg7[%add3A_45, %dma_start3A_48] : memref<10000x16xf32, #tpu.memory_space<hbm>> -> memref<125x16xf32, #tpu.memory_space<hbm>>
        %dma_start3A_50 = arith.constant 0 : i32
        %dma_start3A_51 = tpu.memref_slice %arg7[%add3A_45, %dma_start3A_50] : memref<10000x16xf32, #tpu.memory_space<hbm>> -> memref<125x16xf32, #tpu.memory_space<hbm>>
        tpu.enqueue_dma source(%dma_start3A_51 : memref<125x16xf32, #tpu.memory_space<hbm>>) target(%arg23 : memref<125x16xf32, #tpu.memory_space<vmem>>) target_semaphore(%run_scoped3A : memref<!tpu.dma_semaphore, #tpu.memory_space<semaphore_mem>>)
        %dma_wait3A_52 = arith.constant 0 : i32
        %dma_wait3A_53 = tpu.memref_slice %arg7[%add3A_45, %dma_wait3A_52] : memref<10000x16xf32, #tpu.memory_space<hbm>> -> memref<125x16xf32, #tpu.memory_space<hbm>>
        %dma_wait3A_54 = arith.constant 0 : i32
        %dma_wait3A_55 = tpu.memref_slice %arg7[%add3A_45, %dma_wait3A_54] : memref<10000x16xf32, #tpu.memory_space<hbm>> -> memref<125x16xf32, #tpu.memory_space<hbm>>
        tpu.wait_dma2 semaphore(%run_scoped3A : memref<!tpu.dma_semaphore, #tpu.memory_space<semaphore_mem>>) src(%dma_wait3A_55 : memref<125x16xf32, #tpu.memory_space<hbm>>) dst(%arg23 : memref<125x16xf32, #tpu.memory_space<vmem>>)
        tpu.yield
      }) : () -> ()
      "tpu.region"() ({
        %run_scoped3A = tpu.sem_alloc : memref<!tpu.dma_semaphore, #tpu.memory_space<semaphore_mem>>
        %dma_start3A_48 = arith.constant 0 : i32
        %dma_start3A_49 = tpu.memref_slice %arg4[%add3A_45, %dma_start3A_48] : memref<10000x16xf32, #tpu.memory_space<hbm>> -> memref<125x16xf32, #tpu.memory_space<hbm>>
        %dma_start3A_50 = arith.constant 0 : i32
        %dma_start3A_51 = tpu.memref_slice %arg4[%add3A_45, %dma_start3A_50] : memref<10000x16xf32, #tpu.memory_space<hbm>> -> memref<125x16xf32, #tpu.memory_space<hbm>>
        tpu.enqueue_dma source(%dma_start3A_51 : memref<125x16xf32, #tpu.memory_space<hbm>>) target(%arg24 : memref<125x16xf32, #tpu.memory_space<vmem>>) target_semaphore(%run_scoped3A : memref<!tpu.dma_semaphore, #tpu.memory_space<semaphore_mem>>)
        %dma_wait3A_52 = arith.constant 0 : i32
        %dma_wait3A_53 = tpu.memref_slice %arg4[%add3A_45, %dma_wait3A_52] : memref<10000x16xf32, #tpu.memory_space<hbm>> -> memref<125x16xf32, #tpu.memory_space<hbm>>
        %dma_wait3A_54 = arith.constant 0 : i32
        %dma_wait3A_55 = tpu.memref_slice %arg4[%add3A_45, %dma_wait3A_54] : memref<10000x16xf32, #tpu.memory_space<hbm>> -> memref<125x16xf32, #tpu.memory_space<hbm>>
        tpu.wait_dma2 semaphore(%run_scoped3A : memref<!tpu.dma_semaphore, #tpu.memory_space<semaphore_mem>>) src(%dma_wait3A_55 : memref<125x16xf32, #tpu.memory_space<hbm>>) dst(%arg24 : memref<125x16xf32, #tpu.memory_space<vmem>>)
        tpu.yield
      }) : () -> ()
      "tpu.region"() ({
        %run_scoped3A = tpu.sem_alloc : memref<!tpu.dma_semaphore, #tpu.memory_space<semaphore_mem>>
        %dma_start3A_48 = arith.constant 0 : i32
        %dma_start3A_49 = tpu.memref_slice %arg5[%add3A_45, %dma_start3A_48] : memref<10000x16xf32, #tpu.memory_space<hbm>> -> memref<125x16xf32, #tpu.memory_space<hbm>>
        %dma_start3A_50 = arith.constant 0 : i32
        %dma_start3A_51 = tpu.memref_slice %arg5[%add3A_45, %dma_start3A_50] : memref<10000x16xf32, #tpu.memory_space<hbm>> -> memref<125x16xf32, #tpu.memory_space<hbm>>
        tpu.enqueue_dma source(%dma_start3A_51 : memref<125x16xf32, #tpu.memory_space<hbm>>) target(%arg25 : memref<125x16xf32, #tpu.memory_space<vmem>>) target_semaphore(%run_scoped3A : memref<!tpu.dma_semaphore, #tpu.memory_space<semaphore_mem>>)
        %dma_wait3A_52 = arith.constant 0 : i32
        %dma_wait3A_53 = tpu.memref_slice %arg5[%add3A_45, %dma_wait3A_52] : memref<10000x16xf32, #tpu.memory_space<hbm>> -> memref<125x16xf32, #tpu.memory_space<hbm>>
        %dma_wait3A_54 = arith.constant 0 : i32
        %dma_wait3A_55 = tpu.memref_slice %arg5[%add3A_45, %dma_wait3A_54] : memref<10000x16xf32, #tpu.memory_space<hbm>> -> memref<125x16xf32, #tpu.memory_space<hbm>>
        tpu.wait_dma2 semaphore(%run_scoped3A : memref<!tpu.dma_semaphore, #tpu.memory_space<semaphore_mem>>) src(%dma_wait3A_55 : memref<125x16xf32, #tpu.memory_space<hbm>>) dst(%arg25 : memref<125x16xf32, #tpu.memory_space<vmem>>)
        tpu.yield
      }) : () -> ()
      %parallel_loop3A = arith.constant 0 : i32
      %parallel_loop3A_46 = arith.constant 125 : i32
      %parallel_loop3A_47 = arith.constant 1 : i32
      scf.for %parallel_loop3A_48 = %parallel_loop3A to %parallel_loop3A_46 step %parallel_loop3A_47  : i32 {
        %parallel_loop3A_49 = arith.index_cast %parallel_loop3A_48 : i32 to index
        %parallel_loop3A_50 = arith.constant 64 : index
        %parallel_loop3A_51 = tpu.vector_load %arg22[%parallel_loop3A_49, %parallel_loop3A_50] {strides = array<i32>} : memref<125x80xf32, #tpu.memory_space<vmem>>, vector<1x16xf32>,
        %parallel_loop3A_52 = vector.shape_cast %parallel_loop3A_51 : vector<1x16xf32> to vector<16xf32>
        %parallel_loop3A_53 = arith.index_cast %parallel_loop3A_48 : i32 to index
        %parallel_loop3A_54 = arith.constant 0 : index
        %parallel_loop3A_55 = tpu.vector_load %arg23[%parallel_loop3A_53, %parallel_loop3A_54] {strides = array<i32>} : memref<125x16xf32, #tpu.memory_space<vmem>>, vector<1x16xf32>,
        %parallel_loop3A_56 = vector.shape_cast %parallel_loop3A_55 : vector<1x16xf32> to vector<16xf32>
        %parallel_loop3A_57 = arith.addf %parallel_loop3A_52, %parallel_loop3A_56 : vector<16xf32>
        %parallel_loop3A_58 = arith.constant 2.000000e-01 : f32
        %parallel_loop3A_59 = vector.broadcast %parallel_loop3A_58 : f32 to vector<16xf32>
        %parallel_loop3A_60 = arith.mulf %parallel_loop3A_59, %parallel_loop3A_57 : vector<16xf32>
        %parallel_loop3A_61 = arith.maximumf %parallel_loop3A_57, %parallel_loop3A_60 : vector<16xf32>
        %parallel_loop3A_62 = math.exp %parallel_loop3A_61 : vector<16xf32>
        %parallel_loop3A_63 = arith.index_cast %parallel_loop3A_48 : i32 to index
        %parallel_loop3A_64 = arith.constant 0 : index
        %parallel_loop3A_65 = tpu.vector_load %arg24[%parallel_loop3A_63, %parallel_loop3A_64] {strides = array<i32>} : memref<125x16xf32, #tpu.memory_space<vmem>>, vector<1x16xf32>,
        %parallel_loop3A_66 = vector.shape_cast %parallel_loop3A_65 : vector<1x16xf32> to vector<16xf32>
        %parallel_loop3A_67 = arith.index_cast %parallel_loop3A_48 : i32 to index
        %parallel_loop3A_68 = arith.constant 0 : index
        %parallel_loop3A_69 = tpu.vector_load %arg25[%parallel_loop3A_67, %parallel_loop3A_68] {strides = array<i32>} : memref<125x16xf32, #tpu.memory_space<vmem>>, vector<1x16xf32>,
        %parallel_loop3A_70 = vector.shape_cast %parallel_loop3A_69 : vector<1x16xf32> to vector<16xf32>
        %parallel_loop3A_71 = arith.addf %parallel_loop3A_66, %parallel_loop3A_70 : vector<16xf32>
        %parallel_loop3A_72 = arith.addf %parallel_loop3A_71, %parallel_loop3A_62 : vector<16xf32>
        %parallel_loop3A_73 = arith.index_cast %parallel_loop3A_48 : i32 to index
        %parallel_loop3A_74 = arith.constant 0 : index
        %parallel_loop3A_75 = tpu.vector_load %arg20[%parallel_loop3A_73, %parallel_loop3A_74] {strides = array<i32>} : memref<125x80xf32, #tpu.memory_space<vmem>>, vector<1x16xf32>,
        %parallel_loop3A_76 = vector.shape_cast %parallel_loop3A_75 : vector<1x16xf32> to vector<16xf32>
        %parallel_loop3A_77 = arith.index_cast %parallel_loop3A_48 : i32 to index
        %parallel_loop3A_78 = arith.constant 0 : index
        %parallel_loop3A_79 = tpu.vector_load %arg21[%parallel_loop3A_77, %parallel_loop3A_78] {strides = array<i32>} : memref<125x80xf32, #tpu.memory_space<vmem>>, vector<1x16xf32>,
        %parallel_loop3A_80 = vector.shape_cast %parallel_loop3A_79 : vector<1x16xf32> to vector<16xf32>
        %parallel_loop3A_81 = arith.addf %parallel_loop3A_76, %parallel_loop3A_80 : vector<16xf32>
        %parallel_loop3A_82 = arith.index_cast %parallel_loop3A_48 : i32 to index
        %parallel_loop3A_83 = arith.constant 0 : index
        %parallel_loop3A_84 = tpu.vector_load %arg22[%parallel_loop3A_82, %parallel_loop3A_83] {strides = array<i32>} : memref<125x80xf32, #tpu.memory_space<vmem>>, vector<1x16xf32>,
        %parallel_loop3A_85 = vector.shape_cast %parallel_loop3A_84 : vector<1x16xf32> to vector<16xf32>
        %parallel_loop3A_86 = arith.mulf %parallel_loop3A_85, %parallel_loop3A_62 : vector<16xf32>
        %parallel_loop3A_87 = arith.addf %parallel_loop3A_81, %parallel_loop3A_86 : vector<16xf32>
        %parallel_loop3A_88 = arith.divf %parallel_loop3A_87, %parallel_loop3A_72 : vector<16xf32>
        %parallel_loop3A_89 = arith.constant 0 : index
        %parallel_loop3A_90 = tpu.vector_load %arg27[%parallel_loop3A_89] {strides = array<i32>} : memref<64xf32, #tpu.memory_space<vmem>>, vector<16xf32>,
        %parallel_loop3A_91 = vector.shape_cast %parallel_loop3A_90 : vector<16xf32> to vector<16xf32>
        %parallel_loop3A_92 = arith.addf %parallel_loop3A_88, %parallel_loop3A_91 : vector<16xf32>
        %parallel_loop3A_93 = arith.index_cast %parallel_loop3A_48 : i32 to index
        %parallel_loop3A_94 = arith.constant 0 : index
        %parallel_loop3A_95 = tpu.vector_load %arg26[%parallel_loop3A_93, %parallel_loop3A_94] {strides = array<i32>} : memref<125x64xf32, #tpu.memory_space<vmem>>, vector<1x16xf32>,
        %parallel_loop3A_96 = vector.shape_cast %parallel_loop3A_95 : vector<1x16xf32> to vector<16xf32>
        %parallel_loop3A_97 = vector.shape_cast %parallel_loop3A_92 : vector<16xf32> to vector<1x16xf32>
        tpu.vector_store %arg26[%parallel_loop3A_93, %parallel_loop3A_94], %parallel_loop3A_97 {strides = array<i32>} : memref<125x64xf32, #tpu.memory_space<vmem>>, vector<1x16xf32>,
        %parallel_loop3A_98 = arith.index_cast %parallel_loop3A_48 : i32 to index
        %parallel_loop3A_99 = arith.constant 16 : index
        %parallel_loop3A_100 = tpu.vector_load %arg20[%parallel_loop3A_98, %parallel_loop3A_99] {strides = array<i32>} : memref<125x80xf32, #tpu.memory_space<vmem>>, vector<1x16xf32>,
        %parallel_loop3A_101 = vector.shape_cast %parallel_loop3A_100 : vector<1x16xf32> to vector<16xf32>
        %parallel_loop3A_102 = arith.index_cast %parallel_loop3A_48 : i32 to index
        %parallel_loop3A_103 = arith.constant 16 : index
        %parallel_loop3A_104 = tpu.vector_load %arg21[%parallel_loop3A_102, %parallel_loop3A_103] {strides = array<i32>} : memref<125x80xf32, #tpu.memory_space<vmem>>, vector<1x16xf32>,
        %parallel_loop3A_105 = vector.shape_cast %parallel_loop3A_104 : vector<1x16xf32> to vector<16xf32>
        %parallel_loop3A_106 = arith.addf %parallel_loop3A_101, %parallel_loop3A_105 : vector<16xf32>
        %parallel_loop3A_107 = arith.index_cast %parallel_loop3A_48 : i32 to index
        %parallel_loop3A_108 = arith.constant 16 : index
        %parallel_loop3A_109 = tpu.vector_load %arg22[%parallel_loop3A_107, %parallel_loop3A_108] {strides = array<i32>} : memref<125x80xf32, #tpu.memory_space<vmem>>, vector<1x16xf32>,
        %parallel_loop3A_110 = vector.shape_cast %parallel_loop3A_109 : vector<1x16xf32> to vector<16xf32>
        %parallel_loop3A_111 = arith.mulf %parallel_loop3A_110, %parallel_loop3A_62 : vector<16xf32>
        %parallel_loop3A_112 = arith.addf %parallel_loop3A_106, %parallel_loop3A_111 : vector<16xf32>
        %parallel_loop3A_113 = arith.divf %parallel_loop3A_112, %parallel_loop3A_72 : vector<16xf32>
        %parallel_loop3A_114 = arith.constant 16 : index
        %parallel_loop3A_115 = tpu.vector_load %arg27[%parallel_loop3A_114] {strides = array<i32>} : memref<64xf32, #tpu.memory_space<vmem>>, vector<16xf32>,
        %parallel_loop3A_116 = vector.shape_cast %parallel_loop3A_115 : vector<16xf32> to vector<16xf32>
        %parallel_loop3A_117 = arith.addf %parallel_loop3A_113, %parallel_loop3A_116 : vector<16xf32>
        %parallel_loop3A_118 = arith.index_cast %parallel_loop3A_48 : i32 to index
        %parallel_loop3A_119 = arith.constant 16 : index
        %parallel_loop3A_120 = tpu.vector_load %arg26[%parallel_loop3A_118, %parallel_loop3A_119] {strides = array<i32>} : memref<125x64xf32, #tpu.memory_space<vmem>>, vector<1x16xf32>,
        %parallel_loop3A_121 = vector.shape_cast %parallel_loop3A_120 : vector<1x16xf32> to vector<16xf32>
        %parallel_loop3A_122 = vector.shape_cast %parallel_loop3A_117 : vector<16xf32> to vector<1x16xf32>
        tpu.vector_store %arg26[%parallel_loop3A_118, %parallel_loop3A_119], %parallel_loop3A_122 {strides = array<i32>} : memref<125x64xf32, #tpu.memory_space<vmem>>, vector<1x16xf32>,
        %parallel_loop3A_123 = arith.index_cast %parallel_loop3A_48 : i32 to index
        %parallel_loop3A_124 = arith.constant 32 : index
        %parallel_loop3A_125 = tpu.vector_load %arg20[%parallel_loop3A_123, %parallel_loop3A_124] {strides = array<i32>} : memref<125x80xf32, #tpu.memory_space<vmem>>, vector<1x16xf32>,
        %parallel_loop3A_126 = vector.shape_cast %parallel_loop3A_125 : vector<1x16xf32> to vector<16xf32>
        %parallel_loop3A_127 = arith.index_cast %parallel_loop3A_48 : i32 to index
        %parallel_loop3A_128 = arith.constant 32 : index
        %parallel_loop3A_129 = tpu.vector_load %arg21[%parallel_loop3A_127, %parallel_loop3A_128] {strides = array<i32>} : memref<125x80xf32, #tpu.memory_space<vmem>>, vector<1x16xf32>,
        %parallel_loop3A_130 = vector.shape_cast %parallel_loop3A_129 : vector<1x16xf32> to vector<16xf32>
        %parallel_loop3A_131 = arith.addf %parallel_loop3A_126, %parallel_loop3A_130 : vector<16xf32>
        %parallel_loop3A_132 = arith.index_cast %parallel_loop3A_48 : i32 to index
        %parallel_loop3A_133 = arith.constant 32 : index
        %parallel_loop3A_134 = tpu.vector_load %arg22[%parallel_loop3A_132, %parallel_loop3A_133] {strides = array<i32>} : memref<125x80xf32, #tpu.memory_space<vmem>>, vector<1x16xf32>,
        %parallel_loop3A_135 = vector.shape_cast %parallel_loop3A_134 : vector<1x16xf32> to vector<16xf32>
        %parallel_loop3A_136 = arith.mulf %parallel_loop3A_135, %parallel_loop3A_62 : vector<16xf32>
        %parallel_loop3A_137 = arith.addf %parallel_loop3A_131, %parallel_loop3A_136 : vector<16xf32>
        %parallel_loop3A_138 = arith.divf %parallel_loop3A_137, %parallel_loop3A_72 : vector<16xf32>
        %parallel_loop3A_139 = arith.constant 32 : index
        %parallel_loop3A_140 = tpu.vector_load %arg27[%parallel_loop3A_139] {strides = array<i32>} : memref<64xf32, #tpu.memory_space<vmem>>, vector<16xf32>,
        %parallel_loop3A_141 = vector.shape_cast %parallel_loop3A_140 : vector<16xf32> to vector<16xf32>
        %parallel_loop3A_142 = arith.addf %parallel_loop3A_138, %parallel_loop3A_141 : vector<16xf32>
        %parallel_loop3A_143 = arith.index_cast %parallel_loop3A_48 : i32 to index
        %parallel_loop3A_144 = arith.constant 32 : index
        %parallel_loop3A_145 = tpu.vector_load %arg26[%parallel_loop3A_143, %parallel_loop3A_144] {strides = array<i32>} : memref<125x64xf32, #tpu.memory_space<vmem>>, vector<1x16xf32>,
        %parallel_loop3A_146 = vector.shape_cast %parallel_loop3A_145 : vector<1x16xf32> to vector<16xf32>
        %parallel_loop3A_147 = vector.shape_cast %parallel_loop3A_142 : vector<16xf32> to vector<1x16xf32>
        tpu.vector_store %arg26[%parallel_loop3A_143, %parallel_loop3A_144], %parallel_loop3A_147 {strides = array<i32>} : memref<125x64xf32, #tpu.memory_space<vmem>>, vector<1x16xf32>,
        %parallel_loop3A_148 = arith.index_cast %parallel_loop3A_48 : i32 to index
        %parallel_loop3A_149 = arith.constant 48 : index
        %parallel_loop3A_150 = tpu.vector_load %arg20[%parallel_loop3A_148, %parallel_loop3A_149] {strides = array<i32>} : memref<125x80xf32, #tpu.memory_space<vmem>>, vector<1x16xf32>,
        %parallel_loop3A_151 = vector.shape_cast %parallel_loop3A_150 : vector<1x16xf32> to vector<16xf32>
        %parallel_loop3A_152 = arith.index_cast %parallel_loop3A_48 : i32 to index
        %parallel_loop3A_153 = arith.constant 48 : index
        %parallel_loop3A_154 = tpu.vector_load %arg21[%parallel_loop3A_152, %parallel_loop3A_153] {strides = array<i32>} : memref<125x80xf32, #tpu.memory_space<vmem>>, vector<1x16xf32>,
        %parallel_loop3A_155 = vector.shape_cast %parallel_loop3A_154 : vector<1x16xf32> to vector<16xf32>
        %parallel_loop3A_156 = arith.addf %parallel_loop3A_151, %parallel_loop3A_155 : vector<16xf32>
        %parallel_loop3A_157 = arith.index_cast %parallel_loop3A_48 : i32 to index
        %parallel_loop3A_158 = arith.constant 48 : index
        %parallel_loop3A_159 = tpu.vector_load %arg22[%parallel_loop3A_157, %parallel_loop3A_158] {strides = array<i32>} : memref<125x80xf32, #tpu.memory_space<vmem>>, vector<1x16xf32>,
        %parallel_loop3A_160 = vector.shape_cast %parallel_loop3A_159 : vector<1x16xf32> to vector<16xf32>
        %parallel_loop3A_161 = arith.mulf %parallel_loop3A_160, %parallel_loop3A_62 : vector<16xf32>
        %parallel_loop3A_162 = arith.addf %parallel_loop3A_156, %parallel_loop3A_161 : vector<16xf32>
        %parallel_loop3A_163 = arith.divf %parallel_loop3A_162, %parallel_loop3A_72 : vector<16xf32>
        %parallel_loop3A_164 = arith.constant 48 : index
        %parallel_loop3A_165 = tpu.vector_load %arg27[%parallel_loop3A_164] {strides = array<i32>} : memref<64xf32, #tpu.memory_space<vmem>>, vector<16xf32>,
        %parallel_loop3A_166 = vector.shape_cast %parallel_loop3A_165 : vector<16xf32> to vector<16xf32>
        %parallel_loop3A_167 = arith.addf %parallel_loop3A_163, %parallel_loop3A_166 : vector<16xf32>
        %parallel_loop3A_168 = arith.index_cast %parallel_loop3A_48 : i32 to index
        %parallel_loop3A_169 = arith.constant 48 : index
        %parallel_loop3A_170 = tpu.vector_load %arg26[%parallel_loop3A_168, %parallel_loop3A_169] {strides = array<i32>} : memref<125x64xf32, #tpu.memory_space<vmem>>, vector<1x16xf32>,
        %parallel_loop3A_171 = vector.shape_cast %parallel_loop3A_170 : vector<1x16xf32> to vector<16xf32>
        %parallel_loop3A_172 = vector.shape_cast %parallel_loop3A_167 : vector<16xf32> to vector<1x16xf32>
        tpu.vector_store %arg26[%parallel_loop3A_168, %parallel_loop3A_169], %parallel_loop3A_172 {strides = array<i32>} : memref<125x64xf32, #tpu.memory_space<vmem>>, vector<1x16xf32>,
      } {sc.loop_unroll_factor = 4 : i64, sc.parallel_access}
      "tpu.region"() ({
        %run_scoped3A = tpu.sem_alloc : memref<!tpu.dma_semaphore, #tpu.memory_space<semaphore_mem>>
        %dma_start3A_48 = arith.constant 0 : i32
        %dma_start3A_49 = tpu.memref_slice %arg28[%add3A_45, %dma_start3A_48] : memref<10000x64xf32, #tpu.memory_space<vmem_shared>> -> memref<125x64xf32, #tpu.memory_space<vmem_shared>>
        %dma_start3A_50 = arith.constant 0 : i32
        %dma_start3A_51 = tpu.memref_slice %arg28[%add3A_45, %dma_start3A_50] : memref<10000x64xf32, #tpu.memory_space<vmem_shared>> -> memref<125x64xf32, #tpu.memory_space<vmem_shared>>
        tpu.enqueue_dma source(%arg26 : memref<125x64xf32, #tpu.memory_space<vmem>>) target(%dma_start3A_51 : memref<125x64xf32, #tpu.memory_space<vmem_shared>>) target_semaphore(%run_scoped3A : memref<!tpu.dma_semaphore, #tpu.memory_space<semaphore_mem>>)
        %dma_wait3A_52 = arith.constant 0 : i32
        %dma_wait3A_53 = tpu.memref_slice %arg28[%add3A_45, %dma_wait3A_52] : memref<10000x64xf32, #tpu.memory_space<vmem_shared>> -> memref<125x64xf32, #tpu.memory_space<vmem_shared>>
        %dma_wait3A_54 = arith.constant 0 : i32
        %dma_wait3A_55 = tpu.memref_slice %arg28[%add3A_45, %dma_wait3A_54] : memref<10000x64xf32, #tpu.memory_space<vmem_shared>> -> memref<125x64xf32, #tpu.memory_space<vmem_shared>>
        tpu.wait_dma2 semaphore(%run_scoped3A : memref<!tpu.dma_semaphore, #tpu.memory_space<semaphore_mem>>) src(%arg26 : memref<125x64xf32, #tpu.memory_space<vmem>>) dst(%dma_wait3A_55 : memref<125x64xf32, #tpu.memory_space<vmem_shared>>)
        tpu.yield
      }) : () -> ()
    }
    %scan3A_5 = arith.constant 5 : i32
    %barrier3A = arith.constant 0 : index
    tpu.barrier barrier_id(%barrier3A)
    %lt3A = arith.constant 17 : i32
    %lt3A_6 = arith.cmpi slt, %add3A, %lt3A : i32
    %jit3A = arith.constant 1 : i32
    %jit3A_7 = arith.constant 0 : i32
    %select_n3A = arith.select %lt3A_6, %jit3A, %jit3A_7 : i32
    %add3A_8 = arith.constant 19 : i32
    %add3A_9 = arith.addi %add3A_8, %select_n3A : i32
    %mul3A_10 = arith.constant 19 : i32
    %mul3A_11 = arith.muli %mul3A_10, %add3A : i32
    %min3A = arith.constant 17 : i32
    %min3A_12 = arith.minsi %add3A, %min3A : i32
    %add3A_13 = arith.addi %mul3A_11, %min3A_12 : i32
    "tpu.region"() ({
      %run_scoped3A = tpu.sem_alloc : memref<!tpu.dma_semaphore, #tpu.memory_space<semaphore_mem>>
      %dma_start3A_40 = arith.constant 0 : i32
      %dma_start3A_41 = tpu.memref_slice %arg9[%add3A_13, %dma_start3A_40] : memref<640x128xi32, #tpu.memory_space<hbm>> -> memref<20x128xi32, #tpu.memory_space<hbm>>
      %dma_start3A_42 = arith.constant 0 : i32
      %dma_start3A_43 = tpu.memref_slice %arg9[%add3A_13, %dma_start3A_42] : memref<640x128xi32, #tpu.memory_space<hbm>> -> memref<20x128xi32, #tpu.memory_space<hbm>>
      tpu.enqueue_dma source(%dma_start3A_43 : memref<20x128xi32, #tpu.memory_space<hbm>>) target(%arg12 : memref<20x128xi32, #tpu.memory_space<vmem>>) target_semaphore(%run_scoped3A : memref<!tpu.dma_semaphore, #tpu.memory_space<semaphore_mem>>)
      %dma_wait3A_44 = arith.constant 0 : i32
      %dma_wait3A_45 = tpu.memref_slice %arg9[%add3A_13, %dma_wait3A_44] : memref<640x128xi32, #tpu.memory_space<hbm>> -> memref<20x128xi32, #tpu.memory_space<hbm>>
      %dma_wait3A_46 = arith.constant 0 : i32
      %dma_wait3A_47 = tpu.memref_slice %arg9[%add3A_13, %dma_wait3A_46] : memref<640x128xi32, #tpu.memory_space<hbm>> -> memref<20x128xi32, #tpu.memory_space<hbm>>
      tpu.wait_dma2 semaphore(%run_scoped3A : memref<!tpu.dma_semaphore, #tpu.memory_space<semaphore_mem>>) src(%dma_wait3A_47 : memref<20x128xi32, #tpu.memory_space<hbm>>) dst(%arg12 : memref<20x128xi32, #tpu.memory_space<vmem>>)
      tpu.yield
    }) : () -> ()
    "tpu.region"() ({
      %run_scoped3A = tpu.sem_alloc : memref<!tpu.dma_semaphore, #tpu.memory_space<semaphore_mem>>
      %dma_start3A_40 = arith.constant 0 : i32
      %dma_start3A_41 = tpu.memref_slice %arg10[%add3A_13, %dma_start3A_40] : memref<640x128xi32, #tpu.memory_space<hbm>> -> memref<20x128xi32, #tpu.memory_space<hbm>>
      %dma_start3A_42 = arith.constant 0 : i32
      %dma_start3A_43 = tpu.memref_slice %arg10[%add3A_13, %dma_start3A_42] : memref<640x128xi32, #tpu.memory_space<hbm>> -> memref<20x128xi32, #tpu.memory_space<hbm>>
      tpu.enqueue_dma source(%dma_start3A_43 : memref<20x128xi32, #tpu.memory_space<hbm>>) target(%arg13 : memref<20x128xi32, #tpu.memory_space<vmem>>) target_semaphore(%run_scoped3A : memref<!tpu.dma_semaphore, #tpu.memory_space<semaphore_mem>>)
      %dma_wait3A_44 = arith.constant 0 : i32
      %dma_wait3A_45 = tpu.memref_slice %arg10[%add3A_13, %dma_wait3A_44] : memref<640x128xi32, #tpu.memory_space<hbm>> -> memref<20x128xi32, #tpu.memory_space<hbm>>
      %dma_wait3A_46 = arith.constant 0 : i32
      %dma_wait3A_47 = tpu.memref_slice %arg10[%add3A_13, %dma_wait3A_46] : memref<640x128xi32, #tpu.memory_space<hbm>> -> memref<20x128xi32, #tpu.memory_space<hbm>>
      tpu.wait_dma2 semaphore(%run_scoped3A : memref<!tpu.dma_semaphore, #tpu.memory_space<semaphore_mem>>) src(%dma_wait3A_47 : memref<20x128xi32, #tpu.memory_space<hbm>>) dst(%arg13 : memref<20x128xi32, #tpu.memory_space<vmem>>)
      tpu.yield
    }) : () -> ()
    %iota3A = tpu.iota {dimensions = array<i32: 0>} : vector<16xi32>
    %dma_start3A = arith.constant 0 : i32
    %dma_start3A_14 = arith.constant 0 : i32
    %dma_start3A_15 = tpu.memref_slice %arg12[%dma_start3A, %dma_start3A_14] : memref<20x128xi32, #tpu.memory_space<vmem>> -> memref<1x128xi32, #tpu.memory_space<vmem>>
    %dma_start3A_16 = tpu.memref_squeeze %dma_start3A_15 : memref<1x128xi32, #tpu.memory_space<vmem>> -> memref<128xi32, #tpu.memory_space<vmem>>
    %dma_start3A_17 = arith.constant 0 : i32
    %dma_start3A_18 = arith.constant 0 : i32
    %dma_start3A_19 = tpu.memref_slice %arg28[%dma_start3A_17, %dma_start3A_18] : memref<10000x64xf32, #tpu.memory_space<vmem_shared>> -> memref<10000x64xf32, #tpu.memory_space<vmem_shared>>
    tpu.enqueue_indirect_dma source(%dma_start3A_19 : memref<10000x64xf32, #tpu.memory_space<vmem_shared>>) target(%arg14 : memref<128x64xf32, #tpu.memory_space<vmem>>) offsets(%dma_start3A_16 : memref<128xi32, #tpu.memory_space<vmem>>) semaphore(%arg29 : memref<!tpu.dma_semaphore, #tpu.memory_space<semaphore_mem>>)
    %dma_start3A_20 = arith.constant 0 : i32
    %dma_start3A_21 = arith.constant 0 : i32
    %dma_start3A_22 = tpu.memref_slice %arg13[%dma_start3A_20, %dma_start3A_21] : memref<20x128xi32, #tpu.memory_space<vmem>> -> memref<1x128xi32, #tpu.memory_space<vmem>>
    %dma_start3A_23 = tpu.memref_squeeze %dma_start3A_22 : memref<1x128xi32, #tpu.memory_space<vmem>> -> memref<128xi32, #tpu.memory_space<vmem>>
    %dma_start3A_24 = arith.constant 0 : i32
    %dma_start3A_25 = arith.constant 0 : i32
    %dma_start3A_26 = tpu.memref_slice %arg28[%dma_start3A_24, %dma_start3A_25] : memref<10000x64xf32, #tpu.memory_space<vmem_shared>> -> memref<10000x64xf32, #tpu.memory_space<vmem_shared>>
    tpu.enqueue_indirect_dma source(%dma_start3A_26 : memref<10000x64xf32, #tpu.memory_space<vmem_shared>>) target(%arg16 : memref<128x64xf32, #tpu.memory_space<vmem>>) offsets(%dma_start3A_23 : memref<128xi32, #tpu.memory_space<vmem>>) semaphore(%arg29 : memref<!tpu.dma_semaphore, #tpu.memory_space<semaphore_mem>>)
    %scan3A_27 = arith.constant 0 : i32
    %scan3A_28 = arith.constant 0 : i32
    %scan3A_29 = arith.constant 10 : i32
    %scan3A_30 = arith.addi %scan3A_28, %scan3A_29 : i32
    %scan3A_31 = arith.constant 1 : i32
    scf.for %scan3A_40 = %scan3A_28 to %scan3A_30 step %scan3A_31  : i32 {
      %mul3A_41 = arith.constant 2 : i32
      %mul3A_42 = arith.muli %mul3A_41, %scan3A_40 : i32
      %lt3A_43 = arith.cmpi slt, %mul3A_42, %add3A_9 : i32
      %convert_element_type3A = arith.extui %lt3A_43 : i1 to i32
      %cond3A = arith.constant 0 : i32
      %cond3A_44 = arith.cmpi ne, %convert_element_type3A, %cond3A : i32
      scf.if %cond3A_44 {
        %mul3A_53 = arith.constant 2 : i32
        %mul3A_54 = arith.muli %mul3A_53, %scan3A_40 : i32
        %add3A_55 = arith.constant 1 : i32
        %add3A_56 = arith.addi %mul3A_54, %add3A_55 : i32
        %lt3A_57 = arith.cmpi slt, %add3A_56, %add3A_9 : i32
        %convert_element_type3A_58 = arith.extui %lt3A_57 : i1 to i32
        %cond3A_59 = arith.constant 0 : i32
        %cond3A_60 = arith.cmpi ne, %convert_element_type3A_58, %cond3A_59 : i32
        scf.if %cond3A_60 {
          %add3A_90 = arith.constant 1 : i32
          %add3A_91 = arith.addi %mul3A_54, %add3A_90 : i32
          %dma_start3A_92 = arith.constant 0 : i32
          %dma_start3A_93 = tpu.memref_slice %arg12[%add3A_91, %dma_start3A_92] : memref<20x128xi32, #tpu.memory_space<vmem>> -> memref<1x128xi32, #tpu.memory_space<vmem>>
          %dma_start3A_94 = tpu.memref_squeeze %dma_start3A_93 : memref<1x128xi32, #tpu.memory_space<vmem>> -> memref<128xi32, #tpu.memory_space<vmem>>
          %dma_start3A_95 = arith.constant 0 : i32
          %dma_start3A_96 = arith.constant 0 : i32
          %dma_start3A_97 = tpu.memref_slice %arg28[%dma_start3A_95, %dma_start3A_96] : memref<10000x64xf32, #tpu.memory_space<vmem_shared>> -> memref<10000x64xf32, #tpu.memory_space<vmem_shared>>
          tpu.enqueue_indirect_dma source(%dma_start3A_97 : memref<10000x64xf32, #tpu.memory_space<vmem_shared>>) target(%arg15 : memref<128x64xf32, #tpu.memory_space<vmem>>) offsets(%dma_start3A_94 : memref<128xi32, #tpu.memory_space<vmem>>) semaphore(%arg30 : memref<!tpu.dma_semaphore, #tpu.memory_space<semaphore_mem>>)
          %dma_start3A_98 = arith.constant 0 : i32
          %dma_start3A_99 = tpu.memref_slice %arg13[%add3A_91, %dma_start3A_98] : memref<20x128xi32, #tpu.memory_space<vmem>> -> memref<1x128xi32, #tpu.memory_space<vmem>>
          %dma_start3A_100 = tpu.memref_squeeze %dma_start3A_99 : memref<1x128xi32, #tpu.memory_space<vmem>> -> memref<128xi32, #tpu.memory_space<vmem>>
          %dma_start3A_101 = arith.constant 0 : i32
          %dma_start3A_102 = arith.constant 0 : i32
          %dma_start3A_103 = tpu.memref_slice %arg28[%dma_start3A_101, %dma_start3A_102] : memref<10000x64xf32, #tpu.memory_space<vmem_shared>> -> memref<10000x64xf32, #tpu.memory_space<vmem_shared>>
          tpu.enqueue_indirect_dma source(%dma_start3A_103 : memref<10000x64xf32, #tpu.memory_space<vmem_shared>>) target(%arg17 : memref<128x64xf32, #tpu.memory_space<vmem>>) offsets(%dma_start3A_100 : memref<128xi32, #tpu.memory_space<vmem>>) semaphore(%arg30 : memref<!tpu.dma_semaphore, #tpu.memory_space<semaphore_mem>>)
        } else {
        }
        %dma_wait3A_61 = arith.constant 0 : i32
        %dma_wait3A_62 = arith.constant 0 : i32
        %dma_wait3A_63 = tpu.memref_slice %arg12[%dma_wait3A_61, %dma_wait3A_62] : memref<20x128xi32, #tpu.memory_space<vmem>> -> memref<1x128xi32, #tpu.memory_space<vmem>>
        %dma_wait3A_64 = tpu.memref_squeeze %dma_wait3A_63 : memref<1x128xi32, #tpu.memory_space<vmem>> -> memref<128xi32, #tpu.memory_space<vmem>>
        %dma_wait3A_65 = arith.constant 0 : i32
        %dma_wait3A_66 = arith.constant 0 : i32
        %dma_wait3A_67 = tpu.memref_slice %arg28[%dma_wait3A_65, %dma_wait3A_66] : memref<10000x64xf32, #tpu.memory_space<vmem_shared>> -> memref<10000x64xf32, #tpu.memory_space<vmem_shared>>
        tpu.wait_indirect_dma semaphore(%arg29 : memref<!tpu.dma_semaphore, #tpu.memory_space<semaphore_mem>>) src(%dma_wait3A_67 : memref<10000x64xf32, #tpu.memory_space<vmem_shared>>) dst(%arg14 : memref<128x64xf32, #tpu.memory_space<vmem>>)
        %dma_wait3A_68 = arith.constant 0 : i32
        %dma_wait3A_69 = arith.constant 0 : i32
        %dma_wait3A_70 = tpu.memref_slice %arg13[%dma_wait3A_68, %dma_wait3A_69] : memref<20x128xi32, #tpu.memory_space<vmem>> -> memref<1x128xi32, #tpu.memory_space<vmem>>
        %dma_wait3A_71 = tpu.memref_squeeze %dma_wait3A_70 : memref<1x128xi32, #tpu.memory_space<vmem>> -> memref<128xi32, #tpu.memory_space<vmem>>
        %dma_wait3A_72 = arith.constant 0 : i32
        %dma_wait3A_73 = arith.constant 0 : i32
        %dma_wait3A_74 = tpu.memref_slice %arg28[%dma_wait3A_72, %dma_wait3A_73] : memref<10000x64xf32, #tpu.memory_space<vmem_shared>> -> memref<10000x64xf32, #tpu.memory_space<vmem_shared>>
        tpu.wait_indirect_dma semaphore(%arg29 : memref<!tpu.dma_semaphore, #tpu.memory_space<semaphore_mem>>) src(%dma_wait3A_74 : memref<10000x64xf32, #tpu.memory_space<vmem_shared>>) dst(%arg16 : memref<128x64xf32, #tpu.memory_space<vmem>>)
        %ge3A = arith.constant 2 : i32
        %ge3A_75 = arith.cmpi sge, %mul3A_54, %ge3A : i32
        %convert_element_type3A_76 = arith.extui %ge3A_75 : i1 to i32
        %cond3A_77 = arith.constant 0 : i32
        %cond3A_78 = arith.cmpi ne, %convert_element_type3A_76, %cond3A_77 : i32
        scf.if %cond3A_78 {
          %dma_wait3A_90 = arith.constant 0 : i32
          %dma_wait3A_91 = tpu.memref_slice %arg11[%dma_wait3A_90] : memref<80000xf32, #tpu.memory_space<hbm>> -> memref<128xf32, #tpu.memory_space<hbm>>
          %dma_wait3A_92 = arith.constant 0 : i32
          %dma_wait3A_93 = tpu.memref_slice %arg11[%dma_wait3A_92] : memref<80000xf32, #tpu.memory_space<hbm>> -> memref<128xf32, #tpu.memory_space<hbm>>
          tpu.wait_dma2 semaphore(%arg31 : memref<!tpu.dma_semaphore, #tpu.memory_space<semaphore_mem>>) src(%arg18 : memref<128xf32, #tpu.memory_space<vmem>>) dst(%dma_wait3A_93 : memref<128xf32, #tpu.memory_space<hbm>>)
        } else {
        }
        %scan3A_79 = arith.constant 0 : i32
        %scan3A_80 = arith.constant 0 : i32
        %scan3A_81 = arith.constant 8 : i32
        %scan3A_82 = arith.addi %scan3A_80, %scan3A_81 : i32
        %scan3A_83 = arith.constant 1 : i32
        scf.for %scan3A_90 = %scan3A_80 to %scan3A_82 step %scan3A_83  : i32 {
          %broadcast_in_dim3A = arith.constant 0.000000e+00 : f32
          %broadcast_in_dim3A_91 = vector.broadcast %broadcast_in_dim3A : f32 to vector<16xf32>
          %scan3A_92 = arith.constant 0 : i32
          %scan3A_93 = arith.constant 16 : i32
          %scan3A_94 = arith.addi %scan3A_92, %scan3A_93 : i32
          %scan3A_95 = arith.constant 4 : i32
          %scan3A_96 = scf.for %scan3A_103 = %scan3A_92 to %scan3A_94 step %scan3A_95 iter_args(%scan3A_104 = %broadcast_in_dim3A_91) -> (vector<16xf32>)  : i32 {
            %mul3A_105 = arith.constant 16 : i32
            %mul3A_106 = arith.muli %scan3A_90, %mul3A_105 : i32
            %add3A_107 = arith.addi %mul3A_106, %scan3A_103 : i32
            %get3A = arith.index_cast %add3A_107 : i32 to index
            %get3A_108 = arith.constant 0 : index
            %get3A_109 = tpu.vector_load %arg14[%get3A, %get3A_108] {strides = array<i32>} : memref<128x64xf32, #tpu.memory_space<vmem>>, vector<1x16xf32>,
            %get3A_110 = vector.shape_cast %get3A_109 : vector<1x16xf32> to vector<16xf32>
            %get3A_111 = arith.index_cast %add3A_107 : i32 to index
            %get3A_112 = arith.constant 0 : index
            %get3A_113 = tpu.vector_load %arg16[%get3A_111, %get3A_112] {strides = array<i32>} : memref<128x64xf32, #tpu.memory_space<vmem>>, vector<1x16xf32>,
            %get3A_114 = vector.shape_cast %get3A_113 : vector<1x16xf32> to vector<16xf32>
            %mul3A_115 = arith.mulf %get3A_110, %get3A_114 : vector<16xf32>
            %get3A_116 = arith.index_cast %add3A_107 : i32 to index
            %get3A_117 = arith.constant 16 : index
            %get3A_118 = tpu.vector_load %arg14[%get3A_116, %get3A_117] {strides = array<i32>} : memref<128x64xf32, #tpu.memory_space<vmem>>, vector<1x16xf32>,
            %get3A_119 = vector.shape_cast %get3A_118 : vector<1x16xf32> to vector<16xf32>
            %get3A_120 = arith.index_cast %add3A_107 : i32 to index
            %get3A_121 = arith.constant 16 : index
            %get3A_122 = tpu.vector_load %arg16[%get3A_120, %get3A_121] {strides = array<i32>} : memref<128x64xf32, #tpu.memory_space<vmem>>, vector<1x16xf32>,
            %get3A_123 = vector.shape_cast %get3A_122 : vector<1x16xf32> to vector<16xf32>
            %mul3A_124 = arith.mulf %get3A_119, %get3A_123 : vector<16xf32>
            %add3A_125 = arith.addf %mul3A_115, %mul3A_124 : vector<16xf32>
            %get3A_126 = arith.index_cast %add3A_107 : i32 to index
            %get3A_127 = arith.constant 32 : index
            %get3A_128 = tpu.vector_load %arg14[%get3A_126, %get3A_127] {strides = array<i32>} : memref<128x64xf32, #tpu.memory_space<vmem>>, vector<1x16xf32>,
            %get3A_129 = vector.shape_cast %get3A_128 : vector<1x16xf32> to vector<16xf32>
            %get3A_130 = arith.index_cast %add3A_107 : i32 to index
            %get3A_131 = arith.constant 32 : index
            %get3A_132 = tpu.vector_load %arg16[%get3A_130, %get3A_131] {strides = array<i32>} : memref<128x64xf32, #tpu.memory_space<vmem>>, vector<1x16xf32>,
            %get3A_133 = vector.shape_cast %get3A_132 : vector<1x16xf32> to vector<16xf32>
            %mul3A_134 = arith.mulf %get3A_129, %get3A_133 : vector<16xf32>
            %add3A_135 = arith.addf %add3A_125, %mul3A_134 : vector<16xf32>
            %get3A_136 = arith.index_cast %add3A_107 : i32 to index
            %get3A_137 = arith.constant 48 : index
            %get3A_138 = tpu.vector_load %arg14[%get3A_136, %get3A_137] {strides = array<i32>} : memref<128x64xf32, #tpu.memory_space<vmem>>, vector<1x16xf32>,
            %get3A_139 = vector.shape_cast %get3A_138 : vector<1x16xf32> to vector<16xf32>
            %get3A_140 = arith.index_cast %add3A_107 : i32 to index
            %get3A_141 = arith.constant 48 : index
            %get3A_142 = tpu.vector_load %arg16[%get3A_140, %get3A_141] {strides = array<i32>} : memref<128x64xf32, #tpu.memory_space<vmem>>, vector<1x16xf32>,
            %get3A_143 = vector.shape_cast %get3A_142 : vector<1x16xf32> to vector<16xf32>
            %mul3A_144 = arith.mulf %get3A_139, %get3A_143 : vector<16xf32>
            %add3A_145 = arith.addf %add3A_135, %mul3A_144 : vector<16xf32>
            %eq3A = vector.broadcast %scan3A_103 : i32 to vector<16xi32>
            %eq3A_146 = arith.cmpi eq, %iota3A, %eq3A : vector<16xi32>
            %iota3A_147 = tpu.iota {dimensions = array<i32: 0>} : vector<16xi32>
            %xor3A = arith.constant 8 : i32
            %xor3A_148 = vector.broadcast %xor3A : i32 to vector<16xi32>
            %xor3A_149 = arith.xori %iota3A_147, %xor3A_148 : vector<16xi32>
            %broadcast_in_dim3A_150 = vector.shape_cast %xor3A_149 : vector<16xi32> to vector<16x1xi32>
            %gather3A = vector.shape_cast %broadcast_in_dim3A_150 : vector<16x1xi32> to vector<16xi32>
            %gather3A_151 = tpu.dynamic_gather %add3A_145[%gather3A] in [0] : vector<16xf32>, vector<16xi32> -> vector<16xf32>
            %add3A_152 = arith.addf %add3A_145, %gather3A_151 : vector<16xf32>
            %xor3A_153 = arith.constant 4 : i32
            %xor3A_154 = vector.broadcast %xor3A_153 : i32 to vector<16xi32>
            %xor3A_155 = arith.xori %iota3A_147, %xor3A_154 : vector<16xi32>
            %broadcast_in_dim3A_156 = vector.shape_cast %xor3A_155 : vector<16xi32> to vector<16x1xi32>
            %gather3A_157 = vector.shape_cast %broadcast_in_dim3A_156 : vector<16x1xi32> to vector<16xi32>
            %gather3A_158 = tpu.dynamic_gather %add3A_152[%gather3A_157] in [0] : vector<16xf32>, vector<16xi32> -> vector<16xf32>
            %add3A_159 = arith.addf %add3A_152, %gather3A_158 : vector<16xf32>
            %xor3A_160 = arith.constant 2 : i32
            %xor3A_161 = vector.broadcast %xor3A_160 : i32 to vector<16xi32>
            %xor3A_162 = arith.xori %iota3A_147, %xor3A_161 : vector<16xi32>
            %broadcast_in_dim3A_163 = vector.shape_cast %xor3A_162 : vector<16xi32> to vector<16x1xi32>
            %gather3A_164 = vector.shape_cast %broadcast_in_dim3A_163 : vector<16x1xi32> to vector<16xi32>
            %gather3A_165 = tpu.dynamic_gather %add3A_159[%gather3A_164] in [0] : vector<16xf32>, vector<16xi32> -> vector<16xf32>
            %add3A_166 = arith.addf %add3A_159, %gather3A_165 : vector<16xf32>
            %xor3A_167 = arith.constant 1 : i32
            %xor3A_168 = vector.broadcast %xor3A_167 : i32 to vector<16xi32>
            %xor3A_169 = arith.xori %iota3A_147, %xor3A_168 : vector<16xi32>
            %broadcast_in_dim3A_170 = vector.shape_cast %xor3A_169 : vector<16xi32> to vector<16x1xi32>
            %gather3A_171 = vector.shape_cast %broadcast_in_dim3A_170 : vector<16x1xi32> to vector<16xi32>
            %gather3A_172 = tpu.dynamic_gather %add3A_166[%gather3A_171] in [0] : vector<16xf32>, vector<16xi32> -> vector<16xf32>
            %add3A_173 = arith.addf %add3A_166, %gather3A_172 : vector<16xf32>
            %select_n3A_174 = arith.select %eq3A_146, %add3A_173, %scan3A_104 : vector<16xi1>, vector<16xf32>
            %scan3A_175 = arith.constant 1 : i32
            %scan3A_176 = arith.addi %scan3A_103, %scan3A_175 : i32
            %mul3A_177 = arith.constant 16 : i32
            %mul3A_178 = arith.muli %scan3A_90, %mul3A_177 : i32
            %add3A_179 = arith.addi %mul3A_178, %scan3A_176 : i32
            %get3A_180 = arith.index_cast %add3A_179 : i32 to index
            %get3A_181 = arith.constant 0 : index
            %get3A_182 = tpu.vector_load %arg14[%get3A_180, %get3A_181] {strides = array<i32>} : memref<128x64xf32, #tpu.memory_space<vmem>>, vector<1x16xf32>,
            %get3A_183 = vector.shape_cast %get3A_182 : vector<1x16xf32> to vector<16xf32>
            %get3A_184 = arith.index_cast %add3A_179 : i32 to index
            %get3A_185 = arith.constant 0 : index
            %get3A_186 = tpu.vector_load %arg16[%get3A_184, %get3A_185] {strides = array<i32>} : memref<128x64xf32, #tpu.memory_space<vmem>>, vector<1x16xf32>,
            %get3A_187 = vector.shape_cast %get3A_186 : vector<1x16xf32> to vector<16xf32>
            %mul3A_188 = arith.mulf %get3A_183, %get3A_187 : vector<16xf32>
            %get3A_189 = arith.index_cast %add3A_179 : i32 to index
            %get3A_190 = arith.constant 16 : index
            %get3A_191 = tpu.vector_load %arg14[%get3A_189, %get3A_190] {strides = array<i32>} : memref<128x64xf32, #tpu.memory_space<vmem>>, vector<1x16xf32>,
            %get3A_192 = vector.shape_cast %get3A_191 : vector<1x16xf32> to vector<16xf32>
            %get3A_193 = arith.index_cast %add3A_179 : i32 to index
            %get3A_194 = arith.constant 16 : index
            %get3A_195 = tpu.vector_load %arg16[%get3A_193, %get3A_194] {strides = array<i32>} : memref<128x64xf32, #tpu.memory_space<vmem>>, vector<1x16xf32>,
            %get3A_196 = vector.shape_cast %get3A_195 : vector<1x16xf32> to vector<16xf32>
            %mul3A_197 = arith.mulf %get3A_192, %get3A_196 : vector<16xf32>
            %add3A_198 = arith.addf %mul3A_188, %mul3A_197 : vector<16xf32>
            %get3A_199 = arith.index_cast %add3A_179 : i32 to index
            %get3A_200 = arith.constant 32 : index
            %get3A_201 = tpu.vector_load %arg14[%get3A_199, %get3A_200] {strides = array<i32>} : memref<128x64xf32, #tpu.memory_space<vmem>>, vector<1x16xf32>,
            %get3A_202 = vector.shape_cast %get3A_201 : vector<1x16xf32> to vector<16xf32>
            %get3A_203 = arith.index_cast %add3A_179 : i32 to index
            %get3A_204 = arith.constant 32 : index
            %get3A_205 = tpu.vector_load %arg16[%get3A_203, %get3A_204] {strides = array<i32>} : memref<128x64xf32, #tpu.memory_space<vmem>>, vector<1x16xf32>,
            %get3A_206 = vector.shape_cast %get3A_205 : vector<1x16xf32> to vector<16xf32>
            %mul3A_207 = arith.mulf %get3A_202, %get3A_206 : vector<16xf32>
            %add3A_208 = arith.addf %add3A_198, %mul3A_207 : vector<16xf32>
            %get3A_209 = arith.index_cast %add3A_179 : i32 to index
            %get3A_210 = arith.constant 48 : index
            %get3A_211 = tpu.vector_load %arg14[%get3A_209, %get3A_210] {strides = array<i32>} : memref<128x64xf32, #tpu.memory_space<vmem>>, vector<1x16xf32>,
            %get3A_212 = vector.shape_cast %get3A_211 : vector<1x16xf32> to vector<16xf32>
            %get3A_213 = arith.index_cast %add3A_179 : i32 to index
            %get3A_214 = arith.constant 48 : index
            %get3A_215 = tpu.vector_load %arg16[%get3A_213, %get3A_214] {strides = array<i32>} : memref<128x64xf32, #tpu.memory_space<vmem>>, vector<1x16xf32>,
            %get3A_216 = vector.shape_cast %get3A_215 : vector<1x16xf32> to vector<16xf32>
            %mul3A_217 = arith.mulf %get3A_212, %get3A_216 : vector<16xf32>
            %add3A_218 = arith.addf %add3A_208, %mul3A_217 : vector<16xf32>
            %eq3A_219 = vector.broadcast %scan3A_176 : i32 to vector<16xi32>
            %eq3A_220 = arith.cmpi eq, %iota3A, %eq3A_219 : vector<16xi32>
            %iota3A_221 = tpu.iota {dimensions = array<i32: 0>} : vector<16xi32>
            %xor3A_222 = arith.constant 8 : i32
            %xor3A_223 = vector.broadcast %xor3A_222 : i32 to vector<16xi32>
            %xor3A_224 = arith.xori %iota3A_221, %xor3A_223 : vector<16xi32>
            %broadcast_in_dim3A_225 = vector.shape_cast %xor3A_224 : vector<16xi32> to vector<16x1xi32>
            %gather3A_226 = vector.shape_cast %broadcast_in_dim3A_225 : vector<16x1xi32> to vector<16xi32>
            %gather3A_227 = tpu.dynamic_gather %add3A_218[%gather3A_226] in [0] : vector<16xf32>, vector<16xi32> -> vector<16xf32>
            %add3A_228 = arith.addf %add3A_218, %gather3A_227 : vector<16xf32>
            %xor3A_229 = arith.constant 4 : i32
            %xor3A_230 = vector.broadcast %xor3A_229 : i32 to vector<16xi32>
            %xor3A_231 = arith.xori %iota3A_221, %xor3A_230 : vector<16xi32>
            %broadcast_in_dim3A_232 = vector.shape_cast %xor3A_231 : vector<16xi32> to vector<16x1xi32>
            %gather3A_233 = vector.shape_cast %broadcast_in_dim3A_232 : vector<16x1xi32> to vector<16xi32>
            %gather3A_234 = tpu.dynamic_gather %add3A_228[%gather3A_233] in [0] : vector<16xf32>, vector<16xi32> -> vector<16xf32>
            %add3A_235 = arith.addf %add3A_228, %gather3A_234 : vector<16xf32>
            %xor3A_236 = arith.constant 2 : i32
            %xor3A_237 = vector.broadcast %xor3A_236 : i32 to vector<16xi32>
            %xor3A_238 = arith.xori %iota3A_221, %xor3A_237 : vector<16xi32>
            %broadcast_in_dim3A_239 = vector.shape_cast %xor3A_238 : vector<16xi32> to vector<16x1xi32>
            %gather3A_240 = vector.shape_cast %broadcast_in_dim3A_239 : vector<16x1xi32> to vector<16xi32>
            %gather3A_241 = tpu.dynamic_gather %add3A_235[%gather3A_240] in [0] : vector<16xf32>, vector<16xi32> -> vector<16xf32>
            %add3A_242 = arith.addf %add3A_235, %gather3A_241 : vector<16xf32>
            %xor3A_243 = arith.constant 1 : i32
            %xor3A_244 = vector.broadcast %xor3A_243 : i32 to vector<16xi32>
            %xor3A_245 = arith.xori %iota3A_221, %xor3A_244 : vector<16xi32>
            %broadcast_in_dim3A_246 = vector.shape_cast %xor3A_245 : vector<16xi32> to vector<16x1xi32>
            %gather3A_247 = vector.shape_cast %broadcast_in_dim3A_246 : vector<16x1xi32> to vector<16xi32>
            %gather3A_248 = tpu.dynamic_gather %add3A_242[%gather3A_247] in [0] : vector<16xf32>, vector<16xi32> -> vector<16xf32>
            %add3A_249 = arith.addf %add3A_242, %gather3A_248 : vector<16xf32>
            %select_n3A_250 = arith.select %eq3A_220, %add3A_249, %select_n3A_174 : vector<16xi1>, vector<16xf32>
            %scan3A_251 = arith.constant 2 : i32
            %scan3A_252 = arith.addi %scan3A_103, %scan3A_251 : i32
            %mul3A_253 = arith.constant 16 : i32
            %mul3A_254 = arith.muli %scan3A_90, %mul3A_253 : i32
            %add3A_255 = arith.addi %mul3A_254, %scan3A_252 : i32
            %get3A_256 = arith.index_cast %add3A_255 : i32 to index
            %get3A_257 = arith.constant 0 : index
            %get3A_258 = tpu.vector_load %arg14[%get3A_256, %get3A_257] {strides = array<i32>} : memref<128x64xf32, #tpu.memory_space<vmem>>, vector<1x16xf32>,
            %get3A_259 = vector.shape_cast %get3A_258 : vector<1x16xf32> to vector<16xf32>
            %get3A_260 = arith.index_cast %add3A_255 : i32 to index
            %get3A_261 = arith.constant 0 : index
            %get3A_262 = tpu.vector_load %arg16[%get3A_260, %get3A_261] {strides = array<i32>} : memref<128x64xf32, #tpu.memory_space<vmem>>, vector<1x16xf32>,
            %get3A_263 = vector.shape_cast %get3A_262 : vector<1x16xf32> to vector<16xf32>
            %mul3A_264 = arith.mulf %get3A_259, %get3A_263 : vector<16xf32>
            %get3A_265 = arith.index_cast %add3A_255 : i32 to index
            %get3A_266 = arith.constant 16 : index
            %get3A_267 = tpu.vector_load %arg14[%get3A_265, %get3A_266] {strides = array<i32>} : memref<128x64xf32, #tpu.memory_space<vmem>>, vector<1x16xf32>,
            %get3A_268 = vector.shape_cast %get3A_267 : vector<1x16xf32> to vector<16xf32>
            %get3A_269 = arith.index_cast %add3A_255 : i32 to index
            %get3A_270 = arith.constant 16 : index
            %get3A_271 = tpu.vector_load %arg16[%get3A_269, %get3A_270] {strides = array<i32>} : memref<128x64xf32, #tpu.memory_space<vmem>>, vector<1x16xf32>,
            %get3A_272 = vector.shape_cast %get3A_271 : vector<1x16xf32> to vector<16xf32>
            %mul3A_273 = arith.mulf %get3A_268, %get3A_272 : vector<16xf32>
            %add3A_274 = arith.addf %mul3A_264, %mul3A_273 : vector<16xf32>
            %get3A_275 = arith.index_cast %add3A_255 : i32 to index
            %get3A_276 = arith.constant 32 : index
            %get3A_277 = tpu.vector_load %arg14[%get3A_275, %get3A_276] {strides = array<i32>} : memref<128x64xf32, #tpu.memory_space<vmem>>, vector<1x16xf32>,
            %get3A_278 = vector.shape_cast %get3A_277 : vector<1x16xf32> to vector<16xf32>
            %get3A_279 = arith.index_cast %add3A_255 : i32 to index
            %get3A_280 = arith.constant 32 : index
            %get3A_281 = tpu.vector_load %arg16[%get3A_279, %get3A_280] {strides = array<i32>} : memref<128x64xf32, #tpu.memory_space<vmem>>, vector<1x16xf32>,
            %get3A_282 = vector.shape_cast %get3A_281 : vector<1x16xf32> to vector<16xf32>
            %mul3A_283 = arith.mulf %get3A_278, %get3A_282 : vector<16xf32>
            %add3A_284 = arith.addf %add3A_274, %mul3A_283 : vector<16xf32>
            %get3A_285 = arith.index_cast %add3A_255 : i32 to index
            %get3A_286 = arith.constant 48 : index
            %get3A_287 = tpu.vector_load %arg14[%get3A_285, %get3A_286] {strides = array<i32>} : memref<128x64xf32, #tpu.memory_space<vmem>>, vector<1x16xf32>,
            %get3A_288 = vector.shape_cast %get3A_287 : vector<1x16xf32> to vector<16xf32>
            %get3A_289 = arith.index_cast %add3A_255 : i32 to index
            %get3A_290 = arith.constant 48 : index
            %get3A_291 = tpu.vector_load %arg16[%get3A_289, %get3A_290] {strides = array<i32>} : memref<128x64xf32, #tpu.memory_space<vmem>>, vector<1x16xf32>,
            %get3A_292 = vector.shape_cast %get3A_291 : vector<1x16xf32> to vector<16xf32>
            %mul3A_293 = arith.mulf %get3A_288, %get3A_292 : vector<16xf32>
            %add3A_294 = arith.addf %add3A_284, %mul3A_293 : vector<16xf32>
            %eq3A_295 = vector.broadcast %scan3A_252 : i32 to vector<16xi32>
            %eq3A_296 = arith.cmpi eq, %iota3A, %eq3A_295 : vector<16xi32>
            %iota3A_297 = tpu.iota {dimensions = array<i32: 0>} : vector<16xi32>
            %xor3A_298 = arith.constant 8 : i32
            %xor3A_299 = vector.broadcast %xor3A_298 : i32 to vector<16xi32>
            %xor3A_300 = arith.xori %iota3A_297, %xor3A_299 : vector<16xi32>
            %broadcast_in_dim3A_301 = vector.shape_cast %xor3A_300 : vector<16xi32> to vector<16x1xi32>
            %gather3A_302 = vector.shape_cast %broadcast_in_dim3A_301 : vector<16x1xi32> to vector<16xi32>
            %gather3A_303 = tpu.dynamic_gather %add3A_294[%gather3A_302] in [0] : vector<16xf32>, vector<16xi32> -> vector<16xf32>
            %add3A_304 = arith.addf %add3A_294, %gather3A_303 : vector<16xf32>
            %xor3A_305 = arith.constant 4 : i32
            %xor3A_306 = vector.broadcast %xor3A_305 : i32 to vector<16xi32>
            %xor3A_307 = arith.xori %iota3A_297, %xor3A_306 : vector<16xi32>
            %broadcast_in_dim3A_308 = vector.shape_cast %xor3A_307 : vector<16xi32> to vector<16x1xi32>
            %gather3A_309 = vector.shape_cast %broadcast_in_dim3A_308 : vector<16x1xi32> to vector<16xi32>
            %gather3A_310 = tpu.dynamic_gather %add3A_304[%gather3A_309] in [0] : vector<16xf32>, vector<16xi32> -> vector<16xf32>
            %add3A_311 = arith.addf %add3A_304, %gather3A_310 : vector<16xf32>
            %xor3A_312 = arith.constant 2 : i32
            %xor3A_313 = vector.broadcast %xor3A_312 : i32 to vector<16xi32>
            %xor3A_314 = arith.xori %iota3A_297, %xor3A_313 : vector<16xi32>
            %broadcast_in_dim3A_315 = vector.shape_cast %xor3A_314 : vector<16xi32> to vector<16x1xi32>
            %gather3A_316 = vector.shape_cast %broadcast_in_dim3A_315 : vector<16x1xi32> to vector<16xi32>
            %gather3A_317 = tpu.dynamic_gather %add3A_311[%gather3A_316] in [0] : vector<16xf32>, vector<16xi32> -> vector<16xf32>
            %add3A_318 = arith.addf %add3A_311, %gather3A_317 : vector<16xf32>
            %xor3A_319 = arith.constant 1 : i32
            %xor3A_320 = vector.broadcast %xor3A_319 : i32 to vector<16xi32>
            %xor3A_321 = arith.xori %iota3A_297, %xor3A_320 : vector<16xi32>
            %broadcast_in_dim3A_322 = vector.shape_cast %xor3A_321 : vector<16xi32> to vector<16x1xi32>
            %gather3A_323 = vector.shape_cast %broadcast_in_dim3A_322 : vector<16x1xi32> to vector<16xi32>
            %gather3A_324 = tpu.dynamic_gather %add3A_318[%gather3A_323] in [0] : vector<16xf32>, vector<16xi32> -> vector<16xf32>
            %add3A_325 = arith.addf %add3A_318, %gather3A_324 : vector<16xf32>
            %select_n3A_326 = arith.select %eq3A_296, %add3A_325, %select_n3A_250 : vector<16xi1>, vector<16xf32>
            %scan3A_327 = arith.constant 3 : i32
            %scan3A_328 = arith.addi %scan3A_103, %scan3A_327 : i32
            %mul3A_329 = arith.constant 16 : i32
            %mul3A_330 = arith.muli %scan3A_90, %mul3A_329 : i32
            %add3A_331 = arith.addi %mul3A_330, %scan3A_328 : i32
            %get3A_332 = arith.index_cast %add3A_331 : i32 to index
            %get3A_333 = arith.constant 0 : index
            %get3A_334 = tpu.vector_load %arg14[%get3A_332, %get3A_333] {strides = array<i32>} : memref<128x64xf32, #tpu.memory_space<vmem>>, vector<1x16xf32>,
            %get3A_335 = vector.shape_cast %get3A_334 : vector<1x16xf32> to vector<16xf32>
            %get3A_336 = arith.index_cast %add3A_331 : i32 to index
            %get3A_337 = arith.constant 0 : index
            %get3A_338 = tpu.vector_load %arg16[%get3A_336, %get3A_337] {strides = array<i32>} : memref<128x64xf32, #tpu.memory_space<vmem>>, vector<1x16xf32>,
            %get3A_339 = vector.shape_cast %get3A_338 : vector<1x16xf32> to vector<16xf32>
            %mul3A_340 = arith.mulf %get3A_335, %get3A_339 : vector<16xf32>
            %get3A_341 = arith.index_cast %add3A_331 : i32 to index
            %get3A_342 = arith.constant 16 : index
            %get3A_343 = tpu.vector_load %arg14[%get3A_341, %get3A_342] {strides = array<i32>} : memref<128x64xf32, #tpu.memory_space<vmem>>, vector<1x16xf32>,
            %get3A_344 = vector.shape_cast %get3A_343 : vector<1x16xf32> to vector<16xf32>
            %get3A_345 = arith.index_cast %add3A_331 : i32 to index
            %get3A_346 = arith.constant 16 : index
            %get3A_347 = tpu.vector_load %arg16[%get3A_345, %get3A_346] {strides = array<i32>} : memref<128x64xf32, #tpu.memory_space<vmem>>, vector<1x16xf32>,
            %get3A_348 = vector.shape_cast %get3A_347 : vector<1x16xf32> to vector<16xf32>
            %mul3A_349 = arith.mulf %get3A_344, %get3A_348 : vector<16xf32>
            %add3A_350 = arith.addf %mul3A_340, %mul3A_349 : vector<16xf32>
            %get3A_351 = arith.index_cast %add3A_331 : i32 to index
            %get3A_352 = arith.constant 32 : index
            %get3A_353 = tpu.vector_load %arg14[%get3A_351, %get3A_352] {strides = array<i32>} : memref<128x64xf32, #tpu.memory_space<vmem>>, vector<1x16xf32>,
            %get3A_354 = vector.shape_cast %get3A_353 : vector<1x16xf32> to vector<16xf32>
            %get3A_355 = arith.index_cast %add3A_331 : i32 to index
            %get3A_356 = arith.constant 32 : index
            %get3A_357 = tpu.vector_load %arg16[%get3A_355, %get3A_356] {strides = array<i32>} : memref<128x64xf32, #tpu.memory_space<vmem>>, vector<1x16xf32>,
            %get3A_358 = vector.shape_cast %get3A_357 : vector<1x16xf32> to vector<16xf32>
            %mul3A_359 = arith.mulf %get3A_354, %get3A_358 : vector<16xf32>
            %add3A_360 = arith.addf %add3A_350, %mul3A_359 : vector<16xf32>
            %get3A_361 = arith.index_cast %add3A_331 : i32 to index
            %get3A_362 = arith.constant 48 : index
            %get3A_363 = tpu.vector_load %arg14[%get3A_361, %get3A_362] {strides = array<i32>} : memref<128x64xf32, #tpu.memory_space<vmem>>, vector<1x16xf32>,
            %get3A_364 = vector.shape_cast %get3A_363 : vector<1x16xf32> to vector<16xf32>
            %get3A_365 = arith.index_cast %add3A_331 : i32 to index
            %get3A_366 = arith.constant 48 : index
            %get3A_367 = tpu.vector_load %arg16[%get3A_365, %get3A_366] {strides = array<i32>} : memref<128x64xf32, #tpu.memory_space<vmem>>, vector<1x16xf32>,
            %get3A_368 = vector.shape_cast %get3A_367 : vector<1x16xf32> to vector<16xf32>
            %mul3A_369 = arith.mulf %get3A_364, %get3A_368 : vector<16xf32>
            %add3A_370 = arith.addf %add3A_360, %mul3A_369 : vector<16xf32>
            %eq3A_371 = vector.broadcast %scan3A_328 : i32 to vector<16xi32>
            %eq3A_372 = arith.cmpi eq, %iota3A, %eq3A_371 : vector<16xi32>
            %iota3A_373 = tpu.iota {dimensions = array<i32: 0>} : vector<16xi32>
            %xor3A_374 = arith.constant 8 : i32
            %xor3A_375 = vector.broadcast %xor3A_374 : i32 to vector<16xi32>
            %xor3A_376 = arith.xori %iota3A_373, %xor3A_375 : vector<16xi32>
            %broadcast_in_dim3A_377 = vector.shape_cast %xor3A_376 : vector<16xi32> to vector<16x1xi32>
            %gather3A_378 = vector.shape_cast %broadcast_in_dim3A_377 : vector<16x1xi32> to vector<16xi32>
            %gather3A_379 = tpu.dynamic_gather %add3A_370[%gather3A_378] in [0] : vector<16xf32>, vector<16xi32> -> vector<16xf32>
            %add3A_380 = arith.addf %add3A_370, %gather3A_379 : vector<16xf32>
            %xor3A_381 = arith.constant 4 : i32
            %xor3A_382 = vector.broadcast %xor3A_381 : i32 to vector<16xi32>
            %xor3A_383 = arith.xori %iota3A_373, %xor3A_382 : vector<16xi32>
            %broadcast_in_dim3A_384 = vector.shape_cast %xor3A_383 : vector<16xi32> to vector<16x1xi32>
            %gather3A_385 = vector.shape_cast %broadcast_in_dim3A_384 : vector<16x1xi32> to vector<16xi32>
            %gather3A_386 = tpu.dynamic_gather %add3A_380[%gather3A_385] in [0] : vector<16xf32>, vector<16xi32> -> vector<16xf32>
            %add3A_387 = arith.addf %add3A_380, %gather3A_386 : vector<16xf32>
            %xor3A_388 = arith.constant 2 : i32
            %xor3A_389 = vector.broadcast %xor3A_388 : i32 to vector<16xi32>
            %xor3A_390 = arith.xori %iota3A_373, %xor3A_389 : vector<16xi32>
            %broadcast_in_dim3A_391 = vector.shape_cast %xor3A_390 : vector<16xi32> to vector<16x1xi32>
            %gather3A_392 = vector.shape_cast %broadcast_in_dim3A_391 : vector<16x1xi32> to vector<16xi32>
            %gather3A_393 = tpu.dynamic_gather %add3A_387[%gather3A_392] in [0] : vector<16xf32>, vector<16xi32> -> vector<16xf32>
            %add3A_394 = arith.addf %add3A_387, %gather3A_393 : vector<16xf32>
            %xor3A_395 = arith.constant 1 : i32
            %xor3A_396 = vector.broadcast %xor3A_395 : i32 to vector<16xi32>
            %xor3A_397 = arith.xori %iota3A_373, %xor3A_396 : vector<16xi32>
            %broadcast_in_dim3A_398 = vector.shape_cast %xor3A_397 : vector<16xi32> to vector<16x1xi32>
            %gather3A_399 = vector.shape_cast %broadcast_in_dim3A_398 : vector<16x1xi32> to vector<16xi32>
            %gather3A_400 = tpu.dynamic_gather %add3A_394[%gather3A_399] in [0] : vector<16xf32>, vector<16xi32> -> vector<16xf32>
            %add3A_401 = arith.addf %add3A_394, %gather3A_400 : vector<16xf32>
            %select_n3A_402 = arith.select %eq3A_372, %add3A_401, %select_n3A_326 : vector<16xi1>, vector<16xf32>
            scf.yield %select_n3A_402 : vector<16xf32>
          }
          %scan3A_97 = arith.constant 16 : i32
          %mul3A_98 = arith.constant 16 : i32
          %mul3A_99 = arith.muli %scan3A_90, %mul3A_98 : i32
          %swap3A = arith.index_cast %mul3A_99 : i32 to index
          %swap3A_100 = tpu.vector_load %arg18[%swap3A] {strides = array<i32>} : memref<128xf32, #tpu.memory_space<vmem>>, vector<16xf32>,
          %swap3A_101 = vector.shape_cast %swap3A_100 : vector<16xf32> to vector<16xf32>
          %swap3A_102 = vector.shape_cast %scan3A_96 : vector<16xf32> to vector<16xf32>
          tpu.vector_store %arg18[%swap3A], %swap3A_102 {strides = array<i32>} : memref<128xf32, #tpu.memory_space<vmem>>, vector<16xf32>,
        }
        %scan3A_84 = arith.constant 8 : i32
        %add3A_85 = arith.addi %add3A_13, %mul3A_54 : i32
        %mul3A_86 = arith.constant 128 : i32
        %mul3A_87 = arith.muli %add3A_85, %mul3A_86 : i32
        %dma_start3A_88 = tpu.memref_slice %arg11[%mul3A_87] : memref<80000xf32, #tpu.memory_space<hbm>> -> memref<128xf32, #tpu.memory_space<hbm>>
        %dma_start3A_89 = tpu.memref_slice %arg11[%mul3A_87] : memref<80000xf32, #tpu.memory_space<hbm>> -> memref<128xf32, #tpu.memory_space<hbm>>
        tpu.enqueue_dma source(%arg18 : memref<128xf32, #tpu.memory_space<vmem>>) target(%dma_start3A_89 : memref<128xf32, #tpu.memory_space<hbm>>) target_semaphore(%arg31 : memref<!tpu.dma_semaphore, #tpu.memory_space<semaphore_mem>>)
      } else {
      }
      %mul3A_45 = arith.constant 2 : i32
      %mul3A_46 = arith.muli %mul3A_45, %scan3A_40 : i32
      %add3A_47 = arith.constant 1 : i32
      %add3A_48 = arith.addi %mul3A_46, %add3A_47 : i32
      %lt3A_49 = arith.cmpi slt, %add3A_48, %add3A_9 : i32
      %convert_element_type3A_50 = arith.extui %lt3A_49 : i1 to i32
      %cond3A_51 = arith.constant 0 : i32
      %cond3A_52 = arith.cmpi ne, %convert_element_type3A_50, %cond3A_51 : i32
      scf.if %cond3A_52 {
        %mul3A_53 = arith.constant 2 : i32
        %mul3A_54 = arith.muli %mul3A_53, %scan3A_40 : i32
        %add3A_55 = arith.constant 1 : i32
        %add3A_56 = arith.addi %mul3A_54, %add3A_55 : i32
        %add3A_57 = arith.constant 1 : i32
        %add3A_58 = arith.addi %add3A_56, %add3A_57 : i32
        %lt3A_59 = arith.cmpi slt, %add3A_58, %add3A_9 : i32
        %convert_element_type3A_60 = arith.extui %lt3A_59 : i1 to i32
        %cond3A_61 = arith.constant 0 : i32
        %cond3A_62 = arith.cmpi ne, %convert_element_type3A_60, %cond3A_61 : i32
        scf.if %cond3A_62 {
          %add3A_92 = arith.constant 1 : i32
          %add3A_93 = arith.addi %add3A_56, %add3A_92 : i32
          %dma_start3A_94 = arith.constant 0 : i32
          %dma_start3A_95 = tpu.memref_slice %arg12[%add3A_93, %dma_start3A_94] : memref<20x128xi32, #tpu.memory_space<vmem>> -> memref<1x128xi32, #tpu.memory_space<vmem>>
          %dma_start3A_96 = tpu.memref_squeeze %dma_start3A_95 : memref<1x128xi32, #tpu.memory_space<vmem>> -> memref<128xi32, #tpu.memory_space<vmem>>
          %dma_start3A_97 = arith.constant 0 : i32
          %dma_start3A_98 = arith.constant 0 : i32
          %dma_start3A_99 = tpu.memref_slice %arg28[%dma_start3A_97, %dma_start3A_98] : memref<10000x64xf32, #tpu.memory_space<vmem_shared>> -> memref<10000x64xf32, #tpu.memory_space<vmem_shared>>
          tpu.enqueue_indirect_dma source(%dma_start3A_99 : memref<10000x64xf32, #tpu.memory_space<vmem_shared>>) target(%arg14 : memref<128x64xf32, #tpu.memory_space<vmem>>) offsets(%dma_start3A_96 : memref<128xi32, #tpu.memory_space<vmem>>) semaphore(%arg29 : memref<!tpu.dma_semaphore, #tpu.memory_space<semaphore_mem>>)
          %dma_start3A_100 = arith.constant 0 : i32
          %dma_start3A_101 = tpu.memref_slice %arg13[%add3A_93, %dma_start3A_100] : memref<20x128xi32, #tpu.memory_space<vmem>> -> memref<1x128xi32, #tpu.memory_space<vmem>>
          %dma_start3A_102 = tpu.memref_squeeze %dma_start3A_101 : memref<1x128xi32, #tpu.memory_space<vmem>> -> memref<128xi32, #tpu.memory_space<vmem>>
          %dma_start3A_103 = arith.constant 0 : i32
          %dma_start3A_104 = arith.constant 0 : i32
          %dma_start3A_105 = tpu.memref_slice %arg28[%dma_start3A_103, %dma_start3A_104] : memref<10000x64xf32, #tpu.memory_space<vmem_shared>> -> memref<10000x64xf32, #tpu.memory_space<vmem_shared>>
          tpu.enqueue_indirect_dma source(%dma_start3A_105 : memref<10000x64xf32, #tpu.memory_space<vmem_shared>>) target(%arg16 : memref<128x64xf32, #tpu.memory_space<vmem>>) offsets(%dma_start3A_102 : memref<128xi32, #tpu.memory_space<vmem>>) semaphore(%arg29 : memref<!tpu.dma_semaphore, #tpu.memory_space<semaphore_mem>>)
        } else {
        }
        %dma_wait3A_63 = arith.constant 0 : i32
        %dma_wait3A_64 = arith.constant 0 : i32
        %dma_wait3A_65 = tpu.memref_slice %arg12[%dma_wait3A_63, %dma_wait3A_64] : memref<20x128xi32, #tpu.memory_space<vmem>> -> memref<1x128xi32, #tpu.memory_space<vmem>>
        %dma_wait3A_66 = tpu.memref_squeeze %dma_wait3A_65 : memref<1x128xi32, #tpu.memory_space<vmem>> -> memref<128xi32, #tpu.memory_space<vmem>>
        %dma_wait3A_67 = arith.constant 0 : i32
        %dma_wait3A_68 = arith.constant 0 : i32
        %dma_wait3A_69 = tpu.memref_slice %arg28[%dma_wait3A_67, %dma_wait3A_68] : memref<10000x64xf32, #tpu.memory_space<vmem_shared>> -> memref<10000x64xf32, #tpu.memory_space<vmem_shared>>
        tpu.wait_indirect_dma semaphore(%arg30 : memref<!tpu.dma_semaphore, #tpu.memory_space<semaphore_mem>>) src(%dma_wait3A_69 : memref<10000x64xf32, #tpu.memory_space<vmem_shared>>) dst(%arg15 : memref<128x64xf32, #tpu.memory_space<vmem>>)
        %dma_wait3A_70 = arith.constant 0 : i32
        %dma_wait3A_71 = arith.constant 0 : i32
        %dma_wait3A_72 = tpu.memref_slice %arg13[%dma_wait3A_70, %dma_wait3A_71] : memref<20x128xi32, #tpu.memory_space<vmem>> -> memref<1x128xi32, #tpu.memory_space<vmem>>
        %dma_wait3A_73 = tpu.memref_squeeze %dma_wait3A_72 : memref<1x128xi32, #tpu.memory_space<vmem>> -> memref<128xi32, #tpu.memory_space<vmem>>
        %dma_wait3A_74 = arith.constant 0 : i32
        %dma_wait3A_75 = arith.constant 0 : i32
        %dma_wait3A_76 = tpu.memref_slice %arg28[%dma_wait3A_74, %dma_wait3A_75] : memref<10000x64xf32, #tpu.memory_space<vmem_shared>> -> memref<10000x64xf32, #tpu.memory_space<vmem_shared>>
        tpu.wait_indirect_dma semaphore(%arg30 : memref<!tpu.dma_semaphore, #tpu.memory_space<semaphore_mem>>) src(%dma_wait3A_76 : memref<10000x64xf32, #tpu.memory_space<vmem_shared>>) dst(%arg17 : memref<128x64xf32, #tpu.memory_space<vmem>>)
        %ge3A = arith.constant 2 : i32
        %ge3A_77 = arith.cmpi sge, %add3A_56, %ge3A : i32
        %convert_element_type3A_78 = arith.extui %ge3A_77 : i1 to i32
        %cond3A_79 = arith.constant 0 : i32
        %cond3A_80 = arith.cmpi ne, %convert_element_type3A_78, %cond3A_79 : i32
        scf.if %cond3A_80 {
          %dma_wait3A_92 = arith.constant 0 : i32
          %dma_wait3A_93 = tpu.memref_slice %arg11[%dma_wait3A_92] : memref<80000xf32, #tpu.memory_space<hbm>> -> memref<128xf32, #tpu.memory_space<hbm>>
          %dma_wait3A_94 = arith.constant 0 : i32
          %dma_wait3A_95 = tpu.memref_slice %arg11[%dma_wait3A_94] : memref<80000xf32, #tpu.memory_space<hbm>> -> memref<128xf32, #tpu.memory_space<hbm>>
          tpu.wait_dma2 semaphore(%arg32 : memref<!tpu.dma_semaphore, #tpu.memory_space<semaphore_mem>>) src(%arg19 : memref<128xf32, #tpu.memory_space<vmem>>) dst(%dma_wait3A_95 : memref<128xf32, #tpu.memory_space<hbm>>)
        } else {
        }
        %scan3A_81 = arith.constant 0 : i32
        %scan3A_82 = arith.constant 0 : i32
        %scan3A_83 = arith.constant 8 : i32
        %scan3A_84 = arith.addi %scan3A_82, %scan3A_83 : i32
        %scan3A_85 = arith.constant 1 : i32
        scf.for %scan3A_92 = %scan3A_82 to %scan3A_84 step %scan3A_85  : i32 {
          %broadcast_in_dim3A = arith.constant 0.000000e+00 : f32
          %broadcast_in_dim3A_93 = vector.broadcast %broadcast_in_dim3A : f32 to vector<16xf32>
          %scan3A_94 = arith.constant 0 : i32
          %scan3A_95 = arith.constant 16 : i32
          %scan3A_96 = arith.addi %scan3A_94, %scan3A_95 : i32
          %scan3A_97 = arith.constant 4 : i32
          %scan3A_98 = scf.for %scan3A_105 = %scan3A_94 to %scan3A_96 step %scan3A_97 iter_args(%scan3A_106 = %broadcast_in_dim3A_93) -> (vector<16xf32>)  : i32 {
            %mul3A_107 = arith.constant 16 : i32
            %mul3A_108 = arith.muli %scan3A_92, %mul3A_107 : i32
            %add3A_109 = arith.addi %mul3A_108, %scan3A_105 : i32
            %get3A = arith.index_cast %add3A_109 : i32 to index
            %get3A_110 = arith.constant 0 : index
            %get3A_111 = tpu.vector_load %arg15[%get3A, %get3A_110] {strides = array<i32>} : memref<128x64xf32, #tpu.memory_space<vmem>>, vector<1x16xf32>,
            %get3A_112 = vector.shape_cast %get3A_111 : vector<1x16xf32> to vector<16xf32>
            %get3A_113 = arith.index_cast %add3A_109 : i32 to index
            %get3A_114 = arith.constant 0 : index
            %get3A_115 = tpu.vector_load %arg17[%get3A_113, %get3A_114] {strides = array<i32>} : memref<128x64xf32, #tpu.memory_space<vmem>>, vector<1x16xf32>,
            %get3A_116 = vector.shape_cast %get3A_115 : vector<1x16xf32> to vector<16xf32>
            %mul3A_117 = arith.mulf %get3A_112, %get3A_116 : vector<16xf32>
            %get3A_118 = arith.index_cast %add3A_109 : i32 to index
            %get3A_119 = arith.constant 16 : index
            %get3A_120 = tpu.vector_load %arg15[%get3A_118, %get3A_119] {strides = array<i32>} : memref<128x64xf32, #tpu.memory_space<vmem>>, vector<1x16xf32>,
            %get3A_121 = vector.shape_cast %get3A_120 : vector<1x16xf32> to vector<16xf32>
            %get3A_122 = arith.index_cast %add3A_109 : i32 to index
            %get3A_123 = arith.constant 16 : index
            %get3A_124 = tpu.vector_load %arg17[%get3A_122, %get3A_123] {strides = array<i32>} : memref<128x64xf32, #tpu.memory_space<vmem>>, vector<1x16xf32>,
            %get3A_125 = vector.shape_cast %get3A_124 : vector<1x16xf32> to vector<16xf32>
            %mul3A_126 = arith.mulf %get3A_121, %get3A_125 : vector<16xf32>
            %add3A_127 = arith.addf %mul3A_117, %mul3A_126 : vector<16xf32>
            %get3A_128 = arith.index_cast %add3A_109 : i32 to index
            %get3A_129 = arith.constant 32 : index
            %get3A_130 = tpu.vector_load %arg15[%get3A_128, %get3A_129] {strides = array<i32>} : memref<128x64xf32, #tpu.memory_space<vmem>>, vector<1x16xf32>,
            %get3A_131 = vector.shape_cast %get3A_130 : vector<1x16xf32> to vector<16xf32>
            %get3A_132 = arith.index_cast %add3A_109 : i32 to index
            %get3A_133 = arith.constant 32 : index
            %get3A_134 = tpu.vector_load %arg17[%get3A_132, %get3A_133] {strides = array<i32>} : memref<128x64xf32, #tpu.memory_space<vmem>>, vector<1x16xf32>,
            %get3A_135 = vector.shape_cast %get3A_134 : vector<1x16xf32> to vector<16xf32>
            %mul3A_136 = arith.mulf %get3A_131, %get3A_135 : vector<16xf32>
            %add3A_137 = arith.addf %add3A_127, %mul3A_136 : vector<16xf32>
            %get3A_138 = arith.index_cast %add3A_109 : i32 to index
            %get3A_139 = arith.constant 48 : index
            %get3A_140 = tpu.vector_load %arg15[%get3A_138, %get3A_139] {strides = array<i32>} : memref<128x64xf32, #tpu.memory_space<vmem>>, vector<1x16xf32>,
            %get3A_141 = vector.shape_cast %get3A_140 : vector<1x16xf32> to vector<16xf32>
            %get3A_142 = arith.index_cast %add3A_109 : i32 to index
            %get3A_143 = arith.constant 48 : index
            %get3A_144 = tpu.vector_load %arg17[%get3A_142, %get3A_143] {strides = array<i32>} : memref<128x64xf32, #tpu.memory_space<vmem>>, vector<1x16xf32>,
            %get3A_145 = vector.shape_cast %get3A_144 : vector<1x16xf32> to vector<16xf32>
            %mul3A_146 = arith.mulf %get3A_141, %get3A_145 : vector<16xf32>
            %add3A_147 = arith.addf %add3A_137, %mul3A_146 : vector<16xf32>
            %eq3A = vector.broadcast %scan3A_105 : i32 to vector<16xi32>
            %eq3A_148 = arith.cmpi eq, %iota3A, %eq3A : vector<16xi32>
            %iota3A_149 = tpu.iota {dimensions = array<i32: 0>} : vector<16xi32>
            %xor3A = arith.constant 8 : i32
            %xor3A_150 = vector.broadcast %xor3A : i32 to vector<16xi32>
            %xor3A_151 = arith.xori %iota3A_149, %xor3A_150 : vector<16xi32>
            %broadcast_in_dim3A_152 = vector.shape_cast %xor3A_151 : vector<16xi32> to vector<16x1xi32>
            %gather3A = vector.shape_cast %broadcast_in_dim3A_152 : vector<16x1xi32> to vector<16xi32>
            %gather3A_153 = tpu.dynamic_gather %add3A_147[%gather3A] in [0] : vector<16xf32>, vector<16xi32> -> vector<16xf32>
            %add3A_154 = arith.addf %add3A_147, %gather3A_153 : vector<16xf32>
            %xor3A_155 = arith.constant 4 : i32
            %xor3A_156 = vector.broadcast %xor3A_155 : i32 to vector<16xi32>
            %xor3A_157 = arith.xori %iota3A_149, %xor3A_156 : vector<16xi32>
            %broadcast_in_dim3A_158 = vector.shape_cast %xor3A_157 : vector<16xi32> to vector<16x1xi32>
            %gather3A_159 = vector.shape_cast %broadcast_in_dim3A_158 : vector<16x1xi32> to vector<16xi32>
            %gather3A_160 = tpu.dynamic_gather %add3A_154[%gather3A_159] in [0] : vector<16xf32>, vector<16xi32> -> vector<16xf32>
            %add3A_161 = arith.addf %add3A_154, %gather3A_160 : vector<16xf32>
            %xor3A_162 = arith.constant 2 : i32
            %xor3A_163 = vector.broadcast %xor3A_162 : i32 to vector<16xi32>
            %xor3A_164 = arith.xori %iota3A_149, %xor3A_163 : vector<16xi32>
            %broadcast_in_dim3A_165 = vector.shape_cast %xor3A_164 : vector<16xi32> to vector<16x1xi32>
            %gather3A_166 = vector.shape_cast %broadcast_in_dim3A_165 : vector<16x1xi32> to vector<16xi32>
            %gather3A_167 = tpu.dynamic_gather %add3A_161[%gather3A_166] in [0] : vector<16xf32>, vector<16xi32> -> vector<16xf32>
            %add3A_168 = arith.addf %add3A_161, %gather3A_167 : vector<16xf32>
            %xor3A_169 = arith.constant 1 : i32
            %xor3A_170 = vector.broadcast %xor3A_169 : i32 to vector<16xi32>
            %xor3A_171 = arith.xori %iota3A_149, %xor3A_170 : vector<16xi32>
            %broadcast_in_dim3A_172 = vector.shape_cast %xor3A_171 : vector<16xi32> to vector<16x1xi32>
            %gather3A_173 = vector.shape_cast %broadcast_in_dim3A_172 : vector<16x1xi32> to vector<16xi32>
            %gather3A_174 = tpu.dynamic_gather %add3A_168[%gather3A_173] in [0] : vector<16xf32>, vector<16xi32> -> vector<16xf32>
            %add3A_175 = arith.addf %add3A_168, %gather3A_174 : vector<16xf32>
            %select_n3A_176 = arith.select %eq3A_148, %add3A_175, %scan3A_106 : vector<16xi1>, vector<16xf32>
            %scan3A_177 = arith.constant 1 : i32
            %scan3A_178 = arith.addi %scan3A_105, %scan3A_177 : i32
            %mul3A_179 = arith.constant 16 : i32
            %mul3A_180 = arith.muli %scan3A_92, %mul3A_179 : i32
            %add3A_181 = arith.addi %mul3A_180, %scan3A_178 : i32
            %get3A_182 = arith.index_cast %add3A_181 : i32 to index
            %get3A_183 = arith.constant 0 : index
            %get3A_184 = tpu.vector_load %arg15[%get3A_182, %get3A_183] {strides = array<i32>} : memref<128x64xf32, #tpu.memory_space<vmem>>, vector<1x16xf32>,
            %get3A_185 = vector.shape_cast %get3A_184 : vector<1x16xf32> to vector<16xf32>
            %get3A_186 = arith.index_cast %add3A_181 : i32 to index
            %get3A_187 = arith.constant 0 : index
            %get3A_188 = tpu.vector_load %arg17[%get3A_186, %get3A_187] {strides = array<i32>} : memref<128x64xf32, #tpu.memory_space<vmem>>, vector<1x16xf32>,
            %get3A_189 = vector.shape_cast %get3A_188 : vector<1x16xf32> to vector<16xf32>
            %mul3A_190 = arith.mulf %get3A_185, %get3A_189 : vector<16xf32>
            %get3A_191 = arith.index_cast %add3A_181 : i32 to index
            %get3A_192 = arith.constant 16 : index
            %get3A_193 = tpu.vector_load %arg15[%get3A_191, %get3A_192] {strides = array<i32>} : memref<128x64xf32, #tpu.memory_space<vmem>>, vector<1x16xf32>,
            %get3A_194 = vector.shape_cast %get3A_193 : vector<1x16xf32> to vector<16xf32>
            %get3A_195 = arith.index_cast %add3A_181 : i32 to index
            %get3A_196 = arith.constant 16 : index
            %get3A_197 = tpu.vector_load %arg17[%get3A_195, %get3A_196] {strides = array<i32>} : memref<128x64xf32, #tpu.memory_space<vmem>>, vector<1x16xf32>,
            %get3A_198 = vector.shape_cast %get3A_197 : vector<1x16xf32> to vector<16xf32>
            %mul3A_199 = arith.mulf %get3A_194, %get3A_198 : vector<16xf32>
            %add3A_200 = arith.addf %mul3A_190, %mul3A_199 : vector<16xf32>
            %get3A_201 = arith.index_cast %add3A_181 : i32 to index
            %get3A_202 = arith.constant 32 : index
            %get3A_203 = tpu.vector_load %arg15[%get3A_201, %get3A_202] {strides = array<i32>} : memref<128x64xf32, #tpu.memory_space<vmem>>, vector<1x16xf32>,
            %get3A_204 = vector.shape_cast %get3A_203 : vector<1x16xf32> to vector<16xf32>
            %get3A_205 = arith.index_cast %add3A_181 : i32 to index
            %get3A_206 = arith.constant 32 : index
            %get3A_207 = tpu.vector_load %arg17[%get3A_205, %get3A_206] {strides = array<i32>} : memref<128x64xf32, #tpu.memory_space<vmem>>, vector<1x16xf32>,
            %get3A_208 = vector.shape_cast %get3A_207 : vector<1x16xf32> to vector<16xf32>
            %mul3A_209 = arith.mulf %get3A_204, %get3A_208 : vector<16xf32>
            %add3A_210 = arith.addf %add3A_200, %mul3A_209 : vector<16xf32>
            %get3A_211 = arith.index_cast %add3A_181 : i32 to index
            %get3A_212 = arith.constant 48 : index
            %get3A_213 = tpu.vector_load %arg15[%get3A_211, %get3A_212] {strides = array<i32>} : memref<128x64xf32, #tpu.memory_space<vmem>>, vector<1x16xf32>,
            %get3A_214 = vector.shape_cast %get3A_213 : vector<1x16xf32> to vector<16xf32>
            %get3A_215 = arith.index_cast %add3A_181 : i32 to index
            %get3A_216 = arith.constant 48 : index
            %get3A_217 = tpu.vector_load %arg17[%get3A_215, %get3A_216] {strides = array<i32>} : memref<128x64xf32, #tpu.memory_space<vmem>>, vector<1x16xf32>,
            %get3A_218 = vector.shape_cast %get3A_217 : vector<1x16xf32> to vector<16xf32>
            %mul3A_219 = arith.mulf %get3A_214, %get3A_218 : vector<16xf32>
            %add3A_220 = arith.addf %add3A_210, %mul3A_219 : vector<16xf32>
            %eq3A_221 = vector.broadcast %scan3A_178 : i32 to vector<16xi32>
            %eq3A_222 = arith.cmpi eq, %iota3A, %eq3A_221 : vector<16xi32>
            %iota3A_223 = tpu.iota {dimensions = array<i32: 0>} : vector<16xi32>
            %xor3A_224 = arith.constant 8 : i32
            %xor3A_225 = vector.broadcast %xor3A_224 : i32 to vector<16xi32>
            %xor3A_226 = arith.xori %iota3A_223, %xor3A_225 : vector<16xi32>
            %broadcast_in_dim3A_227 = vector.shape_cast %xor3A_226 : vector<16xi32> to vector<16x1xi32>
            %gather3A_228 = vector.shape_cast %broadcast_in_dim3A_227 : vector<16x1xi32> to vector<16xi32>
            %gather3A_229 = tpu.dynamic_gather %add3A_220[%gather3A_228] in [0] : vector<16xf32>, vector<16xi32> -> vector<16xf32>
            %add3A_230 = arith.addf %add3A_220, %gather3A_229 : vector<16xf32>
            %xor3A_231 = arith.constant 4 : i32
            %xor3A_232 = vector.broadcast %xor3A_231 : i32 to vector<16xi32>
            %xor3A_233 = arith.xori %iota3A_223, %xor3A_232 : vector<16xi32>
            %broadcast_in_dim3A_234 = vector.shape_cast %xor3A_233 : vector<16xi32> to vector<16x1xi32>
            %gather3A_235 = vector.shape_cast %broadcast_in_dim3A_234 : vector<16x1xi32> to vector<16xi32>
            %gather3A_236 = tpu.dynamic_gather %add3A_230[%gather3A_235] in [0] : vector<16xf32>, vector<16xi32> -> vector<16xf32>
            %add3A_237 = arith.addf %add3A_230, %gather3A_236 : vector<16xf32>
            %xor3A_238 = arith.constant 2 : i32
            %xor3A_239 = vector.broadcast %xor3A_238 : i32 to vector<16xi32>
            %xor3A_240 = arith.xori %iota3A_223, %xor3A_239 : vector<16xi32>
            %broadcast_in_dim3A_241 = vector.shape_cast %xor3A_240 : vector<16xi32> to vector<16x1xi32>
            %gather3A_242 = vector.shape_cast %broadcast_in_dim3A_241 : vector<16x1xi32> to vector<16xi32>
            %gather3A_243 = tpu.dynamic_gather %add3A_237[%gather3A_242] in [0] : vector<16xf32>, vector<16xi32> -> vector<16xf32>
            %add3A_244 = arith.addf %add3A_237, %gather3A_243 : vector<16xf32>
            %xor3A_245 = arith.constant 1 : i32
            %xor3A_246 = vector.broadcast %xor3A_245 : i32 to vector<16xi32>
            %xor3A_247 = arith.xori %iota3A_223, %xor3A_246 : vector<16xi32>
            %broadcast_in_dim3A_248 = vector.shape_cast %xor3A_247 : vector<16xi32> to vector<16x1xi32>
            %gather3A_249 = vector.shape_cast %broadcast_in_dim3A_248 : vector<16x1xi32> to vector<16xi32>
            %gather3A_250 = tpu.dynamic_gather %add3A_244[%gather3A_249] in [0] : vector<16xf32>, vector<16xi32> -> vector<16xf32>
            %add3A_251 = arith.addf %add3A_244, %gather3A_250 : vector<16xf32>
            %select_n3A_252 = arith.select %eq3A_222, %add3A_251, %select_n3A_176 : vector<16xi1>, vector<16xf32>
            %scan3A_253 = arith.constant 2 : i32
            %scan3A_254 = arith.addi %scan3A_105, %scan3A_253 : i32
            %mul3A_255 = arith.constant 16 : i32
            %mul3A_256 = arith.muli %scan3A_92, %mul3A_255 : i32
            %add3A_257 = arith.addi %mul3A_256, %scan3A_254 : i32
            %get3A_258 = arith.index_cast %add3A_257 : i32 to index
            %get3A_259 = arith.constant 0 : index
            %get3A_260 = tpu.vector_load %arg15[%get3A_258, %get3A_259] {strides = array<i32>} : memref<128x64xf32, #tpu.memory_space<vmem>>, vector<1x16xf32>,
            %get3A_261 = vector.shape_cast %get3A_260 : vector<1x16xf32> to vector<16xf32>
            %get3A_262 = arith.index_cast %add3A_257 : i32 to index
            %get3A_263 = arith.constant 0 : index
            %get3A_264 = tpu.vector_load %arg17[%get3A_262, %get3A_263] {strides = array<i32>} : memref<128x64xf32, #tpu.memory_space<vmem>>, vector<1x16xf32>,
            %get3A_265 = vector.shape_cast %get3A_264 : vector<1x16xf32> to vector<16xf32>
            %mul3A_266 = arith.mulf %get3A_261, %get3A_265 : vector<16xf32>
            %get3A_267 = arith.index_cast %add3A_257 : i32 to index
            %get3A_268 = arith.constant 16 : index
            %get3A_269 = tpu.vector_load %arg15[%get3A_267, %get3A_268] {strides = array<i32>} : memref<128x64xf32, #tpu.memory_space<vmem>>, vector<1x16xf32>,
            %get3A_270 = vector.shape_cast %get3A_269 : vector<1x16xf32> to vector<16xf32>
            %get3A_271 = arith.index_cast %add3A_257 : i32 to index
            %get3A_272 = arith.constant 16 : index
            %get3A_273 = tpu.vector_load %arg17[%get3A_271, %get3A_272] {strides = array<i32>} : memref<128x64xf32, #tpu.memory_space<vmem>>, vector<1x16xf32>,
            %get3A_274 = vector.shape_cast %get3A_273 : vector<1x16xf32> to vector<16xf32>
            %mul3A_275 = arith.mulf %get3A_270, %get3A_274 : vector<16xf32>
            %add3A_276 = arith.addf %mul3A_266, %mul3A_275 : vector<16xf32>
            %get3A_277 = arith.index_cast %add3A_257 : i32 to index
            %get3A_278 = arith.constant 32 : index
            %get3A_279 = tpu.vector_load %arg15[%get3A_277, %get3A_278] {strides = array<i32>} : memref<128x64xf32, #tpu.memory_space<vmem>>, vector<1x16xf32>,
            %get3A_280 = vector.shape_cast %get3A_279 : vector<1x16xf32> to vector<16xf32>
            %get3A_281 = arith.index_cast %add3A_257 : i32 to index
            %get3A_282 = arith.constant 32 : index
            %get3A_283 = tpu.vector_load %arg17[%get3A_281, %get3A_282] {strides = array<i32>} : memref<128x64xf32, #tpu.memory_space<vmem>>, vector<1x16xf32>,
            %get3A_284 = vector.shape_cast %get3A_283 : vector<1x16xf32> to vector<16xf32>
            %mul3A_285 = arith.mulf %get3A_280, %get3A_284 : vector<16xf32>
            %add3A_286 = arith.addf %add3A_276, %mul3A_285 : vector<16xf32>
            %get3A_287 = arith.index_cast %add3A_257 : i32 to index
            %get3A_288 = arith.constant 48 : index
            %get3A_289 = tpu.vector_load %arg15[%get3A_287, %get3A_288] {strides = array<i32>} : memref<128x64xf32, #tpu.memory_space<vmem>>, vector<1x16xf32>,
            %get3A_290 = vector.shape_cast %get3A_289 : vector<1x16xf32> to vector<16xf32>
            %get3A_291 = arith.index_cast %add3A_257 : i32 to index
            %get3A_292 = arith.constant 48 : index
            %get3A_293 = tpu.vector_load %arg17[%get3A_291, %get3A_292] {strides = array<i32>} : memref<128x64xf32, #tpu.memory_space<vmem>>, vector<1x16xf32>,
            %get3A_294 = vector.shape_cast %get3A_293 : vector<1x16xf32> to vector<16xf32>
            %mul3A_295 = arith.mulf %get3A_290, %get3A_294 : vector<16xf32>
            %add3A_296 = arith.addf %add3A_286, %mul3A_295 : vector<16xf32>
            %eq3A_297 = vector.broadcast %scan3A_254 : i32 to vector<16xi32>
            %eq3A_298 = arith.cmpi eq, %iota3A, %eq3A_297 : vector<16xi32>
            %iota3A_299 = tpu.iota {dimensions = array<i32: 0>} : vector<16xi32>
            %xor3A_300 = arith.constant 8 : i32
            %xor3A_301 = vector.broadcast %xor3A_300 : i32 to vector<16xi32>
            %xor3A_302 = arith.xori %iota3A_299, %xor3A_301 : vector<16xi32>
            %broadcast_in_dim3A_303 = vector.shape_cast %xor3A_302 : vector<16xi32> to vector<16x1xi32>
            %gather3A_304 = vector.shape_cast %broadcast_in_dim3A_303 : vector<16x1xi32> to vector<16xi32>
            %gather3A_305 = tpu.dynamic_gather %add3A_296[%gather3A_304] in [0] : vector<16xf32>, vector<16xi32> -> vector<16xf32>
            %add3A_306 = arith.addf %add3A_296, %gather3A_305 : vector<16xf32>
            %xor3A_307 = arith.constant 4 : i32
            %xor3A_308 = vector.broadcast %xor3A_307 : i32 to vector<16xi32>
            %xor3A_309 = arith.xori %iota3A_299, %xor3A_308 : vector<16xi32>
            %broadcast_in_dim3A_310 = vector.shape_cast %xor3A_309 : vector<16xi32> to vector<16x1xi32>
            %gather3A_311 = vector.shape_cast %broadcast_in_dim3A_310 : vector<16x1xi32> to vector<16xi32>
            %gather3A_312 = tpu.dynamic_gather %add3A_306[%gather3A_311] in [0] : vector<16xf32>, vector<16xi32> -> vector<16xf32>
            %add3A_313 = arith.addf %add3A_306, %gather3A_312 : vector<16xf32>
            %xor3A_314 = arith.constant 2 : i32
            %xor3A_315 = vector.broadcast %xor3A_314 : i32 to vector<16xi32>
            %xor3A_316 = arith.xori %iota3A_299, %xor3A_315 : vector<16xi32>
            %broadcast_in_dim3A_317 = vector.shape_cast %xor3A_316 : vector<16xi32> to vector<16x1xi32>
            %gather3A_318 = vector.shape_cast %broadcast_in_dim3A_317 : vector<16x1xi32> to vector<16xi32>
            %gather3A_319 = tpu.dynamic_gather %add3A_313[%gather3A_318] in [0] : vector<16xf32>, vector<16xi32> -> vector<16xf32>
            %add3A_320 = arith.addf %add3A_313, %gather3A_319 : vector<16xf32>
            %xor3A_321 = arith.constant 1 : i32
            %xor3A_322 = vector.broadcast %xor3A_321 : i32 to vector<16xi32>
            %xor3A_323 = arith.xori %iota3A_299, %xor3A_322 : vector<16xi32>
            %broadcast_in_dim3A_324 = vector.shape_cast %xor3A_323 : vector<16xi32> to vector<16x1xi32>
            %gather3A_325 = vector.shape_cast %broadcast_in_dim3A_324 : vector<16x1xi32> to vector<16xi32>
            %gather3A_326 = tpu.dynamic_gather %add3A_320[%gather3A_325] in [0] : vector<16xf32>, vector<16xi32> -> vector<16xf32>
            %add3A_327 = arith.addf %add3A_320, %gather3A_326 : vector<16xf32>
            %select_n3A_328 = arith.select %eq3A_298, %add3A_327, %select_n3A_252 : vector<16xi1>, vector<16xf32>
            %scan3A_329 = arith.constant 3 : i32
            %scan3A_330 = arith.addi %scan3A_105, %scan3A_329 : i32
            %mul3A_331 = arith.constant 16 : i32
            %mul3A_332 = arith.muli %scan3A_92, %mul3A_331 : i32
            %add3A_333 = arith.addi %mul3A_332, %scan3A_330 : i32
            %get3A_334 = arith.index_cast %add3A_333 : i32 to index
            %get3A_335 = arith.constant 0 : index
            %get3A_336 = tpu.vector_load %arg15[%get3A_334, %get3A_335] {strides = array<i32>} : memref<128x64xf32, #tpu.memory_space<vmem>>, vector<1x16xf32>,
            %get3A_337 = vector.shape_cast %get3A_336 : vector<1x16xf32> to vector<16xf32>
            %get3A_338 = arith.index_cast %add3A_333 : i32 to index
            %get3A_339 = arith.constant 0 : index
            %get3A_340 = tpu.vector_load %arg17[%get3A_338, %get3A_339] {strides = array<i32>} : memref<128x64xf32, #tpu.memory_space<vmem>>, vector<1x16xf32>,
            %get3A_341 = vector.shape_cast %get3A_340 : vector<1x16xf32> to vector<16xf32>
            %mul3A_342 = arith.mulf %get3A_337, %get3A_341 : vector<16xf32>
            %get3A_343 = arith.index_cast %add3A_333 : i32 to index
            %get3A_344 = arith.constant 16 : index
            %get3A_345 = tpu.vector_load %arg15[%get3A_343, %get3A_344] {strides = array<i32>} : memref<128x64xf32, #tpu.memory_space<vmem>>, vector<1x16xf32>,
            %get3A_346 = vector.shape_cast %get3A_345 : vector<1x16xf32> to vector<16xf32>
            %get3A_347 = arith.index_cast %add3A_333 : i32 to index
            %get3A_348 = arith.constant 16 : index
            %get3A_349 = tpu.vector_load %arg17[%get3A_347, %get3A_348] {strides = array<i32>} : memref<128x64xf32, #tpu.memory_space<vmem>>, vector<1x16xf32>,
            %get3A_350 = vector.shape_cast %get3A_349 : vector<1x16xf32> to vector<16xf32>
            %mul3A_351 = arith.mulf %get3A_346, %get3A_350 : vector<16xf32>
            %add3A_352 = arith.addf %mul3A_342, %mul3A_351 : vector<16xf32>
            %get3A_353 = arith.index_cast %add3A_333 : i32 to index
            %get3A_354 = arith.constant 32 : index
            %get3A_355 = tpu.vector_load %arg15[%get3A_353, %get3A_354] {strides = array<i32>} : memref<128x64xf32, #tpu.memory_space<vmem>>, vector<1x16xf32>,
            %get3A_356 = vector.shape_cast %get3A_355 : vector<1x16xf32> to vector<16xf32>
            %get3A_357 = arith.index_cast %add3A_333 : i32 to index
            %get3A_358 = arith.constant 32 : index
            %get3A_359 = tpu.vector_load %arg17[%get3A_357, %get3A_358] {strides = array<i32>} : memref<128x64xf32, #tpu.memory_space<vmem>>, vector<1x16xf32>,
            %get3A_360 = vector.shape_cast %get3A_359 : vector<1x16xf32> to vector<16xf32>
            %mul3A_361 = arith.mulf %get3A_356, %get3A_360 : vector<16xf32>
            %add3A_362 = arith.addf %add3A_352, %mul3A_361 : vector<16xf32>
            %get3A_363 = arith.index_cast %add3A_333 : i32 to index
            %get3A_364 = arith.constant 48 : index
            %get3A_365 = tpu.vector_load %arg15[%get3A_363, %get3A_364] {strides = array<i32>} : memref<128x64xf32, #tpu.memory_space<vmem>>, vector<1x16xf32>,
            %get3A_366 = vector.shape_cast %get3A_365 : vector<1x16xf32> to vector<16xf32>
            %get3A_367 = arith.index_cast %add3A_333 : i32 to index
            %get3A_368 = arith.constant 48 : index
            %get3A_369 = tpu.vector_load %arg17[%get3A_367, %get3A_368] {strides = array<i32>} : memref<128x64xf32, #tpu.memory_space<vmem>>, vector<1x16xf32>,
            %get3A_370 = vector.shape_cast %get3A_369 : vector<1x16xf32> to vector<16xf32>
            %mul3A_371 = arith.mulf %get3A_366, %get3A_370 : vector<16xf32>
            %add3A_372 = arith.addf %add3A_362, %mul3A_371 : vector<16xf32>
            %eq3A_373 = vector.broadcast %scan3A_330 : i32 to vector<16xi32>
            %eq3A_374 = arith.cmpi eq, %iota3A, %eq3A_373 : vector<16xi32>
            %iota3A_375 = tpu.iota {dimensions = array<i32: 0>} : vector<16xi32>
            %xor3A_376 = arith.constant 8 : i32
            %xor3A_377 = vector.broadcast %xor3A_376 : i32 to vector<16xi32>
            %xor3A_378 = arith.xori %iota3A_375, %xor3A_377 : vector<16xi32>
            %broadcast_in_dim3A_379 = vector.shape_cast %xor3A_378 : vector<16xi32> to vector<16x1xi32>
            %gather3A_380 = vector.shape_cast %broadcast_in_dim3A_379 : vector<16x1xi32> to vector<16xi32>
            %gather3A_381 = tpu.dynamic_gather %add3A_372[%gather3A_380] in [0] : vector<16xf32>, vector<16xi32> -> vector<16xf32>
            %add3A_382 = arith.addf %add3A_372, %gather3A_381 : vector<16xf32>
            %xor3A_383 = arith.constant 4 : i32
            %xor3A_384 = vector.broadcast %xor3A_383 : i32 to vector<16xi32>
            %xor3A_385 = arith.xori %iota3A_375, %xor3A_384 : vector<16xi32>
            %broadcast_in_dim3A_386 = vector.shape_cast %xor3A_385 : vector<16xi32> to vector<16x1xi32>
            %gather3A_387 = vector.shape_cast %broadcast_in_dim3A_386 : vector<16x1xi32> to vector<16xi32>
            %gather3A_388 = tpu.dynamic_gather %add3A_382[%gather3A_387] in [0] : vector<16xf32>, vector<16xi32> -> vector<16xf32>
            %add3A_389 = arith.addf %add3A_382, %gather3A_388 : vector<16xf32>
            %xor3A_390 = arith.constant 2 : i32
            %xor3A_391 = vector.broadcast %xor3A_390 : i32 to vector<16xi32>
            %xor3A_392 = arith.xori %iota3A_375, %xor3A_391 : vector<16xi32>
            %broadcast_in_dim3A_393 = vector.shape_cast %xor3A_392 : vector<16xi32> to vector<16x1xi32>
            %gather3A_394 = vector.shape_cast %broadcast_in_dim3A_393 : vector<16x1xi32> to vector<16xi32>
            %gather3A_395 = tpu.dynamic_gather %add3A_389[%gather3A_394] in [0] : vector<16xf32>, vector<16xi32> -> vector<16xf32>
            %add3A_396 = arith.addf %add3A_389, %gather3A_395 : vector<16xf32>
            %xor3A_397 = arith.constant 1 : i32
            %xor3A_398 = vector.broadcast %xor3A_397 : i32 to vector<16xi32>
            %xor3A_399 = arith.xori %iota3A_375, %xor3A_398 : vector<16xi32>
            %broadcast_in_dim3A_400 = vector.shape_cast %xor3A_399 : vector<16xi32> to vector<16x1xi32>
            %gather3A_401 = vector.shape_cast %broadcast_in_dim3A_400 : vector<16x1xi32> to vector<16xi32>
            %gather3A_402 = tpu.dynamic_gather %add3A_396[%gather3A_401] in [0] : vector<16xf32>, vector<16xi32> -> vector<16xf32>
            %add3A_403 = arith.addf %add3A_396, %gather3A_402 : vector<16xf32>
            %select_n3A_404 = arith.select %eq3A_374, %add3A_403, %select_n3A_328 : vector<16xi1>, vector<16xf32>
            scf.yield %select_n3A_404 : vector<16xf32>
          }
          %scan3A_99 = arith.constant 16 : i32
          %mul3A_100 = arith.constant 16 : i32
          %mul3A_101 = arith.muli %scan3A_92, %mul3A_100 : i32
          %swap3A = arith.index_cast %mul3A_101 : i32 to index
          %swap3A_102 = tpu.vector_load %arg19[%swap3A] {strides = array<i32>} : memref<128xf32, #tpu.memory_space<vmem>>, vector<16xf32>,
          %swap3A_103 = vector.shape_cast %swap3A_102 : vector<16xf32> to vector<16xf32>
          %swap3A_104 = vector.shape_cast %scan3A_98 : vector<16xf32> to vector<16xf32>
          tpu.vector_store %arg19[%swap3A], %swap3A_104 {strides = array<i32>} : memref<128xf32, #tpu.memory_space<vmem>>, vector<16xf32>,
        }
        %scan3A_86 = arith.constant 8 : i32
        %add3A_87 = arith.addi %add3A_13, %add3A_56 : i32
        %mul3A_88 = arith.constant 128 : i32
        %mul3A_89 = arith.muli %add3A_87, %mul3A_88 : i32
        %dma_start3A_90 = tpu.memref_slice %arg11[%mul3A_89] : memref<80000xf32, #tpu.memory_space<hbm>> -> memref<128xf32, #tpu.memory_space<hbm>>
        %dma_start3A_91 = tpu.memref_slice %arg11[%mul3A_89] : memref<80000xf32, #tpu.memory_space<hbm>> -> memref<128xf32, #tpu.memory_space<hbm>>
        tpu.enqueue_dma source(%arg19 : memref<128xf32, #tpu.memory_space<vmem>>) target(%dma_start3A_91 : memref<128xf32, #tpu.memory_space<hbm>>) target_semaphore(%arg32 : memref<!tpu.dma_semaphore, #tpu.memory_space<semaphore_mem>>)
      } else {
      }
    }
    %scan3A_32 = arith.constant 10 : i32
    %dma_wait3A = arith.constant 0 : i32
    %dma_wait3A_33 = tpu.memref_slice %arg11[%dma_wait3A] : memref<80000xf32, #tpu.memory_space<hbm>> -> memref<128xf32, #tpu.memory_space<hbm>>
    %dma_wait3A_34 = arith.constant 0 : i32
    %dma_wait3A_35 = tpu.memref_slice %arg11[%dma_wait3A_34] : memref<80000xf32, #tpu.memory_space<hbm>> -> memref<128xf32, #tpu.memory_space<hbm>>
    tpu.wait_dma2 semaphore(%arg31 : memref<!tpu.dma_semaphore, #tpu.memory_space<semaphore_mem>>) src(%arg18 : memref<128xf32, #tpu.memory_space<vmem>>) dst(%dma_wait3A_35 : memref<128xf32, #tpu.memory_space<hbm>>)
    %dma_wait3A_36 = arith.constant 0 : i32
    %dma_wait3A_37 = tpu.memref_slice %arg11[%dma_wait3A_36] : memref<80000xf32, #tpu.memory_space<hbm>> -> memref<128xf32, #tpu.memory_space<hbm>>
    %dma_wait3A_38 = arith.constant 0 : i32
    %dma_wait3A_39 = tpu.memref_slice %arg11[%dma_wait3A_38] : memref<80000xf32, #tpu.memory_space<hbm>> -> memref<128xf32, #tpu.memory_space<hbm>>
    tpu.wait_dma2 semaphore(%arg32 : memref<!tpu.dma_semaphore, #tpu.memory_space<semaphore_mem>>) src(%arg19 : memref<128xf32, #tpu.memory_space<vmem>>) dst(%dma_wait3A_39 : memref<128xf32, #tpu.memory_space<hbm>>)
    return
  }
}

module attributes {stable_mosaic.version = 14 : i64} {
  func.func @_tca_body(%arg0: i32, %arg1: memref<1000x128xf32, #tpu.memory_space<vmem>>, %arg2: memref<128x64xf32, #tpu.memory_space<vmem>>, %arg3: memref<64x80xf32, #tpu.memory_space<vmem>>, %arg4: memref<64x16xf32, #tpu.memory_space<vmem>>, %arg5: memref<1000x80xf32, #tpu.memory_space<vmem>>, %arg6: memref<1000x16xf32, #tpu.memory_space<vmem>>) attributes {dimension_semantics = [#tpu.dimension_semantics<arbitrary>], iteration_bounds = array<i64: 10>, scalar_prefetch = 0 : i64, scratch_operands = 0 : i64, tpu.core_type = #tpu.core_type<tc>, window_params = [{transform_indices = @transform_0, window_bounds = array<i64: 1000, 128>}, {pipeline_mode = #tpu.pipeline_mode<synchronous>, transform_indices = @transform_1, window_bounds = array<i64: 128, 64>}, {pipeline_mode = #tpu.pipeline_mode<synchronous>, transform_indices = @transform_2, window_bounds = array<i64: 64, 80>}, {pipeline_mode = #tpu.pipeline_mode<synchronous>, transform_indices = @transform_3, window_bounds = array<i64: 64, 16>}, {transform_indices = @transform_4, window_bounds = array<i64: 1000, 80>}, {transform_indices = @transform_5, window_bounds = array<i64: 1000, 16>}]} {
    %get3A = arith.constant 0 : index
    %get3A_0 = arith.constant 0 : index
    %get3A_1 = vector.load %arg1[%get3A, %get3A_0] : memref<1000x128xf32, #tpu.memory_space<vmem>>, vector<1000x128xf32>
    %get3A_2 = arith.constant 0 : index
    %get3A_3 = arith.constant 0 : index
    %get3A_4 = vector.load %arg2[%get3A_2, %get3A_3] : memref<128x64xf32, #tpu.memory_space<vmem>>, vector<128x64xf32>
    %dot_general3A = arith.constant dense<0.000000e+00> : vector<1000x64xf32>
    %dot_general3A_5 = tpu.matmul %get3A_1, %get3A_4, %dot_general3A {dimension_numbers = #tpu.dot_dimension_numbers<[1], [0], [0], [1], [0, 0, 1, 1], [], []>, transpose_lhs_hint = false} : vector<1000x128xf32>, vector<128x64xf32>, vector<1000x64xf32> -> vector<1000x64xf32>
    %get3A_6 = arith.constant 0 : index
    %get3A_7 = arith.constant 0 : index
    %get3A_8 = vector.load %arg3[%get3A_6, %get3A_7] : memref<64x80xf32, #tpu.memory_space<vmem>>, vector<64x80xf32>
    %dot_general3A_9 = arith.constant dense<0.000000e+00> : vector<1000x80xf32>
    %dot_general3A_10 = tpu.matmul %dot_general3A_5, %get3A_8, %dot_general3A_9 {dimension_numbers = #tpu.dot_dimension_numbers<[1], [0], [0], [1], [0, 0, 1, 1], [], []>, transpose_lhs_hint = false} : vector<1000x64xf32>, vector<64x80xf32>, vector<1000x80xf32> -> vector<1000x80xf32>
    %swap3A = arith.constant 0 : index
    %swap3A_11 = arith.constant 0 : index
    %swap3A_12 = vector.load %arg5[%swap3A, %swap3A_11] : memref<1000x80xf32, #tpu.memory_space<vmem>>, vector<1000x80xf32>
    tpu.vector_store %arg5[%swap3A, %swap3A_11], %dot_general3A_10 {strides = array<i32>} : memref<1000x80xf32, #tpu.memory_space<vmem>>, vector<1000x80xf32>,
    %get3A_13 = arith.constant 0 : index
    %get3A_14 = arith.constant 0 : index
    %get3A_15 = vector.load %arg4[%get3A_13, %get3A_14] : memref<64x16xf32, #tpu.memory_space<vmem>>, vector<64x16xf32>
    %dot_general3A_16 = arith.constant dense<0.000000e+00> : vector<1000x16xf32>
    %dot_general3A_17 = tpu.matmul %dot_general3A_5, %get3A_15, %dot_general3A_16 {dimension_numbers = #tpu.dot_dimension_numbers<[1], [0], [0], [1], [0, 0, 1, 1], [], []>, transpose_lhs_hint = false} : vector<1000x64xf32>, vector<64x16xf32>, vector<1000x16xf32> -> vector<1000x16xf32>
    %swap3A_18 = arith.constant 0 : index
    %swap3A_19 = arith.constant 0 : index
    %swap3A_20 = vector.load %arg6[%swap3A_18, %swap3A_19] : memref<1000x16xf32, #tpu.memory_space<vmem>>, vector<1000x16xf32>
    tpu.vector_store %arg6[%swap3A_18, %swap3A_19], %dot_general3A_17 {strides = array<i32>} : memref<1000x16xf32, #tpu.memory_space<vmem>>, vector<1000x16xf32>,
    return
  }
  func.func @transform_0(%arg0: i32) -> (i32, i32) {
    %c0_i32 = arith.constant 0 : i32
    %c0_i32_0 = arith.constant 0 : i32
    return %arg0, %c0_i32 : i32, i32
  }
  func.func @transform_1(%arg0: i32) -> (i32, i32) {
    %c0_i32 = arith.constant 0 : i32
    %c0_i32_0 = arith.constant 0 : i32
    %c0_i32_1 = arith.constant 0 : i32
    return %c0_i32, %c0_i32_0 : i32, i32
  }
  func.func @transform_2(%arg0: i32) -> (i32, i32) {
    %c0_i32 = arith.constant 0 : i32
    %c0_i32_0 = arith.constant 0 : i32
    %c0_i32_1 = arith.constant 0 : i32
    return %c0_i32, %c0_i32_0 : i32, i32
  }
  func.func @transform_3(%arg0: i32) -> (i32, i32) {
    %c0_i32 = arith.constant 0 : i32
    %c0_i32_0 = arith.constant 0 : i32
    %c0_i32_1 = arith.constant 0 : i32
    return %c0_i32, %c0_i32_0 : i32, i32
  }
  func.func @transform_4(%arg0: i32) -> (i32, i32) {
    %c0_i32 = arith.constant 0 : i32
    %c0_i32_0 = arith.constant 0 : i32
    return %arg0, %c0_i32 : i32, i32
  }
  func.func @transform_5(%arg0: i32) -> (i32, i32) {
    %c0_i32 = arith.constant 0 : i32
    %c0_i32_0 = arith.constant 0 : i32
    return %arg0, %c0_i32 : i32, i32
  }
}

module attributes {stable_mosaic.version = 14 : i64} {
  func.func @_tcb_body(%arg0: i32, %arg1: memref<1000x80xf32, #tpu.memory_space<vmem>>, %arg2: memref<1000x80xf32, #tpu.memory_space<vmem>>, %arg3: memref<1000x16xf32, #tpu.memory_space<vmem>>, %arg4: memref<1000x16xf32, #tpu.memory_space<vmem>>, %arg5: memref<1000x80xf32, #tpu.memory_space<vmem>>, %arg6: memref<1000x16xf32, #tpu.memory_space<vmem>>, %arg7: memref<64x64xf32, #tpu.memory_space<vmem>>, %arg8: memref<64x80xf32, #tpu.memory_space<vmem>>, %arg9: memref<64x16xf32, #tpu.memory_space<vmem>>, %arg10: memref<8x64xf32, #tpu.memory_space<vmem>>, %arg11: memref<64x64xf32, #tpu.memory_space<vmem>>, %arg12: memref<1x64xf32, #tpu.memory_space<vmem>>, %arg13: memref<1000x80xf32, #tpu.memory_space<vmem>>, %arg14: memref<1000x16xf32, #tpu.memory_space<vmem>>) attributes {dimension_semantics = [#tpu.dimension_semantics<arbitrary>], iteration_bounds = array<i64: 10>, scalar_prefetch = 0 : i64, scratch_operands = 0 : i64, tpu.core_type = #tpu.core_type<tc>, window_params = [{transform_indices = @transform_0, window_bounds = array<i64: 1000, 80>}, {transform_indices = @transform_1, window_bounds = array<i64: 1000, 80>}, {transform_indices = @transform_2, window_bounds = array<i64: 1000, 16>}, {transform_indices = @transform_3, window_bounds = array<i64: 1000, 16>}, {transform_indices = @transform_4, window_bounds = array<i64: 1000, 80>}, {transform_indices = @transform_5, window_bounds = array<i64: 1000, 16>}, {pipeline_mode = #tpu.pipeline_mode<synchronous>, transform_indices = @transform_6, window_bounds = array<i64: 64, 64>}, {pipeline_mode = #tpu.pipeline_mode<synchronous>, transform_indices = @transform_7, window_bounds = array<i64: 64, 80>}, {pipeline_mode = #tpu.pipeline_mode<synchronous>, transform_indices = @transform_8, window_bounds = array<i64: 64, 16>}, {pipeline_mode = #tpu.pipeline_mode<synchronous>, transform_indices = @transform_9, window_bounds = array<i64: 8, 64>}, {pipeline_mode = #tpu.pipeline_mode<synchronous>, transform_indices = @transform_10, window_bounds = array<i64: 64, 64>}, {pipeline_mode = #tpu.pipeline_mode<synchronous>, transform_indices = @transform_11, window_bounds = array<i64: 1, 64>}, {transform_indices = @transform_12, window_bounds = array<i64: 1000, 80>}, {transform_indices = @transform_13, window_bounds = array<i64: 1000, 16>}]} {
    %get3A = arith.constant 0 : index
    %get3A_0 = arith.constant 0 : index
    %get3A_1 = vector.load %arg5[%get3A, %get3A_0] : memref<1000x80xf32, #tpu.memory_space<vmem>>, vector<1000x64xf32>
    %get3A_2 = arith.constant 0 : index
    %get3A_3 = arith.constant 64 : index
    %get3A_4 = vector.load %arg5[%get3A_2, %get3A_3] : memref<1000x80xf32, #tpu.memory_space<vmem>>, vector<1000x8xf32>
    %get3A_5 = arith.constant 0 : index
    %get3A_6 = arith.constant 0 : index
    %get3A_7 = vector.load %arg6[%get3A_5, %get3A_6] : memref<1000x16xf32, #tpu.memory_space<vmem>>, vector<1000x8xf32>
    %add3A = arith.addf %get3A_4, %get3A_7 : vector<1000x8xf32>
    %mul3A = arith.constant 2.000000e-01 : f32
    %mul3A_8 = vector.broadcast %mul3A : f32 to vector<1000x8xf32>
    %mul3A_9 = arith.mulf %mul3A_8, %add3A : vector<1000x8xf32>
    %max3A = arith.maximumf %add3A, %mul3A_9 : vector<1000x8xf32>
    %exp3A = math.exp %max3A : vector<1000x8xf32>
    %get3A_10 = arith.constant 0 : index
    %get3A_11 = arith.constant 0 : index
    %get3A_12 = vector.load %arg10[%get3A_10, %get3A_11] : memref<8x64xf32, #tpu.memory_space<vmem>>, vector<8x64xf32>
    %get3A_13 = arith.constant 0 : index
    %get3A_14 = arith.constant 0 : index
    %get3A_15 = vector.load %arg1[%get3A_13, %get3A_14] : memref<1000x80xf32, #tpu.memory_space<vmem>>, vector<1000x64xf32>
    %get3A_16 = arith.constant 0 : index
    %get3A_17 = arith.constant 0 : index
    %get3A_18 = vector.load %arg2[%get3A_16, %get3A_17] : memref<1000x80xf32, #tpu.memory_space<vmem>>, vector<1000x64xf32>
    %add3A_19 = arith.addf %get3A_15, %get3A_18 : vector<1000x64xf32>
    %dot_general3A = arith.constant dense<0.000000e+00> : vector<1000x64xf32>
    %dot_general3A_20 = tpu.matmul %exp3A, %get3A_12, %dot_general3A {dimension_numbers = #tpu.dot_dimension_numbers<[1], [0], [0], [1], [0, 0, 1, 1], [], []>, transpose_lhs_hint = false} : vector<1000x8xf32>, vector<8x64xf32>, vector<1000x64xf32> -> vector<1000x64xf32>
    %mul3A_21 = arith.mulf %get3A_1, %dot_general3A_20 : vector<1000x64xf32>
    %add3A_22 = arith.addf %add3A_19, %mul3A_21 : vector<1000x64xf32>
    %get3A_23 = arith.constant 0 : index
    %get3A_24 = arith.constant 0 : index
    %get3A_25 = vector.load %arg3[%get3A_23, %get3A_24] : memref<1000x16xf32, #tpu.memory_space<vmem>>, vector<1000x8xf32>
    %get3A_26 = arith.constant 0 : index
    %get3A_27 = arith.constant 0 : index
    %get3A_28 = vector.load %arg4[%get3A_26, %get3A_27] : memref<1000x16xf32, #tpu.memory_space<vmem>>, vector<1000x8xf32>
    %add3A_29 = arith.addf %get3A_25, %get3A_28 : vector<1000x8xf32>
    %add3A_30 = arith.addf %add3A_29, %exp3A : vector<1000x8xf32>
    %dot_general3A_31 = arith.constant dense<0.000000e+00> : vector<1000x64xf32>
    %dot_general3A_32 = tpu.matmul %add3A_30, %get3A_12, %dot_general3A_31 {dimension_numbers = #tpu.dot_dimension_numbers<[1], [0], [0], [1], [0, 0, 1, 1], [], []>, transpose_lhs_hint = false} : vector<1000x8xf32>, vector<8x64xf32>, vector<1000x64xf32> -> vector<1000x64xf32>
    %div3A = arith.divf %add3A_22, %dot_general3A_32 : vector<1000x64xf32>
    %get3A_33 = arith.constant 0 : index
    %get3A_34 = arith.constant 0 : index
    %get3A_35 = vector.load %arg11[%get3A_33, %get3A_34] : memref<64x64xf32, #tpu.memory_space<vmem>>, vector<64x64xf32>
    %dot_general3A_36 = arith.constant dense<0.000000e+00> : vector<1000x64xf32>
    %dot_general3A_37 = tpu.matmul %div3A, %get3A_35, %dot_general3A_36 {dimension_numbers = #tpu.dot_dimension_numbers<[1], [0], [0], [1], [0, 0, 1, 1], [], []>, transpose_lhs_hint = false} : vector<1000x64xf32>, vector<64x64xf32>, vector<1000x64xf32> -> vector<1000x64xf32>
    %get3A_38 = arith.constant 0 : index
    %get3A_39 = arith.constant 0 : index
    %get3A_40 = vector.load %arg12[%get3A_38, %get3A_39] : memref<1x64xf32, #tpu.memory_space<vmem>>, vector<1x64xf32>
    %add3A_41 = vector.broadcast %get3A_40 : vector<1x64xf32> to vector<1000x64xf32>
    %add3A_42 = arith.addf %dot_general3A_37, %add3A_41 : vector<1000x64xf32>
    %gt3A = arith.constant 0.000000e+00 : f32
    %gt3A_43 = vector.broadcast %gt3A : f32 to vector<1000x64xf32>
    %gt3A_44 = arith.cmpf ogt, %add3A_42, %gt3A_43 : vector<1000x64xf32>
    %exp3A_45 = math.exp %add3A_42 : vector<1000x64xf32>
    %sub3A = arith.constant 1.000000e+00 : f32
    %sub3A_46 = vector.broadcast %sub3A : f32 to vector<1000x64xf32>
    %sub3A_47 = arith.subf %exp3A_45, %sub3A_46 : vector<1000x64xf32>
    %select_n3A = arith.select %gt3A_44, %add3A_42, %sub3A_47 : vector<1000x64xi1>, vector<1000x64xf32>
    %get3A_48 = arith.constant 0 : index
    %get3A_49 = arith.constant 0 : index
    %get3A_50 = vector.load %arg7[%get3A_48, %get3A_49] : memref<64x64xf32, #tpu.memory_space<vmem>>, vector<64x64xf32>
    %dot_general3A_51 = arith.constant dense<0.000000e+00> : vector<1000x64xf32>
    %dot_general3A_52 = tpu.matmul %select_n3A, %get3A_50, %dot_general3A_51 {dimension_numbers = #tpu.dot_dimension_numbers<[1], [0], [0], [1], [0, 0, 1, 1], [], []>, transpose_lhs_hint = false} : vector<1000x64xf32>, vector<64x64xf32>, vector<1000x64xf32> -> vector<1000x64xf32>
    %get3A_53 = arith.constant 0 : index
    %get3A_54 = arith.constant 0 : index
    %get3A_55 = vector.load %arg8[%get3A_53, %get3A_54] : memref<64x80xf32, #tpu.memory_space<vmem>>, vector<64x80xf32>
    %dot_general3A_56 = arith.constant dense<0.000000e+00> : vector<1000x80xf32>
    %dot_general3A_57 = tpu.matmul %dot_general3A_52, %get3A_55, %dot_general3A_56 {dimension_numbers = #tpu.dot_dimension_numbers<[1], [0], [0], [1], [0, 0, 1, 1], [], []>, transpose_lhs_hint = false} : vector<1000x64xf32>, vector<64x80xf32>, vector<1000x80xf32> -> vector<1000x80xf32>
    %swap3A = arith.constant 0 : index
    %swap3A_58 = arith.constant 0 : index
    %swap3A_59 = vector.load %arg13[%swap3A, %swap3A_58] : memref<1000x80xf32, #tpu.memory_space<vmem>>, vector<1000x80xf32>
    tpu.vector_store %arg13[%swap3A, %swap3A_58], %dot_general3A_57 {strides = array<i32>} : memref<1000x80xf32, #tpu.memory_space<vmem>>, vector<1000x80xf32>,
    %get3A_60 = arith.constant 0 : index
    %get3A_61 = arith.constant 0 : index
    %get3A_62 = vector.load %arg9[%get3A_60, %get3A_61] : memref<64x16xf32, #tpu.memory_space<vmem>>, vector<64x16xf32>
    %dot_general3A_63 = arith.constant dense<0.000000e+00> : vector<1000x16xf32>
    %dot_general3A_64 = tpu.matmul %dot_general3A_52, %get3A_62, %dot_general3A_63 {dimension_numbers = #tpu.dot_dimension_numbers<[1], [0], [0], [1], [0, 0, 1, 1], [], []>, transpose_lhs_hint = false} : vector<1000x64xf32>, vector<64x16xf32>, vector<1000x16xf32> -> vector<1000x16xf32>
    %swap3A_65 = arith.constant 0 : index
    %swap3A_66 = arith.constant 0 : index
    %swap3A_67 = vector.load %arg14[%swap3A_65, %swap3A_66] : memref<1000x16xf32, #tpu.memory_space<vmem>>, vector<1000x16xf32>
    tpu.vector_store %arg14[%swap3A_65, %swap3A_66], %dot_general3A_64 {strides = array<i32>} : memref<1000x16xf32, #tpu.memory_space<vmem>>, vector<1000x16xf32>,
    return
  }
  func.func @transform_0(%arg0: i32) -> (i32, i32) {
    %c0_i32 = arith.constant 0 : i32
    %c0_i32_0 = arith.constant 0 : i32
    return %arg0, %c0_i32 : i32, i32
  }
  func.func @transform_1(%arg0: i32) -> (i32, i32) {
    %c0_i32 = arith.constant 0 : i32
    %c0_i32_0 = arith.constant 0 : i32
    return %arg0, %c0_i32 : i32, i32
  }
  func.func @transform_2(%arg0: i32) -> (i32, i32) {
    %c0_i32 = arith.constant 0 : i32
    %c0_i32_0 = arith.constant 0 : i32
    return %arg0, %c0_i32 : i32, i32
  }
  func.func @transform_3(%arg0: i32) -> (i32, i32) {
    %c0_i32 = arith.constant 0 : i32
    %c0_i32_0 = arith.constant 0 : i32
    return %arg0, %c0_i32 : i32, i32
  }
  func.func @transform_4(%arg0: i32) -> (i32, i32) {
    %c0_i32 = arith.constant 0 : i32
    %c0_i32_0 = arith.constant 0 : i32
    return %arg0, %c0_i32 : i32, i32
  }
  func.func @transform_5(%arg0: i32) -> (i32, i32) {
    %c0_i32 = arith.constant 0 : i32
    %c0_i32_0 = arith.constant 0 : i32
    return %arg0, %c0_i32 : i32, i32
  }
  func.func @transform_6(%arg0: i32) -> (i32, i32) {
    %c0_i32 = arith.constant 0 : i32
    %c0_i32_0 = arith.constant 0 : i32
    %c0_i32_1 = arith.constant 0 : i32
    return %c0_i32, %c0_i32_0 : i32, i32
  }
  func.func @transform_7(%arg0: i32) -> (i32, i32) {
    %c0_i32 = arith.constant 0 : i32
    %c0_i32_0 = arith.constant 0 : i32
    %c0_i32_1 = arith.constant 0 : i32
    return %c0_i32, %c0_i32_0 : i32, i32
  }
  func.func @transform_8(%arg0: i32) -> (i32, i32) {
    %c0_i32 = arith.constant 0 : i32
    %c0_i32_0 = arith.constant 0 : i32
    %c0_i32_1 = arith.constant 0 : i32
    return %c0_i32, %c0_i32_0 : i32, i32
  }
  func.func @transform_9(%arg0: i32) -> (i32, i32) {
    %c0_i32 = arith.constant 0 : i32
    %c0_i32_0 = arith.constant 0 : i32
    %c0_i32_1 = arith.constant 0 : i32
    return %c0_i32, %c0_i32_0 : i32, i32
  }
  func.func @transform_10(%arg0: i32) -> (i32, i32) {
    %c0_i32 = arith.constant 0 : i32
    %c0_i32_0 = arith.constant 0 : i32
    %c0_i32_1 = arith.constant 0 : i32
    return %c0_i32, %c0_i32_0 : i32, i32
  }
  func.func @transform_11(%arg0: i32) -> (i32, i32) {
    %c0_i32 = arith.constant 0 : i32
    %c0_i32_0 = arith.constant 0 : i32
    %c0_i32_1 = arith.constant 0 : i32
    return %c0_i32, %c0_i32_0 : i32, i32
  }
  func.func @transform_12(%arg0: i32) -> (i32, i32) {
    %c0_i32 = arith.constant 0 : i32
    %c0_i32_0 = arith.constant 0 : i32
    return %arg0, %c0_i32 : i32, i32
  }
  func.func @transform_13(%arg0: i32) -> (i32, i32) {
    %c0_i32 = arith.constant 0 : i32
    %c0_i32_0 = arith.constant 0 : i32
    return %arg0, %c0_i32 : i32, i32
  }
}

</mosaic_0001>

<sc_bundles>
// kernel: kernel.10.cloned.1.call-start
scs
__scs_entry_jumppad:
0x0: {  	(pc) =	sbr.rel $0x88, $3  }
0x1: {  	(tag) =	ssettag $0x0;
	lr =	simm.s32 $0x1  }
0x2: {  	[smem:$0x3F95] =	sst lr;
	_ =	strace $0xD0000000  }
0x3: {  	_ = 	snop  }
0x4: {  	_ = 	snop  }
0x5: {  	_ = 	snop  }
0x6: {  	_ = 	snop  }
0x7: {  	_ = 	snop  }
__scs_overlays_trampoline_lowered:
0x8: {  	[smem:$0x3FA4] =	sst s0  }
0x9: {  	[smem:$0x3FA5] =	sst s1  }
0xa: {  	[smem:$0x3FA6] =	sst s2  }
0xb: {  	[smem:$0x3FA7] =	sst s3  }
0xc: {  	[smem:$0x3FA8] =	sst s4  }
0xd: {  	[smem:$0x3FA9] =	sst s5  }
0xe: {  	[smem:$0x3FAA] =	sst s6  }
0xf: {  	[smem:$0x3FAB] =	sst s7  }
0x10: {  	[smem:$0x3FAC] =	sst s8  }
0x11: {  	[smem:$0x3FAD] =	sst s9;
	s0 =	simm.s32 @!p0 $0x0  }
0x12: {  	s1 =	sld [smem:$0x3F93];
	s0 =	simm.s32 @p0 $0x1  }
0x13: {  	[smem:$0x3FAE] =	sst s0;
	s0 =	simm.s32 @!p1 $0x0  }
0x14: {  	s2 =	sld [smem:$0x3F92];
	s0 =	simm.s32 @p1 $0x1  }
0x15: {  	[smem:$0x3FAF] =	sst s0;
	s0 =	simm.s32 @!p2 $0x0  }
0x16: {  	s3 =	sld [smem:$0x3FDB];
	s0 =	simm.s32 @p2 $0x1  }
0x17: {  	s4 =	simm.s32 $0x1BF5;
	[smem:$0x3FB1] =	sst s0  }
0x18: {  	s0 =	sld [smem:$0x3F94];
	_ =	swait.ge [sflag:s4], $0x0  }
0x19: {  	s7 =	sld [smem:$0x3F95]  }
0x1a: {  	s8 =	sadd.s32 $0xFFFFE003, lr  }
0x1b: {  	s9 =	sadd.s32 $0xFFFFFEF7, lr;
	s5 =	simm.s32 $0xFFFFFFFF;
	p2 =	slt.u32 s8, $0xFFFFF086  }
0x1c: {  	p1 =	slt.u32 s9, $0xF7A;
	s5 =	simm.s32 @!p2 $0x0  }
0x1d: {  	s5 =	simm.s32 @p1 $0x1;
	p0 =	seq.s32 s7, s2  }
0x1e: {  	s7 =	smul.u32 @!p0 $0xF7A, s2;
	p2 =	seq.s32 @!p0 s5, $0x0  }
0x1f: {  	s9 =	smul.u32 $0xF7A, s1;
	s8 =	simm.s32 @!p0 $0x1BF5;
	p2 =	por !p2, p0  }
0x20: {  	[sflag:s8] =	ssyncset.s32 @!p0 $0xFFFFF086;
	s6 =	sadd.s32 @!p0 s3, s7;
	s7 =	simm.s32 @!p0 $0x108  }
0x21: {  	s3 =	sadd.s32 s3, s9;
	s6 =	sadd.s32 @!p0 $0x88, s6;
	s7 =	simm.s32 @p2 $0x1082  }
0x22: {  	[simem:s7], [sflag:s8] =	dma.local @!p0 [hbm:s6], $0xF7A  }
0x23: {  	s9 =	sor.u32 $0xD0000000, s2;
	s6 =	simm.s32 $0x108;
	_ =	swait.ge @!p0 [sflag:s8], $0x0  }
0x24: {  	s3 =	sadd.s32 $0x88, s3;
	s6 =	simm.s32 @!p1 $0x1082;
	[sflag:s4] =	ssyncset.s32 $0xFFFFF086  }
0x25: {  	[simem:s6], [sflag:s4] =	dma.local [hbm:s3], $0xF7A  }
0x26: {  	[smem:$0x3F95] =	sst s1;
	(tag) =	ssettag s2;
	_ =	strace s9  }
0x27: {  	s1 =	sld [smem:$0x3FA5]  }
0x28: {  	s2 =	sld [smem:$0x3FA6]  }
0x29: {  	s4 =	sld [smem:$0x3FA8]  }
0x2a: {  	p0 =	seq.s32 s5, $0x0;
	s5 =	sld [smem:$0x3FA9]  }
0x2b: {  	s6 =	sld [smem:$0x3FAA]  }
0x2c: {  	s7 =	sld [smem:$0x3FAB]  }
0x2d: {  	s3 =	simm.s32 $0x108;
	s8 =	sld [smem:$0x3FAC]  }
0x2e: {  	s3 =	simm.s32 @!p0 $0x1082;
	s9 =	sld [smem:$0x3FAD]  }
0x2f: {  	lr =	sadd.s32 s0, s3;
	s0 =	sld [smem:$0x3FA4]  }
0x30: {  	s3 =	sld [smem:$0x3FA7]  }
0x31: {  	[smem:$0x3FB0] =	sst s10  }
0x32: {  	s10 =	sld [smem:$0x3FAE];
	_ =	sdelay $0x3  }
0x33: {  	p0 =	seq.s32 s10, $0x1;
	s10 =	sld [smem:$0x3FB0];
	_ =	sdelay $0x3  }
0x34: {  	[smem:$0x3FB0] =	sst s10  }
0x35: {  	s10 =	sld [smem:$0x3FAF];
	_ =	sdelay $0x3  }
0x36: {  	p1 =	seq.s32 s10, $0x1;
	s10 =	sld [smem:$0x3FB0];
	_ =	sdelay $0x3  }
0x37: {  	[smem:$0x3FB0] =	sst s10  }
0x38: {  	s10 =	sld [smem:$0x3FB1]  }
0x39: {  	_ = 	snop;
	(pc) =	sbr.ind lr, $3  }
0x3a: {  	_ = 	snop  }
0x3b: {  	_ = 	snop  }
0x3c: {  	p2 =	seq.s32 s10, $0x1;
	s10 =	sld [smem:$0x3FB0]  }
0x3d: {  	_ =	shalt  }
0x3e: {  	_ =	shalt  }
0x3f: {  	_ =	shalt  }
0x40: {  	_ =	shalt  }
0x41: {  	_ =	shalt  }
0x42: {  	_ =	shalt  }
0x43: {  	_ =	shalt  }
0x44: {  	_ =	shalt  }
0x45: {  	_ =	shalt  }
0x46: {  	_ =	shalt  }
0x47: {  	_ =	shalt  }
0x48: {  	_ =	shalt  }
0x49: {  	_ =	shalt  }
0x4a: {  	_ =	shalt  }
0x4b: {  	_ =	shalt  }
0x4c: {  	_ =	shalt  }
0x4d: {  	_ =	shalt  }
0x4e: {  	_ =	shalt  }
0x4f: {  	_ =	shalt  }
0x50: {  	_ =	shalt  }
0x51: {  	_ =	shalt  }
0x52: {  	_ =	shalt  }
0x53: {  	_ =	shalt  }
0x54: {  	_ =	shalt  }
0x55: {  	_ =	shalt  }
0x56: {  	_ =	shalt  }
0x57: {  	_ =	shalt  }
0x58: {  	_ =	shalt  }
0x59: {  	_ =	shalt  }
0x5a: {  	_ =	shalt  }
0x5b: {  	_ =	shalt  }
0x5c: {  	_ =	shalt  }
0x5d: {  	_ =	shalt  }
0x5e: {  	_ =	shalt  }
0x5f: {  	_ =	shalt  }
0x60: {  	_ =	shalt  }
0x61: {  	_ =	shalt  }
0x62: {  	_ =	shalt  }
0x63: {  	_ =	shalt  }
0x64: {  	_ =	shalt  }
0x65: {  	_ =	shalt  }
0x66: {  	_ =	shalt  }
0x67: {  	_ =	shalt  }
0x68: {  	_ =	shalt  }
0x69: {  	_ =	shalt  }
0x6a: {  	_ =	shalt  }
0x6b: {  	_ =	shalt  }
0x6c: {  	_ =	shalt  }
0x6d: {  	_ =	shalt  }
0x6e: {  	_ =	shalt  }
0x6f: {  	_ =	shalt  }
0x70: {  	_ =	shalt  }
0x71: {  	_ =	shalt  }
0x72: {  	_ =	shalt  }
0x73: {  	_ =	shalt  }
0x74: {  	_ =	shalt  }
0x75: {  	_ =	shalt  }
0x76: {  	_ =	shalt  }
0x77: {  	_ =	shalt  }
0x78: {  	_ =	shalt  }
0x79: {  	_ =	shalt  }
0x7a: {  	_ =	shalt  }
0x7b: {  	_ =	shalt  }
0x7c: {  	_ =	shalt  }
0x7d: {  	_ =	shalt  }
0x7e: {  	_ =	shalt  }
0x7f: {  	_ =	shalt  }
0x80: {  	_ =	shalt  }
0x81: {  	_ =	shalt  }
0x82: {  	_ =	shalt  }
0x83: {  	_ =	shalt  }
0x84: {  	_ =	shalt  }
0x85: {  	_ =	shalt  }
0x86: {  	_ =	shalt  }
0x87: {  	_ =	shalt  }
.Lfunc_end0:
.L_simem_size_0:
called_computation.1_lowered:
.L_overlay_start_0:
0x88: {  	s2 =	sld [smem:$0x3FD9]  }
0x89: {  	s3 =	sld [smem:$0x3FFE];
	_ =	sdelay $0x1  }
0x8a: {  	s1 =	srdreg.scid  }
0x8b: {  	s0 =	sand.u32 $0x1, s1  }
0x8c: {  	s16 =	sshll.u32 s0, $0xA;
	s2 =	sadd.s32 s3, s2  }
0x8d: {  	s2 =	sadd.s32 s2, s16  }
0x8e: {  	[smem:$0x3FBC] =	sst s2  }
0x8f: {  	_ = 	snop  }
0x90: {  	(tm) =	ssettm $0x1  }
0x91: {  	s17 =	sld [smem:$0x3FFB];
	_ =	sdelay $0x3  }
0x92: {  	_ =	strace s17  }
0x93: {  	s2 =	sld [smem:$0x3FFC];
	_ =	sdelay $0x3  }
0x94: {  	_ =	strace s2  }
0x95: {  	s2 =	sld [smem:$0x3FFD];
	_ =	sdelay $0x3  }
0x96: {  	_ =	strace s2  }
0x97: {  	_ =	strace $0x8FFFFFFF  }
0x98: {  	s18 =	sld [smem:$0x3FDB];
	_ =	sdelay $0x1  }
0x99: {  	s19 =	simm.s32 $_scs_section_size  }
0x9a: {  	s4 =	simm.s32 $_size__tile_overlayer_lowered;
	s5 =	simm.s32 $_tile_overlayer_lowered  }
0x9b: {  	s22 =	simm.s32 $0x1BFF;
	s21 =	sshll.u32 s5, $0x1;
	s2 =	sadd.s32 s19, s18  }
0x9c: {  	s6 =	simm.s32 $0x0;
	s20 =	sshll.u32 s4, $0x1;
	s4 =	sadd.s32 s21, s2  }
0x9d: {  	[timem:s6], [sflag:s22] =	dma.local [hbm:s4], s20  }
0x9e: {  	_ =	swait.ge [sflag:s22], s20  }
0x9f: {  	s3 =	ssub.s32 $0x0, s20;
	[sflag:s22] =	ssyncset.done $0x0  }
0xa0: {  	[sflag:s22] =	ssyncadd.s32 s3;
	_ =	sdelay $0x1  }
0xa1: {  	s23 =	simm.s32 $0x1B8B  }
0xa2: {  	_ =	swait.ge [sflag:s23], $0x1  }
0xa3: {  	[sflag:s23] =	ssyncset.done $0x0  }
0xa4: {  	s25 =	simm.s32 $0x1B8E;
	s24 =	sld [smem:$0x3FFE];
	[sflag:s23] =	ssyncadd.s32 $0xFFFFFFFF  }
0xa5: {  	s26 =	simm.s32 $execute0_lowered;
	[smem:$0x3FD2] =	sst s25  }
0xa6: {  	s4 =	sshll.u32 s26, $0x1;
	_ =	strace $0x80000049;
	[dreg:$0x1] =	wrdreg $0xFFFFFFFF  }
0xa7: {  	s28 =	simm.s32 $_size_execute0_lowered;
	s2 =	sadd.s32 s2, s4;
	[dreg:$0x0] =	wrdreg $0x0  }
0xa8: {  	s4 =	sshll.u32 s28, $0x1;
	[dreg:$0x2] =	wrdreg s2  }
0xa9: {  	[dreg:$0x3] =	wrdreg s4  }
0xaa: {  	[dreg:$0x4] =	wrdreg $0xC0  }
0xab: {  	_ =	task [dreg:s6], $0x5FFFF  }
0xac: {  	[dreg:$0x1] =	wrdreg $0xFFFFFFFF  }
0xad: {  	[dreg:$0x0] =	wrdreg $0x60  }
0xae: {  	[dreg:$0x2] =	wrdreg s24  }
0xaf: {  	[dreg:$0x3] =	wrdreg $0xBF000  }
0xb0: {  	[dreg:$0x4] =	wrdreg $0x182500  }
0xb1: {  	[dreg:$0x5] =	wrdreg $0x9  }
0xb2: {  	_ =	task.clear_ibuf [dreg:s6], $0x6FFFF;
	_ =	strace $0x90000049  }
0xb3: {  	s29 =	simm.s32 $0x9;
	_ =	strace $0x8000004B  }
0xb4: {  	_ =	swait.ge [sflag:s29], $0x1  }
0xb5: {  	[sflag:s29] =	ssyncadd.s32 $0xFFFFFFFF  }
0xb6: {  	_ =	strace $0x9000004B  }
0xb7: {  	_ =	sfence  }
0xb8: {  	s30 =	sld [smem:$0x0];
	_ =	sdelay $0x2  }
0xb9: {  	s31 =	sshll.u32 s1, $0xD;
	s1 =	sshrl.u32 s1, $0x2  }
0xba: {  	s3 =	sand.u32 $0x4000, s31;
	s1 =	sadd.s32 s1, s30  }
0xbb: {  	s0 =	sor.u32 s3, s0;
	s1 =	sshll.u32 s1, $0x11  }
0xbc: {  	s0 =	sor.u32 s1, s0  }
0xbd: {  	s0 =	sadd.s32 $0x8F2B, s0  }
0xbe: {  	[sflag:s0] =	ssyncadd.remote.s32 $0x1  }
0xbf: {  	_ =	sfence.sel $0xFFFF  }
0xc0: {  	[dreg:$0x0] =	wrdreg $0xFFFFFFFF;
	(pc) =	sbr.abs _section_cstart, $3  }
0xc1: {  	[dreg:$0x1] =	wrdreg $0xFFFFFFFF  }
0xc2: {  	_ =	task.clear_ibuf [dreg:s6], $0x2FFFF;
	_ =	strace $0x9FFFFFFF  }
0xc3: {  	(tm) =	ssettm $0x7FFFFFFF  }
tec
execute0_lowered:
.L_overlay_start_1:
0x0: {  	(tag) =	ssettag $0x1  }
0x1: {  	s0 =	srdreg.scid;
	s1 =	rddreg [dreg:$0x0]  }
0x2: {  	s15 =	stileid.u32;
	s2 =	rddreg [dreg:$0x1];
	s6 =	simm.s32 $0x0  }
0x3: {  	s29 =	simm.s32 $0x3;
	s30 =	simm.s32 $0x5;
	s0 =	sand.u32 $0x1, s0  }
0x4: {  	s3 =	sshll.u32 s15, $0x1;
	s8 =	smul.u32 $0xC300, s15;
	[smem:$0x7FF] =	sst s6  }
0x5: {  	s18 =	sadd.s32 $0x99A00, s1;
	s4 =	sor.u32 s0, s3;
	s3 =	rddreg [dreg:$0x2]  }
0x6: {  	s19 =	sadd.s32 $0x9EA00, s1;
	_ =	strace $0x8000004A;
	[dreg:$0x8] =	wrdreg s18  }
0x7: {  	s9 =	smul.u32 $0x2700, s15;
	s22 =	sadd.s32 $0x37A00, s1;
	[dreg:$0x9] =	wrdreg s19  }
0x8: {  	s6 =	sadd.s32 $0x1A400, s1;
	s23 =	sadd.s32 $0x55200, s1;
	[dreg:$0xc] =	wrdreg s22  }
0x9: {  	p0 =	slt.u32 s15, $0x2;
	s25 =	sadd.s32 $0x50200, s1;
	[dreg:$0xd] =	wrdreg s23  }
0xa: {  	s26 =	ssub.s32 $0x2, s0;
	[dreg:$0xf] =	wrdreg s25;
	s23 =	simm.s32 $0x3  }
0xb: {  	s5 =	smul.u32 $0x4E, s4;
	s4 =	smin.u32 s4, $0x4;
	s7 =	sshrl.u32 s8, $0x3  }
0xc: {  	s10 =	sshrl.u32 s9, $0x3;
	s12 =	sshrl.u32 s26, $0x1;
	s28 =	sadd.s32 $0x27000, s3  }
0xd: {  	s11 =	sadd.s32 s7, s1;
	s13 =	sadd.s32 s10, s1;
	s7 =	simm.s32 $0x4F  }
0xe: {  	s14 =	ssub.s32 s26, s12;
	s10 =	sadd.s32 s8, s2;
	s26 =	sadd.s32 $0x5A200, s1  }
0xf: {  	s8 =	simm.s32 $0x1;
	s4 =	sadd.s32 s4, s5;
	s5 =	sadd.s32 $0x1C00, s1  }
0x10: {  	s7 =	simm.s32 @!p0 $0x4E;
	s12 =	sadd.s32 $0x81400, s11;
	s16 =	sadd.s32 $0x99C00, s13  }
0x11: {  	p0 =	seq.s32 s0, $0x1;
	s20 =	sadd.s32 $0x1F400, s11;
	[dreg:$0x10] =	wrdreg s26  }
0x12: {  	s21 =	sadd.s32 $0x50400, s13;
	s24 =	sadd.s32 $0x37C00, s11;
	[dreg:$0x6] =	wrdreg s12  }
0x13: {  	s26 =	sadd.s32 $0xC3000, s2;
	s0 =	simm.s32 $0x4F00;
	[dreg:$0x7] =	wrdreg s16  }
0x14: {  	s11 =	simm.s32 $0x2;
	s4 =	sshll.u32 s4, $0x4;
	[dreg:$0xa] =	wrdreg s20  }
0x15: {  	s12 =	sadd.s32 s9, s3;
	s17 =	sand.u32 $0x1, s7;
	[dreg:$0xb] =	wrdreg s21  }
0x16: {  	[dreg:$0xe] =	wrdreg s24;
	s21 =	sadd.s32 $0x55400, s13;
	p3 =	sne.s32 @p0 s15, $0xF  }
0x17: {  	p5 =	sne.s32 @!p0 s15, $0xF;
	s9 =	simm.s32 $0xAF00;
	s13 =	simm.s32 $0x7700  }
0x18: {  	s4 =	sadd.s32 s4, s1;
	p1 =	seq.s32 s17, $0x1;
	p2 =	por !p3, !p0  }
.Ltmp0:
0x19: {  	p3 =	por p3, !p0;
	p4 =	por !p5, p0;
	(pc) =	sbr.rel .LBB2_1-.Ltmp0, $4  }
0x1a: {  	p5 =	por p5, p0;
	s1 =	simm.s32 $0x80;
	s31 =	sadd.s32 $0x77600, s4  }
0x1b: {  	s4 =	sadd.s32 $0x6D800, s4;
	s23 =	simm.s32 @!p1 $0x4;
	[dreg:$0x4] =	wrdreg s31  }
0x1c: {  	p1 =	sne.s32 s15, $0xF;
	[dreg:$0x5] =	wrdreg s4;
	s31 =	smax.u32 s14, $0x1  }
0x1d: {  	s15 =	simm.s32 $0x0;
	s14 =	simm.s32 $0xB700;
	[dreg:$0x11] =	wrdreg s31  }
.LBB2_12:
0x1e: {  	_ =	swait.ge [sflag:s23], $0x2800  }
0x1f: {  	[sflag:s23] =	ssyncset.done $0x0  }
0x20: {  	[sflag:s23] =	ssyncadd.s32 $0xFFFFD800  }
0x21: {  	_ =	swait.ge [sflag:s23], $0x800  }
0x22: {  	[sflag:s23] =	ssyncset.done $0x0  }
0x23: {  	[sflag:s23] =	ssyncadd.s32 $0xFFFFF800  }
0x24: {  	[bflag:$0x0] =	sbarrier.arrive $0xFFFF  }
0x25: {  	s4 =	sshrl.u32 @p0 s10, $0x3;
	s17 =	rddreg [dreg:$0xe]  }
0x26: {  	[hbm:s17], [sflag:s16] =	dma.local @p0 [spmem:s4], $0x1860  }
0x27: {  	s4 =	simm.s32 @p0 $0x5  }
0x28: {  	_ =	swait.ge @p0 [sflag:s4], $0x1860  }
0x29: {  	[sflag:s4] =	ssyncset.done @p0 $0x0  }
0x2a: {  	[sflag:s4] =	ssyncadd.s32 @p0 $0xFFFFE7A0;
	s4 =	sshrl.u32 @!p2 s12, $0x3  }
0x2b: {  	[hbm:s21], [sflag:s16] =	dma.local @!p2 [spmem:s4], $0x4E0  }
0x2c: {  	s4 =	simm.s32 @!p2 $0x5  }
0x2d: {  	_ =	swait.ge @!p2 [sflag:s4], $0x4E0  }
0x2e: {  	[sflag:s4] =	ssyncset.done @!p2 $0x0  }
0x2f: {  	s17 =	rddreg [dreg:$0xf];
	[sflag:s4] =	ssyncadd.s32 @!p2 $0xFFFFFB20;
	s4 =	sshrl.u32 @!p3 s26, $0x3  }
0x30: {  	[hbm:s17], [sflag:s16] =	dma.local @!p3 [spmem:s4], $0xA0  }
0x31: {  	s4 =	simm.s32 @!p3 $0x5  }
0x32: {  	_ =	swait.ge @!p3 [sflag:s4], $0xA0  }
0x33: {  	[sflag:s4] =	ssyncset.done @!p3 $0x0  }
0x34: {  	s17 =	sshrl.u32 @!p3 s12, $0x3;
	[sflag:s4] =	ssyncadd.s32 @!p3 $0xFFFFFF60  }
0x35: {  	[hbm:s21], [sflag:s16] =	dma.local @!p3 [spmem:s17], $0x4E0  }
0x36: {  	_ =	swait.ge @!p3 [sflag:s4], $0x4E0  }
0x37: {  	[sflag:s4] =	ssyncset.done @!p3 $0x0  }
0x38: {  	s17 =	sshrl.u32 @!p3 s28, $0x3;
	s18 =	rddreg [dreg:$0x10];
	[sflag:s4] =	ssyncadd.s32 @!p3 $0xFFFFFB20  }
0x39: {  	[hbm:s18], [sflag:s16] =	dma.local @!p3 [spmem:s17], $0x20  }
0x3a: {  	_ =	swait.ge @!p3 [sflag:s4], $0x20  }
0x3b: {  	[sflag:s4] =	ssyncset.done @!p3 $0x0  }
0x3c: {  	s17 =	rddreg [dreg:$0xa];
	[sflag:s4] =	ssyncadd.s32 @!p3 $0xFFFFFFE0;
	s4 =	sshrl.u32 @!p0 s10, $0x3  }
0x3d: {  	[hbm:s17], [sflag:s16] =	dma.local @!p0 [spmem:s4], $0x1860  }
0x3e: {  	s4 =	simm.s32 @!p0 $0x5  }
0x3f: {  	_ =	swait.ge @!p0 [sflag:s4], $0x1860  }
0x40: {  	[sflag:s4] =	ssyncset.done @!p0 $0x0  }
0x41: {  	s18 =	rddreg [dreg:$0xb];
	[sflag:s4] =	ssyncadd.s32 @!p0 $0xFFFFE7A0;
	s4 =	sshrl.u32 @!p4 s12, $0x3  }
0x42: {  	[hbm:s18], [sflag:s16] =	dma.local @!p4 [spmem:s4], $0x4E0  }
0x43: {  	s4 =	simm.s32 @!p4 $0x5  }
0x44: {  	_ =	swait.ge @!p4 [sflag:s4], $0x4E0  }
0x45: {  	[sflag:s4] =	ssyncset.done @!p4 $0x0  }
0x46: {  	s17 =	rddreg [dreg:$0xc];
	[sflag:s4] =	ssyncadd.s32 @!p4 $0xFFFFFB20;
	s4 =	sshrl.u32 @!p5 s26, $0x3  }
0x47: {  	[hbm:s17], [sflag:s16] =	dma.local @!p5 [spmem:s4], $0xA0  }
0x48: {  	s4 =	simm.s32 @!p5 $0x5  }
0x49: {  	_ =	swait.ge @!p5 [sflag:s4], $0xA0  }
0x4a: {  	[sflag:s4] =	ssyncset.done @!p5 $0x0  }
0x4b: {  	s17 =	sshrl.u32 @!p5 s12, $0x3;
	[sflag:s4] =	ssyncadd.s32 @!p5 $0xFFFFFF60  }
0x4c: {  	[hbm:s18], [sflag:s16] =	dma.local @!p5 [spmem:s17], $0x4E0  }
0x4d: {  	_ =	swait.ge @!p5 [sflag:s4], $0x4E0  }
0x4e: {  	[sflag:s4] =	ssyncset.done @!p5 $0x0  }
0x4f: {  	s17 =	sshrl.u32 @!p5 s28, $0x3;
	s18 =	rddreg [dreg:$0xd];
	[sflag:s4] =	ssyncadd.s32 @!p5 $0xFFFFFB20  }
0x50: {  	[hbm:s18], [sflag:s16] =	dma.local @!p5 [spmem:s17], $0x20  }
0x51: {  	_ =	swait.ge @!p5 [sflag:s4], $0x20  }
0x52: {  	s15 =	sadd.s32 $0x1, s15;
	s31 =	rddreg [dreg:$0x11]  }
0x53: {  	p6 =	sne.s32 s15, s31  }
.Ltmp1:
0x54: {  	_ = 	snop;
	(pc) =	sbr.rel @!p6 .LBB2_13-.Ltmp1, $3  }
0x55: {  	_ =	sdelay $0x1  }
0x56: {  	[sflag:s4] =	ssyncset.done @!p5 $0x0  }
0x57: {  	[sflag:s4] =	ssyncadd.s32 @!p5 $0xFFFFFFE0  }
.LBB2_1:
0x58: {  	s18 =	simm.s32 $0x0;
	s4 =	rddreg [dreg:$0x4]  }
0x59: {  	[tilespmem:s18], [sflag:$0x5] =	stream.linear.gather [hbm4b:s4+s18], $0x2780, $0x38;
	[tilespmem:$0x1A960] =	vst v63  }
0x5a: {  	_ =	swait.ge [sflag:s30], $0x2780  }
0x5b: {  	[sflag:s30] =	ssyncset.done $0x0  }
0x5c: {  	s20 =	simm.s32 $0x2780;
	s17 =	rddreg [dreg:$0x5];
	[sflag:s30] =	ssyncadd.s32 $0xFFFFD880  }
0x5d: {  	[tilespmem:s20], [sflag:$0x5] =	stream.linear.gather [hbm4b:s17+s18], $0x2780, $0x38;
	[tilespmem:$0x1A960] =	vst v63  }
0x5e: {  	s19 =	stileid.u32;
	_ =	swait.ge [sflag:s30], $0x2780  }
0x5f: {  	s22 =	sshrl.u32 s10, $0x3;
	s4 =	sshll.u32 s19, $0x6;
	[sflag:s30] =	ssyncset.done $0x0  }
0x60: {  	s16 =	sor.u32 $0x1C05, s4;
	s17 =	rddreg [dreg:$0x6];
	[sflag:s30] =	ssyncadd.s32 $0xFFFFD880  }
0x61: {  	[spmem:s22], [sflag:s16] =	dma.local [hbm:s17], $0x1860  }
0x62: {  	_ =	swait.ge [sflag:s30], $0x1860  }
0x63: {  	[sflag:s30] =	ssyncset.done $0x0  }
0x64: {  	s24 =	sshrl.u32 s12, $0x3;
	s25 =	rddreg [dreg:$0x7];
	[sflag:s30] =	ssyncadd.s32 $0xFFFFE7A0  }
0x65: {  	[spmem:s24], [sflag:s16] =	dma.local [hbm:s25], $0x4E0  }
0x66: {  	_ =	swait.ge [sflag:s30], $0x4E0  }
0x67: {  	[sflag:s30] =	ssyncset.done $0x0  }
0x68: {  	s4 =	sshrl.u32 @!p1 s26, $0x3;
	s17 =	rddreg [dreg:$0x8];
	[sflag:s30] =	ssyncadd.s32 $0xFFFFFB20  }
0x69: {  	[spmem:s4], [sflag:s16] =	dma.local @!p1 [hbm:s17], $0xA0  }
0x6a: {  	s4 =	simm.s32 @!p1 $0x5  }
0x6b: {  	_ =	swait.ge @!p1 [sflag:s4], $0xA0  }
0x6c: {  	[sflag:s4] =	ssyncset.done @!p1 $0x0  }
0x6d: {  	s17 =	sshrl.u32 @!p1 s28, $0x3;
	s19 =	rddreg [dreg:$0x9];
	[sflag:s4] =	ssyncadd.s32 @!p1 $0xFFFFFF60  }
0x6e: {  	[spmem:s17], [sflag:s16] =	dma.local @!p1 [hbm:s19], $0x20  }
0x6f: {  	_ =	swait.ge @!p1 [sflag:s4], $0x20  }
0x70: {  	[sflag:s4] =	ssyncset.done @!p1 $0x0  }
.Ltmp2:
0x71: {  	[sflag:s4] =	ssyncadd.s32 @!p1 $0xFFFFFFE0;
	(pc) =	sbr.rel .LBB2_2-.Ltmp2, $4  }
0x72: {  	[bflag:$0x0] =	sbarrier.arrive $0xFFFF  }
0x73: {  	[tilespmem:s0], [sflag:$0x1] =	stream.indirect.gather [hbm4b:s5+s1], $0x50, s18, s1, $0xb8;
	[tilespmem:$0x1A960] =	vst v63  }
0x74: {  	s31 =	simm.s32 $0x9F00;
	s18 =	simm.s32 $0x0  }
0x75: {  	[tilespmem:s31], [sflag:$0x1] =	stream.indirect.gather [hbm4b:s6+s1], $0x10, s20, s1, $0xb8;
	[tilespmem:$0x1A960] =	vst v63  }
.LBB2_10:
0x76: {  	[tilespmem:s25+$0x10] =	vst v2  }
0x77: {  	[tilespmem:s22+$0xFFFFFFD0] =	vst v11  }
0x78: {  	[tilespmem:s22+$0xFFFFFFE0] =	vst v10  }
0x79: {  	[tilespmem:s22+$0x0] =	vst v9  }
0x7a: {  	v36 =	vpop (erf);
	[tilespmem:s22+$0x10] =	vst v7  }
0x7b: {  	v3 =	vmul.f32 v3, v1;
	[tilespmem:s25+$0xFFFFFFF0] =	vst v36;
	v37 =	vpop (erf)  }
0x7c: {  	v40 =	vmul.f32 v4, v1;
	v12 =	vld [tilespmem:s20+$0x80];
	[tilespmem:s25+$0x0] =	vst v37  }
0x7d: {  	v5 =	vmul.f32 v0, v5;
	v55 =	vld [tilespmem:s20+$0x50];
	[tilespmem:s22+$0x20] =	vst v3  }
0x7e: {  	v6 =	vmul.f32 v0, v6;
	v57 =	vld [tilespmem:s20+$0x60];
	[tilespmem:s22+$0x30] =	vst v40  }
0x7f: {  	v44 =	vmul.f32 v8, v0;
	v59 =	vld [tilespmem:s20+$0x70];
	[tilespmem:s22+$0x50] =	vst v5  }
0x80: {  	v45 =	vld [tilespmem:s20+$0xFFFFFFB0];
	[tilespmem:s22+$0x60] =	vst v6  }
0x81: {  	v38 =	vpop (erf);
	v46 =	vld [tilespmem:s20+$0xFFFFFFC0];
	[tilespmem:s22+$0x70] =	vst v44;
	v12 =	vmul.f32 v12, v2  }
0x82: {  	v47 =	vld [tilespmem:s20+$0xFFFFFFD0];
	[tilespmem:s25+$0xFFFFFFE0] =	vst v38;
	v61 =	vmul.f32 v2, v55  }
0x83: {  	v48 =	vld [tilespmem:s20+$0xFFFFFFE0];
	v62 =	vmul.f32 v2, v57;
	[tilespmem:s20+$0x80] =	vst v12  }
0x84: {  	v49 =	vld [tilespmem:s20+$0x0];
	v63 =	vmul.f32 v59, v2;
	[tilespmem:s20+$0x50] =	vst v61  }
0x85: {  	v50 =	vld [tilespmem:s20+$0x10];
	v51 =	vmul.f32 v36, v45;
	[tilespmem:s20+$0x60] =	vst v62  }
0x86: {  	v52 =	vld [tilespmem:s20+$0x20];
	v53 =	vmul.f32 v36, v46;
	[tilespmem:s20+$0x70] =	vst v63  }
0x87: {  	v54 =	vld [tilespmem:s20+$0x30];
	v0 =	vmul.f32 v47, v36;
	[tilespmem:s20+$0xFFFFFFB0] =	vst v51  }
0x88: {  	v39 =	vld [tilespmem:s20+$0xFFFFFF60];
	v8 =	vmul.f32 v48, v36;
	[tilespmem:s20+$0xFFFFFFC0] =	vst v53  }
0x89: {  	v41 =	vld [tilespmem:s20+$0xFFFFFF70];
	v56 =	vmul.f32 v37, v49;
	[tilespmem:s20+$0xFFFFFFD0] =	vst v0  }
0x8a: {  	v42 =	vld [tilespmem:s20+$0xFFFFFF80];
	v58 =	vmul.f32 v37, v50;
	[tilespmem:s20+$0xFFFFFFE0] =	vst v8  }
0x8b: {  	v43 =	vld [tilespmem:s20+$0xFFFFFF90];
	v5 =	vmul.f32 v52, v37;
	[tilespmem:s20+$0x0] =	vst v56  }
0x8c: {  	v60 =	vmul.f32 v54, v37;
	[tilespmem:s20+$0x10] =	vst v58  }
0x8d: {  	v7 =	vmul.f32 v38, v39;
	[tilespmem:s20+$0x20] =	vst v5  }
0x8e: {  	v4 =	vmul.f32 v38, v41;
	[tilespmem:s20+$0x30] =	vst v60  }
0x8f: {  	v3 =	vmul.f32 v42, v38;
	[tilespmem:s20+$0xFFFFFF60] =	vst v7  }
0x90: {  	s4 =	sshll.u32 s19, $0x7;
	v1 =	vmul.f32 v43, v38;
	[tilespmem:s20+$0xFFFFFF70] =	vst v4  }
0x91: {  	s4 =	sand.u32 $0x3FFFFF80, s4;
	[tilespmem:s20+$0xFFFFFF80] =	vst v3  }
0x92: {  	s4 =	sadd.s32 $0x2780, s4;
	[tilespmem:s20+$0xFFFFFF90] =	vst v1  }
0x93: {  	[spmem:s2] =	stream.indirect.scatter.add.f32 [tilespmem:s13], [sflag:$0x4], $0x50, s4, s1, $0xb8;
	[tilespmem:$0x1A960] =	vst v63  }
0x94: {  	_ = 	snop  }
0x95: {  	[spmem:s3] =	stream.indirect.scatter.add.f32 [tilespmem:s14], [sflag:$0x4], $0x10, s4, s1, $0xb8;
	[tilespmem:$0x1A960] =	vst v63  }
.LBB2_11:
0x96: {  	s18 =	sadd.s32 $0x1, s18  }
0x97: {  	p6 =	sne.s32 s18, $0x28  }
.Ltmp3:
0x98: {  	_ = 	snop;
	(pc) =	sbr.rel @!p6 .LBB2_12-.Ltmp3, $1  }
0x99: {  	_ =	sdelay $0x3  }
.LBB2_2:
0x9a: {  	s20 =	sshll.u32 s18, $0x1  }
0x9b: {  	p6 =	slt.u32 s20, s7  }
.Ltmp4:
0x9c: {  	_ = 	snop;
	(pc) =	sbr.rel @!p6 .LBB2_3-.Ltmp4, $1  }
0x9d: {  	_ =	sdelay $0x3  }
0x9e: {  	p6 =	seq.s32 s18, $0x0  }
0x9f: {  	s4 =	simm.s32 @!p6 $0x4  }
0xa0: {  	_ =	swait.ge @!p6 [sflag:s4], $0x2800  }
0xa1: {  	[sflag:s4] =	ssyncset.done @!p6 $0x0  }
0xa2: {  	[sflag:s4] =	ssyncadd.s32 @!p6 $0xFFFFD800  }
0xa3: {  	_ =	swait.ge @!p6 [sflag:s4], $0x800  }
0xa4: {  	s19 =	sor.u32 $0x1, s20;
	[sflag:s4] =	ssyncset.done @!p6 $0x0  }
0xa5: {  	[sflag:s4] =	ssyncadd.s32 @!p6 $0xFFFFF800;
	p6 =	sge.u32 s19, s7  }
0xa6: {  	s4 =	sshll.u32 @!p6 s19, $0x7;
	s17 =	simm.s32 @!p6 $0x80;
	s22 =	simm.s32 @!p6 $0x7700  }
0xa7: {  	[tilespmem:s22], [sflag:$0x2] =	stream.indirect.gather @!p6 [hbm4b:s5+s17], $0x50, s4, s17, $0xb8;
	[tilespmem:$0x1A960] =	vst v63  }
0xa8: {  	s4 =	sadd.s32 @!p6 $0x2780, s4;
	s22 =	simm.s32 @!p6 $0xA700  }
0xa9: {  	[tilespmem:s22], [sflag:$0x2] =	stream.indirect.gather @!p6 [hbm4b:s6+s17], $0x10, s4, s17, $0xb8;
	[tilespmem:$0x1A960] =	vst v63  }
0xaa: {  	_ =	swait.ge [sflag:s8], $0x2800  }
0xab: {  	[sflag:s8] =	ssyncset.done $0x0  }
0xac: {  	[sflag:s8] =	ssyncadd.s32 $0xFFFFD800  }
0xad: {  	_ =	swait.ge [sflag:s8], $0x800  }
0xae: {  	[sflag:s8] =	ssyncset.done $0x0  }
0xaf: {  	s24 =	simm.s32 $0x4FA0;
	[sflag:s8] =	ssyncadd.s32 $0xFFFFF800  }
0xb0: {  	s25 =	simm.s32 $0x9F20;
	v0 =	vld [tilespmem:s24+$0x90]  }
0xb1: {  	v1 =	vld [tilespmem:s25+$0x10];
	_ =	sdelay $0x2  }
0xb2: {  	v2 =	vld [tilespmem:s25+$0xFFFFFFE0]  }
0xb3: {  	v3 =	vld [tilespmem:s24+$0xFFFFFFF0]  }
0xb4: {  	v4 =	vld [tilespmem:s25+$0xFFFFFFF0];
	v0 =	vadd.f32 v1, v0  }
0xb5: {  	v5 =	vld [tilespmem:s25+$0x0]  }
0xb6: {  	v1 =	vld [tilespmem:s24+$0x40];
	v6 =	vmul.f32 $2.000000030e-01, v0  }
0xb7: {  	v7 =	vld [tilespmem:s24+$0xFFFFFFA0]  }
0xb8: {  	v0 =	vmax.f32 v0, v6  }
0xb9: {  	v3 =	vadd.f32 v4, v3;
	v0 =	vmul.f32 $1.442695020e+00, v0;
	_ =	sdelay $0x1  }
0xba: {  	v1 =	vadd.f32 v5, v1;
	(erf) = vpow2.f32 v0;
	v0 =	vmul.f32 $2.000000030e-01, v3  }
0xbb: {  	v2 =	vadd.f32 v2, v7  }
0xbc: {  	v4 =	vmul.f32 $2.000000030e-01, v1;
	v0 =	vmax.f32 v3, v0  }
0xbd: {  	v3 =	vmul.f32 $2.000000030e-01, v2;
	v0 =	vmul.f32 $1.442695020e+00, v0  }
0xbe: {  	s25 =	simm.s32 $0x9F60;
	v1 =	vmax.f32 v1, v4  }
0xbf: {  	s22 =	simm.s32 $0x50E0;
	v4 =	vld [tilespmem:s25+$0x10];
	v1 =	vmul.f32 $1.442695020e+00, v1;
	v2 =	vmax.f32 v2, v3;
	(erf) = vpow2.f32 v0  }
0xc0: {  	v0 =	vmul.f32 $1.442695020e+00, v2;
	v2 =	vld [tilespmem:s22+$0x90]  }
0xc1: {  	(erf) = vpow2.f32 v1  }
0xc2: {  	v8 =	vld [tilespmem:s25+$0xFFFFFFF0];
	(erf) = vpow2.f32 v0  }
0xc3: {  	v6 =	vld [tilespmem:s22+$0xFFFFFFF0]  }
0xc4: {  	v5 =	vld [tilespmem:s25+$0xFFFFFFE0]  }
0xc5: {  	v2 =	vadd.f32 v4, v2;
	v4 =	vld [tilespmem:s22+$0xFFFFFFA0]  }
0xc6: {  	v9 =	vld [tilespmem:s22+$0x40]  }
0xc7: {  	s17 =	simm.s32 $0xAF20;
	v11 =	vld [tilespmem:s25+$0x0];
	v0 =	vpop (erf);
	v12 =	vmul.f32 $2.000000030e-01, v2  }
0xc8: {  	[tilespmem:s17+$0x10] =	vst v0;
	v7 =	vpop (erf)  }
0xc9: {  	v3 =	vld [tilespmem:s24+$0x80];
	v2 =	vmax.f32 v2, v12;
	[tilespmem:s17+$0xFFFFFFF0] =	vst v7  }
0xca: {  	v6 =	vadd.f32 v8, v6;
	v1 =	vpop (erf);
	v2 =	vmul.f32 $1.442695020e+00, v2;
	v4 =	vadd.f32 v5, v4;
	v5 =	vld [tilespmem:s24+$0xFFFFFFB0]  }
0xcb: {  	v10 =	vpop (erf);
	v16 =	vld [tilespmem:s24+$0xFFFFFFD0]  }
0xcc: {  	v9 =	vadd.f32 v11, v9;
	v59 =	vmul.f32 $2.000000030e-01, v6;
	[tilespmem:s17+$0xFFFFFFE0] =	vst v10;
	(erf) = vpow2.f32 v2;
	v2 =	vld [tilespmem:s24+$0xFFFFFFC0]  }
0xcd: {  	v14 =	vld [tilespmem:s24+$0xFFFFFF70]  }
0xce: {  	v15 =	vmul.f32 $2.000000030e-01, v9;
	v6 =	vmax.f32 v6, v59;
	v8 =	vld [tilespmem:s24+$0xFFFFFF80]  }
0xcf: {  	v6 =	vmul.f32 $1.442695020e+00, v6;
	v13 =	vld [tilespmem:s24+$0xFFFFFF60]  }
0xd0: {  	v9 =	vmax.f32 v9, v15;
	v3 =	vmul.f32 v3, v0;
	v61 =	vld [tilespmem:s24+$0xFFFFFFE0];
	v60 =	vmul.f32 $2.000000030e-01, v4  }
0xd1: {  	v9 =	vmul.f32 $1.442695020e+00, v9;
	[tilespmem:s17+$0x0] =	vst v1;
	v11 =	vld [tilespmem:s24+$0xFFFFFF90];
	v63 =	vmul.f32 v7, v2  }
0xd2: {  	v62 =	vld [tilespmem:s24+$0x0];
	[tilespmem:s24+$0x80] =	vst v3;
	(erf) = vpow2.f32 v6;
	v4 =	vmax.f32 v4, v60;
	v3 =	vmul.f32 v10, v14  }
0xd3: {  	v12 =	vmul.f32 $1.442695020e+00, v4;
	v6 =	vmul.f32 v8, v10;
	v8 =	vld [tilespmem:s24+$0x10];
	[tilespmem:s24+$0xFFFFFFC0] =	vst v63  }
0xd4: {  	(erf) = vpow2.f32 v9;
	v13 =	vmul.f32 v10, v13;
	[tilespmem:s24+$0xFFFFFF70] =	vst v3;
	v3 =	vld [tilespmem:s24+$0x20]  }
0xd5: {  	v4 =	vld [tilespmem:s24+$0x30];
	(erf) = vpow2.f32 v12;
	[tilespmem:s24+$0xFFFFFF80] =	vst v6;
	v6 =	vmul.f32 v7, v5  }
0xd6: {  	v10 =	vmul.f32 v11, v10;
	[tilespmem:s24+$0xFFFFFF60] =	vst v13;
	v5 =	vld [tilespmem:s24+$0x50]  }
0xd7: {  	v9 =	vmul.f32 v1, v62;
	v11 =	vmul.f32 v16, v7;
	[tilespmem:s24+$0xFFFFFFB0] =	vst v6;
	v6 =	vld [tilespmem:s24+$0x60]  }
0xd8: {  	s31 =	simm.s32 $0xAF60;
	s4 =	simm.s32 $0x4;
	s17 =	simm.s32 $0x5220;
	[tilespmem:s24+$0xFFFFFF90] =	vst v10;
	v10 =	vmul.f32 v61, v7;
	v2 =	vpop (erf);
	v7 =	vmul.f32 v1, v8;
	v8 =	vld [tilespmem:s24+$0x70]  }
.LBB2_5:
0xd9: {  	v12 =	vld [tilespmem:s17+$0x90];
	[tilespmem:s31+$0x10] =	vst v2;
	v3 =	vmul.f32 v3, v1  }
0xda: {  	s25 =	sadd.s32 $0x40, s25;
	v13 =	vld [tilespmem:s22+$0x80];
	[tilespmem:s24+$0xFFFFFFD0] =	vst v11;
	v4 =	vmul.f32 v4, v1  }
0xdb: {  	s4 =	sadd.s32 $0x4, s4;
	v11 =	vld [tilespmem:s25+$0x10];
	v14 =	vpop (erf);
	[tilespmem:s24+$0xFFFFFFE0] =	vst v10;
	v5 =	vmul.f32 v0, v5  }
0xdc: {  	p6 =	slt.u32 s4, $0x7C;
	v10 =	vld [tilespmem:s25+$0xFFFFFFE0];
	[tilespmem:s31+$0xFFFFFFF0] =	vst v14;
	v6 =	vmul.f32 v0, v6  }
0xdd: {  	v15 =	vld [tilespmem:s17+$0xFFFFFFF0];
	v1 =	vpop (erf);
	[tilespmem:s24+$0x0] =	vst v9;
	v8 =	vmul.f32 v8, v0;
	v0 =	vmov v2  }
0xde: {  	v2 =	vld [tilespmem:s25+$0xFFFFFFF0];
	[tilespmem:s31+$0x0] =	vst v1;
	v9 =	vpop (erf)  }
0xdf: {  	v16 =	vld [tilespmem:s17+$0x40];
	[tilespmem:s31+$0xFFFFFFE0] =	vst v9;
	v13 =	vmul.f32 v13, v0  }
0xe0: {  	v17 =	vld [tilespmem:s25+$0x0];
	v11 =	vadd.f32 v11, v12;
	[tilespmem:s24+$0x10] =	vst v7  }
0xe1: {  	v7 =	vld [tilespmem:s17+$0xFFFFFFA0];
	[tilespmem:s22+$0x80] =	vst v13  }
0xe2: {  	v12 =	vmul.f32 $2.000000030e-01, v11;
	v13 =	vld [tilespmem:s22+$0xFFFFFF60];
	[tilespmem:s24+$0x20] =	vst v3  }
0xe3: {  	v2 =	vadd.f32 v2, v15;
	v3 =	vld [tilespmem:s22+$0xFFFFFF70];
	[tilespmem:s24+$0x30] =	vst v4  }
0xe4: {  	v4 =	vmax.f32 v11, v12;
	v11 =	vld [tilespmem:s22+$0xFFFFFF80];
	[tilespmem:s24+$0x50] =	vst v5  }
0xe5: {  	v5 =	vmul.f32 $2.000000030e-01, v2;
	v12 =	vadd.f32 v17, v16;
	v4 =	vmul.f32 $1.442695020e+00, v4;
	v15 =	vld [tilespmem:s22+$0xFFFFFF90];
	[tilespmem:s24+$0x60] =	vst v6  }
0xe6: {  	v6 =	vadd.f32 v10, v7;
	v7 =	vld [tilespmem:s22+$0xFFFFFFB0];
	[tilespmem:s24+$0x70] =	vst v8;
	s24 =	smov.u32 s22;
	s22 =	smov.u32 s17  }
0xe7: {  	v2 =	vmax.f32 v2, v5;
	v5 =	vmul.f32 $2.000000030e-01, v12;
	(erf) = vpow2.f32 v4;
	v8 =	vld [tilespmem:s24+$0xFFFFFFC0]  }
0xe8: {  	v4 =	vmul.f32 $2.000000030e-01, v6;
	v2 =	vmul.f32 $1.442695020e+00, v2;
	v10 =	vld [tilespmem:s24+$0xFFFFFFD0]  }
0xe9: {  	v3 =	vmul.f32 v9, v3;
	v5 =	vmax.f32 v12, v5;
	v12 =	vmul.f32 v9, v13;
	v13 =	vld [tilespmem:s24+$0xFFFFFFE0]  }
0xea: {  	v4 =	vmax.f32 v6, v4;
	v5 =	vmul.f32 $1.442695020e+00, v5;
	(erf) = vpow2.f32 v2;
	v2 =	vld [tilespmem:s24+$0x0]  }
0xeb: {  	v6 =	vmul.f32 v11, v9;
	v4 =	vmul.f32 $1.442695020e+00, v4;
	[tilespmem:s24+$0xFFFFFF60] =	vst v12;
	v12 =	vld [tilespmem:s24+$0x10]  }
.Ltmp5:
0xec: {  	(erf) = vpow2.f32 v5;
	[tilespmem:s24+$0xFFFFFF70] =	vst v3;
	v5 =	vmul.f32 v15, v9;
	v3 =	vld [tilespmem:s24+$0x20];
	(pc) =	sbr.rel @p6 .LBB2_5-.Ltmp5, $4  }
0xed: {  	(erf) = vpow2.f32 v4;
	[tilespmem:s24+$0xFFFFFF80] =	vst v6;
	v6 =	vmul.f32 v14, v7;
	v4 =	vld [tilespmem:s24+$0x30]  }
0xee: {  	v7 =	vmul.f32 v14, v8;
	v11 =	vmul.f32 v10, v14;
	[tilespmem:s24+$0xFFFFFF90] =	vst v5;
	v5 =	vld [tilespmem:s24+$0x50]  }
0xef: {  	v10 =	vmul.f32 v13, v14;
	[tilespmem:s24+$0xFFFFFFB0] =	vst v6;
	v9 =	vmul.f32 v1, v2;
	v6 =	vld [tilespmem:s24+$0x60]  }
0xf0: {  	s31 =	sadd.s32 $0x40, s31;
	s17 =	sadd.s32 $0x140, s17;
	v2 =	vpop (erf);
	[tilespmem:s24+$0xFFFFFFC0] =	vst v7;
	v7 =	vmul.f32 v1, v12;
	v8 =	vld [tilespmem:s24+$0x70]  }
0xf1: {  	[tilespmem:s31+$0x10] =	vst v2  }
0xf2: {  	[tilespmem:s24+$0xFFFFFFD0] =	vst v11  }
0xf3: {  	[tilespmem:s24+$0xFFFFFFE0] =	vst v10  }
0xf4: {  	[tilespmem:s24+$0x0] =	vst v9;
	v3 =	vmul.f32 v3, v1  }
0xf5: {  	[tilespmem:s24+$0x10] =	vst v7  }
0xf6: {  	v40 =	vmul.f32 v4, v1;
	v36 =	vpop (erf);
	[tilespmem:s24+$0x20] =	vst v3  }
0xf7: {  	v12 =	vld [tilespmem:s22+$0x80];
	v5 =	vmul.f32 v0, v5;
	[tilespmem:s31+$0xFFFFFFF0] =	vst v36  }
0xf8: {  	v55 =	vld [tilespmem:s22+$0x50];
	[tilespmem:s24+$0x30] =	vst v40  }
0xf9: {  	v57 =	vld [tilespmem:s22+$0x60];
	v6 =	vmul.f32 v0, v6;
	v37 =	vpop (erf);
	[tilespmem:s24+$0x50] =	vst v5  }
0xfa: {  	v59 =	vld [tilespmem:s22+$0x70];
	[tilespmem:s31+$0x0] =	vst v37  }
0xfb: {  	v44 =	vmul.f32 v8, v0;
	v45 =	vld [tilespmem:s22+$0xFFFFFFB0];
	v38 =	vpop (erf);
	[tilespmem:s24+$0x60] =	vst v6  }
0xfc: {  	v46 =	vld [tilespmem:s22+$0xFFFFFFC0];
	[tilespmem:s31+$0xFFFFFFE0] =	vst v38;
	v12 =	vmul.f32 v12, v2  }
0xfd: {  	v47 =	vld [tilespmem:s22+$0xFFFFFFD0];
	[tilespmem:s24+$0x70] =	vst v44;
	v61 =	vmul.f32 v2, v55  }
0xfe: {  	v48 =	vld [tilespmem:s22+$0xFFFFFFE0];
	v62 =	vmul.f32 v2, v57;
	[tilespmem:s22+$0x80] =	vst v12  }
0xff: {  	v49 =	vld [tilespmem:s22+$0x0];
	v63 =	vmul.f32 v59, v2;
	[tilespmem:s22+$0x50] =	vst v61  }
0x100: {  	v50 =	vld [tilespmem:s22+$0x10];
	[tilespmem:s22+$0x60] =	vst v62;
	v51 =	vmul.f32 v36, v45  }
0x101: {  	v52 =	vld [tilespmem:s22+$0x20];
	[tilespmem:s22+$0x70] =	vst v63;
	v53 =	vmul.f32 v36, v46  }
0x102: {  	v54 =	vld [tilespmem:s22+$0x30];
	v0 =	vmul.f32 v47, v36;
	[tilespmem:s22+$0xFFFFFFB0] =	vst v51  }
0x103: {  	v39 =	vld [tilespmem:s22+$0xFFFFFF60];
	v8 =	vmul.f32 v48, v36;
	[tilespmem:s22+$0xFFFFFFC0] =	vst v53  }
0x104: {  	v41 =	vld [tilespmem:s22+$0xFFFFFF70];
	v56 =	vmul.f32 v37, v49;
	[tilespmem:s22+$0xFFFFFFD0] =	vst v0  }
0x105: {  	v42 =	vld [tilespmem:s22+$0xFFFFFF80];
	v58 =	vmul.f32 v37, v50;
	[tilespmem:s22+$0xFFFFFFE0] =	vst v8  }
0x106: {  	v43 =	vld [tilespmem:s22+$0xFFFFFF90];
	v5 =	vmul.f32 v52, v37;
	[tilespmem:s22+$0x0] =	vst v56  }
0x107: {  	v60 =	vmul.f32 v54, v37;
	[tilespmem:s22+$0x10] =	vst v58  }
0x108: {  	v7 =	vmul.f32 v38, v39;
	[tilespmem:s22+$0x20] =	vst v5  }
0x109: {  	v4 =	vmul.f32 v38, v41;
	[tilespmem:s22+$0x30] =	vst v60  }
0x10a: {  	v3 =	vmul.f32 v42, v38;
	[tilespmem:s22+$0xFFFFFF60] =	vst v7  }
0x10b: {  	s4 =	sshll.u32 s18, $0x8;
	v1 =	vmul.f32 v43, v38;
	[tilespmem:s22+$0xFFFFFF70] =	vst v4  }
.Ltmp6:
0x10c: {  	s4 =	sand.u32 $0x3FFFFF00, s4;
	[tilespmem:s22+$0xFFFFFF80] =	vst v3;
	(pc) =	sbr.rel .LBB2_7-.Ltmp6, $4  }
0x10d: {  	s4 =	sadd.s32 $0x2780, s4;
	[tilespmem:s22+$0xFFFFFF90] =	vst v1  }
0x10e: {  	[spmem:s2] =	stream.indirect.scatter.add.f32 [tilespmem:s0], [sflag:$0x3], $0x50, s4, s1, $0xb8;
	[tilespmem:$0x1A960] =	vst v63  }
0x10f: {  	_ = 	snop  }
0x110: {  	[spmem:s3] =	stream.indirect.scatter.add.f32 [tilespmem:s9], [sflag:$0x3], $0x10, s4, s1, $0xb8;
	[tilespmem:$0x1A960] =	vst v63  }
.LBB2_3:
0x111: {  	s19 =	sor.u32 $0x1, s20  }
.LBB2_7:
0x112: {  	p6 =	sge.u32 s19, s7  }
.Ltmp7:
0x113: {  	_ = 	snop;
	(pc) =	sbr.rel @p6 .LBB2_11-.Ltmp7, $1  }
0x114: {  	_ =	sdelay $0x3  }
0x115: {  	_ =	swait.ge [sflag:s29], $0x2800  }
0x116: {  	[sflag:s29] =	ssyncset.done $0x0  }
0x117: {  	s4 =	sadd.s32 $0x2, s20;
	[sflag:s29] =	ssyncadd.s32 $0xFFFFD800  }
0x118: {  	p6 =	sge.u32 s4, s7;
	_ =	swait.ge [sflag:s29], $0x800  }
0x119: {  	s4 =	sshll.u32 @!p6 s4, $0x7;
	[sflag:s29] =	ssyncset.done $0x0  }
0x11a: {  	s17 =	simm.s32 @!p6 $0x80;
	s20 =	simm.s32 @!p6 $0x4F00;
	[sflag:s29] =	ssyncadd.s32 $0xFFFFF800  }
0x11b: {  	[tilespmem:s20], [sflag:$0x1] =	stream.indirect.gather @!p6 [hbm4b:s5+s17], $0x50, s4, s17, $0xb8;
	[tilespmem:$0x1A960] =	vst v63  }
0x11c: {  	s4 =	sadd.s32 @!p6 $0x2780, s4;
	s20 =	simm.s32 @!p6 $0x9F00  }
0x11d: {  	[tilespmem:s20], [sflag:$0x1] =	stream.indirect.gather @!p6 [hbm4b:s6+s17], $0x10, s4, s17, $0xb8;
	[tilespmem:$0x1A960] =	vst v63  }
0x11e: {  	_ =	swait.ge [sflag:s11], $0x2800  }
0x11f: {  	[sflag:s11] =	ssyncset.done $0x0  }
0x120: {  	[sflag:s11] =	ssyncadd.s32 $0xFFFFD800  }
0x121: {  	_ =	swait.ge [sflag:s11], $0x800  }
0x122: {  	[sflag:s11] =	ssyncset.done $0x0  }
0x123: {  	s22 =	simm.s32 $0x77A0;
	[sflag:s11] =	ssyncadd.s32 $0xFFFFF800  }
0x124: {  	s25 =	simm.s32 $0xA720;
	v0 =	vld [tilespmem:s22+$0x90]  }
0x125: {  	v1 =	vld [tilespmem:s25+$0x10];
	_ =	sdelay $0x2  }
0x126: {  	v2 =	vld [tilespmem:s25+$0xFFFFFFE0]  }
0x127: {  	v3 =	vld [tilespmem:s22+$0xFFFFFFF0]  }
0x128: {  	v4 =	vld [tilespmem:s25+$0xFFFFFFF0];
	v0 =	vadd.f32 v1, v0  }
0x129: {  	v5 =	vld [tilespmem:s25+$0x0]  }
0x12a: {  	v1 =	vld [tilespmem:s22+$0x40];
	v6 =	vmul.f32 $2.000000030e-01, v0  }
0x12b: {  	v7 =	vld [tilespmem:s22+$0xFFFFFFA0]  }
0x12c: {  	v0 =	vmax.f32 v0, v6  }
0x12d: {  	v3 =	vadd.f32 v4, v3;
	v0 =	vmul.f32 $1.442695020e+00, v0;
	_ =	sdelay $0x1  }
0x12e: {  	v1 =	vadd.f32 v5, v1;
	(erf) = vpow2.f32 v0;
	v0 =	vmul.f32 $2.000000030e-01, v3  }
0x12f: {  	v2 =	vadd.f32 v2, v7  }
0x130: {  	v4 =	vmul.f32 $2.000000030e-01, v1;
	v0 =	vmax.f32 v3, v0  }
0x131: {  	v3 =	vmul.f32 $2.000000030e-01, v2;
	v0 =	vmul.f32 $1.442695020e+00, v0  }
0x132: {  	s24 =	simm.s32 $0xA760;
	v1 =	vmax.f32 v1, v4  }
0x133: {  	s20 =	simm.s32 $0x78E0;
	v4 =	vld [tilespmem:s24+$0x10];
	v1 =	vmul.f32 $1.442695020e+00, v1;
	v2 =	vmax.f32 v2, v3;
	(erf) = vpow2.f32 v0  }
0x134: {  	v0 =	vmul.f32 $1.442695020e+00, v2;
	v2 =	vld [tilespmem:s20+$0x90]  }
0x135: {  	(erf) = vpow2.f32 v1  }
0x136: {  	v8 =	vld [tilespmem:s24+$0xFFFFFFF0];
	(erf) = vpow2.f32 v0  }
0x137: {  	v6 =	vld [tilespmem:s20+$0xFFFFFFF0]  }
0x138: {  	v5 =	vld [tilespmem:s24+$0xFFFFFFE0]  }
0x139: {  	v2 =	vadd.f32 v4, v2;
	v4 =	vld [tilespmem:s20+$0xFFFFFFA0]  }
0x13a: {  	v9 =	vld [tilespmem:s20+$0x40]  }
0x13b: {  	s31 =	simm.s32 $0xB720;
	v11 =	vld [tilespmem:s24+$0x0];
	v0 =	vpop (erf);
	v12 =	vmul.f32 $2.000000030e-01, v2  }
0x13c: {  	[tilespmem:s31+$0x10] =	vst v0;
	v7 =	vpop (erf)  }
0x13d: {  	v3 =	vld [tilespmem:s22+$0x80];
	v2 =	vmax.f32 v2, v12;
	[tilespmem:s31+$0xFFFFFFF0] =	vst v7  }
0x13e: {  	v6 =	vadd.f32 v8, v6;
	v1 =	vpop (erf);
	v2 =	vmul.f32 $1.442695020e+00, v2;
	v4 =	vadd.f32 v5, v4;
	v5 =	vld [tilespmem:s22+$0xFFFFFFB0]  }
0x13f: {  	v10 =	vpop (erf);
	v16 =	vld [tilespmem:s22+$0xFFFFFFD0]  }
0x140: {  	v9 =	vadd.f32 v11, v9;
	v59 =	vmul.f32 $2.000000030e-01, v6;
	[tilespmem:s31+$0xFFFFFFE0] =	vst v10;
	(erf) = vpow2.f32 v2;
	v2 =	vld [tilespmem:s22+$0xFFFFFFC0]  }
0x141: {  	v14 =	vld [tilespmem:s22+$0xFFFFFF70]  }
0x142: {  	v15 =	vmul.f32 $2.000000030e-01, v9;
	v6 =	vmax.f32 v6, v59;
	v8 =	vld [tilespmem:s22+$0xFFFFFF80]  }
0x143: {  	v6 =	vmul.f32 $1.442695020e+00, v6;
	v13 =	vld [tilespmem:s22+$0xFFFFFF60]  }
0x144: {  	v9 =	vmax.f32 v9, v15;
	v3 =	vmul.f32 v3, v0;
	v61 =	vld [tilespmem:s22+$0xFFFFFFE0];
	v60 =	vmul.f32 $2.000000030e-01, v4  }
0x145: {  	v9 =	vmul.f32 $1.442695020e+00, v9;
	[tilespmem:s31+$0x0] =	vst v1;
	v11 =	vld [tilespmem:s22+$0xFFFFFF90];
	v63 =	vmul.f32 v7, v2  }
0x146: {  	v62 =	vld [tilespmem:s22+$0x0];
	[tilespmem:s22+$0x80] =	vst v3;
	(erf) = vpow2.f32 v6;
	v4 =	vmax.f32 v4, v60;
	v3 =	vmul.f32 v10, v14  }
0x147: {  	v12 =	vmul.f32 $1.442695020e+00, v4;
	v6 =	vmul.f32 v8, v10;
	v8 =	vld [tilespmem:s22+$0x10];
	[tilespmem:s22+$0xFFFFFFC0] =	vst v63  }
0x148: {  	(erf) = vpow2.f32 v9;
	v13 =	vmul.f32 v10, v13;
	[tilespmem:s22+$0xFFFFFF70] =	vst v3;
	v3 =	vld [tilespmem:s22+$0x20]  }
0x149: {  	v4 =	vld [tilespmem:s22+$0x30];
	(erf) = vpow2.f32 v12;
	[tilespmem:s22+$0xFFFFFF80] =	vst v6;
	v6 =	vmul.f32 v7, v5  }
0x14a: {  	v10 =	vmul.f32 v11, v10;
	[tilespmem:s22+$0xFFFFFF60] =	vst v13;
	v5 =	vld [tilespmem:s22+$0x50]  }
0x14b: {  	v9 =	vmul.f32 v1, v62;
	v11 =	vmul.f32 v16, v7;
	[tilespmem:s22+$0xFFFFFFB0] =	vst v6;
	v6 =	vld [tilespmem:s22+$0x60]  }
0x14c: {  	s4 =	simm.s32 $0x4;
	s17 =	simm.s32 $0x7A20;
	s25 =	simm.s32 $0xB760;
	[tilespmem:s22+$0xFFFFFF90] =	vst v10;
	v10 =	vmul.f32 v61, v7;
	v2 =	vpop (erf);
	v7 =	vmul.f32 v1, v8;
	v8 =	vld [tilespmem:s22+$0x70]  }
.LBB2_9:
0x14d: {  	v12 =	vld [tilespmem:s17+$0x90];
	[tilespmem:s25+$0x10] =	vst v2;
	v3 =	vmul.f32 v3, v1  }
0x14e: {  	s24 =	sadd.s32 $0x40, s24;
	v4 =	vmul.f32 v4, v1;
	v13 =	vld [tilespmem:s20+$0x80];
	[tilespmem:s22+$0xFFFFFFD0] =	vst v11  }
0x14f: {  	s4 =	sadd.s32 $0x4, s4;
	v5 =	vmul.f32 v0, v5;
	v11 =	vld [tilespmem:s24+$0x10];
	v14 =	vpop (erf);
	[tilespmem:s22+$0xFFFFFFE0] =	vst v10  }
0x150: {  	v6 =	vmul.f32 v0, v6;
	p6 =	slt.u32 s4, $0x7C;
	v10 =	vld [tilespmem:s24+$0xFFFFFFE0];
	[tilespmem:s25+$0xFFFFFFF0] =	vst v14  }
0x151: {  	v8 =	vmul.f32 v8, v0;
	v0 =	vmov v2;
	v15 =	vld [tilespmem:s17+$0xFFFFFFF0];
	v1 =	vpop (erf);
	[tilespmem:s22+$0x0] =	vst v9  }
0x152: {  	v2 =	vld [tilespmem:s24+$0xFFFFFFF0];
	[tilespmem:s25+$0x0] =	vst v1;
	v9 =	vpop (erf)  }
0x153: {  	v16 =	vld [tilespmem:s17+$0x40];
	[tilespmem:s25+$0xFFFFFFE0] =	vst v9;
	v13 =	vmul.f32 v13, v0  }
0x154: {  	v17 =	vld [tilespmem:s24+$0x0];
	v11 =	vadd.f32 v11, v12;
	[tilespmem:s22+$0x10] =	vst v7  }
0x155: {  	v7 =	vld [tilespmem:s17+$0xFFFFFFA0];
	[tilespmem:s20+$0x80] =	vst v13  }
0x156: {  	v12 =	vmul.f32 $2.000000030e-01, v11;
	v13 =	vld [tilespmem:s20+$0xFFFFFF60];
	[tilespmem:s22+$0x20] =	vst v3  }
0x157: {  	v2 =	vadd.f32 v2, v15;
	v3 =	vld [tilespmem:s20+$0xFFFFFF70];
	[tilespmem:s22+$0x30] =	vst v4  }
0x158: {  	v4 =	vmax.f32 v11, v12;
	v11 =	vld [tilespmem:s20+$0xFFFFFF80];
	[tilespmem:s22+$0x50] =	vst v5  }
0x159: {  	v5 =	vmul.f32 $2.000000030e-01, v2;
	v12 =	vadd.f32 v17, v16;
	v4 =	vmul.f32 $1.442695020e+00, v4;
	v15 =	vld [tilespmem:s20+$0xFFFFFF90];
	[tilespmem:s22+$0x60] =	vst v6  }
0x15a: {  	v6 =	vadd.f32 v10, v7;
	v7 =	vld [tilespmem:s20+$0xFFFFFFB0];
	[tilespmem:s22+$0x70] =	vst v8;
	s22 =	smov.u32 s20;
	s20 =	smov.u32 s17  }
0x15b: {  	v2 =	vmax.f32 v2, v5;
	v5 =	vmul.f32 $2.000000030e-01, v12;
	(erf) = vpow2.f32 v4;
	v8 =	vld [tilespmem:s22+$0xFFFFFFC0]  }
0x15c: {  	v4 =	vmul.f32 $2.000000030e-01, v6;
	v2 =	vmul.f32 $1.442695020e+00, v2;
	v10 =	vld [tilespmem:s22+$0xFFFFFFD0]  }
0x15d: {  	v3 =	vmul.f32 v9, v3;
	v5 =	vmax.f32 v12, v5;
	v12 =	vmul.f32 v9, v13;
	v13 =	vld [tilespmem:s22+$0xFFFFFFE0]  }
0x15e: {  	v4 =	vmax.f32 v6, v4;
	v5 =	vmul.f32 $1.442695020e+00, v5;
	(erf) = vpow2.f32 v2;
	v2 =	vld [tilespmem:s22+$0x0]  }
0x15f: {  	v6 =	vmul.f32 v11, v9;
	v4 =	vmul.f32 $1.442695020e+00, v4;
	[tilespmem:s22+$0xFFFFFF60] =	vst v12;
	v12 =	vld [tilespmem:s22+$0x10]  }
.Ltmp8:
0x160: {  	(erf) = vpow2.f32 v5;
	[tilespmem:s22+$0xFFFFFF70] =	vst v3;
	v5 =	vmul.f32 v15, v9;
	v3 =	vld [tilespmem:s22+$0x20];
	(pc) =	sbr.rel @p6 .LBB2_9-.Ltmp8, $4  }
0x161: {  	(erf) = vpow2.f32 v4;
	[tilespmem:s22+$0xFFFFFF80] =	vst v6;
	v6 =	vmul.f32 v14, v7;
	v4 =	vld [tilespmem:s22+$0x30]  }
0x162: {  	v7 =	vmul.f32 v14, v8;
	v11 =	vmul.f32 v10, v14;
	[tilespmem:s22+$0xFFFFFF90] =	vst v5;
	v5 =	vld [tilespmem:s22+$0x50]  }
0x163: {  	v10 =	vmul.f32 v13, v14;
	[tilespmem:s22+$0xFFFFFFB0] =	vst v6;
	v9 =	vmul.f32 v1, v2;
	v6 =	vld [tilespmem:s22+$0x60]  }
0x164: {  	s25 =	sadd.s32 $0x40, s25;
	s17 =	sadd.s32 $0x140, s17;
	v2 =	vpop (erf);
	[tilespmem:s22+$0xFFFFFFC0] =	vst v7;
	v7 =	vmul.f32 v1, v12;
	v8 =	vld [tilespmem:s22+$0x70]  }
.Ltmp9:
0x165: {  	_ = 	snop;
	(pc) =	sbr.rel .LBB2_10-.Ltmp9, $1  }
0x166: {  	_ =	sdelay $0x3  }
.LBB2_13:
0x167: {  	_ =	sfence.sel $0x180000  }
0x168: {  	[bflag:$0x0] =	sbarrier.arrive $0xFFFF  }
0x169: {  	_ =	strace $0x9000004A  }
0x16a: {  	s0 =	stileid.u32;
	[bflag:$0x2] =	sbarrier.arrive $0xFFFF  }
0x16b: {  	p0 =	sne.s32 s0, $0x0;
	s0 =	rddreg [dreg:$0x3]  }
0x16c: {  	s0 =	sadd.s32 @!p0 $0x100000, s0  }
0x16d: {  	[sflag:s0] =	ssyncadd.tile.s32 @!p0 $0x1;
	_ =	shalt  }
.Lfunc_end2:
_tile_overlayer_lowered:
.L_overlay_start_2:
0x16e: {  	(tag) =	ssettag $0x2  }
0x16f: {  	s0 =	rddreg [dreg:$0x0];
	s2 =	stileid.u32  }
0x170: {  	s1 =	rddreg [dreg:$0x1];
	p0 =	sne.s32 s2, $0x0  }
0x171: {  	s3 =	rddreg [dreg:$0x2];
	[bflag:$0x3] =	sbarrier.arrive $0xFFFF;
	s2 =	simm.s32 @!p0 $0x1C05  }
0x172: {  	[timem:s3], [sflag:s2] =	dma.local @!p0 [hbm:s0], s1  }
0x173: {  	s0 =	simm.s32 @!p0 $0x5  }
0x174: {  	_ =	swait.ge @!p0 [sflag:s0], s1  }
0x175: {  	s1 =	ssub.s32 @!p0 $0x0, s1;
	[sflag:s0] =	ssyncset.done @!p0 $0x0  }
0x176: {  	[sflag:s0] =	ssyncadd.s32 @!p0 s1  }
0x177: {  	[bflag:$0x3] =	sbarrier.arrive $0xFFFF  }
0x178: {  	_ =	shalt  }

// kernel: kernel.13.cloned.1.call-start
scs
__scs_entry_jumppad:
0x0: {  	(pc) =	sbr.rel $0x88, $3  }
0x1: {  	(tag) =	ssettag $0x0;
	lr =	simm.s32 $0x1  }
0x2: {  	[smem:$0x3F95] =	sst lr;
	_ =	strace $0xD0000000  }
0x3: {  	_ = 	snop  }
0x4: {  	_ = 	snop  }
0x5: {  	_ = 	snop  }
0x6: {  	_ = 	snop  }
0x7: {  	_ = 	snop  }
__scs_overlays_trampoline_lowered:
0x8: {  	[smem:$0x3FA4] =	sst s0  }
0x9: {  	[smem:$0x3FA5] =	sst s1  }
0xa: {  	[smem:$0x3FA6] =	sst s2  }
0xb: {  	[smem:$0x3FA7] =	sst s3  }
0xc: {  	[smem:$0x3FA8] =	sst s4  }
0xd: {  	[smem:$0x3FA9] =	sst s5  }
0xe: {  	[smem:$0x3FAA] =	sst s6  }
0xf: {  	[smem:$0x3FAB] =	sst s7  }
0x10: {  	[smem:$0x3FAC] =	sst s8  }
0x11: {  	[smem:$0x3FAD] =	sst s9;
	s0 =	simm.s32 @!p0 $0x0  }
0x12: {  	s1 =	sld [smem:$0x3F93];
	s0 =	simm.s32 @p0 $0x1  }
0x13: {  	[smem:$0x3FAE] =	sst s0;
	s0 =	simm.s32 @!p1 $0x0  }
0x14: {  	s2 =	sld [smem:$0x3F92];
	s0 =	simm.s32 @p1 $0x1  }
0x15: {  	[smem:$0x3FAF] =	sst s0;
	s0 =	simm.s32 @!p2 $0x0  }
0x16: {  	s3 =	sld [smem:$0x3FDB];
	s0 =	simm.s32 @p2 $0x1  }
0x17: {  	s4 =	simm.s32 $0x1BF5;
	[smem:$0x3FB1] =	sst s0  }
0x18: {  	s0 =	sld [smem:$0x3F94];
	_ =	swait.ge [sflag:s4], $0x0  }
0x19: {  	s7 =	sld [smem:$0x3F95]  }
0x1a: {  	s8 =	sadd.s32 $0xFFFFE003, lr  }
0x1b: {  	s9 =	sadd.s32 $0xFFFFFEF7, lr;
	s5 =	simm.s32 $0xFFFFFFFF;
	p2 =	slt.u32 s8, $0xFFFFF086  }
0x1c: {  	p1 =	slt.u32 s9, $0xF7A;
	s5 =	simm.s32 @!p2 $0x0  }
0x1d: {  	s5 =	simm.s32 @p1 $0x1;
	p0 =	seq.s32 s7, s2  }
0x1e: {  	s7 =	smul.u32 @!p0 $0xF7A, s2;
	p2 =	seq.s32 @!p0 s5, $0x0  }
0x1f: {  	s9 =	smul.u32 $0xF7A, s1;
	s8 =	simm.s32 @!p0 $0x1BF5;
	p2 =	por !p2, p0  }
0x20: {  	[sflag:s8] =	ssyncset.s32 @!p0 $0xFFFFF086;
	s6 =	sadd.s32 @!p0 s3, s7;
	s7 =	simm.s32 @!p0 $0x108  }
0x21: {  	s3 =	sadd.s32 s3, s9;
	s6 =	sadd.s32 @!p0 $0x88, s6;
	s7 =	simm.s32 @p2 $0x1082  }
0x22: {  	[simem:s7], [sflag:s8] =	dma.local @!p0 [hbm:s6], $0xF7A  }
0x23: {  	s9 =	sor.u32 $0xD0000000, s2;
	s6 =	simm.s32 $0x108;
	_ =	swait.ge @!p0 [sflag:s8], $0x0  }
0x24: {  	s3 =	sadd.s32 $0x88, s3;
	s6 =	simm.s32 @!p1 $0x1082;
	[sflag:s4] =	ssyncset.s32 $0xFFFFF086  }
0x25: {  	[simem:s6], [sflag:s4] =	dma.local [hbm:s3], $0xF7A  }
0x26: {  	[smem:$0x3F95] =	sst s1;
	(tag) =	ssettag s2;
	_ =	strace s9  }
0x27: {  	s1 =	sld [smem:$0x3FA5]  }
0x28: {  	s2 =	sld [smem:$0x3FA6]  }
0x29: {  	s4 =	sld [smem:$0x3FA8]  }
0x2a: {  	p0 =	seq.s32 s5, $0x0;
	s5 =	sld [smem:$0x3FA9]  }
0x2b: {  	s6 =	sld [smem:$0x3FAA]  }
0x2c: {  	s7 =	sld [smem:$0x3FAB]  }
0x2d: {  	s3 =	simm.s32 $0x108;
	s8 =	sld [smem:$0x3FAC]  }
0x2e: {  	s3 =	simm.s32 @!p0 $0x1082;
	s9 =	sld [smem:$0x3FAD]  }
0x2f: {  	lr =	sadd.s32 s0, s3;
	s0 =	sld [smem:$0x3FA4]  }
0x30: {  	s3 =	sld [smem:$0x3FA7]  }
0x31: {  	[smem:$0x3FB0] =	sst s10  }
0x32: {  	s10 =	sld [smem:$0x3FAE];
	_ =	sdelay $0x3  }
0x33: {  	p0 =	seq.s32 s10, $0x1;
	s10 =	sld [smem:$0x3FB0];
	_ =	sdelay $0x3  }
0x34: {  	[smem:$0x3FB0] =	sst s10  }
0x35: {  	s10 =	sld [smem:$0x3FAF];
	_ =	sdelay $0x3  }
0x36: {  	p1 =	seq.s32 s10, $0x1;
	s10 =	sld [smem:$0x3FB0];
	_ =	sdelay $0x3  }
0x37: {  	[smem:$0x3FB0] =	sst s10  }
0x38: {  	s10 =	sld [smem:$0x3FB1]  }
0x39: {  	_ = 	snop;
	(pc) =	sbr.ind lr, $3  }
0x3a: {  	_ = 	snop  }
0x3b: {  	_ = 	snop  }
0x3c: {  	p2 =	seq.s32 s10, $0x1;
	s10 =	sld [smem:$0x3FB0]  }
0x3d: {  	_ =	shalt  }
0x3e: {  	_ =	shalt  }
0x3f: {  	_ =	shalt  }
0x40: {  	_ =	shalt  }
0x41: {  	_ =	shalt  }
0x42: {  	_ =	shalt  }
0x43: {  	_ =	shalt  }
0x44: {  	_ =	shalt  }
0x45: {  	_ =	shalt  }
0x46: {  	_ =	shalt  }
0x47: {  	_ =	shalt  }
0x48: {  	_ =	shalt  }
0x49: {  	_ =	shalt  }
0x4a: {  	_ =	shalt  }
0x4b: {  	_ =	shalt  }
0x4c: {  	_ =	shalt  }
0x4d: {  	_ =	shalt  }
0x4e: {  	_ =	shalt  }
0x4f: {  	_ =	shalt  }
0x50: {  	_ =	shalt  }
0x51: {  	_ =	shalt  }
0x52: {  	_ =	shalt  }
0x53: {  	_ =	shalt  }
0x54: {  	_ =	shalt  }
0x55: {  	_ =	shalt  }
0x56: {  	_ =	shalt  }
0x57: {  	_ =	shalt  }
0x58: {  	_ =	shalt  }
0x59: {  	_ =	shalt  }
0x5a: {  	_ =	shalt  }
0x5b: {  	_ =	shalt  }
0x5c: {  	_ =	shalt  }
0x5d: {  	_ =	shalt  }
0x5e: {  	_ =	shalt  }
0x5f: {  	_ =	shalt  }
0x60: {  	_ =	shalt  }
0x61: {  	_ =	shalt  }
0x62: {  	_ =	shalt  }
0x63: {  	_ =	shalt  }
0x64: {  	_ =	shalt  }
0x65: {  	_ =	shalt  }
0x66: {  	_ =	shalt  }
0x67: {  	_ =	shalt  }
0x68: {  	_ =	shalt  }
0x69: {  	_ =	shalt  }
0x6a: {  	_ =	shalt  }
0x6b: {  	_ =	shalt  }
0x6c: {  	_ =	shalt  }
0x6d: {  	_ =	shalt  }
0x6e: {  	_ =	shalt  }
0x6f: {  	_ =	shalt  }
0x70: {  	_ =	shalt  }
0x71: {  	_ =	shalt  }
0x72: {  	_ =	shalt  }
0x73: {  	_ =	shalt  }
0x74: {  	_ =	shalt  }
0x75: {  	_ =	shalt  }
0x76: {  	_ =	shalt  }
0x77: {  	_ =	shalt  }
0x78: {  	_ =	shalt  }
0x79: {  	_ =	shalt  }
0x7a: {  	_ =	shalt  }
0x7b: {  	_ =	shalt  }
0x7c: {  	_ =	shalt  }
0x7d: {  	_ =	shalt  }
0x7e: {  	_ =	shalt  }
0x7f: {  	_ =	shalt  }
0x80: {  	_ =	shalt  }
0x81: {  	_ =	shalt  }
0x82: {  	_ =	shalt  }
0x83: {  	_ =	shalt  }
0x84: {  	_ =	shalt  }
0x85: {  	_ =	shalt  }
0x86: {  	_ =	shalt  }
0x87: {  	_ =	shalt  }
.Lfunc_end0:
.L_simem_size_0:
called_computation.2_lowered:
.L_overlay_start_0:
0x88: {  	s2 =	sld [smem:$0x3FD9]  }
0x89: {  	s3 =	sld [smem:$0x3FFE];
	_ =	sdelay $0x1  }
0x8a: {  	s1 =	srdreg.scid  }
0x8b: {  	s0 =	sand.u32 $0x1, s1  }
0x8c: {  	s17 =	sshll.u32 s0, $0xA;
	s2 =	sadd.s32 s3, s2  }
0x8d: {  	s2 =	sadd.s32 s2, s17  }
0x8e: {  	[smem:$0x3FBC] =	sst s2  }
0x8f: {  	_ = 	snop  }
0x90: {  	s2 =	sld [smem:$0x3FBE]  }
0x91: {  	s18 =	sld [smem:$0x3FD0];
	(tm) =	ssettm $0x1  }
0x92: {  	s4 =	sld [smem:$0x3FFB];
	_ =	sdelay $0x3  }
0x93: {  	_ =	strace s4  }
0x94: {  	s4 =	sld [smem:$0x3FFC];
	_ =	sdelay $0x3  }
0x95: {  	_ =	strace s4  }
0x96: {  	s4 =	sld [smem:$0x3FFD];
	_ =	sdelay $0x3  }
0x97: {  	_ =	strace s4  }
0x98: {  	_ =	strace $0x8FFFFFFF  }
0x99: {  	s19 =	sld [smem:$0x3FDB];
	_ =	sdelay $0x1  }
0x9a: {  	s5 =	simm.s32 $_scs_section_size  }
0x9b: {  	s6 =	simm.s32 $_size__tile_overlayer_lowered;
	s7 =	simm.s32 $_tile_overlayer_lowered  }
0x9c: {  	s22 =	simm.s32 $0x1BFF;
	s21 =	sshll.u32 s7, $0x1;
	s4 =	sadd.s32 s5, s19  }
0x9d: {  	s8 =	simm.s32 $0x0;
	s20 =	sshll.u32 s6, $0x1;
	s6 =	sadd.s32 s21, s4  }
0x9e: {  	[timem:s8], [sflag:s22] =	dma.local [hbm:s6], s20  }
0x9f: {  	_ =	swait.ge [sflag:s22], s20  }
0xa0: {  	s5 =	ssub.s32 $0x0, s20;
	[sflag:s22] =	ssyncset.done $0x0  }
0xa1: {  	[sflag:s22] =	ssyncadd.s32 s5;
	_ =	sdelay $0x1  }
0xa2: {  	s23 =	simm.s32 $0x1B8B  }
0xa3: {  	_ =	swait.ge [sflag:s23], $0x1  }
0xa4: {  	[sflag:s23] =	ssyncset.done $0x0  }
0xa5: {  	s25 =	simm.s32 $0x1B8E;
	s24 =	sld [smem:$0x3FFE];
	[sflag:s23] =	ssyncadd.s32 $0xFFFFFFFF  }
0xa6: {  	s26 =	simm.s32 $execute0_lowered;
	[smem:$0x3FD2] =	sst s25  }
0xa7: {  	s6 =	sshll.u32 s26, $0x1;
	_ =	strace $0x8000004C;
	[dreg:$0x1] =	wrdreg $0xFFFFFFFF  }
0xa8: {  	s28 =	simm.s32 $_size_execute0_lowered;
	s4 =	sadd.s32 s4, s6;
	[dreg:$0x0] =	wrdreg $0x0  }
0xa9: {  	s6 =	sshll.u32 s28, $0x1;
	[dreg:$0x2] =	wrdreg s4  }
0xaa: {  	[dreg:$0x3] =	wrdreg s6  }
0xab: {  	[dreg:$0x4] =	wrdreg $0xC0  }
0xac: {  	_ =	task [dreg:s8], $0x5FFFF  }
0xad: {  	[dreg:$0x1] =	wrdreg $0xFFFFFFFF  }
0xae: {  	[dreg:$0x0] =	wrdreg $0x60  }
0xaf: {  	[dreg:$0x2] =	wrdreg s24  }
0xb0: {  	[dreg:$0x3] =	wrdreg s2  }
0xb1: {  	[dreg:$0x4] =	wrdreg s18  }
0xb2: {  	[dreg:$0x5] =	wrdreg $0x141200  }
0xb3: {  	[dreg:$0x6] =	wrdreg $0x9  }
0xb4: {  	_ =	task.clear_ibuf [dreg:s8], $0x7FFFF;
	_ =	strace $0x9000004C  }
0xb5: {  	s29 =	simm.s32 $0x9;
	_ =	strace $0x8000004E  }
0xb6: {  	_ =	swait.ge [sflag:s29], $0x1  }
0xb7: {  	[sflag:s29] =	ssyncadd.s32 $0xFFFFFFFF  }
0xb8: {  	_ =	strace $0x9000004E  }
0xb9: {  	_ =	sfence  }
0xba: {  	s30 =	sld [smem:$0x0];
	_ =	sdelay $0x2  }
0xbb: {  	s31 =	sshll.u32 s1, $0xD;
	s1 =	sshrl.u32 s1, $0x2  }
0xbc: {  	s3 =	sand.u32 $0x4000, s31;
	s1 =	sadd.s32 s1, s30  }
0xbd: {  	s0 =	sor.u32 s3, s0;
	s1 =	sshll.u32 s1, $0x11  }
0xbe: {  	s0 =	sor.u32 s1, s0  }
0xbf: {  	s0 =	sadd.s32 $0x8F2B, s0  }
0xc0: {  	[sflag:s0] =	ssyncadd.remote.s32 $0x1  }
0xc1: {  	_ =	sfence.sel $0xFFFF  }
0xc2: {  	[dreg:$0x0] =	wrdreg $0xFFFFFFFF;
	(pc) =	sbr.abs _section_cstart, $3  }
0xc3: {  	[dreg:$0x1] =	wrdreg $0xFFFFFFFF  }
0xc4: {  	_ =	task.clear_ibuf [dreg:s8], $0x2FFFF;
	_ =	strace $0x9FFFFFFF  }
0xc5: {  	(tm) =	ssettm $0x7FFFFFFF  }
tec
execute0_lowered:
.L_overlay_start_1:
0x0: {  	(tag) =	ssettag $0x1  }
0x1: {  	s0 =	rddreg [dreg:$0x0]  }
0x2: {  	s4 =	rddreg [dreg:$0x3];
	s1 =	srdreg.scid  }
0x3: {  	s13 =	stileid.u32;
	s5 =	simm.s32 $0x0;
	v0 =	vimm.s32 $0xFEDCBA98;
	v1 =	vimm.s32 $0x76543210;
	s14 =	simm.s32 $0x14  }
0x4: {  	v2 =	vimm.s32 $0xBA98FEDC;
	v3 =	vimm.s32 $0x32107654;
	s19 =	simm.s32 $0x5;
	s24 =	simm.s32 $0x11200;
	s25 =	simm.s32 $0x119D0  }
0x5: {  	v4 =	vimm.s32 $0xDCFE98BA;
	v5 =	vimm.s32 $0x54761032;
	s26 =	simm.s32 $0x121A0;
	s1 =	sand.u32 $0x1, s1;
	s2 =	sshll.u32 s13, $0x1  }
0x6: {  	v6 =	vimm.s32 $0xEFCDAB89;
	v7 =	vimm.s32 $0x67452301;
	s15 =	simm.s32 $0x0;
	[smem:$0x7FF] =	sst s5;
	s2 =	sor.u32 s1, s2  }
0x7: {  	s6 =	sadd.s32 $0x1F400, s0;
	s7 =	sadd.s32 $0x37C00, s0;
	v0 =	vunpack.c.l.s4.s8 v0;
	v1 =	vunpack.c.l.s4.s8 v1;
	v2 =	vunpack.c.l.s4.s8 v2;
	s3 =	smul.u32 $0x13, s2  }
0x8: {  	s8 =	sadd.s32 $0x50400, s0;
	s9 =	sadd.s32 $0x55400, s0;
	v3 =	vunpack.c.l.s4.s8 v3;
	v4 =	vunpack.c.l.s4.s8 v4;
	v5 =	vunpack.c.l.s4.s8 v5;
	s10 =	smin.u32 s2, $0x11  }
0x9: {  	s11 =	sadd.s32 $0x1C00, s0;
	s12 =	sadd.s32 $0x1A400, s0;
	v6 =	vunpack.c.l.s4.s8 v6;
	v7 =	vunpack.c.l.s4.s8 v7;
	v0 =	vunpack.c.0.s8.s32 v0;
	s10 =	sadd.s32 s10, s3  }
0xa: {  	s13 =	smul.u32 $0x271, s13;
	_ =	strace $0x8000004D;
	v2 =	vunpack.c.0.s8.s32 v2;
	v3 =	vunpack.c.0.s8.s32 v3;
	v4 =	vunpack.c.0.s8.s32 v4;
	s3 =	sshll.u32 s10, $0x4  }
.Ltmp0:
0xb: {  	s1 =	ssub.s32 $0x2, s1;
	v5 =	vunpack.c.0.s8.s32 v5;
	v6 =	vunpack.c.0.s8.s32 v6;
	v7 =	vunpack.c.0.s8.s32 v7;
	s0 =	sadd.s32 s3, s0;
	(pc) =	sbr.rel .LBB2_1-.Ltmp0, $4  }
0xc: {  	p0 =	slt.u32 s2, $0x11;
	s30 =	sshrl.u32 s1, $0x1;
	v1 =	vunpack.c.0.s8.s32 v1;
	v2 =	vcombine.low v3, v2;
	s3 =	sadd.s32 $0x5CC00, s0  }
0xd: {  	s31 =	ssub.s32 s1, s30;
	v3 =	vcombine.low v5, v4;
	v4 =	vand.u32 $0xF, v0;
	v5 =	vcombine.low v7, v6;
	s0 =	sadd.s32 $0x5A400, s0;
	[dreg:$0x5] =	wrdreg s3  }
0xe: {  	s14 =	simm.s32 @!p0 $0x13;
	v0 =	vlaneseq.u32;
	v1 =	vcombine.low v4, v1;
	[dreg:$0x6] =	wrdreg s0;
	s0 =	smax.u32 s31, $0x1  }
0xf: {  	s1 =	simm.s32 $0x2;
	v2 =	vand.u32 $0xF, v2;
	v3 =	vand.u32 $0xF, v3;
	v4 =	vand.u32 $0xF, v5;
	[dreg:$0x7] =	wrdreg s0;
	s0 =	simm.s32 $0x1  }
.LBB2_19:
0x10: {  	s2 =	simm.s32 $0x3  }
0x11: {  	_ =	swait.ge [sflag:s2], $0x80  }
0x12: {  	[sflag:s2] =	ssyncset.done $0x0  }
0x13: {  	s3 =	simm.s32 $0x4;
	[sflag:s2] =	ssyncadd.s32 $0xFFFFFF80  }
0x14: {  	_ =	swait.ge [sflag:s3], $0x80  }
0x15: {  	s15 =	rddreg [dreg:$0x8]  }
0x16: {  	s31 =	rddreg [dreg:$0x7];
	s15 =	sadd.s32 $0x1, s15  }
0x17: {  	p0 =	sne.s32 s15, s31  }
.Ltmp1:
0x18: {  	_ = 	snop;
	(pc) =	sbr.rel @!p0 .LBB2_20-.Ltmp1, $3  }
0x19: {  	_ =	sdelay $0x1  }
0x1a: {  	[sflag:s3] =	ssyncset.done $0x0  }
0x1b: {  	[sflag:s3] =	ssyncadd.s32 $0xFFFFFF80  }
.LBB2_1:
0x1c: {  	[dreg:$0x8] =	wrdreg s15  }
0x1d: {  	s2 =	rddreg [dreg:$0x1];
	s3 =	simm.s32 $0x140E0  }
0x1e: {  	[tilespmem:s3], [sflag:$0x5] =	stream.linear.gather [hbm4b:s2+s5], $0x40, $0x38;
	[tilespmem:$0x1DD60] =	vst v63  }
0x1f: {  	_ =	swait.ge [sflag:s19], $0x40  }
0x20: {  	[sflag:s19] =	ssyncset.done $0x0  }
0x21: {  	s16 =	simm.s32 $0x0;
	[sflag:s19] =	ssyncadd.s32 $0xFFFFFFC0  }
.LBB2_2:
0x22: {  	s2 =	smul.u32 $0x7D, s16;
	_ =	sdelay $0x1  }
0x23: {  	s17 =	sadd.s32 s13, s2  }
0x24: {  	s2 =	smul.u32 $0xA, s17;
	_ =	sdelay $0x1  }
0x25: {  	s15 =	simm.s32 $0x9500;
	s3 =	sadd.s32 s6, s2  }
0x26: {  	[tilespmem:s15], [sflag:$0x5] =	stream.linear.gather [hbm4b:s3+s5], $0x2710, $0x38;
	[tilespmem:$0x1DD60] =	vst v63  }
0x27: {  	_ =	swait.ge [sflag:s19], $0x2710  }
0x28: {  	[sflag:s19] =	ssyncset.done $0x0  }
0x29: {  	s23 =	simm.s32 $0xBC10;
	s22 =	sadd.s32 s7, s2;
	[sflag:s19] =	ssyncadd.s32 $0xFFFFD8F0  }
0x2a: {  	[tilespmem:s23], [sflag:$0x5] =	stream.linear.gather [hbm4b:s22+s5], $0x2710, $0x38;
	[tilespmem:$0x1DD60] =	vst v63  }
0x2b: {  	_ =	swait.ge [sflag:s19], $0x2710  }
0x2c: {  	[sflag:s19] =	ssyncset.done $0x0  }
0x2d: {  	s18 =	simm.s32 $0xE320;
	s2 =	sadd.s32 s11, s2;
	[sflag:s19] =	ssyncadd.s32 $0xFFFFD8F0  }
0x2e: {  	[tilespmem:s18], [sflag:$0x5] =	stream.linear.gather [hbm4b:s2+s5], $0x2710, $0x38;
	[tilespmem:$0x1DD60] =	vst v63  }
0x2f: {  	_ =	swait.ge [sflag:s19], $0x2710  }
0x30: {  	s20 =	sshll.u32 s17, $0x1;
	[sflag:s19] =	ssyncset.done $0x0  }
0x31: {  	s21 =	sadd.s32 s12, s20;
	s22 =	simm.s32 $0x10A30;
	[sflag:s19] =	ssyncadd.s32 $0xFFFFD8F0  }
0x32: {  	[tilespmem:s22], [sflag:$0x5] =	stream.linear.gather [hbm4b:s21+s5], $0x7D0, $0x38;
	[tilespmem:$0x1DD60] =	vst v63  }
0x33: {  	_ =	swait.ge [sflag:s19], $0x7D0  }
0x34: {  	[sflag:s19] =	ssyncset.done $0x0  }
0x35: {  	s23 =	sadd.s32 s8, s20;
	[sflag:s19] =	ssyncadd.s32 $0xFFFFF830  }
0x36: {  	[tilespmem:s24], [sflag:$0x5] =	stream.linear.gather [hbm4b:s23+s5], $0x7D0, $0x38;
	[tilespmem:$0x1DD60] =	vst v63  }
0x37: {  	_ =	swait.ge [sflag:s19], $0x7D0  }
0x38: {  	[sflag:s19] =	ssyncset.done $0x0  }
0x39: {  	s2 =	sadd.s32 s9, s20;
	[sflag:s19] =	ssyncadd.s32 $0xFFFFF830  }
0x3a: {  	[tilespmem:s25], [sflag:$0x5] =	stream.linear.gather [hbm4b:s2+s5], $0x7D0, $0x38;
	[tilespmem:$0x1DD60] =	vst v63  }
0x3b: {  	_ =	swait.ge [sflag:s19], $0x7D0  }
0x3c: {  	[sflag:s19] =	ssyncset.done $0x0  }
0x3d: {  	s28 =	simm.s32 $0xE3C0;
	[sflag:s19] =	ssyncadd.s32 $0xFFFFF830  }
0x3e: {  	s29 =	simm.s32 $0x10A50;
	v5 =	vld [tilespmem:s28+$0x90]  }
0x3f: {  	v6 =	vld [tilespmem:s29+$0x10];
	_ =	sdelay $0x2  }
0x40: {  	v8 =	vld [tilespmem:s28+$0xFFFFFFF0]  }
0x41: {  	v9 =	vld [tilespmem:s29+$0xFFFFFFF0]  }
0x42: {  	v10 =	vld [tilespmem:s28+$0x40];
	v5 =	vadd.f32 v6, v5  }
0x43: {  	v6 =	vld [tilespmem:s29+$0x0]  }
0x44: {  	v7 =	vld [tilespmem:s29+$0xFFFFFFE0];
	v12 =	vmul.f32 $2.000000030e-01, v5  }
0x45: {  	v11 =	vld [tilespmem:s28+$0xFFFFFFA0]  }
0x46: {  	v8 =	vadd.f32 v9, v8;
	v5 =	vmax.f32 v5, v12  }
0x47: {  	v5 =	vmul.f32 $1.442695020e+00, v5  }
0x48: {  	v9 =	vmul.f32 $2.000000030e-01, v8;
	v6 =	vadd.f32 v6, v10  }
0x49: {  	(erf) = vpow2.f32 v5  }
0x4a: {  	s30 =	simm.s32 $0x11220;
	v7 =	vadd.f32 v7, v11;
	v5 =	vmax.f32 v8, v9;
	v8 =	vmul.f32 $2.000000030e-01, v6  }
0x4b: {  	s31 =	simm.s32 $0x119F0;
	s15 =	simm.s32 $0x95A0;
	v10 =	vld [tilespmem:s30+$0x10]  }
0x4c: {  	v9 =	vmul.f32 $2.000000030e-01, v7;
	v5 =	vmul.f32 $1.442695020e+00, v5;
	v6 =	vmax.f32 v6, v8;
	v8 =	vld [tilespmem:s31+$0x10]  }
0x4d: {  	s2 =	simm.s32 $0xBCB0;
	v13 =	vld [tilespmem:s15+$0x50]  }
0x4e: {  	v14 =	vld [tilespmem:s2+$0x50];
	v7 =	vmax.f32 v7, v9;
	v6 =	vmul.f32 $1.442695020e+00, v6;
	(erf) = vpow2.f32 v5  }
0x4f: {  	v12 =	vld [tilespmem:s30+$0x0];
	v5 =	vmul.f32 $1.442695020e+00, v7  }
0x50: {  	v7 =	vld [tilespmem:s30+$0xFFFFFFF0];
	(erf) = vpow2.f32 v6  }
0x51: {  	v6 =	vld [tilespmem:s31+$0xFFFFFFF0];
	(erf) = vpow2.f32 v5;
	v5 =	vadd.f32 v8, v10  }
0x52: {  	v8 =	vld [tilespmem:s31+$0x0];
	v11 =	vpop (erf)  }
0x53: {  	v9 =	vld [tilespmem:s30+$0xFFFFFFE0];
	v5 =	vadd.f32 v11, v5  }
0x54: {  	v10 =	vld [tilespmem:s31+$0xFFFFFFE0]  }
0x55: {  	v15 =	vld [tilespmem:s28+$0x50]  }
0x56: {  	v16 =	vld [tilespmem:s28+$0xFFFFFF60];
	v6 =	vadd.f32 v6, v7;
	(erf) = vrcp.f32 v5  }
0x57: {  	v18 =	vld [tilespmem:s15+$0xFFFFFF60];
	v7 =	vadd.f32 v8, v12;
	v5 =	vpop (erf)  }
0x58: {  	v8 =	vld [tilespmem:s28+$0xFFFFFFB0];
	v17 =	vadd.f32 v5, v6  }
0x59: {  	v9 =	vadd.f32 v10, v9;
	v10 =	vld [tilespmem:s15+$0xFFFFFFB0]  }
0x5a: {  	v6 =	vpop (erf);
	(erf) = vrcp.f32 v17;
	v17 =	vld [tilespmem:s2+$0xFFFFFFB0]  }
0x5b: {  	v19 =	vld [tilespmem:s2+$0x0];
	v13 =	vadd.f32 v14, v13;
	v14 =	vmul.f32 v11, v15;
	v12 =	vadd.f32 v6, v7;
	v7 =	vpop (erf)  }
0x5c: {  	v15 =	vld [tilespmem:$0x140E0];
	v9 =	vadd.f32 v7, v9  }
0x5d: {  	v13 =	vadd.f32 v14, v13;
	v14 =	vld [tilespmem:s28+$0x0];
	(erf) = vrcp.f32 v12  }
0x5e: {  	(erf) = vrcp.f32 v9;
	v9 =	vld [tilespmem:s2+$0xFFFFFF60]  }
0x5f: {  	v8 =	vmul.f32 v5, v8;
	v12 =	vpop (erf);
	v10 =	vadd.f32 v17, v10;
	v17 =	vld [tilespmem:s15+$0x0]  }
0x60: {  	v13 =	vmul.f32 v12, v13;
	_ =	sdelay $0x1  }
0x61: {  	v10 =	vadd.f32 v8, v10;
	v13 =	vadd.f32 v13, v15  }
0x62: {  	s18 =	simm.s32 $0x12220;
	v16 =	vmul.f32 v7, v16;
	v9 =	vadd.f32 v9, v18;
	v8 =	vpop (erf)  }
0x63: {  	v14 =	vmul.f32 v6, v14;
	[tilespmem:s18+$0x40] =	vst v13;
	v10 =	vmul.f32 v8, v10;
	v17 =	vadd.f32 v19, v17  }
0x64: {  	v13 =	vadd.f32 v16, v9;
	v16 =	vld [tilespmem:s15+$0x60]  }
0x65: {  	v20 =	vld [tilespmem:s2+$0x60];
	v14 =	vadd.f32 v14, v17  }
0x66: {  	v19 =	vld [tilespmem:s28+$0x60];
	v9 =	vpop (erf);
	v18 =	vadd.f32 v10, v15  }
0x67: {  	v10 =	vpop (erf);
	v14 =	vmul.f32 v9, v14  }
0x68: {  	[tilespmem:s18+$0xFFFFFFC0] =	vst v18;
	v13 =	vmul.f32 v10, v13  }
0x69: {  	v17 =	vld [tilespmem:s15+$0xFFFFFFC0];
	v14 =	vadd.f32 v14, v15  }
0x6a: {  	v18 =	vld [tilespmem:s2+$0xFFFFFFC0];
	v13 =	vadd.f32 v13, v15  }
0x6b: {  	v16 =	vadd.f32 v20, v16;
	v19 =	vmul.f32 v19, v11;
	v15 =	vld [tilespmem:$0x140F0];
	[tilespmem:s18+$0x0] =	vst v14  }
0x6c: {  	[tilespmem:s18+$0xFFFFFF80] =	vst v13;
	v13 =	vld [tilespmem:s28+$0xFFFFFFC0]  }
0x6d: {  	v16 =	vadd.f32 v19, v16;
	v19 =	vld [tilespmem:s15+$0x10]  }
0x6e: {  	v21 =	vld [tilespmem:s15+$0xFFFFFF70]  }
0x6f: {  	v20 =	vld [tilespmem:s2+$0xFFFFFF70]  }
0x70: {  	v16 =	vmul.f32 v16, v12;
	v14 =	vld [tilespmem:s28+$0xFFFFFF70]  }
0x71: {  	v22 =	vld [tilespmem:s2+$0x10]  }
0x72: {  	v17 =	vadd.f32 v18, v17;
	v18 =	vld [tilespmem:$0x140F0];
	v15 =	vadd.f32 v16, v15  }
0x73: {  	v16 =	vld [tilespmem:s28+$0x10];
	v13 =	vmul.f32 v13, v5  }
0x74: {  	[tilespmem:s18+$0x50] =	vst v15;
	v15 =	vld [tilespmem:$0x140F0]  }
0x75: {  	v14 =	vmul.f32 v14, v7;
	v13 =	vadd.f32 v13, v17;
	v17 =	vadd.f32 v20, v21;
	v20 =	vld [tilespmem:s15+$0x70]  }
0x76: {  	v21 =	vld [tilespmem:s2+$0x70]  }
0x77: {  	v13 =	vmul.f32 v13, v8;
	v14 =	vadd.f32 v14, v17;
	v17 =	vld [tilespmem:s28+$0x70];
	_ =	sdelay $0x1  }
0x78: {  	v14 =	vmul.f32 v14, v10;
	v13 =	vadd.f32 v13, v15  }
0x79: {  	v16 =	vmul.f32 v16, v6;
	v15 =	vadd.f32 v22, v19  }
0x7a: {  	v19 =	vld [tilespmem:$0x140F0];
	v14 =	vadd.f32 v14, v18;
	[tilespmem:s18+$0xFFFFFFD0] =	vst v13  }
0x7b: {  	v13 =	vadd.f32 v16, v15;
	v16 =	vadd.f32 v21, v20;
	v15 =	vld [tilespmem:s15+$0xFFFFFFD0];
	v17 =	vmul.f32 v17, v11  }
0x7c: {  	[tilespmem:s18+$0xFFFFFF90] =	vst v14;
	v14 =	vld [tilespmem:$0x14100]  }
0x7d: {  	v13 =	vmul.f32 v13, v9;
	v18 =	vld [tilespmem:s15+$0xFFFFFF80];
	v16 =	vadd.f32 v17, v16  }
0x7e: {  	v17 =	vld [tilespmem:s2+$0xFFFFFF80]  }
0x7f: {  	v13 =	vadd.f32 v13, v19;
	v19 =	vld [tilespmem:s28+$0xFFFFFF80];
	v16 =	vmul.f32 v16, v12  }
0x80: {  	v20 =	vld [tilespmem:s2+$0xFFFFFFD0]  }
0x81: {  	v21 =	vld [tilespmem:s28+$0xFFFFFFD0];
	[tilespmem:s18+$0x10] =	vst v13;
	v13 =	vadd.f32 v16, v14  }
0x82: {  	v16 =	vld [tilespmem:s15+$0x20]  }
0x83: {  	v22 =	vld [tilespmem:s2+$0x20];
	[tilespmem:s18+$0x60] =	vst v13  }
0x84: {  	v17 =	vadd.f32 v17, v18;
	v18 =	vmul.f32 v19, v7;
	v13 =	vld [tilespmem:s15+$0x80]  }
0x85: {  	v14 =	vld [tilespmem:s2+$0x80]  }
0x86: {  	v20 =	vadd.f32 v20, v15;
	v21 =	vmul.f32 v21, v5;
	v15 =	vld [tilespmem:s28+$0x80];
	v17 =	vadd.f32 v18, v17  }
0x87: {  	s3 =	simm.s32 $0x12220;
	s20 =	simm.s32 $0x95A0;
	v18 =	vld [tilespmem:s28+$0x20]  }
0x88: {  	s22 =	simm.s32 $0x0;
	s21 =	simm.s32 $0xBCB0;
	s23 =	simm.s32 $0xE500;
	v20 =	vadd.f32 v21, v20;
	v19 =	vld [tilespmem:$0x14100];
	v16 =	vadd.f32 v22, v16;
	v17 =	vmul.f32 v17, v10  }
.LBB2_3:
0x89: {  	v21 =	vld [tilespmem:s23+$0x90];
	s29 =	sadd.s32 $0x40, s29  }
0x8a: {  	v22 =	vld [tilespmem:s29+$0x10];
	v20 =	vmul.f32 v20, v8  }
0x8b: {  	v13 =	vadd.f32 v14, v13;
	v23 =	vld [tilespmem:s29+$0xFFFFFFE0];
	v11 =	vmul.f32 v15, v11  }
0x8c: {  	v14 =	vmul.f32 v18, v6;
	v15 =	vld [tilespmem:$0x14110]  }
0x8d: {  	v18 =	vld [tilespmem:s23+$0xFFFFFFF0];
	v17 =	vadd.f32 v17, v19;
	v11 =	vadd.f32 v11, v13  }
0x8e: {  	v13 =	vld [tilespmem:s29+$0xFFFFFFF0];
	v14 =	vadd.f32 v14, v16  }
0x8f: {  	v16 =	vld [tilespmem:s23+$0x40];
	v19 =	vadd.f32 v22, v21;
	[tilespmem:s18+$0xFFFFFFA0] =	vst v17;
	v11 =	vmul.f32 v11, v12  }
0x90: {  	s22 =	sadd.s32 $0x4, s22;
	v12 =	vld [tilespmem:s29+$0x0];
	v14 =	vmul.f32 v14, v9  }
0x91: {  	p0 =	slt.u32 s22, $0x78;
	v17 =	vld [tilespmem:s23+$0xFFFFFFA0];
	v21 =	vmul.f32 $2.000000030e-01, v19;
	v11 =	vadd.f32 v11, v15  }
0x92: {  	v15 =	vld [tilespmem:s23+$0xFFFFFF60]  }
0x93: {  	v13 =	vadd.f32 v13, v18;
	v18 =	vld [tilespmem:s23+$0xFFFFFFB0];
	v19 =	vmax.f32 v19, v21;
	[tilespmem:s18+$0x70] =	vst v11  }
0x94: {  	v21 =	vld [tilespmem:s23+$0x0];
	v11 =	vmul.f32 $1.442695020e+00, v19  }
0x95: {  	v19 =	vmul.f32 $2.000000030e-01, v13;
	v12 =	vadd.f32 v12, v16;
	v16 =	vld [tilespmem:$0x14100]  }
0x96: {  	v17 =	vadd.f32 v23, v17;
	(erf) = vpow2.f32 v11;
	v11 =	vld [tilespmem:$0x14100]  }
0x97: {  	s30 =	sadd.s32 $0x40, s30;
	v13 =	vmax.f32 v13, v19;
	v19 =	vmul.f32 $2.000000030e-01, v12;
	v22 =	vld [tilespmem:s15+$0xFFFFFF90]  }
0x98: {  	s31 =	sadd.s32 $0x40, s31;
	v23 =	vmul.f32 $2.000000030e-01, v17;
	v13 =	vmul.f32 $1.442695020e+00, v13;
	v24 =	vld [tilespmem:s30+$0x10]  }
0x99: {  	v12 =	vmax.f32 v12, v19;
	v19 =	vld [tilespmem:s31+$0x10]  }
0x9a: {  	v17 =	vmax.f32 v17, v23;
	v23 =	vld [tilespmem:s30+$0xFFFFFFE0];
	v12 =	vmul.f32 $1.442695020e+00, v12;
	(erf) = vpow2.f32 v13  }
0x9b: {  	v16 =	vadd.f32 v20, v16;
	v13 =	vmul.f32 $1.442695020e+00, v17;
	v17 =	vld [tilespmem:s31+$0xFFFFFFE0];
	v11 =	vadd.f32 v14, v11  }
0x9c: {  	v14 =	vld [tilespmem:s30+$0xFFFFFFF0];
	(erf) = vpow2.f32 v12  }
0x9d: {  	v12 =	vld [tilespmem:s31+$0xFFFFFFF0];
	(erf) = vpow2.f32 v13;
	[tilespmem:s18+$0xFFFFFFE0] =	vst v16  }
0x9e: {  	v13 =	vld [tilespmem:s30+$0x0];
	v16 =	vadd.f32 v19, v24;
	[tilespmem:s18+$0x20] =	vst v11  }
0x9f: {  	v19 =	vld [tilespmem:s31+$0x0];
	v11 =	vpop (erf)  }
0xa0: {  	s15 =	sadd.s32 $0x140, s15;
	v17 =	vadd.f32 v17, v23;
	v16 =	vadd.f32 v11, v16;
	v20 =	vld [tilespmem:s2+$0xFFFFFF90]  }
0xa1: {  	s2 =	sadd.s32 $0x140, s2;
	v23 =	vld [tilespmem:s15+$0x50]  }
0xa2: {  	v12 =	vadd.f32 v12, v14;
	v14 =	vld [tilespmem:s2+$0x50];
	(erf) = vrcp.f32 v16  }
0xa3: {  	v16 =	vld [tilespmem:s23+$0x50];
	v24 =	vpop (erf)  }
0xa4: {  	v25 =	vld [tilespmem:s15+$0xFFFFFF60];
	v12 =	vadd.f32 v24, v12;
	v18 =	vmul.f32 v24, v18;
	v13 =	vadd.f32 v19, v13  }
0xa5: {  	v19 =	vld [tilespmem:s2+$0xFFFFFF60];
	v26 =	vpop (erf);
	v20 =	vadd.f32 v20, v22  }
0xa6: {  	v22 =	vld [tilespmem:s15+$0xFFFFFFB0];
	v13 =	vadd.f32 v26, v13;
	v21 =	vmul.f32 v26, v21;
	v27 =	vpop (erf);
	(erf) = vrcp.f32 v12  }
0xa7: {  	v12 =	vadd.f32 v27, v17;
	v15 =	vmul.f32 v27, v15;
	v17 =	vld [tilespmem:s2+$0xFFFFFFB0]  }
0xa8: {  	v14 =	vadd.f32 v14, v23;
	v28 =	vld [tilespmem:s15+$0x0];
	v16 =	vmul.f32 v11, v16;
	(erf) = vrcp.f32 v13  }
0xa9: {  	v13 =	vld [tilespmem:$0x140E0];
	(erf) = vrcp.f32 v12  }
0xaa: {  	v19 =	vadd.f32 v19, v25;
	v23 =	vld [tilespmem:s2+$0x0];
	v14 =	vadd.f32 v16, v14  }
0xab: {  	v12 =	vpop (erf);
	v16 =	vld [tilespmem:s28+$0xFFFFFF90]  }
0xac: {  	v15 =	vadd.f32 v15, v19;
	v17 =	vadd.f32 v17, v22;
	v14 =	vmul.f32 v12, v14;
	v19 =	vld [tilespmem:s20+$0xFFFFFFE0]  }
0xad: {  	v22 =	vld [tilespmem:s21+$0xFFFFFFE0]  }
0xae: {  	v17 =	vadd.f32 v18, v17;
	v14 =	vadd.f32 v14, v13;
	v18 =	vld [tilespmem:s28+$0xFFFFFFE0]  }
0xaf: {  	s18 =	sadd.s32 $0x100, s18;
	v23 =	vadd.f32 v23, v28;
	v25 =	vpop (erf);
	v28 =	vld [tilespmem:s20+$0x30];
	s20 =	smov.u32 s15  }
0xb0: {  	v17 =	vmul.f32 v25, v17;
	[tilespmem:s18+$0x40] =	vst v14;
	v14 =	vmul.f32 v16, v7;
	v16 =	vld [tilespmem:s21+$0x30];
	v7 =	vmov v27;
	s21 =	smov.u32 s2  }
0xb1: {  	v21 =	vadd.f32 v21, v23;
	v23 =	vld [tilespmem:s15+$0x60];
	v27 =	vpop (erf)  }
0xb2: {  	v17 =	vadd.f32 v17, v13;
	v29 =	vld [tilespmem:s2+$0x60];
	v30 =	vpop (erf);
	v19 =	vadd.f32 v22, v19  }
0xb3: {  	v14 =	vadd.f32 v14, v20;
	v15 =	vmul.f32 v30, v15;
	v21 =	vmul.f32 v27, v21;
	v22 =	vld [tilespmem:s23+$0x60]  }
0xb4: {  	[tilespmem:s18+$0xFFFFFFC0] =	vst v17;
	v17 =	vmul.f32 v18, v5;
	v18 =	vld [tilespmem:s28+$0x30];
	v5 =	vmov v24;
	s28 =	smov.u32 s23  }
0xb5: {  	v14 =	vmul.f32 v14, v10;
	v10 =	vmovc v30;
	v15 =	vadd.f32 v15, v13;
	v20 =	vld [tilespmem:s15+$0xFFFFFFC0];
	v13 =	vadd.f32 v21, v13  }
0xb6: {  	v16 =	vadd.f32 v16, v28;
	v21 =	vld [tilespmem:s2+$0xFFFFFFC0];
	v17 =	vadd.f32 v17, v19  }
0xb7: {  	[tilespmem:s18+$0xFFFFFF80] =	vst v15;
	v15 =	vld [tilespmem:s23+$0xFFFFFFC0]  }
0xb8: {  	v19 =	vld [tilespmem:s15+$0xFFFFFF70];
	[tilespmem:s18+$0x0] =	vst v13;
	v13 =	vadd.f32 v29, v23;
	v22 =	vmul.f32 v22, v11;
	v17 =	vmul.f32 v17, v8  }
0xb9: {  	v8 =	vmov v25;
	v23 =	vld [tilespmem:$0x140F0];
	v18 =	vmul.f32 v18, v6;
	v6 =	vmov v26  }
0xba: {  	v24 =	vld [tilespmem:s2+$0xFFFFFF70];
	v13 =	vadd.f32 v22, v13  }
0xbb: {  	v22 =	vld [tilespmem:s23+$0xFFFFFF70];
	v20 =	vadd.f32 v21, v20;
	v16 =	vadd.f32 v18, v16  }
0xbc: {  	v15 =	vmul.f32 v15, v5;
	v18 =	vld [tilespmem:s15+$0x10];
	v13 =	vmul.f32 v13, v12  }
0xbd: {  	v21 =	vld [tilespmem:s2+$0x10];
	v16 =	vmul.f32 v16, v9;
	v9 =	vmov v27  }
0xbe: {  	v15 =	vadd.f32 v15, v20;
	v20 =	vld [tilespmem:s23+$0x10];
	v13 =	vadd.f32 v13, v23  }
0xbf: {  	v19 =	vadd.f32 v24, v19;
	v23 =	vld [tilespmem:$0x140F0]  }
0xc0: {  	v22 =	vmul.f32 v22, v7;
	v15 =	vmul.f32 v15, v8;
	v24 =	vld [tilespmem:$0x140F0];
	[tilespmem:s18+$0x50] =	vst v13  }
0xc1: {  	v13 =	vld [tilespmem:s15+$0x70]  }
0xc2: {  	v19 =	vadd.f32 v22, v19;
	v18 =	vadd.f32 v21, v18;
	v21 =	vld [tilespmem:s2+$0x70]  }
0xc3: {  	v20 =	vmul.f32 v20, v6;
	v22 =	vld [tilespmem:s23+$0x70]  }
0xc4: {  	v19 =	vmul.f32 v19, v10;
	v25 =	vld [tilespmem:$0x140F0]  }
0xc5: {  	v15 =	vadd.f32 v15, v24;
	v18 =	vadd.f32 v20, v18;
	v20 =	vld [tilespmem:$0x14110]  }
0xc6: {  	v19 =	vadd.f32 v19, v23;
	v23 =	vld [tilespmem:$0x14110]  }
0xc7: {  	[tilespmem:s18+$0xFFFFFFD0] =	vst v15;
	v15 =	vmul.f32 v18, v9;
	v18 =	vld [tilespmem:$0x14110]  }
0xc8: {  	v13 =	vadd.f32 v21, v13;
	[tilespmem:s18+$0xFFFFFF90] =	vst v19;
	v19 =	vld [tilespmem:s15+$0xFFFFFFD0];
	v21 =	vmul.f32 v22, v11  }
0xc9: {  	v15 =	vadd.f32 v15, v25;
	v22 =	vld [tilespmem:$0x14100]  }
0xca: {  	v24 =	vld [tilespmem:s15+$0xFFFFFF80];
	v13 =	vadd.f32 v21, v13;
	v14 =	vadd.f32 v14, v20  }
0xcb: {  	v20 =	vld [tilespmem:s2+$0xFFFFFF80];
	[tilespmem:s18+$0x10] =	vst v15;
	v15 =	vadd.f32 v17, v23  }
0xcc: {  	v17 =	vld [tilespmem:s23+$0xFFFFFF80];
	v13 =	vmul.f32 v13, v12;
	[tilespmem:s3+$0xFFFFFFB0] =	vst v14;
	v14 =	vadd.f32 v16, v18  }
0xcd: {  	v16 =	vld [tilespmem:s2+$0xFFFFFFD0];
	[tilespmem:s3+$0xFFFFFFF0] =	vst v15  }
0xce: {  	v15 =	vld [tilespmem:s23+$0xFFFFFFD0];
	v13 =	vadd.f32 v13, v22;
	[tilespmem:s3+$0x30] =	vst v14;
	s3 =	smov.u32 s18  }
0xcf: {  	v21 =	vld [tilespmem:s15+$0x20]  }
0xd0: {  	v18 =	vadd.f32 v20, v24;
	v22 =	vld [tilespmem:s2+$0x20];
	[tilespmem:s18+$0x60] =	vst v13  }
.Ltmp2:
0xd1: {  	v17 =	vmul.f32 v17, v7;
	v13 =	vld [tilespmem:s15+$0x80];
	(pc) =	sbr.rel @p0 .LBB2_3-.Ltmp2, $4  }
0xd2: {  	v16 =	vadd.f32 v16, v19;
	v14 =	vld [tilespmem:s2+$0x80]  }
0xd3: {  	v17 =	vadd.f32 v17, v18;
	v20 =	vmul.f32 v15, v5;
	v15 =	vld [tilespmem:s23+$0x80]  }
0xd4: {  	v18 =	vld [tilespmem:s23+$0x20]  }
0xd5: {  	s23 =	sadd.s32 $0x140, s23;
	v17 =	vmul.f32 v17, v10;
	v19 =	vld [tilespmem:$0x14100];
	v20 =	vadd.f32 v20, v16;
	v16 =	vadd.f32 v22, v21  }
0xd6: {  	_ =	sdelay $0x1  }
0xd7: {  	v21 =	vld [tilespmem:$0x14100];
	_ =	sdelay $0x1  }
0xd8: {  	v18 =	vmul.f32 v18, v6;
	v17 =	vadd.f32 v17, v19  }
0xd9: {  	v29 =	vld [tilespmem:$0x14100];
	v28 =	vmul.f32 v20, v8  }
0xda: {  	v16 =	vadd.f32 v18, v16;
	[tilespmem:s18+$0xFFFFFFA0] =	vst v17  }
0xdb: {  	v30 =	vadd.f32 v28, v21;
	v17 =	vld [tilespmem:s15+$0xFFFFFF90]  }
0xdc: {  	v16 =	vmul.f32 v16, v9;
	v31 =	vld [tilespmem:s2+$0xFFFFFF90]  }
0xdd: {  	[tilespmem:s18+$0xFFFFFFE0] =	vst v30;
	v32 =	vld [tilespmem:s28+$0xFFFFFF90]  }
0xde: {  	v33 =	vld [tilespmem:s20+$0xFFFFFFE0];
	v16 =	vadd.f32 v16, v29  }
0xdf: {  	v34 =	vld [tilespmem:s21+$0xFFFFFFE0]  }
0xe0: {  	v35 =	vld [tilespmem:s28+$0xFFFFFFE0];
	[tilespmem:s18+$0x20] =	vst v16  }
0xe1: {  	v22 =	vld [tilespmem:s20+$0x30]  }
0xe2: {  	v23 =	vld [tilespmem:s21+$0x30]  }
0xe3: {  	v24 =	vld [tilespmem:s28+$0x30];
	_ =	sdelay $0x1  }
0xe4: {  	v13 =	vadd.f32 v14, v13;
	v11 =	vmul.f32 v15, v11  }
0xe5: {  	v37 =	vld [tilespmem:$0x14110];
	v36 =	vadd.f32 v31, v17;
	v7 =	vmul.f32 v32, v7  }
0xe6: {  	v11 =	vadd.f32 v11, v13;
	v39 =	vld [tilespmem:$0x14110];
	v38 =	vadd.f32 v34, v33;
	v5 =	vmul.f32 v35, v5  }
0xe7: {  	v41 =	vld [tilespmem:$0x14110];
	v7 =	vadd.f32 v7, v36;
	v40 =	vadd.f32 v23, v22;
	v6 =	vmul.f32 v24, v6  }
0xe8: {  	v11 =	vmul.f32 v11, v12;
	v42 =	vld [tilespmem:$0x14110];
	v5 =	vadd.f32 v5, v38  }
0xe9: {  	v7 =	vmul.f32 v7, v10;
	v6 =	vadd.f32 v6, v40  }
0xea: {  	v43 =	vadd.f32 v11, v37;
	v5 =	vmul.f32 v5, v8  }
0xeb: {  	v7 =	vadd.f32 v7, v39;
	v6 =	vmul.f32 v6, v9  }
0xec: {  	[tilespmem:s18+$0x70] =	vst v43;
	v5 =	vadd.f32 v5, v41  }
0xed: {  	[tilespmem:s3+$0xFFFFFFB0] =	vst v7;
	v6 =	vadd.f32 v6, v42  }
0xee: {  	[tilespmem:s3+$0xFFFFFFF0] =	vst v5  }
0xef: {  	[tilespmem:s3+$0x30] =	vst v6  }
0xf0: {  	v5 =	vld [tilespmem:$0x10A20]  }
0xf1: {  	v6 =	vld [tilespmem:$0x111F0];
	_ =	sdelay $0x4  }
0xf2: {  	v5 =	vadd.f32 v6, v5;
	_ =	sdelay $0x1  }
0xf3: {  	v6 =	vmul.f32 $2.000000030e-01, v5;
	_ =	sdelay $0x1  }
0xf4: {  	v5 =	vmax.f32 v5, v6  }
0xf5: {  	v5 =	vmul.f32 $1.442695020e+00, v5;
	_ =	sdelay $0x1  }
0xf6: {  	(erf) = vpow2.f32 v5;
	_ =	sdelay $0x1  }
0xf7: {  	v6 =	vld [tilespmem:$0x12190]  }
0xf8: {  	v5 =	vld [tilespmem:$0x119C0];
	_ =	sdelay $0x1  }
0xf9: {  	v7 =	vld [tilespmem:$0xBBC0]  }
0xfa: {  	v44 =	vld [tilespmem:$0xE2D0]  }
0xfb: {  	v45 =	vld [tilespmem:$0x109E0]  }
0xfc: {  	v47 =	vld [tilespmem:$0xE2E0];
	v5 =	vadd.f32 v6, v5  }
0xfd: {  	v48 =	vld [tilespmem:$0x109F0];
	v46 =	vpop (erf)  }
0xfe: {  	v49 =	vld [tilespmem:$0xBBE0];
	v5 =	vadd.f32 v46, v5  }
0xff: {  	v50 =	vld [tilespmem:$0x10A00]  }
0x100: {  	v51 =	vld [tilespmem:$0xBBF0];
	(erf) = vrcp.f32 v5  }
0x101: {  	v52 =	vld [tilespmem:$0xE300]  }
0x102: {  	v6 =	vld [tilespmem:$0xBBD0]  }
0x103: {  	v5 =	vld [tilespmem:$0xE2F0]  }
0x104: {  	v53 =	vld [tilespmem:$0x10A10];
	_ =	sdelay $0x1  }
0x105: {  	v7 =	vadd.f32 v44, v7;
	v54 =	vmul.f32 v46, v45  }
0x106: {  	v55 =	vld [tilespmem:$0x140E0];
	v6 =	vadd.f32 v47, v6;
	v56 =	vmul.f32 v48, v46  }
0x107: {  	v57 =	vld [tilespmem:$0x140F0];
	v58 =	vmul.f32 v50, v46;
	v7 =	vadd.f32 v54, v7;
	v5 =	vadd.f32 v5, v49  }
0x108: {  	v60 =	vld [tilespmem:$0x14100];
	v61 =	vadd.f32 v52, v51;
	v10 =	vmul.f32 v53, v46;
	v6 =	vadd.f32 v56, v6;
	v59 =	vpop (erf)  }
0x109: {  	v62 =	vld [tilespmem:$0x14110];
	v5 =	vadd.f32 v58, v5;
	v7 =	vmul.f32 v59, v7  }
0x10a: {  	v10 =	vadd.f32 v10, v61;
	v6 =	vmul.f32 v6, v59  }
0x10b: {  	v5 =	vmul.f32 v5, v59;
	v7 =	vadd.f32 v7, v55  }
0x10c: {  	v63 =	vmul.f32 v10, v59;
	v6 =	vadd.f32 v6, v57  }
0x10d: {  	v5 =	vadd.f32 v5, v60;
	[tilespmem:$0x140A0] =	vst v7  }
0x10e: {  	s31 =	sshll.u32 s17, $0x6;
	s16 =	sadd.s32 $0x1, s16;
	[tilespmem:$0x140B0] =	vst v6;
	v6 =	vadd.f32 v63, v62  }
0x10f: {  	p0 =	sne.s32 s16, $0x5;
	s2 =	sand.u32 $0x3FFFFFC0, s31;
	[tilespmem:$0x140C0] =	vst v5  }
.Ltmp3:
0x110: {  	s2 =	sadd.s32 s2, s4;
	[tilespmem:$0x140D0] =	vst v6;
	(pc) =	sbr.rel @p0 .LBB2_2-.Ltmp3, $4  }
0x111: {  	[spmem:s2] =	stream.linear.scatter [tilespmem:s26], [sflag:$0x5], $0x1F40, $0x38;
	[tilespmem:$0x1DD60] =	vst v63  }
0x112: {  	_ =	swait.ge [sflag:s19], $0x1F40  }
0x113: {  	[sflag:s19] =	ssyncset.done $0x0  }
0x114: {  	[sflag:s19] =	ssyncadd.s32 $0xFFFFE0C0  }
0x115: {  	[bflag:$0x0] =	sbarrier.arrive $0xFFFF  }
0x116: {  	s16 =	simm.s32 $0x0;
	s2 =	rddreg [dreg:$0x5]  }
0x117: {  	[tilespmem:s16], [sflag:$0x5] =	stream.linear.gather [hbm4b:s2+s16], $0xA00, $0x38;
	[tilespmem:$0x1DD60] =	vst v63  }
0x118: {  	_ =	swait.ge [sflag:s19], $0xA00  }
0x119: {  	[sflag:s19] =	ssyncset.done $0x0  }
0x11a: {  	s3 =	simm.s32 $0xA00;
	s23 =	rddreg [dreg:$0x6];
	[sflag:s19] =	ssyncadd.s32 $0xFFFFF600  }
0x11b: {  	[tilespmem:s3], [sflag:$0x5] =	stream.linear.gather [hbm4b:s23+s16], $0xA00, $0x38;
	[tilespmem:$0x1DD60] =	vst v63  }
0x11c: {  	_ =	swait.ge [sflag:s19], $0xA00  }
.Ltmp4:
0x11d: {  	[sflag:s19] =	ssyncset.done $0x0;
	(pc) =	sbr.rel .LBB2_6-.Ltmp4, $4  }
0x11e: {  	s28 =	simm.s32 $0x80;
	s15 =	simm.s32 $0x1400;
	[sflag:s19] =	ssyncadd.s32 $0xFFFFF600  }
0x11f: {  	[tilespmem:s15], [sflag:$0x1] =	stream.indirect.gather [spmem:s4], $0x40, s16, s28, $0xb8;
	[tilespmem:$0x1DD60] =	vst v63  }
0x120: {  	s29 =	simm.s32 $0x5400;
	s31 =	simm.s32 $0x9400;
	s30 =	rddreg [dreg:$0x2]  }
0x121: {  	[tilespmem:s29], [sflag:$0x1] =	stream.indirect.gather [spmem:s4], $0x40, s3, s28, $0xb8;
	[tilespmem:$0x1DD60] =	vst v63  }
.LBB2_18:
0x122: {  	s16 =	sadd.s32 $0x1, s16  }
0x123: {  	p0 =	sne.s32 s16, $0xA  }
.Ltmp5:
0x124: {  	_ = 	snop;
	(pc) =	sbr.rel @!p0 .LBB2_19-.Ltmp5, $1  }
0x125: {  	_ =	sdelay $0x3  }
.LBB2_6:
0x126: {  	s2 =	sshll.u32 s16, $0x1  }
0x127: {  	p1 =	sge.u32 s2, s14  }
.Ltmp6:
0x128: {  	_ = 	snop;
	(pc) =	sbr.rel @p1 .LBB2_12-.Ltmp6, $3  }
0x129: {  	_ =	sdelay $0x1  }
0x12a: {  	s17 =	sshllo.u32 s16, $0x1  }
0x12b: {  	p0 =	sge.u32 s17, s14  }
0x12c: {  	s3 =	sshll.u32 @!p0 s17, $0x7;
	s15 =	simm.s32 @!p0 $0x80;
	s18 =	simm.s32 @!p0 $0x3400  }
0x12d: {  	[tilespmem:s18], [sflag:$0x2] =	stream.indirect.gather @!p0 [spmem:s4], $0x40, s3, s15, $0xb8;
	[tilespmem:$0x1DD60] =	vst v63  }
0x12e: {  	s3 =	sadd.s32 @!p0 $0xA00, s3;
	s18 =	simm.s32 @!p0 $0x7400  }
0x12f: {  	[tilespmem:s18], [sflag:$0x2] =	stream.indirect.gather @!p0 [spmem:s4], $0x40, s3, s15, $0xb8;
	[tilespmem:$0x1DD60] =	vst v63  }
0x130: {  	_ =	swait.ge [sflag:s0], $0x2000  }
0x131: {  	[sflag:s0] =	ssyncset.done $0x0  }
0x132: {  	[sflag:s0] =	ssyncadd.s32 $0xFFFFE000  }
0x133: {  	_ =	swait.ge [sflag:s0], $0x2000  }
0x134: {  	p1 =	seq.s32 s16, $0x0;
	[sflag:s0] =	ssyncset.done $0x0  }
0x135: {  	s3 =	simm.s32 @!p1 $0x3;
	[sflag:s0] =	ssyncadd.s32 $0xFFFFE000  }
0x136: {  	_ =	swait.ge @!p1 [sflag:s3], $0x80  }
0x137: {  	s15 =	simm.s32 $0x5480;
	[sflag:s3] =	ssyncset.done @!p1 $0x0  }
0x138: {  	s18 =	simm.s32 $0x1480;
	[sflag:s3] =	ssyncadd.s32 @!p1 $0xFFFFFF80;
	s3 =	simm.s32 $0x0  }
.LBB2_8:
0x139: {  	v6 =	vld [tilespmem:s18+$0x70]  }
0x13a: {  	v8 =	vld [tilespmem:s18+$0x30]  }
0x13b: {  	v10 =	vld [tilespmem:s18+$0xFFFFFFF0]  }
0x13c: {  	v11 =	vld [tilespmem:s15+$0xFFFFFFF0]  }
0x13d: {  	v7 =	vld [tilespmem:s18+$0x60]  }
0x13e: {  	v15 =	vld [tilespmem:s18+$0xFFFFFFB0]  }
0x13f: {  	v16 =	vld [tilespmem:s15+$0xFFFFFFB0]  }
0x140: {  	v9 =	vld [tilespmem:s18+$0x20]  }
0x141: {  	v17 =	vld [tilespmem:s18+$0xFFFFFFE0]  }
0x142: {  	v18 =	vld [tilespmem:s15+$0xFFFFFFE0]  }
0x143: {  	v12 =	vld [tilespmem:s18+$0x40]  }
0x144: {  	v13 =	vld [tilespmem:s15+$0x40]  }
0x145: {  	v14 =	vld [tilespmem:s18+$0x50]  }
0x146: {  	v22 =	vld [tilespmem:s18+$0xFFFFFFA0]  }
0x147: {  	v23 =	vld [tilespmem:s15+$0xFFFFFFA0]  }
0x148: {  	v19 =	vld [tilespmem:s18+$0x0]  }
0x149: {  	v20 =	vld [tilespmem:s15+$0x0]  }
0x14a: {  	v21 =	vld [tilespmem:s18+$0x10]  }
0x14b: {  	v24 =	vld [tilespmem:s18+$0xFFFFFFC0]  }
0x14c: {  	v25 =	vld [tilespmem:s15+$0xFFFFFFC0]  }
0x14d: {  	v26 =	vld [tilespmem:s18+$0xFFFFFFD0]  }
0x14e: {  	v27 =	vld [tilespmem:s18+$0xFFFFFF80]  }
0x14f: {  	v28 =	vld [tilespmem:s15+$0xFFFFFF80]  }
0x150: {  	v29 =	vld [tilespmem:s18+$0xFFFFFF90];
	s22 =	simm.s32 $0x4  }
0x151: {  	v5 =	vimm.f32 $0.0e+00;
	v30 =	vld [tilespmem:s15+$0xFFFFFF90];
	s21 =	smov.u32 s15;
	s23 =	smov.u32 s18;
	s20 =	simm.s32 $0x0  }
.LBB2_9:
0x152: {  	p1 =	slt.u32 s22, $0xC;
	v31 =	vld [tilespmem:s21+$0xFFFFFFD0]  }
0x153: {  	v32 =	vld [tilespmem:s21+$0x10]  }
0x154: {  	v15 =	vmul.f32 v16, v15;
	v16 =	vmul.f32 v11, v10;
	v10 =	vld [tilespmem:s21+$0x50]  }
0x155: {  	v11 =	vmul.f32 v23, v22;
	v17 =	vmul.f32 v18, v17;
	v18 =	vld [tilespmem:s21+$0x20]  }
0x156: {  	v22 =	vmul.f32 v28, v27;
	v23 =	vmul.f32 v30, v29;
	v27 =	vld [tilespmem:s21+$0x60]  }
0x157: {  	v24 =	vmul.f32 v25, v24;
	v25 =	vmul.f32 v31, v26;
	v26 =	vld [tilespmem:s21+$0x30]  }
0x158: {  	v19 =	vmul.f32 v20, v19;
	s23 =	sadd.s32 $0x100, s23;
	v22 =	vadd.f32 v23, v22;
	v20 =	vmul.f32 v32, v21;
	v21 =	vld [tilespmem:s21+$0x70]  }
0x159: {  	v12 =	vmul.f32 v13, v12;
	v23 =	vld [tilespmem:s23+$0x70];
	v24 =	vadd.f32 v25, v24;
	v13 =	vmul.f32 v10, v14  }
0x15a: {  	v14 =	vld [tilespmem:s23+$0x30];
	v22 =	vadd.f32 v11, v22;
	v19 =	vadd.f32 v20, v19;
	v9 =	vmul.f32 v18, v9  }
0x15b: {  	s21 =	sadd.s32 $0x100, s21;
	v10 =	vld [tilespmem:s23+$0xFFFFFFF0];
	v17 =	vadd.f32 v17, v24;
	v12 =	vadd.f32 v13, v12;
	v13 =	vmul.f32 v27, v7  }
0x15c: {  	v11 =	vld [tilespmem:s21+$0xFFFFFFF0];
	v18 =	vadd.f32 v15, v22;
	v9 =	vadd.f32 v9, v19;
	v22 =	vmul.f32 v26, v8  }
0x15d: {  	v7 =	vld [tilespmem:s23+$0x60];
	v19 =	vadd.f32 v16, v17;
	v12 =	vadd.f32 v13, v12;
	v13 =	vmul.f32 v21, v6  }
0x15e: {  	v15 =	vld [tilespmem:s23+$0xFFFFFFB0];
	v17 =	vperm.xlane v18, v1;
	v20 =	vadd.f32 v22, v9;
	v6 =	vmov v23  }
0x15f: {  	v16 =	vld [tilespmem:s21+$0xFFFFFFB0];
	v21 =	vperm.xlane v19, v1;
	v13 =	vadd.f32 v13, v12;
	v8 =	vmov v14  }
0x160: {  	v9 =	vld [tilespmem:s23+$0x20];
	v14 =	vadd.f32 v18, v17;
	v12 =	vperm.xlane v20, v1  }
0x161: {  	v17 =	vld [tilespmem:s23+$0xFFFFFFE0];
	v19 =	vadd.f32 v19, v21;
	v21 =	vperm.xlane v13, v1  }
0x162: {  	v18 =	vld [tilespmem:s21+$0xFFFFFFE0];
	v22 =	vperm.xlane v14, v2;
	v20 =	vadd.f32 v20, v12  }
0x163: {  	v12 =	vld [tilespmem:s23+$0x40];
	v23 =	vperm.xlane v19, v2;
	v21 =	vadd.f32 v13, v21  }
0x164: {  	v13 =	vld [tilespmem:s21+$0x40];
	v24 =	vadd.f32 v14, v22;
	v25 =	vperm.xlane v20, v2  }
0x165: {  	v14 =	vld [tilespmem:s23+$0x50];
	v26 =	vadd.f32 v19, v23;
	v19 =	vperm.xlane v21, v2  }
0x166: {  	v22 =	vld [tilespmem:s23+$0xFFFFFFA0];
	v27 =	vperm.xlane v24, v3;
	v25 =	vadd.f32 v20, v25  }
0x167: {  	v23 =	vld [tilespmem:s21+$0xFFFFFFA0];
	v28 =	vperm.xlane v26, v3;
	v29 =	vadd.f32 v21, v19  }
0x168: {  	v19 =	vld [tilespmem:s23+$0x0];
	v27 =	vadd.f32 v24, v27;
	v24 =	vperm.xlane v25, v3  }
0x169: {  	s28 =	sadd.s32 $0x3, s20;
	v30 =	vmov s20;
	v20 =	vld [tilespmem:s21+$0x0];
	v28 =	vadd.f32 v26, v28;
	v26 =	vperm.xlane v29, v3  }
0x16a: {  	s29 =	sadd.s32 $0x2, s20;
	v33 =	vmov s28;
	v21 =	vld [tilespmem:s23+$0x10];
	v31 =	vperm.xlane v27, v4;
	v32 =	vadd.f32 v25, v24  }
0x16b: {  	v35 =	vmov s29;
	v24 =	vld [tilespmem:s23+$0xFFFFFFC0];
	v34 =	vperm.xlane v28, v4;
	v29 =	vadd.f32 v29, v26  }
0x16c: {  	s28 =	sadd.s32 $0x1, s20;
	s20 =	smov.u32 s22;
	vm0 =	veq.s32 v30, v0;
	v25 =	vld [tilespmem:s21+$0xFFFFFFC0];
	v30 =	vadd.f32 v27, v31;
	v31 =	vperm.xlane v32, v4  }
.Ltmp7:
0x16d: {  	v36 =	vmov s28;
	v26 =	vld [tilespmem:s23+$0xFFFFFFD0];
	v34 =	vadd.f32 v28, v34;
	v37 =	vperm.xlane v29, v4;
	(pc) =	sbr.rel @p1 .LBB2_9-.Ltmp7, $4  }
0x16e: {  	v27 =	vld [tilespmem:s23+$0xFFFFFF80];
	v5 =	vsel vm0, v30, v5;
	vm0 =	veq.s32 v36, v0;
	v30 =	vadd.f32 v32, v31  }
0x16f: {  	v28 =	vld [tilespmem:s21+$0xFFFFFF80];
	v5 =	vsel vm0, v34, v5;
	vm0 =	veq.s32 v35, v0;
	v31 =	vadd.f32 v29, v37  }
0x170: {  	v29 =	vld [tilespmem:s23+$0xFFFFFF90];
	v5 =	vsel vm0, v30, v5;
	vm0 =	veq.s32 v33, v0  }
0x171: {  	s22 =	sadd.s32 $0x4, s22;
	v30 =	vld [tilespmem:s21+$0xFFFFFF90];
	v5 =	vsel vm0, v31, v5  }
0x172: {  	v31 =	vld [tilespmem:s21+$0xFFFFFFD0]  }
0x173: {  	v32 =	vld [tilespmem:s21+$0x10]  }
0x174: {  	v15 =	vmul.f32 v16, v15;
	v10 =	vmul.f32 v11, v10;
	v62 =	vld [tilespmem:s21+$0x50]  }
0x175: {  	v63 =	vmul.f32 v23, v22;
	v17 =	vmul.f32 v18, v17;
	v33 =	vld [tilespmem:s21+$0x20]  }
0x176: {  	v36 =	vld [tilespmem:s21+$0x60];
	v34 =	vmul.f32 v28, v27;
	v35 =	vmul.f32 v30, v29  }
0x177: {  	v24 =	vmul.f32 v25, v24;
	v38 =	vld [tilespmem:s21+$0x30];
	v37 =	vmul.f32 v31, v26  }
0x178: {  	v19 =	vmul.f32 v20, v19;
	v40 =	vld [tilespmem:s21+$0x70];
	v39 =	vmul.f32 v32, v21;
	v22 =	vadd.f32 v35, v34  }
0x179: {  	v12 =	vmul.f32 v13, v12;
	v11 =	vmul.f32 v62, v14;
	v41 =	vadd.f32 v37, v24  }
0x17a: {  	v9 =	vmul.f32 v33, v9;
	v43 =	vadd.f32 v39, v19;
	v42 =	vadd.f32 v63, v22  }
0x17b: {  	v7 =	vmul.f32 v36, v7;
	v11 =	vadd.f32 v11, v12;
	v44 =	vadd.f32 v17, v41  }
0x17c: {  	v8 =	vmul.f32 v38, v8;
	v9 =	vadd.f32 v9, v43;
	v45 =	vadd.f32 v15, v42  }
0x17d: {  	v6 =	vmul.f32 v40, v6;
	v7 =	vadd.f32 v7, v11;
	v10 =	vadd.f32 v10, v44  }
0x17e: {  	v8 =	vadd.f32 v8, v9;
	v46 =	vperm.xlane v45, v1  }
0x17f: {  	v6 =	vadd.f32 v6, v7;
	v47 =	vperm.xlane v10, v1  }
0x180: {  	v48 =	vperm.xlane v8, v1;
	v7 =	vadd.f32 v45, v46  }
0x181: {  	v49 =	vperm.xlane v6, v1;
	v9 =	vadd.f32 v10, v47  }
0x182: {  	v8 =	vadd.f32 v8, v48;
	v12 =	vperm.xlane v7, v2  }
0x183: {  	v6 =	vadd.f32 v6, v49;
	v50 =	vperm.xlane v9, v2  }
0x184: {  	v51 =	vperm.xlane v8, v2;
	v7 =	vadd.f32 v7, v12  }
0x185: {  	v52 =	vperm.xlane v6, v2;
	v9 =	vadd.f32 v9, v50  }
0x186: {  	v8 =	vadd.f32 v8, v51;
	v12 =	vperm.xlane v7, v3  }
0x187: {  	v6 =	vadd.f32 v6, v52;
	v53 =	vperm.xlane v9, v3  }
0x188: {  	v54 =	vperm.xlane v8, v3;
	v7 =	vadd.f32 v7, v12  }
0x189: {  	v55 =	vmov s20;
	s23 =	sadd.s32 $0x3, s20;
	v56 =	vperm.xlane v6, v3;
	v9 =	vadd.f32 v9, v53  }
0x18a: {  	s22 =	sadd.s32 $0x2, s20;
	v58 =	vmov s23;
	v8 =	vadd.f32 v8, v54;
	v57 =	vperm.xlane v7, v4  }
0x18b: {  	v60 =	vmov s22;
	v6 =	vadd.f32 v6, v56;
	v59 =	vperm.xlane v9, v4  }
0x18c: {  	s28 =	sadd.s32 $0x1, s20;
	s29 =	sshll.u32 s3, $0x4;
	s3 =	sadd.s32 $0x1, s3;
	vm0 =	veq.s32 v55, v0;
	v61 =	vperm.xlane v8, v4;
	v7 =	vadd.f32 v7, v57  }
0x18d: {  	p1 =	sne.s32 s3, $0x8;
	v62 =	vmov s28;
	v63 =	vperm.xlane v6, v4;
	v9 =	vadd.f32 v9, v59  }
.Ltmp8:
0x18e: {  	vm13 =	veq.s32 v62, v0;
	v5 =	vsel vm0, v7, v5;
	v7 =	vadd.f32 v8, v61;
	(pc) =	sbr.rel @p1 .LBB2_8-.Ltmp8, $4  }
0x18f: {  	vm14 =	veq.s32 v60, v0;
	v6 =	vadd.f32 v6, v63;
	v5 =	vsel vm13, v9, v5  }
0x190: {  	vm15 =	veq.s32 v58, v0;
	v5 =	vsel vm14, v7, v5  }
0x191: {  	s20 =	sand.u32 $0x3FFFFFF0, s29;
	v5 =	vsel vm15, v6, v5  }
0x192: {  	s15 =	sadd.s32 $0x400, s15;
	s18 =	sadd.s32 $0x400, s18;
	[tilespmem:s20+$0x9400] =	vst v5  }
0x193: {  	s3 =	sadd.s32 s10, s2  }
0x194: {  	s3 =	sshll.u32 s3, $0x4  }
0x195: {  	s3 =	sand.u32 $0x1FFFFFF0, s3  }
0x196: {  	s3 =	sadd.s32 s30, s3  }
0x197: {  	[hbm4b:s3+s5] =	stream.linear.scatter [tilespmem:s31], [sflag:$0x3], $0x80, $0x38;
	[tilespmem:$0x1DD60] =	vst v63  }
.LBB2_12:
.Ltmp9:
0x198: {  	(pc) =	sbr.rel @p0 .LBB2_18-.Ltmp9, $1  }
0x199: {  	_ =	sdelay $0x3  }
0x19a: {  	s2 =	sadd.s32 $0x2, s2  }
0x19b: {  	p0 =	sge.u32 s2, s14  }
0x19c: {  	s2 =	sshll.u32 @!p0 s2, $0x7;
	s3 =	simm.s32 @!p0 $0x80;
	s15 =	simm.s32 @!p0 $0x1400  }
0x19d: {  	[tilespmem:s15], [sflag:$0x1] =	stream.indirect.gather @!p0 [spmem:s4], $0x40, s2, s3, $0xb8;
	[tilespmem:$0x1DD60] =	vst v63  }
0x19e: {  	s2 =	sadd.s32 @!p0 $0xA00, s2;
	s15 =	simm.s32 @!p0 $0x5400  }
0x19f: {  	[tilespmem:s15], [sflag:$0x1] =	stream.indirect.gather @!p0 [spmem:s4], $0x40, s2, s3, $0xb8;
	[tilespmem:$0x1DD60] =	vst v63  }
0x1a0: {  	_ =	swait.ge [sflag:s1], $0x2000  }
0x1a1: {  	[sflag:s1] =	ssyncset.done $0x0  }
0x1a2: {  	[sflag:s1] =	ssyncadd.s32 $0xFFFFE000  }
0x1a3: {  	_ =	swait.ge [sflag:s1], $0x2000  }
0x1a4: {  	p0 =	seq.s32 s16, $0x0;
	[sflag:s1] =	ssyncset.done $0x0  }
0x1a5: {  	s2 =	simm.s32 @!p0 $0x4;
	[sflag:s1] =	ssyncadd.s32 $0xFFFFE000  }
0x1a6: {  	_ =	swait.ge @!p0 [sflag:s2], $0x80  }
0x1a7: {  	s3 =	simm.s32 $0x7480;
	[sflag:s2] =	ssyncset.done @!p0 $0x0  }
0x1a8: {  	s15 =	simm.s32 $0x3480;
	[sflag:s2] =	ssyncadd.s32 @!p0 $0xFFFFFF80;
	s2 =	simm.s32 $0x0  }
.LBB2_14:
0x1a9: {  	v6 =	vld [tilespmem:s15+$0x70]  }
0x1aa: {  	v8 =	vld [tilespmem:s15+$0x30]  }
0x1ab: {  	v10 =	vld [tilespmem:s15+$0xFFFFFFF0]  }
0x1ac: {  	v11 =	vld [tilespmem:s3+$0xFFFFFFF0]  }
0x1ad: {  	v7 =	vld [tilespmem:s15+$0x60]  }
0x1ae: {  	v15 =	vld [tilespmem:s15+$0xFFFFFFB0]  }
0x1af: {  	v16 =	vld [tilespmem:s3+$0xFFFFFFB0]  }
0x1b0: {  	v9 =	vld [tilespmem:s15+$0x20]  }
0x1b1: {  	v17 =	vld [tilespmem:s15+$0xFFFFFFE0]  }
0x1b2: {  	v18 =	vld [tilespmem:s3+$0xFFFFFFE0]  }
0x1b3: {  	v12 =	vld [tilespmem:s15+$0x40]  }
0x1b4: {  	v13 =	vld [tilespmem:s3+$0x40]  }
0x1b5: {  	v14 =	vld [tilespmem:s15+$0x50]  }
0x1b6: {  	v22 =	vld [tilespmem:s15+$0xFFFFFFA0]  }
0x1b7: {  	v23 =	vld [tilespmem:s3+$0xFFFFFFA0]  }
0x1b8: {  	v19 =	vld [tilespmem:s15+$0x0]  }
0x1b9: {  	v20 =	vld [tilespmem:s3+$0x0]  }
0x1ba: {  	v21 =	vld [tilespmem:s15+$0x10]  }
0x1bb: {  	v24 =	vld [tilespmem:s15+$0xFFFFFFC0]  }
0x1bc: {  	v25 =	vld [tilespmem:s3+$0xFFFFFFC0]  }
0x1bd: {  	v26 =	vld [tilespmem:s15+$0xFFFFFFD0]  }
0x1be: {  	v27 =	vld [tilespmem:s15+$0xFFFFFF80]  }
0x1bf: {  	v28 =	vld [tilespmem:s3+$0xFFFFFF80]  }
0x1c0: {  	v29 =	vld [tilespmem:s15+$0xFFFFFF90];
	s21 =	simm.s32 $0x4  }
0x1c1: {  	v5 =	vimm.f32 $0.0e+00;
	v30 =	vld [tilespmem:s3+$0xFFFFFF90];
	s20 =	smov.u32 s3;
	s22 =	smov.u32 s15;
	s18 =	simm.s32 $0x0  }
.LBB2_15:
0x1c2: {  	p0 =	slt.u32 s21, $0xC;
	v31 =	vld [tilespmem:s20+$0xFFFFFFD0]  }
0x1c3: {  	v32 =	vld [tilespmem:s20+$0x10]  }
0x1c4: {  	v15 =	vmul.f32 v16, v15;
	v16 =	vmul.f32 v11, v10;
	v10 =	vld [tilespmem:s20+$0x50]  }
0x1c5: {  	v11 =	vmul.f32 v23, v22;
	v17 =	vmul.f32 v18, v17;
	v18 =	vld [tilespmem:s20+$0x20]  }
0x1c6: {  	v22 =	vmul.f32 v28, v27;
	v23 =	vmul.f32 v30, v29;
	v27 =	vld [tilespmem:s20+$0x60]  }
0x1c7: {  	v24 =	vmul.f32 v25, v24;
	v25 =	vmul.f32 v31, v26;
	v26 =	vld [tilespmem:s20+$0x30]  }
0x1c8: {  	v19 =	vmul.f32 v20, v19;
	s22 =	sadd.s32 $0x100, s22;
	v22 =	vadd.f32 v23, v22;
	v20 =	vmul.f32 v32, v21;
	v21 =	vld [tilespmem:s20+$0x70]  }
0x1c9: {  	v12 =	vmul.f32 v13, v12;
	v23 =	vld [tilespmem:s22+$0x70];
	v24 =	vadd.f32 v25, v24;
	v13 =	vmul.f32 v10, v14  }
0x1ca: {  	v14 =	vld [tilespmem:s22+$0x30];
	v22 =	vadd.f32 v11, v22;
	v19 =	vadd.f32 v20, v19;
	v9 =	vmul.f32 v18, v9  }
0x1cb: {  	s20 =	sadd.s32 $0x100, s20;
	v10 =	vld [tilespmem:s22+$0xFFFFFFF0];
	v17 =	vadd.f32 v17, v24;
	v12 =	vadd.f32 v13, v12;
	v13 =	vmul.f32 v27, v7  }
0x1cc: {  	v11 =	vld [tilespmem:s20+$0xFFFFFFF0];
	v18 =	vadd.f32 v15, v22;
	v9 =	vadd.f32 v9, v19;
	v22 =	vmul.f32 v26, v8  }
0x1cd: {  	v7 =	vld [tilespmem:s22+$0x60];
	v19 =	vadd.f32 v16, v17;
	v12 =	vadd.f32 v13, v12;
	v13 =	vmul.f32 v21, v6  }
0x1ce: {  	v15 =	vld [tilespmem:s22+$0xFFFFFFB0];
	v17 =	vperm.xlane v18, v1;
	v20 =	vadd.f32 v22, v9;
	v6 =	vmov v23  }
0x1cf: {  	v16 =	vld [tilespmem:s20+$0xFFFFFFB0];
	v21 =	vperm.xlane v19, v1;
	v13 =	vadd.f32 v13, v12;
	v8 =	vmov v14  }
0x1d0: {  	v9 =	vld [tilespmem:s22+$0x20];
	v14 =	vadd.f32 v18, v17;
	v12 =	vperm.xlane v20, v1  }
0x1d1: {  	v17 =	vld [tilespmem:s22+$0xFFFFFFE0];
	v19 =	vadd.f32 v19, v21;
	v21 =	vperm.xlane v13, v1  }
0x1d2: {  	v18 =	vld [tilespmem:s20+$0xFFFFFFE0];
	v22 =	vperm.xlane v14, v2;
	v20 =	vadd.f32 v20, v12  }
0x1d3: {  	v12 =	vld [tilespmem:s22+$0x40];
	v23 =	vperm.xlane v19, v2;
	v21 =	vadd.f32 v13, v21  }
0x1d4: {  	v13 =	vld [tilespmem:s20+$0x40];
	v24 =	vadd.f32 v14, v22;
	v25 =	vperm.xlane v20, v2  }
0x1d5: {  	v14 =	vld [tilespmem:s22+$0x50];
	v26 =	vadd.f32 v19, v23;
	v19 =	vperm.xlane v21, v2  }
0x1d6: {  	v22 =	vld [tilespmem:s22+$0xFFFFFFA0];
	v27 =	vperm.xlane v24, v3;
	v25 =	vadd.f32 v20, v25  }
0x1d7: {  	v23 =	vld [tilespmem:s20+$0xFFFFFFA0];
	v28 =	vperm.xlane v26, v3;
	v29 =	vadd.f32 v21, v19  }
0x1d8: {  	v19 =	vld [tilespmem:s22+$0x0];
	v27 =	vadd.f32 v24, v27;
	v24 =	vperm.xlane v25, v3  }
0x1d9: {  	s23 =	sadd.s32 $0x3, s18;
	v30 =	vmov s18;
	v20 =	vld [tilespmem:s20+$0x0];
	v28 =	vadd.f32 v26, v28;
	v26 =	vperm.xlane v29, v3  }
0x1da: {  	s28 =	sadd.s32 $0x2, s18;
	v33 =	vmov s23;
	v21 =	vld [tilespmem:s22+$0x10];
	v31 =	vperm.xlane v27, v4;
	v32 =	vadd.f32 v25, v24  }
0x1db: {  	v35 =	vmov s28;
	v24 =	vld [tilespmem:s22+$0xFFFFFFC0];
	v34 =	vperm.xlane v28, v4;
	v29 =	vadd.f32 v29, v26  }
0x1dc: {  	s23 =	sadd.s32 $0x1, s18;
	s18 =	smov.u32 s21;
	vm0 =	veq.s32 v30, v0;
	v25 =	vld [tilespmem:s20+$0xFFFFFFC0];
	v30 =	vadd.f32 v27, v31;
	v31 =	vperm.xlane v32, v4  }
.Ltmp10:
0x1dd: {  	v36 =	vmov s23;
	v26 =	vld [tilespmem:s22+$0xFFFFFFD0];
	v34 =	vadd.f32 v28, v34;
	v37 =	vperm.xlane v29, v4;
	(pc) =	sbr.rel @p0 .LBB2_15-.Ltmp10, $4  }
0x1de: {  	v27 =	vld [tilespmem:s22+$0xFFFFFF80];
	v5 =	vsel vm0, v30, v5;
	vm0 =	veq.s32 v36, v0;
	v30 =	vadd.f32 v32, v31  }
0x1df: {  	v28 =	vld [tilespmem:s20+$0xFFFFFF80];
	v5 =	vsel vm0, v34, v5;
	vm0 =	veq.s32 v35, v0;
	v31 =	vadd.f32 v29, v37  }
0x1e0: {  	v29 =	vld [tilespmem:s22+$0xFFFFFF90];
	v5 =	vsel vm0, v30, v5;
	vm0 =	veq.s32 v33, v0  }
0x1e1: {  	s21 =	sadd.s32 $0x4, s21;
	v30 =	vld [tilespmem:s20+$0xFFFFFF90];
	v5 =	vsel vm0, v31, v5  }
0x1e2: {  	v31 =	vld [tilespmem:s20+$0xFFFFFFD0]  }
0x1e3: {  	v32 =	vld [tilespmem:s20+$0x10]  }
0x1e4: {  	v15 =	vmul.f32 v16, v15;
	v10 =	vmul.f32 v11, v10;
	v62 =	vld [tilespmem:s20+$0x50]  }
0x1e5: {  	v63 =	vmul.f32 v23, v22;
	v17 =	vmul.f32 v18, v17;
	v33 =	vld [tilespmem:s20+$0x20]  }
0x1e6: {  	v36 =	vld [tilespmem:s20+$0x60];
	v34 =	vmul.f32 v28, v27;
	v35 =	vmul.f32 v30, v29  }
0x1e7: {  	v24 =	vmul.f32 v25, v24;
	v38 =	vld [tilespmem:s20+$0x30];
	v37 =	vmul.f32 v31, v26  }
0x1e8: {  	v19 =	vmul.f32 v20, v19;
	v40 =	vld [tilespmem:s20+$0x70];
	v39 =	vmul.f32 v32, v21;
	v22 =	vadd.f32 v35, v34  }
0x1e9: {  	v12 =	vmul.f32 v13, v12;
	v11 =	vmul.f32 v62, v14;
	v41 =	vadd.f32 v37, v24  }
0x1ea: {  	v9 =	vmul.f32 v33, v9;
	v43 =	vadd.f32 v39, v19;
	v42 =	vadd.f32 v63, v22  }
0x1eb: {  	v7 =	vmul.f32 v36, v7;
	v11 =	vadd.f32 v11, v12;
	v44 =	vadd.f32 v17, v41  }
0x1ec: {  	v8 =	vmul.f32 v38, v8;
	v9 =	vadd.f32 v9, v43;
	v45 =	vadd.f32 v15, v42  }
0x1ed: {  	v6 =	vmul.f32 v40, v6;
	v7 =	vadd.f32 v7, v11;
	v10 =	vadd.f32 v10, v44  }
0x1ee: {  	v8 =	vadd.f32 v8, v9;
	v46 =	vperm.xlane v45, v1  }
0x1ef: {  	v6 =	vadd.f32 v6, v7;
	v47 =	vperm.xlane v10, v1  }
0x1f0: {  	v48 =	vperm.xlane v8, v1;
	v7 =	vadd.f32 v45, v46  }
0x1f1: {  	v49 =	vperm.xlane v6, v1;
	v9 =	vadd.f32 v10, v47  }
0x1f2: {  	v8 =	vadd.f32 v8, v48;
	v12 =	vperm.xlane v7, v2  }
0x1f3: {  	v6 =	vadd.f32 v6, v49;
	v50 =	vperm.xlane v9, v2  }
0x1f4: {  	v51 =	vperm.xlane v8, v2;
	v7 =	vadd.f32 v7, v12  }
0x1f5: {  	v52 =	vperm.xlane v6, v2;
	v9 =	vadd.f32 v9, v50  }
0x1f6: {  	v8 =	vadd.f32 v8, v51;
	v12 =	vperm.xlane v7, v3  }
0x1f7: {  	v6 =	vadd.f32 v6, v52;
	v53 =	vperm.xlane v9, v3  }
0x1f8: {  	v54 =	vperm.xlane v8, v3;
	v7 =	vadd.f32 v7, v12  }
0x1f9: {  	v55 =	vmov s18;
	s23 =	sadd.s32 $0x3, s18;
	v56 =	vperm.xlane v6, v3;
	v9 =	vadd.f32 v9, v53  }
0x1fa: {  	s21 =	sadd.s32 $0x2, s18;
	v58 =	vmov s23;
	v8 =	vadd.f32 v8, v54;
	v57 =	vperm.xlane v7, v4  }
0x1fb: {  	v60 =	vmov s21;
	v6 =	vadd.f32 v6, v56;
	v59 =	vperm.xlane v9, v4  }
0x1fc: {  	s28 =	sadd.s32 $0x1, s18;
	s29 =	sshll.u32 s2, $0x4;
	s2 =	sadd.s32 $0x1, s2;
	vm0 =	veq.s32 v55, v0;
	v61 =	vperm.xlane v8, v4;
	v7 =	vadd.f32 v7, v57  }
0x1fd: {  	p0 =	sne.s32 s2, $0x8;
	v62 =	vmov s28;
	v63 =	vperm.xlane v6, v4;
	v9 =	vadd.f32 v9, v59  }
.Ltmp11:
0x1fe: {  	vm13 =	veq.s32 v62, v0;
	v5 =	vsel vm0, v7, v5;
	v7 =	vadd.f32 v8, v61;
	(pc) =	sbr.rel @p0 .LBB2_14-.Ltmp11, $4  }
0x1ff: {  	vm14 =	veq.s32 v60, v0;
	v6 =	vadd.f32 v6, v63;
	v5 =	vsel vm13, v9, v5  }
0x200: {  	vm15 =	veq.s32 v58, v0;
	v5 =	vsel vm14, v7, v5  }
0x201: {  	s18 =	sand.u32 $0x3FFFFFF0, s29;
	v5 =	vsel vm15, v6, v5  }
0x202: {  	s3 =	sadd.s32 $0x400, s3;
	s15 =	sadd.s32 $0x400, s15;
	[tilespmem:s18+$0x9480] =	vst v5  }
.Ltmp12:
0x203: {  	s2 =	sadd.s32 s10, s17;
	(pc) =	sbr.rel .LBB2_18-.Ltmp12, $4  }
0x204: {  	s2 =	sshll.u32 s2, $0x4  }
0x205: {  	s2 =	sand.u32 $0x1FFFFFF0, s2  }
0x206: {  	s3 =	simm.s32 $0x9480;
	s2 =	sadd.s32 s30, s2  }
0x207: {  	[hbm4b:s2+s5] =	stream.linear.scatter [tilespmem:s3], [sflag:$0x4], $0x80, $0x38;
	[tilespmem:$0x1DD60] =	vst v63  }
.LBB2_20:
0x208: {  	_ =	sfence.sel $0x180000  }
0x209: {  	[bflag:$0x0] =	sbarrier.arrive $0xFFFF  }
0x20a: {  	_ =	strace $0x9000004D  }
0x20b: {  	s0 =	stileid.u32;
	[bflag:$0x2] =	sbarrier.arrive $0xFFFF  }
0x20c: {  	p0 =	sne.s32 s0, $0x0;
	s0 =	rddreg [dreg:$0x4]  }
0x20d: {  	s0 =	sadd.s32 @!p0 $0x100000, s0  }
0x20e: {  	[sflag:s0] =	ssyncadd.tile.s32 @!p0 $0x1;
	_ =	shalt  }
.Lfunc_end2:
_tile_overlayer_lowered:
.L_overlay_start_2:
0x20f: {  	(tag) =	ssettag $0x2  }
0x210: {  	s0 =	rddreg [dreg:$0x0];
	s2 =	stileid.u32  }
0x211: {  	s1 =	rddreg [dreg:$0x1];
	p0 =	sne.s32 s2, $0x0  }
0x212: {  	s3 =	rddreg [dreg:$0x2];
	[bflag:$0x3] =	sbarrier.arrive $0xFFFF;
	s2 =	simm.s32 @!p0 $0x1C05  }
0x213: {  	[timem:s3], [sflag:s2] =	dma.local @!p0 [hbm:s0], s1  }
0x214: {  	s0 =	simm.s32 @!p0 $0x5  }
0x215: {  	_ =	swait.ge @!p0 [sflag:s0], s1  }
0x216: {  	s1 =	ssub.s32 @!p0 $0x0, s1;
	[sflag:s0] =	ssyncset.done @!p0 $0x0  }
0x217: {  	[sflag:s0] =	ssyncadd.s32 @!p0 s1  }
0x218: {  	[bflag:$0x3] =	sbarrier.arrive $0xFFFF  }
0x219: {  	_ =	shalt  }

// kernel: kernel.7.cloned.1.call-start
scs
__scs_entry_jumppad:
0x0: {  	(pc) =	sbr.rel $0x88, $3  }
0x1: {  	(tag) =	ssettag $0x0;
	lr =	simm.s32 $0x1  }
0x2: {  	[smem:$0x3F95] =	sst lr;
	_ =	strace $0xD0000000  }
0x3: {  	_ = 	snop  }
0x4: {  	_ = 	snop  }
0x5: {  	_ = 	snop  }
0x6: {  	_ = 	snop  }
0x7: {  	_ = 	snop  }
__scs_overlays_trampoline_lowered:
0x8: {  	[smem:$0x3FA4] =	sst s0  }
0x9: {  	[smem:$0x3FA5] =	sst s1  }
0xa: {  	[smem:$0x3FA6] =	sst s2  }
0xb: {  	[smem:$0x3FA7] =	sst s3  }
0xc: {  	[smem:$0x3FA8] =	sst s4  }
0xd: {  	[smem:$0x3FA9] =	sst s5  }
0xe: {  	[smem:$0x3FAA] =	sst s6  }
0xf: {  	[smem:$0x3FAB] =	sst s7  }
0x10: {  	[smem:$0x3FAC] =	sst s8  }
0x11: {  	[smem:$0x3FAD] =	sst s9;
	s0 =	simm.s32 @!p0 $0x0  }
0x12: {  	s1 =	sld [smem:$0x3F93];
	s0 =	simm.s32 @p0 $0x1  }
0x13: {  	[smem:$0x3FAE] =	sst s0;
	s0 =	simm.s32 @!p1 $0x0  }
0x14: {  	s2 =	sld [smem:$0x3F92];
	s0 =	simm.s32 @p1 $0x1  }
0x15: {  	[smem:$0x3FAF] =	sst s0;
	s0 =	simm.s32 @!p2 $0x0  }
0x16: {  	s3 =	sld [smem:$0x3FDB];
	s0 =	simm.s32 @p2 $0x1  }
0x17: {  	s4 =	simm.s32 $0x1BF5;
	[smem:$0x3FB1] =	sst s0  }
0x18: {  	s0 =	sld [smem:$0x3F94];
	_ =	swait.ge [sflag:s4], $0x0  }
0x19: {  	s7 =	sld [smem:$0x3F95]  }
0x1a: {  	s8 =	sadd.s32 $0xFFFFE003, lr  }
0x1b: {  	s9 =	sadd.s32 $0xFFFFFEF7, lr;
	s5 =	simm.s32 $0xFFFFFFFF;
	p2 =	slt.u32 s8, $0xFFFFF086  }
0x1c: {  	p1 =	slt.u32 s9, $0xF7A;
	s5 =	simm.s32 @!p2 $0x0  }
0x1d: {  	s5 =	simm.s32 @p1 $0x1;
	p0 =	seq.s32 s7, s2  }
0x1e: {  	s7 =	smul.u32 @!p0 $0xF7A, s2;
	p2 =	seq.s32 @!p0 s5, $0x0  }
0x1f: {  	s9 =	smul.u32 $0xF7A, s1;
	s8 =	simm.s32 @!p0 $0x1BF5;
	p2 =	por !p2, p0  }
0x20: {  	[sflag:s8] =	ssyncset.s32 @!p0 $0xFFFFF086;
	s6 =	sadd.s32 @!p0 s3, s7;
	s7 =	simm.s32 @!p0 $0x108  }
0x21: {  	s3 =	sadd.s32 s3, s9;
	s6 =	sadd.s32 @!p0 $0x88, s6;
	s7 =	simm.s32 @p2 $0x1082  }
0x22: {  	[simem:s7], [sflag:s8] =	dma.local @!p0 [hbm:s6], $0xF7A  }
0x23: {  	s9 =	sor.u32 $0xD0000000, s2;
	s6 =	simm.s32 $0x108;
	_ =	swait.ge @!p0 [sflag:s8], $0x0  }
0x24: {  	s3 =	sadd.s32 $0x88, s3;
	s6 =	simm.s32 @!p1 $0x1082;
	[sflag:s4] =	ssyncset.s32 $0xFFFFF086  }
0x25: {  	[simem:s6], [sflag:s4] =	dma.local [hbm:s3], $0xF7A  }
0x26: {  	[smem:$0x3F95] =	sst s1;
	(tag) =	ssettag s2;
	_ =	strace s9  }
0x27: {  	s1 =	sld [smem:$0x3FA5]  }
0x28: {  	s2 =	sld [smem:$0x3FA6]  }
0x29: {  	s4 =	sld [smem:$0x3FA8]  }
0x2a: {  	p0 =	seq.s32 s5, $0x0;
	s5 =	sld [smem:$0x3FA9]  }
0x2b: {  	s6 =	sld [smem:$0x3FAA]  }
0x2c: {  	s7 =	sld [smem:$0x3FAB]  }
0x2d: {  	s3 =	simm.s32 $0x108;
	s8 =	sld [smem:$0x3FAC]  }
0x2e: {  	s3 =	simm.s32 @!p0 $0x1082;
	s9 =	sld [smem:$0x3FAD]  }
0x2f: {  	lr =	sadd.s32 s0, s3;
	s0 =	sld [smem:$0x3FA4]  }
0x30: {  	s3 =	sld [smem:$0x3FA7]  }
0x31: {  	[smem:$0x3FB0] =	sst s10  }
0x32: {  	s10 =	sld [smem:$0x3FAE];
	_ =	sdelay $0x3  }
0x33: {  	p0 =	seq.s32 s10, $0x1;
	s10 =	sld [smem:$0x3FB0];
	_ =	sdelay $0x3  }
0x34: {  	[smem:$0x3FB0] =	sst s10  }
0x35: {  	s10 =	sld [smem:$0x3FAF];
	_ =	sdelay $0x3  }
0x36: {  	p1 =	seq.s32 s10, $0x1;
	s10 =	sld [smem:$0x3FB0];
	_ =	sdelay $0x3  }
0x37: {  	[smem:$0x3FB0] =	sst s10  }
0x38: {  	s10 =	sld [smem:$0x3FB1]  }
0x39: {  	_ = 	snop;
	(pc) =	sbr.ind lr, $3  }
0x3a: {  	_ = 	snop  }
0x3b: {  	_ = 	snop  }
0x3c: {  	p2 =	seq.s32 s10, $0x1;
	s10 =	sld [smem:$0x3FB0]  }
0x3d: {  	_ =	shalt  }
0x3e: {  	_ =	shalt  }
0x3f: {  	_ =	shalt  }
0x40: {  	_ =	shalt  }
0x41: {  	_ =	shalt  }
0x42: {  	_ =	shalt  }
0x43: {  	_ =	shalt  }
0x44: {  	_ =	shalt  }
0x45: {  	_ =	shalt  }
0x46: {  	_ =	shalt  }
0x47: {  	_ =	shalt  }
0x48: {  	_ =	shalt  }
0x49: {  	_ =	shalt  }
0x4a: {  	_ =	shalt  }
0x4b: {  	_ =	shalt  }
0x4c: {  	_ =	shalt  }
0x4d: {  	_ =	shalt  }
0x4e: {  	_ =	shalt  }
0x4f: {  	_ =	shalt  }
0x50: {  	_ =	shalt  }
0x51: {  	_ =	shalt  }
0x52: {  	_ =	shalt  }
0x53: {  	_ =	shalt  }
0x54: {  	_ =	shalt  }
0x55: {  	_ =	shalt  }
0x56: {  	_ =	shalt  }
0x57: {  	_ =	shalt  }
0x58: {  	_ =	shalt  }
0x59: {  	_ =	shalt  }
0x5a: {  	_ =	shalt  }
0x5b: {  	_ =	shalt  }
0x5c: {  	_ =	shalt  }
0x5d: {  	_ =	shalt  }
0x5e: {  	_ =	shalt  }
0x5f: {  	_ =	shalt  }
0x60: {  	_ =	shalt  }
0x61: {  	_ =	shalt  }
0x62: {  	_ =	shalt  }
0x63: {  	_ =	shalt  }
0x64: {  	_ =	shalt  }
0x65: {  	_ =	shalt  }
0x66: {  	_ =	shalt  }
0x67: {  	_ =	shalt  }
0x68: {  	_ =	shalt  }
0x69: {  	_ =	shalt  }
0x6a: {  	_ =	shalt  }
0x6b: {  	_ =	shalt  }
0x6c: {  	_ =	shalt  }
0x6d: {  	_ =	shalt  }
0x6e: {  	_ =	shalt  }
0x6f: {  	_ =	shalt  }
0x70: {  	_ =	shalt  }
0x71: {  	_ =	shalt  }
0x72: {  	_ =	shalt  }
0x73: {  	_ =	shalt  }
0x74: {  	_ =	shalt  }
0x75: {  	_ =	shalt  }
0x76: {  	_ =	shalt  }
0x77: {  	_ =	shalt  }
0x78: {  	_ =	shalt  }
0x79: {  	_ =	shalt  }
0x7a: {  	_ =	shalt  }
0x7b: {  	_ =	shalt  }
0x7c: {  	_ =	shalt  }
0x7d: {  	_ =	shalt  }
0x7e: {  	_ =	shalt  }
0x7f: {  	_ =	shalt  }
0x80: {  	_ =	shalt  }
0x81: {  	_ =	shalt  }
0x82: {  	_ =	shalt  }
0x83: {  	_ =	shalt  }
0x84: {  	_ =	shalt  }
0x85: {  	_ =	shalt  }
0x86: {  	_ =	shalt  }
0x87: {  	_ =	shalt  }
.Lfunc_end0:
.L_simem_size_0:
called_computation_lowered:
.L_overlay_start_0:
0x88: {  	s2 =	sld [smem:$0x3FD9]  }
0x89: {  	s3 =	sld [smem:$0x3FFE];
	_ =	sdelay $0x1  }
0x8a: {  	s1 =	srdreg.scid  }
0x8b: {  	s0 =	sand.u32 $0x1, s1  }
0x8c: {  	s16 =	sshll.u32 s0, $0xA;
	s2 =	sadd.s32 s3, s2  }
0x8d: {  	s2 =	sadd.s32 s2, s16  }
0x8e: {  	[smem:$0x3FBC] =	sst s2  }
0x8f: {  	_ = 	snop  }
0x90: {  	(tm) =	ssettm $0x1  }
0x91: {  	s17 =	sld [smem:$0x3FFB];
	_ =	sdelay $0x3  }
0x92: {  	_ =	strace s17  }
0x93: {  	s2 =	sld [smem:$0x3FFC];
	_ =	sdelay $0x3  }
0x94: {  	_ =	strace s2  }
0x95: {  	s2 =	sld [smem:$0x3FFD];
	_ =	sdelay $0x3  }
0x96: {  	_ =	strace s2  }
0x97: {  	_ =	strace $0x8FFFFFFF  }
0x98: {  	s18 =	sld [smem:$0x3FDB];
	_ =	sdelay $0x1  }
0x99: {  	s19 =	simm.s32 $_scs_section_size  }
0x9a: {  	s4 =	simm.s32 $_size__tile_overlayer_lowered;
	s5 =	simm.s32 $_tile_overlayer_lowered  }
0x9b: {  	s22 =	simm.s32 $0x1BFF;
	s21 =	sshll.u32 s5, $0x1;
	s2 =	sadd.s32 s19, s18  }
0x9c: {  	s6 =	simm.s32 $0x0;
	s20 =	sshll.u32 s4, $0x1;
	s4 =	sadd.s32 s21, s2  }
0x9d: {  	[timem:s6], [sflag:s22] =	dma.local [hbm:s4], s20  }
0x9e: {  	_ =	swait.ge [sflag:s22], s20  }
0x9f: {  	s3 =	ssub.s32 $0x0, s20;
	[sflag:s22] =	ssyncset.done $0x0  }
0xa0: {  	[sflag:s22] =	ssyncadd.s32 s3;
	_ =	sdelay $0x1  }
0xa1: {  	s23 =	simm.s32 $0x1B8B  }
0xa2: {  	_ =	swait.ge [sflag:s23], $0x1  }
0xa3: {  	[sflag:s23] =	ssyncset.done $0x0  }
0xa4: {  	s25 =	simm.s32 $0x1B8E;
	s24 =	sld [smem:$0x3FFE];
	[sflag:s23] =	ssyncadd.s32 $0xFFFFFFFF  }
0xa5: {  	s26 =	simm.s32 $execute0_lowered;
	[smem:$0x3FD2] =	sst s25  }
0xa6: {  	s4 =	sshll.u32 s26, $0x1;
	_ =	strace $0x80000046;
	[dreg:$0x1] =	wrdreg $0xFFFFFFFF  }
0xa7: {  	s28 =	simm.s32 $_size_execute0_lowered;
	s2 =	sadd.s32 s2, s4;
	[dreg:$0x0] =	wrdreg $0x0  }
0xa8: {  	s4 =	sshll.u32 s28, $0x1;
	[dreg:$0x2] =	wrdreg s2  }
0xa9: {  	[dreg:$0x3] =	wrdreg s4  }
0xaa: {  	[dreg:$0x4] =	wrdreg $0xC0  }
0xab: {  	_ =	task [dreg:s6], $0x5FFFF  }
0xac: {  	[dreg:$0x1] =	wrdreg $0xFFFFFFFF  }
0xad: {  	[dreg:$0x0] =	wrdreg $0x60  }
0xae: {  	[dreg:$0x2] =	wrdreg s24  }
0xaf: {  	[dreg:$0x3] =	wrdreg $0xBF000  }
0xb0: {  	[dreg:$0x4] =	wrdreg $0x182500  }
0xb1: {  	[dreg:$0x5] =	wrdreg $0x9  }
0xb2: {  	_ =	task.clear_ibuf [dreg:s6], $0x6FFFF;
	_ =	strace $0x90000046  }
0xb3: {  	s29 =	simm.s32 $0x9;
	_ =	strace $0x80000048  }
0xb4: {  	_ =	swait.ge [sflag:s29], $0x1  }
0xb5: {  	[sflag:s29] =	ssyncadd.s32 $0xFFFFFFFF  }
0xb6: {  	_ =	strace $0x90000048  }
0xb7: {  	_ =	sfence  }
0xb8: {  	s30 =	sld [smem:$0x0];
	_ =	sdelay $0x2  }
0xb9: {  	s31 =	sshll.u32 s1, $0xD;
	s1 =	sshrl.u32 s1, $0x2  }
0xba: {  	s3 =	sand.u32 $0x4000, s31;
	s1 =	sadd.s32 s1, s30  }
0xbb: {  	s0 =	sor.u32 s3, s0;
	s1 =	sshll.u32 s1, $0x11  }
0xbc: {  	s0 =	sor.u32 s1, s0  }
0xbd: {  	s0 =	sadd.s32 $0x8F2B, s0  }
0xbe: {  	[sflag:s0] =	ssyncadd.remote.s32 $0x1  }
0xbf: {  	_ =	sfence.sel $0xFFFF  }
0xc0: {  	[dreg:$0x0] =	wrdreg $0xFFFFFFFF;
	(pc) =	sbr.abs _section_cstart, $3  }
0xc1: {  	[dreg:$0x1] =	wrdreg $0xFFFFFFFF  }
0xc2: {  	_ =	task.clear_ibuf [dreg:s6], $0x2FFFF;
	_ =	strace $0x9FFFFFFF  }
0xc3: {  	(tm) =	ssettm $0x7FFFFFFF  }
tec
execute0_lowered:
.L_overlay_start_1:
0x0: {  	(tag) =	ssettag $0x1  }
0x1: {  	s0 =	srdreg.scid;
	s1 =	rddreg [dreg:$0x0]  }
0x2: {  	s15 =	stileid.u32;
	s2 =	rddreg [dreg:$0x1];
	s6 =	simm.s32 $0x0  }
0x3: {  	s29 =	simm.s32 $0x3;
	s30 =	simm.s32 $0x5;
	s0 =	sand.u32 $0x1, s0  }
0x4: {  	s3 =	sshll.u32 s15, $0x1;
	s8 =	smul.u32 $0xC300, s15;
	[smem:$0x7FF] =	sst s6  }
0x5: {  	s18 =	sadd.s32 $0x99A00, s1;
	s4 =	sor.u32 s0, s3;
	s3 =	rddreg [dreg:$0x2]  }
0x6: {  	s19 =	sadd.s32 $0x9EA00, s1;
	_ =	strace $0x80000047;
	[dreg:$0x8] =	wrdreg s18  }
0x7: {  	s9 =	smul.u32 $0x2700, s15;
	s22 =	sadd.s32 $0xD9A00, s1;
	[dreg:$0x9] =	wrdreg s19  }
0x8: {  	s6 =	sadd.s32 $0x68800, s1;
	s23 =	sadd.s32 $0xA8A00, s1;
	[dreg:$0xc] =	wrdreg s22  }
0x9: {  	p0 =	slt.u32 s15, $0x2;
	s25 =	sadd.s32 $0xC1200, s1;
	[dreg:$0xd] =	wrdreg s23  }
0xa: {  	s26 =	ssub.s32 $0x2, s0;
	[dreg:$0xf] =	wrdreg s25;
	s23 =	simm.s32 $0x3  }
0xb: {  	s5 =	smul.u32 $0x4E, s4;
	s4 =	smin.u32 s4, $0x4;
	s7 =	sshrl.u32 s8, $0x3  }
0xc: {  	s10 =	sshrl.u32 s9, $0x3;
	s12 =	sshrl.u32 s26, $0x1;
	s28 =	sadd.s32 $0x27000, s3  }
0xd: {  	s11 =	sadd.s32 s7, s1;
	s13 =	sadd.s32 s10, s1;
	s7 =	simm.s32 $0x4F  }
0xe: {  	s14 =	ssub.s32 s26, s12;
	s10 =	sadd.s32 s8, s2;
	s26 =	sadd.s32 $0xA3A00, s1  }
0xf: {  	s8 =	simm.s32 $0x1;
	s4 =	sadd.s32 s4, s5;
	s5 =	sadd.s32 $0x50000, s1  }
0x10: {  	s7 =	simm.s32 @!p0 $0x4E;
	s12 =	sadd.s32 $0x81400, s11;
	s16 =	sadd.s32 $0x99C00, s13  }
0x11: {  	p0 =	seq.s32 s0, $0x1;
	s20 =	sadd.s32 $0xC1400, s11;
	[dreg:$0x10] =	wrdreg s26  }
0x12: {  	s21 =	sadd.s32 $0xA3C00, s13;
	s24 =	sadd.s32 $0xA8C00, s11;
	[dreg:$0x6] =	wrdreg s12  }
0x13: {  	s26 =	sadd.s32 $0xC3000, s2;
	s0 =	simm.s32 $0x4F00;
	[dreg:$0x7] =	wrdreg s16  }
0x14: {  	s11 =	simm.s32 $0x2;
	s4 =	sshll.u32 s4, $0x4;
	[dreg:$0xa] =	wrdreg s20  }
0x15: {  	s12 =	sadd.s32 s9, s3;
	s17 =	sand.u32 $0x1, s7;
	[dreg:$0xb] =	wrdreg s21  }
0x16: {  	[dreg:$0xe] =	wrdreg s24;
	s21 =	sadd.s32 $0x9EC00, s13;
	p3 =	sne.s32 @p0 s15, $0xF  }
0x17: {  	p5 =	sne.s32 @!p0 s15, $0xF;
	s9 =	simm.s32 $0xAF00;
	s13 =	simm.s32 $0x7700  }
0x18: {  	s4 =	sadd.s32 s4, s1;
	p1 =	seq.s32 s17, $0x1;
	p2 =	por !p3, !p0  }
.Ltmp0:
0x19: {  	p3 =	por p3, !p0;
	p4 =	por !p5, p0;
	(pc) =	sbr.rel .LBB2_1-.Ltmp0, $4  }
0x1a: {  	p5 =	por p5, p0;
	s1 =	simm.s32 $0x80;
	s31 =	sadd.s32 $0x77600, s4  }
0x1b: {  	s4 =	sadd.s32 $0x6D800, s4;
	s23 =	simm.s32 @!p1 $0x4;
	[dreg:$0x4] =	wrdreg s31  }
0x1c: {  	v0 =	vlaneseq.u32;
	p1 =	sne.s32 s15, $0xF;
	[dreg:$0x5] =	wrdreg s4;
	s31 =	smax.u32 s14, $0x1  }
0x1d: {  	v0 =	vand.u32 $0x7, v0;
	s15 =	simm.s32 $0x0;
	s14 =	simm.s32 $0xB700;
	[dreg:$0x11] =	wrdreg s31  }
.LBB2_12:
0x1e: {  	_ =	swait.ge [sflag:s23], $0x2800  }
0x1f: {  	[sflag:s23] =	ssyncset.done $0x0  }
0x20: {  	[sflag:s23] =	ssyncadd.s32 $0xFFFFD800  }
0x21: {  	_ =	swait.ge [sflag:s23], $0x800  }
0x22: {  	[sflag:s23] =	ssyncset.done $0x0  }
0x23: {  	[sflag:s23] =	ssyncadd.s32 $0xFFFFF800  }
0x24: {  	[bflag:$0x0] =	sbarrier.arrive $0xFFFF  }
0x25: {  	s4 =	sshrl.u32 @p0 s10, $0x3;
	s17 =	rddreg [dreg:$0xe]  }
0x26: {  	[hbm:s17], [sflag:s16] =	dma.local @p0 [spmem:s4], $0x1860  }
0x27: {  	s4 =	simm.s32 @p0 $0x5  }
0x28: {  	_ =	swait.ge @p0 [sflag:s4], $0x1860  }
0x29: {  	[sflag:s4] =	ssyncset.done @p0 $0x0  }
0x2a: {  	[sflag:s4] =	ssyncadd.s32 @p0 $0xFFFFE7A0;
	s4 =	sshrl.u32 @!p2 s12, $0x3  }
0x2b: {  	[hbm:s21], [sflag:s16] =	dma.local @!p2 [spmem:s4], $0x4E0  }
0x2c: {  	s4 =	simm.s32 @!p2 $0x5  }
0x2d: {  	_ =	swait.ge @!p2 [sflag:s4], $0x4E0  }
0x2e: {  	[sflag:s4] =	ssyncset.done @!p2 $0x0  }
0x2f: {  	s17 =	rddreg [dreg:$0xf];
	[sflag:s4] =	ssyncadd.s32 @!p2 $0xFFFFFB20;
	s4 =	sshrl.u32 @!p3 s26, $0x3  }
0x30: {  	[hbm:s17], [sflag:s16] =	dma.local @!p3 [spmem:s4], $0xA0  }
0x31: {  	s4 =	simm.s32 @!p3 $0x5  }
0x32: {  	_ =	swait.ge @!p3 [sflag:s4], $0xA0  }
0x33: {  	[sflag:s4] =	ssyncset.done @!p3 $0x0  }
0x34: {  	s17 =	sshrl.u32 @!p3 s12, $0x3;
	[sflag:s4] =	ssyncadd.s32 @!p3 $0xFFFFFF60  }
0x35: {  	[hbm:s21], [sflag:s16] =	dma.local @!p3 [spmem:s17], $0x4E0  }
0x36: {  	_ =	swait.ge @!p3 [sflag:s4], $0x4E0  }
0x37: {  	[sflag:s4] =	ssyncset.done @!p3 $0x0  }
0x38: {  	s17 =	sshrl.u32 @!p3 s28, $0x3;
	s18 =	rddreg [dreg:$0x10];
	[sflag:s4] =	ssyncadd.s32 @!p3 $0xFFFFFB20  }
0x39: {  	[hbm:s18], [sflag:s16] =	dma.local @!p3 [spmem:s17], $0x20  }
0x3a: {  	_ =	swait.ge @!p3 [sflag:s4], $0x20  }
0x3b: {  	[sflag:s4] =	ssyncset.done @!p3 $0x0  }
0x3c: {  	s17 =	rddreg [dreg:$0xa];
	[sflag:s4] =	ssyncadd.s32 @!p3 $0xFFFFFFE0;
	s4 =	sshrl.u32 @!p0 s10, $0x3  }
0x3d: {  	[hbm:s17], [sflag:s16] =	dma.local @!p0 [spmem:s4], $0x1860  }
0x3e: {  	s4 =	simm.s32 @!p0 $0x5  }
0x3f: {  	_ =	swait.ge @!p0 [sflag:s4], $0x1860  }
0x40: {  	[sflag:s4] =	ssyncset.done @!p0 $0x0  }
0x41: {  	s18 =	rddreg [dreg:$0xb];
	[sflag:s4] =	ssyncadd.s32 @!p0 $0xFFFFE7A0;
	s4 =	sshrl.u32 @!p4 s12, $0x3  }
0x42: {  	[hbm:s18], [sflag:s16] =	dma.local @!p4 [spmem:s4], $0x4E0  }
0x43: {  	s4 =	simm.s32 @!p4 $0x5  }
0x44: {  	_ =	swait.ge @!p4 [sflag:s4], $0x4E0  }
0x45: {  	[sflag:s4] =	ssyncset.done @!p4 $0x0  }
0x46: {  	s17 =	rddreg [dreg:$0xc];
	[sflag:s4] =	ssyncadd.s32 @!p4 $0xFFFFFB20;
	s4 =	sshrl.u32 @!p5 s26, $0x3  }
0x47: {  	[hbm:s17], [sflag:s16] =	dma.local @!p5 [spmem:s4], $0xA0  }
0x48: {  	s4 =	simm.s32 @!p5 $0x5  }
0x49: {  	_ =	swait.ge @!p5 [sflag:s4], $0xA0  }
0x4a: {  	[sflag:s4] =	ssyncset.done @!p5 $0x0  }
0x4b: {  	s17 =	sshrl.u32 @!p5 s12, $0x3;
	[sflag:s4] =	ssyncadd.s32 @!p5 $0xFFFFFF60  }
0x4c: {  	[hbm:s18], [sflag:s16] =	dma.local @!p5 [spmem:s17], $0x4E0  }
0x4d: {  	_ =	swait.ge @!p5 [sflag:s4], $0x4E0  }
0x4e: {  	[sflag:s4] =	ssyncset.done @!p5 $0x0  }
0x4f: {  	s17 =	sshrl.u32 @!p5 s28, $0x3;
	s18 =	rddreg [dreg:$0xd];
	[sflag:s4] =	ssyncadd.s32 @!p5 $0xFFFFFB20  }
0x50: {  	[hbm:s18], [sflag:s16] =	dma.local @!p5 [spmem:s17], $0x20  }
0x51: {  	_ =	swait.ge @!p5 [sflag:s4], $0x20  }
0x52: {  	s15 =	sadd.s32 $0x1, s15;
	s31 =	rddreg [dreg:$0x11]  }
0x53: {  	p6 =	sne.s32 s15, s31  }
.Ltmp1:
0x54: {  	_ = 	snop;
	(pc) =	sbr.rel @!p6 .LBB2_13-.Ltmp1, $3  }
0x55: {  	_ =	sdelay $0x1  }
0x56: {  	[sflag:s4] =	ssyncset.done @!p5 $0x0  }
0x57: {  	[sflag:s4] =	ssyncadd.s32 @!p5 $0xFFFFFFE0  }
.LBB2_1:
0x58: {  	s18 =	simm.s32 $0x0;
	s4 =	rddreg [dreg:$0x4]  }
0x59: {  	[tilespmem:s18], [sflag:$0x5] =	stream.linear.gather [hbm4b:s4+s18], $0x2780, $0x38;
	[tilespmem:$0x1A960] =	vst v63  }
0x5a: {  	_ =	swait.ge [sflag:s30], $0x2780  }
0x5b: {  	[sflag:s30] =	ssyncset.done $0x0  }
0x5c: {  	s20 =	simm.s32 $0x2780;
	s17 =	rddreg [dreg:$0x5];
	[sflag:s30] =	ssyncadd.s32 $0xFFFFD880  }
0x5d: {  	[tilespmem:s20], [sflag:$0x5] =	stream.linear.gather [hbm4b:s17+s18], $0x2780, $0x38;
	[tilespmem:$0x1A960] =	vst v63  }
0x5e: {  	s19 =	stileid.u32;
	_ =	swait.ge [sflag:s30], $0x2780  }
0x5f: {  	s22 =	sshrl.u32 s10, $0x3;
	s4 =	sshll.u32 s19, $0x6;
	[sflag:s30] =	ssyncset.done $0x0  }
0x60: {  	s16 =	sor.u32 $0x1C05, s4;
	s17 =	rddreg [dreg:$0x6];
	[sflag:s30] =	ssyncadd.s32 $0xFFFFD880  }
0x61: {  	[spmem:s22], [sflag:s16] =	dma.local [hbm:s17], $0x1860  }
0x62: {  	_ =	swait.ge [sflag:s30], $0x1860  }
0x63: {  	[sflag:s30] =	ssyncset.done $0x0  }
0x64: {  	s24 =	sshrl.u32 s12, $0x3;
	s25 =	rddreg [dreg:$0x7];
	[sflag:s30] =	ssyncadd.s32 $0xFFFFE7A0  }
0x65: {  	[spmem:s24], [sflag:s16] =	dma.local [hbm:s25], $0x4E0  }
0x66: {  	_ =	swait.ge [sflag:s30], $0x4E0  }
0x67: {  	[sflag:s30] =	ssyncset.done $0x0  }
0x68: {  	s4 =	sshrl.u32 @!p1 s26, $0x3;
	s17 =	rddreg [dreg:$0x8];
	[sflag:s30] =	ssyncadd.s32 $0xFFFFFB20  }
0x69: {  	[spmem:s4], [sflag:s16] =	dma.local @!p1 [hbm:s17], $0xA0  }
0x6a: {  	s4 =	simm.s32 @!p1 $0x5  }
0x6b: {  	_ =	swait.ge @!p1 [sflag:s4], $0xA0  }
0x6c: {  	[sflag:s4] =	ssyncset.done @!p1 $0x0  }
0x6d: {  	s17 =	sshrl.u32 @!p1 s28, $0x3;
	s19 =	rddreg [dreg:$0x9];
	[sflag:s4] =	ssyncadd.s32 @!p1 $0xFFFFFF60  }
0x6e: {  	[spmem:s17], [sflag:s16] =	dma.local @!p1 [hbm:s19], $0x20  }
0x6f: {  	_ =	swait.ge @!p1 [sflag:s4], $0x20  }
0x70: {  	[sflag:s4] =	ssyncset.done @!p1 $0x0  }
.Ltmp2:
0x71: {  	[sflag:s4] =	ssyncadd.s32 @!p1 $0xFFFFFFE0;
	(pc) =	sbr.rel .LBB2_2-.Ltmp2, $4  }
0x72: {  	[bflag:$0x0] =	sbarrier.arrive $0xFFFF  }
0x73: {  	[tilespmem:s0], [sflag:$0x1] =	stream.indirect.gather [hbm4b:s5+s1], $0x50, s18, s1, $0xb8;
	[tilespmem:$0x1A960] =	vst v63  }
0x74: {  	s31 =	simm.s32 $0x9F00;
	s18 =	simm.s32 $0x0  }
0x75: {  	[tilespmem:s31], [sflag:$0x1] =	stream.indirect.gather [hbm4b:s6+s1], $0x10, s20, s1, $0xb8;
	[tilespmem:$0x1A960] =	vst v63  }
.LBB2_10:
0x76: {  	[tilespmem:s25+$0x10] =	vst v10  }
0x77: {  	[tilespmem:s22+$0xFFFFFFD0] =	vst v12  }
0x78: {  	[tilespmem:s22+$0xFFFFFFE0] =	vst v11  }
0x79: {  	[tilespmem:s22+$0x0] =	vst v9  }
0x7a: {  	v47 =	vpop (erf);
	[tilespmem:s22+$0x10] =	vst v4;
	v6 =	vmul.f32 v6, v1  }
0x7b: {  	v7 =	vmul.f32 v7, v1;
	v1 =	vmul.f32 v8, v1;
	[tilespmem:s25+$0xFFFFFFF0] =	vst v47;
	v49 =	vpop (erf)  }
0x7c: {  	v3 =	vmul.f32 v3, v2;
	v13 =	vld [tilespmem:s20+$0x80];
	[tilespmem:s25+$0x0] =	vst v49  }
0x7d: {  	[tilespmem:s22+$0x70] =	vst v1;
	v1 =	vld [tilespmem:s20+$0xFFFFFFD0]  }
0x7e: {  	v2 =	vmul.f32 v5, v2;
	v50 =	vpop (erf);
	[tilespmem:s22+$0x20] =	vst v3;
	v56 =	vld [tilespmem:s20+$0xFFFFFFE0]  }
0x7f: {  	v48 =	vperm.xlane v10, v0;
	[tilespmem:s25+$0xFFFFFFE0] =	vst v50;
	v59 =	vld [tilespmem:s20+$0x20]  }
0x80: {  	v55 =	vperm.xlane v47, v0;
	[tilespmem:s22+$0x30] =	vst v2;
	v3 =	vld [tilespmem:s20+$0xFFFFFF80]  }
0x81: {  	[tilespmem:s22+$0x50] =	vst v6;
	v2 =	vld [tilespmem:s20+$0xFFFFFF90];
	v13 =	vmul.f32 v13, v48  }
0x82: {  	v53 =	vld [tilespmem:s20+$0xFFFFFFB0];
	[tilespmem:s22+$0x60] =	vst v7;
	v60 =	vperm.xlane v49, v0;
	v1 =	vmul.f32 v1, v55  }
0x83: {  	v54 =	vld [tilespmem:s20+$0xFFFFFFC0];
	v9 =	vperm.xlane v50, v0;
	v8 =	vmul.f32 v56, v55;
	[tilespmem:s20+$0x80] =	vst v13  }
0x84: {  	v51 =	vld [tilespmem:s20+$0xFFFFFF60];
	v6 =	vmul.f32 v59, v60;
	[tilespmem:s20+$0xFFFFFFD0] =	vst v1  }
0x85: {  	v57 =	vld [tilespmem:s20+$0x0];
	v3 =	vmul.f32 v3, v9;
	[tilespmem:s20+$0xFFFFFFE0] =	vst v8  }
0x86: {  	v52 =	vld [tilespmem:s20+$0xFFFFFF70];
	v2 =	vmul.f32 v2, v9;
	[tilespmem:s20+$0x20] =	vst v6  }
0x87: {  	v61 =	vld [tilespmem:s20+$0x30];
	[tilespmem:s20+$0xFFFFFF80] =	vst v3;
	v3 =	vmul.f32 v53, v55  }
0x88: {  	v58 =	vld [tilespmem:s20+$0x10];
	[tilespmem:s20+$0xFFFFFF90] =	vst v2;
	v2 =	vmul.f32 v54, v55  }
0x89: {  	v63 =	vld [tilespmem:s20+$0x70];
	v4 =	vmul.f32 v51, v9;
	[tilespmem:s20+$0xFFFFFFB0] =	vst v3  }
0x8a: {  	v3 =	vld [tilespmem:s20+$0x50];
	[tilespmem:s20+$0xFFFFFFC0] =	vst v2;
	v2 =	vmul.f32 v57, v60  }
0x8b: {  	v62 =	vld [tilespmem:s20+$0x60];
	v5 =	vmul.f32 v52, v9;
	[tilespmem:s20+$0xFFFFFF60] =	vst v4  }
0x8c: {  	[tilespmem:s20+$0x0] =	vst v2;
	v2 =	vmul.f32 v61, v60  }
0x8d: {  	v1 =	vmul.f32 v58, v60;
	[tilespmem:s20+$0xFFFFFF70] =	vst v5  }
0x8e: {  	[tilespmem:s20+$0x30] =	vst v2;
	v2 =	vmul.f32 v63, v48  }
0x8f: {  	[tilespmem:s20+$0x10] =	vst v1;
	v1 =	vmul.f32 v3, v48  }
0x90: {  	s4 =	sshll.u32 s19, $0x7;
	v3 =	vmul.f32 v62, v48;
	[tilespmem:s20+$0x70] =	vst v2  }
0x91: {  	s4 =	sand.u32 $0x3FFFFF80, s4;
	[tilespmem:s20+$0x50] =	vst v1  }
0x92: {  	s4 =	sadd.s32 $0x2780, s4;
	[tilespmem:s20+$0x60] =	vst v3  }
0x93: {  	[spmem:s2] =	stream.indirect.scatter.add.f32 [tilespmem:s13], [sflag:$0x4], $0x50, s4, s1, $0xb8;
	[tilespmem:$0x1A960] =	vst v63  }
0x94: {  	_ = 	snop  }
0x95: {  	[spmem:s3] =	stream.indirect.scatter.add.f32 [tilespmem:s14], [sflag:$0x4], $0x10, s4, s1, $0xb8;
	[tilespmem:$0x1A960] =	vst v63  }
.LBB2_11:
0x96: {  	s18 =	sadd.s32 $0x1, s18  }
0x97: {  	p6 =	sne.s32 s18, $0x28  }
.Ltmp3:
0x98: {  	_ = 	snop;
	(pc) =	sbr.rel @!p6 .LBB2_12-.Ltmp3, $1  }
0x99: {  	_ =	sdelay $0x3  }
.LBB2_2:
0x9a: {  	s20 =	sshll.u32 s18, $0x1  }
0x9b: {  	p6 =	slt.u32 s20, s7  }
.Ltmp4:
0x9c: {  	_ = 	snop;
	(pc) =	sbr.rel @!p6 .LBB2_3-.Ltmp4, $1  }
0x9d: {  	_ =	sdelay $0x3  }
0x9e: {  	p6 =	seq.s32 s18, $0x0  }
0x9f: {  	s4 =	simm.s32 @!p6 $0x4  }
0xa0: {  	_ =	swait.ge @!p6 [sflag:s4], $0x2800  }
0xa1: {  	[sflag:s4] =	ssyncset.done @!p6 $0x0  }
0xa2: {  	[sflag:s4] =	ssyncadd.s32 @!p6 $0xFFFFD800  }
0xa3: {  	_ =	swait.ge @!p6 [sflag:s4], $0x800  }
0xa4: {  	s19 =	sor.u32 $0x1, s20;
	[sflag:s4] =	ssyncset.done @!p6 $0x0  }
0xa5: {  	[sflag:s4] =	ssyncadd.s32 @!p6 $0xFFFFF800;
	p6 =	sge.u32 s19, s7  }
0xa6: {  	s4 =	sshll.u32 @!p6 s19, $0x7;
	s17 =	simm.s32 @!p6 $0x80;
	s22 =	simm.s32 @!p6 $0x7700  }
0xa7: {  	[tilespmem:s22], [sflag:$0x2] =	stream.indirect.gather @!p6 [hbm4b:s5+s17], $0x50, s4, s17, $0xb8;
	[tilespmem:$0x1A960] =	vst v63  }
0xa8: {  	s4 =	sadd.s32 @!p6 $0x2780, s4;
	s22 =	simm.s32 @!p6 $0xA700  }
0xa9: {  	[tilespmem:s22], [sflag:$0x2] =	stream.indirect.gather @!p6 [hbm4b:s6+s17], $0x10, s4, s17, $0xb8;
	[tilespmem:$0x1A960] =	vst v63  }
0xaa: {  	_ =	swait.ge [sflag:s8], $0x2800  }
0xab: {  	[sflag:s8] =	ssyncset.done $0x0  }
0xac: {  	[sflag:s8] =	ssyncadd.s32 $0xFFFFD800  }
0xad: {  	_ =	swait.ge [sflag:s8], $0x800  }
0xae: {  	[sflag:s8] =	ssyncset.done $0x0  }
0xaf: {  	s24 =	simm.s32 $0x4FA0;
	[sflag:s8] =	ssyncadd.s32 $0xFFFFF800  }
0xb0: {  	s25 =	simm.s32 $0x9F20;
	v1 =	vld [tilespmem:s24+$0x90]  }
0xb1: {  	v2 =	vld [tilespmem:s25+$0x10];
	_ =	sdelay $0x1  }
0xb2: {  	v3 =	vld [tilespmem:s25+$0xFFFFFFE0]  }
0xb3: {  	v4 =	vld [tilespmem:s24+$0xFFFFFFF0]  }
0xb4: {  	v5 =	vld [tilespmem:s25+$0xFFFFFFF0]  }
0xb5: {  	v6 =	vld [tilespmem:s25+$0x0];
	v1 =	vadd.f32 v2, v1  }
0xb6: {  	v2 =	vld [tilespmem:s24+$0x40]  }
0xb7: {  	v8 =	vld [tilespmem:s24+$0xFFFFFFA0];
	v7 =	vmul.f32 $2.000000030e-01, v1;
	_ =	sdelay $0x1  }
0xb8: {  	v1 =	vmax.f32 v1, v7  }
0xb9: {  	v4 =	vadd.f32 v5, v4;
	v1 =	vmul.f32 $1.442695020e+00, v1  }
0xba: {  	v2 =	vadd.f32 v6, v2  }
0xbb: {  	v3 =	vadd.f32 v3, v8;
	(erf) = vpow2.f32 v1;
	v1 =	vmul.f32 $2.000000030e-01, v4  }
0xbc: {  	v5 =	vmul.f32 $2.000000030e-01, v2  }
0xbd: {  	v1 =	vmax.f32 v4, v1;
	v4 =	vmul.f32 $2.000000030e-01, v3  }
0xbe: {  	s22 =	simm.s32 $0x50E0;
	v2 =	vmax.f32 v2, v5;
	v1 =	vmul.f32 $1.442695020e+00, v1  }
0xbf: {  	s25 =	simm.s32 $0x9F60;
	v10 =	vld [tilespmem:s22+$0x40];
	v2 =	vmul.f32 $1.442695020e+00, v2;
	v3 =	vmax.f32 v3, v4  }
0xc0: {  	v4 =	vld [tilespmem:s25+$0x10];
	(erf) = vpow2.f32 v1;
	v1 =	vmul.f32 $1.442695020e+00, v3  }
0xc1: {  	(erf) = vpow2.f32 v2;
	v2 =	vld [tilespmem:s22+$0x90]  }
0xc2: {  	v12 =	vld [tilespmem:s25+$0x0];
	(erf) = vpow2.f32 v1  }
0xc3: {  	v8 =	vld [tilespmem:s25+$0xFFFFFFF0]  }
0xc4: {  	v6 =	vld [tilespmem:s22+$0xFFFFFFF0]  }
0xc5: {  	v5 =	vld [tilespmem:s25+$0xFFFFFFE0]  }
0xc6: {  	v2 =	vadd.f32 v4, v2;
	v4 =	vld [tilespmem:s22+$0xFFFFFFA0]  }
0xc7: {  	s17 =	simm.s32 $0xAF20;
	v1 =	vpop (erf)  }
0xc8: {  	[tilespmem:s17+$0x10] =	vst v1  }
0xc9: {  	v3 =	vld [tilespmem:s24+$0x80];
	v7 =	vpop (erf)  }
0xca: {  	v6 =	vadd.f32 v8, v6;
	v13 =	vmul.f32 $2.000000030e-01, v2;
	v9 =	vpop (erf);
	[tilespmem:s17+$0xFFFFFFF0] =	vst v7  }
0xcb: {  	v15 =	vperm.xlane v7, v0;
	v7 =	vadd.f32 v12, v10;
	v11 =	vpop (erf);
	v4 =	vadd.f32 v5, v4;
	v5 =	vld [tilespmem:s24+$0xFFFFFFB0]  }
0xcc: {  	v1 =	vperm.xlane v1, v0;
	v12 =	vmul.f32 $2.000000030e-01, v6;
	v18 =	vld [tilespmem:s24+$0xFFFFFFD0];
	[tilespmem:s17+$0xFFFFFFE0] =	vst v11  }
0xcd: {  	v8 =	vmax.f32 v2, v13;
	v2 =	vperm.xlane v9, v0;
	v17 =	vmul.f32 $2.000000030e-01, v7;
	v14 =	vld [tilespmem:s24+$0xFFFFFF60]  }
0xce: {  	v8 =	vmul.f32 $1.442695020e+00, v8;
	v3 =	vmul.f32 v3, v1;
	v6 =	vmax.f32 v6, v12;
	v16 =	vld [tilespmem:s24+$0xFFFFFF70]  }
0xcf: {  	[tilespmem:s17+$0x0] =	vst v9;
	v11 =	vperm.xlane v11, v0;
	v13 =	vld [tilespmem:s24+$0xFFFFFF80];
	v6 =	vmul.f32 $1.442695020e+00, v6;
	v7 =	vmax.f32 v7, v17  }
0xd0: {  	v63 =	vld [tilespmem:s24+$0x0];
	(erf) = vpow2.f32 v8;
	v7 =	vmul.f32 $1.442695020e+00, v7  }
0xd1: {  	v10 =	vld [tilespmem:s24+$0xFFFFFF90];
	v12 =	vmul.f32 $2.000000030e-01, v4;
	(erf) = vpow2.f32 v6  }
0xd2: {  	v8 =	vld [tilespmem:s24+$0xFFFFFFC0];
	(erf) = vpow2.f32 v7;
	v7 =	vmul.f32 v5, v15  }
0xd3: {  	[tilespmem:s24+$0x80] =	vst v3;
	v4 =	vmax.f32 v4, v12;
	v9 =	vmul.f32 v14, v11;
	v14 =	vld [tilespmem:s24+$0xFFFFFFE0];
	v3 =	vmul.f32 v16, v11  }
0xd4: {  	v4 =	vmul.f32 $1.442695020e+00, v4;
	v6 =	vmul.f32 v13, v11;
	v13 =	vld [tilespmem:s24+$0x10];
	[tilespmem:s24+$0xFFFFFFB0] =	vst v7  }
0xd5: {  	[tilespmem:s24+$0xFFFFFF70] =	vst v3;
	v3 =	vld [tilespmem:s24+$0x20]  }
0xd6: {  	v5 =	vld [tilespmem:s24+$0x30];
	(erf) = vpow2.f32 v4;
	[tilespmem:s24+$0xFFFFFF60] =	vst v9;
	v9 =	vmul.f32 v10, v11  }
0xd7: {  	v4 =	vmul.f32 v8, v15;
	[tilespmem:s24+$0xFFFFFF80] =	vst v6;
	v6 =	vld [tilespmem:s24+$0x50]  }
0xd8: {  	v12 =	vmul.f32 v18, v15;
	v7 =	vld [tilespmem:s24+$0x60];
	[tilespmem:s24+$0xFFFFFF90] =	vst v9;
	v9 =	vmul.f32 v63, v2  }
0xd9: {  	s31 =	simm.s32 $0xAF60;
	s4 =	simm.s32 $0x4;
	s17 =	simm.s32 $0x5220;
	v8 =	vld [tilespmem:s24+$0x70];
	[tilespmem:s24+$0xFFFFFFC0] =	vst v4;
	v10 =	vpop (erf);
	v11 =	vmul.f32 v14, v15;
	v4 =	vmul.f32 v13, v2  }
.LBB2_5:
0xda: {  	v13 =	vld [tilespmem:s17+$0x90];
	[tilespmem:s31+$0x10] =	vst v10;
	v3 =	vmul.f32 v3, v2  }
0xdb: {  	s25 =	sadd.s32 $0x40, s25;
	v14 =	vld [tilespmem:s22+$0x80];
	[tilespmem:s24+$0xFFFFFFD0] =	vst v12;
	v5 =	vmul.f32 v5, v2  }
0xdc: {  	s4 =	sadd.s32 $0x4, s4;
	v12 =	vld [tilespmem:s25+$0x10];
	v2 =	vpop (erf);
	[tilespmem:s24+$0xFFFFFFE0] =	vst v11;
	v6 =	vmul.f32 v6, v1  }
0xdd: {  	p6 =	slt.u32 s4, $0x7C;
	v11 =	vld [tilespmem:s25+$0xFFFFFFE0];
	[tilespmem:s31+$0xFFFFFFF0] =	vst v2;
	v15 =	vperm.xlane v2, v0;
	v7 =	vmul.f32 v7, v1  }
0xde: {  	v16 =	vld [tilespmem:s17+$0xFFFFFFF0];
	v2 =	vpop (erf);
	[tilespmem:s24+$0x0] =	vst v9;
	v8 =	vmul.f32 v8, v1;
	v1 =	vperm.xlane v10, v0  }
0xdf: {  	v9 =	vld [tilespmem:s25+$0xFFFFFFF0];
	[tilespmem:s31+$0x0] =	vst v2;
	v2 =	vperm.xlane v2, v0;
	v10 =	vpop (erf)  }
0xe0: {  	v17 =	vld [tilespmem:s17+$0x40];
	[tilespmem:s31+$0xFFFFFFE0] =	vst v10;
	v10 =	vperm.xlane v10, v0;
	v14 =	vmul.f32 v14, v1  }
0xe1: {  	v18 =	vld [tilespmem:s25+$0x0];
	v12 =	vadd.f32 v12, v13;
	[tilespmem:s24+$0x10] =	vst v4  }
0xe2: {  	v4 =	vld [tilespmem:s17+$0xFFFFFFA0];
	[tilespmem:s22+$0x80] =	vst v14  }
0xe3: {  	v13 =	vmul.f32 $2.000000030e-01, v12;
	v14 =	vld [tilespmem:s22+$0xFFFFFF60];
	[tilespmem:s24+$0x20] =	vst v3  }
0xe4: {  	v3 =	vadd.f32 v9, v16;
	v9 =	vld [tilespmem:s22+$0xFFFFFF70];
	[tilespmem:s24+$0x30] =	vst v5  }
0xe5: {  	v5 =	vmax.f32 v12, v13;
	v12 =	vld [tilespmem:s22+$0xFFFFFF80];
	[tilespmem:s24+$0x50] =	vst v6  }
0xe6: {  	v6 =	vmul.f32 $2.000000030e-01, v3;
	v13 =	vadd.f32 v18, v17;
	v5 =	vmul.f32 $1.442695020e+00, v5;
	v16 =	vld [tilespmem:s22+$0xFFFFFF90];
	[tilespmem:s24+$0x60] =	vst v7  }
0xe7: {  	v4 =	vadd.f32 v11, v4;
	v7 =	vld [tilespmem:s22+$0xFFFFFFB0];
	[tilespmem:s24+$0x70] =	vst v8;
	s24 =	smov.u32 s22;
	s22 =	smov.u32 s17  }
0xe8: {  	v3 =	vmax.f32 v3, v6;
	v6 =	vmul.f32 $2.000000030e-01, v13;
	(erf) = vpow2.f32 v5;
	v8 =	vld [tilespmem:s24+$0xFFFFFFC0]  }
0xe9: {  	v5 =	vmul.f32 $2.000000030e-01, v4;
	v3 =	vmul.f32 $1.442695020e+00, v3;
	v11 =	vld [tilespmem:s24+$0xFFFFFFD0]  }
0xea: {  	v9 =	vmul.f32 v9, v10;
	v6 =	vmax.f32 v13, v6;
	v13 =	vmul.f32 v14, v10;
	v14 =	vld [tilespmem:s24+$0xFFFFFFE0]  }
0xeb: {  	v4 =	vmax.f32 v4, v5;
	v5 =	vmul.f32 $1.442695020e+00, v6;
	(erf) = vpow2.f32 v3;
	v17 =	vld [tilespmem:s24+$0x0]  }
0xec: {  	v6 =	vmul.f32 v12, v10;
	v4 =	vmul.f32 $1.442695020e+00, v4;
	[tilespmem:s24+$0xFFFFFF60] =	vst v13;
	v13 =	vld [tilespmem:s24+$0x10]  }
.Ltmp5:
0xed: {  	(erf) = vpow2.f32 v5;
	[tilespmem:s24+$0xFFFFFF70] =	vst v9;
	v9 =	vmul.f32 v16, v10;
	v3 =	vld [tilespmem:s24+$0x20];
	(pc) =	sbr.rel @p6 .LBB2_5-.Ltmp5, $4  }
0xee: {  	(erf) = vpow2.f32 v4;
	[tilespmem:s24+$0xFFFFFF80] =	vst v6;
	v4 =	vmul.f32 v7, v15;
	v5 =	vld [tilespmem:s24+$0x30]  }
0xef: {  	v8 =	vmul.f32 v8, v15;
	v12 =	vmul.f32 v11, v15;
	[tilespmem:s24+$0xFFFFFF90] =	vst v9;
	v6 =	vld [tilespmem:s24+$0x50]  }
0xf0: {  	v11 =	vmul.f32 v14, v15;
	[tilespmem:s24+$0xFFFFFFB0] =	vst v4;
	v9 =	vmul.f32 v17, v2;
	v7 =	vld [tilespmem:s24+$0x60]  }
0xf1: {  	s31 =	sadd.s32 $0x40, s31;
	s17 =	sadd.s32 $0x140, s17;
	v10 =	vpop (erf);
	[tilespmem:s24+$0xFFFFFFC0] =	vst v8;
	v4 =	vmul.f32 v13, v2;
	v8 =	vld [tilespmem:s24+$0x70]  }
0xf2: {  	[tilespmem:s31+$0x10] =	vst v10  }
0xf3: {  	[tilespmem:s24+$0xFFFFFFD0] =	vst v12  }
0xf4: {  	[tilespmem:s24+$0xFFFFFFE0] =	vst v11  }
0xf5: {  	[tilespmem:s24+$0x0] =	vst v9;
	v3 =	vmul.f32 v3, v2  }
0xf6: {  	[tilespmem:s24+$0x10] =	vst v4  }
0xf7: {  	v47 =	vpop (erf);
	v6 =	vmul.f32 v6, v1;
	[tilespmem:s24+$0x20] =	vst v3  }
0xf8: {  	v13 =	vld [tilespmem:s22+$0x80];
	[tilespmem:s31+$0xFFFFFFF0] =	vst v47;
	v7 =	vmul.f32 v7, v1;
	v49 =	vpop (erf);
	v1 =	vmul.f32 v8, v1  }
0xf9: {  	v56 =	vld [tilespmem:s22+$0xFFFFFFE0];
	[tilespmem:s31+$0x0] =	vst v49  }
0xfa: {  	v2 =	vmul.f32 v5, v2;
	v50 =	vpop (erf);
	[tilespmem:s24+$0x70] =	vst v1;
	v1 =	vld [tilespmem:s22+$0xFFFFFFD0]  }
0xfb: {  	v48 =	vperm.xlane v10, v0;
	[tilespmem:s31+$0xFFFFFFE0] =	vst v50;
	v59 =	vld [tilespmem:s22+$0x20]  }
0xfc: {  	[tilespmem:s24+$0x30] =	vst v2;
	v55 =	vperm.xlane v47, v0;
	v3 =	vld [tilespmem:s22+$0xFFFFFF80]  }
0xfd: {  	[tilespmem:s24+$0x50] =	vst v6;
	v13 =	vmul.f32 v13, v48;
	v2 =	vld [tilespmem:s22+$0xFFFFFF90]  }
0xfe: {  	v53 =	vld [tilespmem:s22+$0xFFFFFFB0];
	[tilespmem:s24+$0x60] =	vst v7;
	v60 =	vperm.xlane v49, v0;
	v8 =	vmul.f32 v56, v55  }
0xff: {  	v54 =	vld [tilespmem:s22+$0xFFFFFFC0];
	v9 =	vperm.xlane v50, v0;
	[tilespmem:s22+$0x80] =	vst v13;
	v1 =	vmul.f32 v1, v55  }
0x100: {  	v51 =	vld [tilespmem:s22+$0xFFFFFF60];
	[tilespmem:s22+$0xFFFFFFE0] =	vst v8;
	v6 =	vmul.f32 v59, v60  }
0x101: {  	v57 =	vld [tilespmem:s22+$0x0];
	v3 =	vmul.f32 v3, v9;
	[tilespmem:s22+$0xFFFFFFD0] =	vst v1  }
0x102: {  	v52 =	vld [tilespmem:s22+$0xFFFFFF70];
	v2 =	vmul.f32 v2, v9;
	[tilespmem:s22+$0x20] =	vst v6  }
0x103: {  	v61 =	vld [tilespmem:s22+$0x30];
	[tilespmem:s22+$0xFFFFFF80] =	vst v3;
	v3 =	vmul.f32 v53, v55  }
0x104: {  	v58 =	vld [tilespmem:s22+$0x10];
	[tilespmem:s22+$0xFFFFFF90] =	vst v2;
	v2 =	vmul.f32 v54, v55  }
0x105: {  	v63 =	vld [tilespmem:s22+$0x70];
	v4 =	vmul.f32 v51, v9;
	[tilespmem:s22+$0xFFFFFFB0] =	vst v3  }
0x106: {  	v3 =	vld [tilespmem:s22+$0x50];
	[tilespmem:s22+$0xFFFFFFC0] =	vst v2;
	v2 =	vmul.f32 v57, v60  }
0x107: {  	v62 =	vld [tilespmem:s22+$0x60];
	v5 =	vmul.f32 v52, v9;
	[tilespmem:s22+$0xFFFFFF60] =	vst v4  }
0x108: {  	[tilespmem:s22+$0x0] =	vst v2;
	v2 =	vmul.f32 v61, v60  }
0x109: {  	v1 =	vmul.f32 v58, v60;
	[tilespmem:s22+$0xFFFFFF70] =	vst v5  }
0x10a: {  	[tilespmem:s22+$0x30] =	vst v2;
	v2 =	vmul.f32 v63, v48  }
0x10b: {  	[tilespmem:s22+$0x10] =	vst v1;
	v1 =	vmul.f32 v3, v48  }
0x10c: {  	s4 =	sshll.u32 s18, $0x8;
	v3 =	vmul.f32 v62, v48;
	[tilespmem:s22+$0x70] =	vst v2  }
.Ltmp6:
0x10d: {  	s4 =	sand.u32 $0x3FFFFF00, s4;
	[tilespmem:s22+$0x50] =	vst v1;
	(pc) =	sbr.rel .LBB2_7-.Ltmp6, $4  }
0x10e: {  	s4 =	sadd.s32 $0x2780, s4;
	[tilespmem:s22+$0x60] =	vst v3  }
0x10f: {  	[spmem:s2] =	stream.indirect.scatter.add.f32 [tilespmem:s0], [sflag:$0x3], $0x50, s4, s1, $0xb8;
	[tilespmem:$0x1A960] =	vst v63  }
0x110: {  	_ = 	snop  }
0x111: {  	[spmem:s3] =	stream.indirect.scatter.add.f32 [tilespmem:s9], [sflag:$0x3], $0x10, s4, s1, $0xb8;
	[tilespmem:$0x1A960] =	vst v63  }
.LBB2_3:
0x112: {  	s19 =	sor.u32 $0x1, s20  }
.LBB2_7:
0x113: {  	p6 =	sge.u32 s19, s7  }
.Ltmp7:
0x114: {  	_ = 	snop;
	(pc) =	sbr.rel @p6 .LBB2_11-.Ltmp7, $1  }
0x115: {  	_ =	sdelay $0x3  }
0x116: {  	_ =	swait.ge [sflag:s29], $0x2800  }
0x117: {  	[sflag:s29] =	ssyncset.done $0x0  }
0x118: {  	s4 =	sadd.s32 $0x2, s20;
	[sflag:s29] =	ssyncadd.s32 $0xFFFFD800  }
0x119: {  	p6 =	sge.u32 s4, s7;
	_ =	swait.ge [sflag:s29], $0x800  }
0x11a: {  	s4 =	sshll.u32 @!p6 s4, $0x7;
	[sflag:s29] =	ssyncset.done $0x0  }
0x11b: {  	s17 =	simm.s32 @!p6 $0x80;
	s20 =	simm.s32 @!p6 $0x4F00;
	[sflag:s29] =	ssyncadd.s32 $0xFFFFF800  }
0x11c: {  	[tilespmem:s20], [sflag:$0x1] =	stream.indirect.gather @!p6 [hbm4b:s5+s17], $0x50, s4, s17, $0xb8;
	[tilespmem:$0x1A960] =	vst v63  }
0x11d: {  	s4 =	sadd.s32 @!p6 $0x2780, s4;
	s20 =	simm.s32 @!p6 $0x9F00  }
0x11e: {  	[tilespmem:s20], [sflag:$0x1] =	stream.indirect.gather @!p6 [hbm4b:s6+s17], $0x10, s4, s17, $0xb8;
	[tilespmem:$0x1A960] =	vst v63  }
0x11f: {  	_ =	swait.ge [sflag:s11], $0x2800  }
0x120: {  	[sflag:s11] =	ssyncset.done $0x0  }
0x121: {  	[sflag:s11] =	ssyncadd.s32 $0xFFFFD800  }
0x122: {  	_ =	swait.ge [sflag:s11], $0x800  }
0x123: {  	[sflag:s11] =	ssyncset.done $0x0  }
0x124: {  	s22 =	simm.s32 $0x77A0;
	[sflag:s11] =	ssyncadd.s32 $0xFFFFF800  }
0x125: {  	s25 =	simm.s32 $0xA720;
	v1 =	vld [tilespmem:s22+$0x90]  }
0x126: {  	v2 =	vld [tilespmem:s25+$0x10];
	_ =	sdelay $0x1  }
0x127: {  	v3 =	vld [tilespmem:s25+$0xFFFFFFE0]  }
0x128: {  	v4 =	vld [tilespmem:s22+$0xFFFFFFF0]  }
0x129: {  	v5 =	vld [tilespmem:s25+$0xFFFFFFF0]  }
0x12a: {  	v6 =	vld [tilespmem:s25+$0x0];
	v1 =	vadd.f32 v2, v1  }
0x12b: {  	v2 =	vld [tilespmem:s22+$0x40]  }
0x12c: {  	v8 =	vld [tilespmem:s22+$0xFFFFFFA0];
	v7 =	vmul.f32 $2.000000030e-01, v1;
	_ =	sdelay $0x1  }
0x12d: {  	v1 =	vmax.f32 v1, v7  }
0x12e: {  	v4 =	vadd.f32 v5, v4;
	v1 =	vmul.f32 $1.442695020e+00, v1  }
0x12f: {  	v2 =	vadd.f32 v6, v2  }
0x130: {  	v3 =	vadd.f32 v3, v8;
	(erf) = vpow2.f32 v1;
	v1 =	vmul.f32 $2.000000030e-01, v4  }
0x131: {  	v5 =	vmul.f32 $2.000000030e-01, v2  }
0x132: {  	v1 =	vmax.f32 v4, v1;
	v4 =	vmul.f32 $2.000000030e-01, v3  }
0x133: {  	s20 =	simm.s32 $0x78E0;
	v2 =	vmax.f32 v2, v5;
	v1 =	vmul.f32 $1.442695020e+00, v1  }
0x134: {  	s24 =	simm.s32 $0xA760;
	v10 =	vld [tilespmem:s20+$0x40];
	v2 =	vmul.f32 $1.442695020e+00, v2;
	v3 =	vmax.f32 v3, v4  }
0x135: {  	v4 =	vld [tilespmem:s24+$0x10];
	(erf) = vpow2.f32 v1;
	v1 =	vmul.f32 $1.442695020e+00, v3  }
0x136: {  	(erf) = vpow2.f32 v2;
	v2 =	vld [tilespmem:s20+$0x90]  }
0x137: {  	v12 =	vld [tilespmem:s24+$0x0];
	(erf) = vpow2.f32 v1  }
0x138: {  	v8 =	vld [tilespmem:s24+$0xFFFFFFF0]  }
0x139: {  	v6 =	vld [tilespmem:s20+$0xFFFFFFF0]  }
0x13a: {  	v5 =	vld [tilespmem:s24+$0xFFFFFFE0]  }
0x13b: {  	v2 =	vadd.f32 v4, v2;
	v4 =	vld [tilespmem:s20+$0xFFFFFFA0]  }
0x13c: {  	s31 =	simm.s32 $0xB720;
	v1 =	vpop (erf)  }
0x13d: {  	[tilespmem:s31+$0x10] =	vst v1  }
0x13e: {  	v3 =	vld [tilespmem:s22+$0x80];
	v7 =	vpop (erf)  }
0x13f: {  	v6 =	vadd.f32 v8, v6;
	v13 =	vmul.f32 $2.000000030e-01, v2;
	v9 =	vpop (erf);
	[tilespmem:s31+$0xFFFFFFF0] =	vst v7  }
0x140: {  	v15 =	vperm.xlane v7, v0;
	v7 =	vadd.f32 v12, v10;
	v11 =	vpop (erf);
	v4 =	vadd.f32 v5, v4;
	v5 =	vld [tilespmem:s22+$0xFFFFFFB0]  }
0x141: {  	v1 =	vperm.xlane v1, v0;
	v12 =	vmul.f32 $2.000000030e-01, v6;
	v18 =	vld [tilespmem:s22+$0xFFFFFFD0];
	[tilespmem:s31+$0xFFFFFFE0] =	vst v11  }
0x142: {  	v8 =	vmax.f32 v2, v13;
	v2 =	vperm.xlane v9, v0;
	v17 =	vmul.f32 $2.000000030e-01, v7;
	v14 =	vld [tilespmem:s22+$0xFFFFFF60]  }
0x143: {  	v8 =	vmul.f32 $1.442695020e+00, v8;
	v3 =	vmul.f32 v3, v1;
	v6 =	vmax.f32 v6, v12;
	v16 =	vld [tilespmem:s22+$0xFFFFFF70]  }
0x144: {  	[tilespmem:s31+$0x0] =	vst v9;
	v11 =	vperm.xlane v11, v0;
	v13 =	vld [tilespmem:s22+$0xFFFFFF80];
	v6 =	vmul.f32 $1.442695020e+00, v6;
	v7 =	vmax.f32 v7, v17  }
0x145: {  	v63 =	vld [tilespmem:s22+$0x0];
	(erf) = vpow2.f32 v8;
	v7 =	vmul.f32 $1.442695020e+00, v7  }
0x146: {  	v10 =	vld [tilespmem:s22+$0xFFFFFF90];
	v12 =	vmul.f32 $2.000000030e-01, v4;
	(erf) = vpow2.f32 v6  }
0x147: {  	v8 =	vld [tilespmem:s22+$0xFFFFFFC0];
	(erf) = vpow2.f32 v7;
	v7 =	vmul.f32 v5, v15  }
0x148: {  	[tilespmem:s22+$0x80] =	vst v3;
	v4 =	vmax.f32 v4, v12;
	v9 =	vmul.f32 v14, v11;
	v14 =	vld [tilespmem:s22+$0xFFFFFFE0];
	v3 =	vmul.f32 v16, v11  }
0x149: {  	v4 =	vmul.f32 $1.442695020e+00, v4;
	v6 =	vmul.f32 v13, v11;
	v13 =	vld [tilespmem:s22+$0x10];
	[tilespmem:s22+$0xFFFFFFB0] =	vst v7  }
0x14a: {  	[tilespmem:s22+$0xFFFFFF70] =	vst v3;
	v3 =	vld [tilespmem:s22+$0x20]  }
0x14b: {  	v5 =	vld [tilespmem:s22+$0x30];
	(erf) = vpow2.f32 v4;
	[tilespmem:s22+$0xFFFFFF60] =	vst v9;
	v9 =	vmul.f32 v10, v11  }
0x14c: {  	v4 =	vmul.f32 v8, v15;
	[tilespmem:s22+$0xFFFFFF80] =	vst v6;
	v6 =	vld [tilespmem:s22+$0x50]  }
0x14d: {  	v12 =	vmul.f32 v18, v15;
	v7 =	vld [tilespmem:s22+$0x60];
	[tilespmem:s22+$0xFFFFFF90] =	vst v9;
	v9 =	vmul.f32 v63, v2  }
0x14e: {  	s4 =	simm.s32 $0x4;
	s17 =	simm.s32 $0x7A20;
	s25 =	simm.s32 $0xB760;
	v8 =	vld [tilespmem:s22+$0x70];
	[tilespmem:s22+$0xFFFFFFC0] =	vst v4;
	v10 =	vpop (erf);
	v11 =	vmul.f32 v14, v15;
	v4 =	vmul.f32 v13, v2  }
.LBB2_9:
0x14f: {  	v13 =	vld [tilespmem:s17+$0x90];
	[tilespmem:s25+$0x10] =	vst v10;
	v3 =	vmul.f32 v3, v2  }
0x150: {  	s24 =	sadd.s32 $0x40, s24;
	v5 =	vmul.f32 v5, v2;
	v14 =	vld [tilespmem:s20+$0x80];
	[tilespmem:s22+$0xFFFFFFD0] =	vst v12  }
0x151: {  	s4 =	sadd.s32 $0x4, s4;
	v6 =	vmul.f32 v6, v1;
	v12 =	vld [tilespmem:s24+$0x10];
	v2 =	vpop (erf);
	[tilespmem:s22+$0xFFFFFFE0] =	vst v11  }
0x152: {  	v7 =	vmul.f32 v7, v1;
	p6 =	slt.u32 s4, $0x7C;
	v11 =	vld [tilespmem:s24+$0xFFFFFFE0];
	[tilespmem:s25+$0xFFFFFFF0] =	vst v2;
	v15 =	vperm.xlane v2, v0  }
0x153: {  	v8 =	vmul.f32 v8, v1;
	v1 =	vperm.xlane v10, v0;
	v16 =	vld [tilespmem:s17+$0xFFFFFFF0];
	v2 =	vpop (erf);
	[tilespmem:s22+$0x0] =	vst v9  }
0x154: {  	v9 =	vld [tilespmem:s24+$0xFFFFFFF0];
	[tilespmem:s25+$0x0] =	vst v2;
	v2 =	vperm.xlane v2, v0;
	v10 =	vpop (erf)  }
0x155: {  	v17 =	vld [tilespmem:s17+$0x40];
	[tilespmem:s25+$0xFFFFFFE0] =	vst v10;
	v10 =	vperm.xlane v10, v0;
	v14 =	vmul.f32 v14, v1  }
0x156: {  	v18 =	vld [tilespmem:s24+$0x0];
	v12 =	vadd.f32 v12, v13;
	[tilespmem:s22+$0x10] =	vst v4  }
0x157: {  	v4 =	vld [tilespmem:s17+$0xFFFFFFA0];
	[tilespmem:s20+$0x80] =	vst v14  }
0x158: {  	v13 =	vmul.f32 $2.000000030e-01, v12;
	v14 =	vld [tilespmem:s20+$0xFFFFFF60];
	[tilespmem:s22+$0x20] =	vst v3  }
0x159: {  	v3 =	vadd.f32 v9, v16;
	v9 =	vld [tilespmem:s20+$0xFFFFFF70];
	[tilespmem:s22+$0x30] =	vst v5  }
0x15a: {  	v5 =	vmax.f32 v12, v13;
	v12 =	vld [tilespmem:s20+$0xFFFFFF80];
	[tilespmem:s22+$0x50] =	vst v6  }
0x15b: {  	v6 =	vmul.f32 $2.000000030e-01, v3;
	v13 =	vadd.f32 v18, v17;
	v5 =	vmul.f32 $1.442695020e+00, v5;
	v16 =	vld [tilespmem:s20+$0xFFFFFF90];
	[tilespmem:s22+$0x60] =	vst v7  }
0x15c: {  	v4 =	vadd.f32 v11, v4;
	v7 =	vld [tilespmem:s20+$0xFFFFFFB0];
	[tilespmem:s22+$0x70] =	vst v8;
	s22 =	smov.u32 s20;
	s20 =	smov.u32 s17  }
0x15d: {  	v3 =	vmax.f32 v3, v6;
	v6 =	vmul.f32 $2.000000030e-01, v13;
	(erf) = vpow2.f32 v5;
	v8 =	vld [tilespmem:s22+$0xFFFFFFC0]  }
0x15e: {  	v5 =	vmul.f32 $2.000000030e-01, v4;
	v3 =	vmul.f32 $1.442695020e+00, v3;
	v11 =	vld [tilespmem:s22+$0xFFFFFFD0]  }
0x15f: {  	v9 =	vmul.f32 v9, v10;
	v6 =	vmax.f32 v13, v6;
	v13 =	vmul.f32 v14, v10;
	v14 =	vld [tilespmem:s22+$0xFFFFFFE0]  }
0x160: {  	v4 =	vmax.f32 v4, v5;
	v5 =	vmul.f32 $1.442695020e+00, v6;
	(erf) = vpow2.f32 v3;
	v17 =	vld [tilespmem:s22+$0x0]  }
0x161: {  	v6 =	vmul.f32 v12, v10;
	v4 =	vmul.f32 $1.442695020e+00, v4;
	[tilespmem:s22+$0xFFFFFF60] =	vst v13;
	v13 =	vld [tilespmem:s22+$0x10]  }
.Ltmp8:
0x162: {  	(erf) = vpow2.f32 v5;
	[tilespmem:s22+$0xFFFFFF70] =	vst v9;
	v9 =	vmul.f32 v16, v10;
	v3 =	vld [tilespmem:s22+$0x20];
	(pc) =	sbr.rel @p6 .LBB2_9-.Ltmp8, $4  }
0x163: {  	(erf) = vpow2.f32 v4;
	[tilespmem:s22+$0xFFFFFF80] =	vst v6;
	v4 =	vmul.f32 v7, v15;
	v5 =	vld [tilespmem:s22+$0x30]  }
0x164: {  	v8 =	vmul.f32 v8, v15;
	v12 =	vmul.f32 v11, v15;
	[tilespmem:s22+$0xFFFFFF90] =	vst v9;
	v6 =	vld [tilespmem:s22+$0x50]  }
0x165: {  	v11 =	vmul.f32 v14, v15;
	[tilespmem:s22+$0xFFFFFFB0] =	vst v4;
	v9 =	vmul.f32 v17, v2;
	v7 =	vld [tilespmem:s22+$0x60]  }
0x166: {  	s25 =	sadd.s32 $0x40, s25;
	s17 =	sadd.s32 $0x140, s17;
	v10 =	vpop (erf);
	[tilespmem:s22+$0xFFFFFFC0] =	vst v8;
	v4 =	vmul.f32 v13, v2;
	v8 =	vld [tilespmem:s22+$0x70]  }
.Ltmp9:
0x167: {  	_ = 	snop;
	(pc) =	sbr.rel .LBB2_10-.Ltmp9, $1  }
0x168: {  	_ =	sdelay $0x3  }
.LBB2_13:
0x169: {  	_ =	sfence.sel $0x180000  }
0x16a: {  	[bflag:$0x0] =	sbarrier.arrive $0xFFFF  }
0x16b: {  	_ =	strace $0x90000047  }
0x16c: {  	s0 =	stileid.u32;
	[bflag:$0x2] =	sbarrier.arrive $0xFFFF  }
0x16d: {  	p0 =	sne.s32 s0, $0x0;
	s0 =	rddreg [dreg:$0x3]  }
0x16e: {  	s0 =	sadd.s32 @!p0 $0x100000, s0  }
0x16f: {  	[sflag:s0] =	ssyncadd.tile.s32 @!p0 $0x1;
	_ =	shalt  }
.Lfunc_end2:
_tile_overlayer_lowered:
.L_overlay_start_2:
0x170: {  	(tag) =	ssettag $0x2  }
0x171: {  	s0 =	rddreg [dreg:$0x0];
	s2 =	stileid.u32  }
0x172: {  	s1 =	rddreg [dreg:$0x1];
	p0 =	sne.s32 s2, $0x0  }
0x173: {  	s3 =	rddreg [dreg:$0x2];
	[bflag:$0x3] =	sbarrier.arrive $0xFFFF;
	s2 =	simm.s32 @!p0 $0x1C05  }
0x174: {  	[timem:s3], [sflag:s2] =	dma.local @!p0 [hbm:s0], s1  }
0x175: {  	s0 =	simm.s32 @!p0 $0x5  }
0x176: {  	_ =	swait.ge @!p0 [sflag:s0], s1  }
0x177: {  	s1 =	ssub.s32 @!p0 $0x0, s1;
	[sflag:s0] =	ssyncset.done @!p0 $0x0  }
0x178: {  	[sflag:s0] =	ssyncadd.s32 @!p0 s1  }
0x179: {  	[bflag:$0x3] =	sbarrier.arrive $0xFFFF  }
0x17a: {  	_ =	shalt  }

</sc_bundles>
